<compile_context>
chip_gen: v7x
topology: tpu7x:2x2x1
jax: 0.10.2.dev20260603
libtpu: 0.0.44.dev20260713+nightly
codegen_flags: <defaults>
</compile_context>

<pallas_src>
import jax
import jax.numpy as jnp
from jax import lax
from jax.experimental import pallas as pl
from jax.experimental.pallas import tpu as pltpu
from jax.experimental.pallas import tpu_sc as plsc

N = 50000
E = 800000
EB = 128
EPAD = 802816
NB = EPAD // EB
NC, NS = 2, 16
NP = 50176
G = 7
BLK = 1024
GRID = NP // BLK

_MESH = plsc.VectorSubcoreMesh(
    core_axis_name="c", subcore_axis_name="s", num_cores=NC, num_subcores=NS)


def _make_prop(d, split_edges):
  stripe = NP // NS
  zr = stripe // 4
  q = (NB // 2 if split_edges else NB) // NS
  assert q % G == 0
  rounds = q // G

  def body(x_hbm, src_hbm, dst_hbm, zeros_hbm, agg_hbm,
           shared, sidxb, didxb, buf, *sems):
    gsem, ssem = sems[:G], sems[G:]
    cid = lax.axis_index("c")
    sid = lax.axis_index("s")
    for j in range(4):
      pltpu.sync_copy(zeros_hbm.at[pl.ds(0, zr)],
                      shared.at[pl.ds(sid * stripe + j * zr, zr)])
    plsc.subcore_barrier()

    if split_edges:
      tb = cid * (NB // 2) + sid * q
      srow = 0
    else:
      tb = sid * q
      srow = cid

    pltpu.sync_copy(src_hbm.at[srow, pl.ds(tb, G)], sidxb)

    def rnd(r, c):
      b0 = tb + r * G
      gds = [pltpu.async_copy(x_hbm.at[sidxb.at[j]], buf.at[j], gsem[j])
             for j in range(G)]
      pltpu.sync_copy(dst_hbm.at[pl.ds(b0, G)], didxb)
      sds = []
      for j in range(G):
        gds[j].wait()
        sds.append(pltpu.async_copy(buf.at[j], shared.at[didxb.at[j]],
                                    ssem[j], add=True))
      bn = jnp.minimum(b0 + G, NB - G)
      pltpu.sync_copy(src_hbm.at[srow, pl.ds(bn, G)], sidxb)
      for sd in sds:
        sd.wait()
      return c

    lax.fori_loop(0, rounds, rnd, 0)
    plsc.subcore_barrier()
    pltpu.sync_copy(shared.at[pl.ds(sid * stripe, stripe)],
                    agg_hbm.at[cid, pl.ds(sid * stripe, stripe)])

  nx = (NP, d) if split_edges else (2 * NP, d)
  prop = pl.kernel(
      body,
      out_type=jax.ShapeDtypeStruct((2, NP, d), jnp.float32),
      mesh=_MESH,
      scratch_types=[
          pltpu.VMEM_SHARED((NP, d), jnp.float32),
          pltpu.VMEM((G, EB), jnp.int32),
          pltpu.VMEM((G, EB), jnp.int32),
          pltpu.VMEM((G, EB, d), jnp.float32),
      ] + [pltpu.SemaphoreType.DMA] * (2 * G),
      compiler_params=pltpu.CompilerParams(use_tc_tiling_on_sc=False),
  )

  def run(x, src2, dstb):
    assert x.shape == nx, x.shape
    zeros = jnp.zeros((zr, d), jnp.float32)
    return prop(x, src2, dstb, zeros)

  return run


_prop64 = _make_prop(32, split_edges=False)
_prop32 = _make_prop(32, split_edges=True)


M4 = NP // 4
B4 = 1568
TGRID = M4 // B4


def _leaky(h):
  return jnp.where(h >= 0, h, 0.01 * h)


def _dot(a, b):
  return jnp.dot(a, b, preferred_element_type=jnp.float32)


def _tc1_body(p_ref, sel_ref, wlo_ref, whi_ref, b_ref, xs_ref, invp_ref):
  s = p_ref[0] + p_ref[1]
  deg = _dot(s, sel_ref[...])
  invp = 1.0 / jnp.maximum(deg, 1.0)
  xp = s * invp
  xs_ref[0] = _leaky(_dot(xp, wlo_ref[...]) + b_ref[0:1])
  xs_ref[1] = _leaky(_dot(xp, whi_ref[...]) + b_ref[1:2])
  invp_ref[...] = invp


def _tcmid_body(agg_ref, invp_ref, w00_ref, w10_ref, w01_ref, w11_ref, b_ref,
                xs_ref):
  inv = invp_ref[...]
  a0 = agg_ref[0] * inv
  a1 = agg_ref[1] * inv
  xs_ref[0] = _leaky(_dot(a0, w00_ref[...]) + _dot(a1, w10_ref[...])
                     + b_ref[0:1])
  xs_ref[1] = _leaky(_dot(a0, w01_ref[...]) + _dot(a1, w11_ref[...])
                     + b_ref[1:2])


def _tc5a_body(xs_ref, w5lo_ref, w5hi_ref, t_ref):
  t_ref[...] = (_dot(xs_ref[0], w5lo_ref[...])
                + _dot(xs_ref[1], w5hi_ref[...]))


def _tc5b_body(p_ref, invp_ref, b_ref, o_ref):
  o_ref[...] = (p_ref[0] + p_ref[1]) * invp_ref[...] + b_ref[...]


def _full(shape):
  return pl.BlockSpec(shape, lambda i: tuple(0 for _ in shape))


_PK4_IN = pl.BlockSpec((2, B4, 128), lambda i: (0, i, 0))
_PK4_OUT = pl.BlockSpec((B4, 128), lambda i: (i, 0))


def _tc1(p1, sel, wlo, whi, b2r):
  return pl.pallas_call(
      _tc1_body,
      grid=(TGRID,),
      in_specs=[_PK4_IN, _full((128, 128)), _full((128, 128)),
                _full((128, 128)), _full((2, 128))],
      out_specs=[pl.BlockSpec((2, B4, 128), lambda i: (0, i, 0)), _PK4_OUT],
      out_shape=[jax.ShapeDtypeStruct((2, M4, 128), jnp.float32),
                 jax.ShapeDtypeStruct((M4, 128), jnp.float32)],
  )(p1, sel, wlo, whi, b2r)


def _tcmid(agg, invp, wbd, b2r):
  return pl.pallas_call(
      _tcmid_body,
      grid=(TGRID,),
      in_specs=[_PK4_IN, _PK4_OUT, _full((128, 128)), _full((128, 128)),
                _full((128, 128)), _full((128, 128)), _full((2, 128))],
      out_specs=pl.BlockSpec((2, B4, 128), lambda i: (0, i, 0)),
      out_shape=jax.ShapeDtypeStruct((2, M4, 128), jnp.float32),
  )(agg, invp, *wbd, b2r)


def _tc5a(xs, w5lo, w5hi):
  return pl.pallas_call(
      _tc5a_body,
      grid=(TGRID,),
      in_specs=[_PK4_IN, _full((128, 128)), _full((128, 128))],
      out_specs=_PK4_OUT,
      out_shape=jax.ShapeDtypeStruct((M4, 128), jnp.float32),
  )(xs, w5lo, w5hi)


def _tc5b(p5, invp, b5t):
  return pl.pallas_call(
      _tc5b_body,
      grid=(TGRID,),
      in_specs=[_PK4_IN, _PK4_OUT, _full((1, 128))],
      out_specs=_PK4_OUT,
      out_shape=jax.ShapeDtypeStruct((M4, 128), jnp.float32),
  )(p5, invp, b5t)


def kernel(features, edge_index, W1, b1, W2, b2, W3, b3, W4, b4, W5, b5):
  f32 = jnp.float32
  i32 = jnp.int32
  eye4 = jnp.eye(4, dtype=f32)

  ei = edge_index.astype(i32)
  npad = EPAD - E
  src = jnp.concatenate([ei[0], jnp.zeros((npad,), i32)]).reshape(NB, EB)
  dst = jnp.concatenate(
      [ei[1], N + jnp.arange(npad, dtype=i32) % (NP - N)]).reshape(NB, EB)
  src2 = jnp.stack([src, src + NP])

  x32 = jnp.concatenate(
      [features.astype(f32), jnp.ones((N, 1), f32), jnp.zeros((N, 27), f32)],
      axis=1)
  x32 = jnp.pad(x32, ((0, NP - N), (0, 0)))

  sel = jnp.kron(eye4, jnp.zeros((32, 32), f32).at[4, :].set(1.0))

  w1p = jnp.zeros((32, 64), f32).at[0:4, :].set(W1)
  w1lo = jnp.kron(eye4, w1p[:, 0:32])
  w1hi = jnp.kron(eye4, w1p[:, 32:64])
  b1t = jnp.stack([jnp.tile(b1[0:32], 4), jnp.tile(b1[32:64], 4)])

  p1 = _prop32(x32, src2, dst).reshape(2, M4, 128)
  xs, invp = _tc1(p1, sel, w1lo, w1hi, b1t)

  for w, b in ((W2, b2), (W3, b3), (W4, b4)):
    wbd = [jnp.kron(eye4, w[0:32, 0:32]), jnp.kron(eye4, w[32:64, 0:32]),
           jnp.kron(eye4, w[0:32, 32:64]), jnp.kron(eye4, w[32:64, 32:64])]
    b2r = jnp.stack([jnp.tile(b[0:32], 4), jnp.tile(b[32:64], 4)])
    agg = _prop64(xs.reshape(2 * NP, 32), src2, dst).reshape(2, M4, 128)
    xs = _tcmid(agg, invp, wbd, b2r)

  w5p = jnp.zeros((64, 32), f32).at[:, 0:3].set(W5)
  w5lo = jnp.kron(eye4, w5p[0:32])
  w5hi = jnp.kron(eye4, w5p[32:64])
  t32 = _tc5a(xs, w5lo, w5hi)
  p5 = _prop32(t32.reshape(NP, 32), src2, dst).reshape(2, M4, 128)
  b5t = jnp.tile(jnp.pad(b5, (0, 29)), 4).reshape(1, 128)
  out32 = _tc5b(p5, invp, b5t).reshape(NP, 32)
  return out32[:N, :3]

# --- scband reference (transcript-rebuilt; emitter-appended) ---
"""Pipeline reference for scband-custom-net-76390288327749 (READ-ONLY COPY).

The authoritative reference and input builder live on the scoring server;
editing this copy changes nothing except your own understanding.
"""

import jax, jax.numpy as jnp
import numpy as np

N_NODES = 50000
N_EDGES = 800000


def _conv(x, src, dst, deg, W, b):
    m = x[src]
    agg = jax.ops.segment_sum(m, dst, num_segments=N_NODES)
    agg = agg / deg
    return agg @ W + b


def setup_inputs(seed: int = 0) -> dict:
    key = jax.random.key(seed)
    ks = jax.random.split(key, 12)
    features = jax.random.normal(ks[0], (N_NODES, 4), dtype=jnp.float32)
    edge_index = jax.random.randint(ks[1], (2, N_EDGES), 0, N_NODES, dtype=jnp.int64)
    dims = [(4, 64), (64, 64), (64, 64), (64, 64), (64, 3)]
    params = {}
    for i, (fi, fo) in enumerate(dims):
        scale = 1.0 / np.sqrt(fi)
        params[f"W{i+1}"] = jax.random.uniform(ks[2 + 2 * i], (fi, fo), minval=-scale, maxval=scale, dtype=jnp.float32)
        params[f"b{i+1}"] = jax.random.uniform(ks[3 + 2 * i], (fo,), minval=-scale, maxval=scale, dtype=jnp.float32)
    out = {"features": features, "edge_index": edge_index}
    out.update(params)
    return out


def reference(features, edge_index, W1, b1, W2, b2, W3, b3, W4, b4, W5, b5):
    src = edge_index[0]
    dst = edge_index[1]
    deg = jax.ops.segment_sum(jnp.ones((N_EDGES, 1), dtype=jnp.float32), dst, num_segments=N_NODES)
    deg = jnp.clip(deg, 1.0, None)
    x = jax.nn.leaky_relu(_conv(features, src, dst, deg, W1, b1), 0.01)
    x = jax.nn.leaky_relu(_conv(x, src, dst, deg, W2, b2), 0.01)
    x = jax.nn.leaky_relu(_conv(x, src, dst, deg, W3, b3), 0.01)
    x = jax.nn.leaky_relu(_conv(x, src, dst, deg, W4, b4), 0.01)
    x = _conv(x, src, dst, deg, W5, b5)
    return x

if __name__ == "__main__":
    import jax
    _d = setup_inputs()
    print(jax.jit(kernel)(*tuple(_d.values())))

</pallas_src>

<mosaic_0001>
#map = affine_map<(d0, d1) -> (0, 0)>
#map1 = affine_map<(d0, d1) -> (0, 0, 0)>
module attributes {stable_mosaic.version = 14 : i64} {
  func.func @body(%arg0: i32, %arg1: i32, %arg2: memref<50176x32xf32, #tpu.memory_space<hbm>>, %arg3: memref<2x6272x128xi32, #tpu.memory_space<hbm>>, %arg4: memref<6272x128xi32, #tpu.memory_space<hbm>>, %arg5: memref<784x32xf32, #tpu.memory_space<hbm>>, %arg6: memref<2x50176x32xf32, #tpu.memory_space<hbm>>, %arg7: memref<50176x32xf32, #tpu.memory_space<vmem_shared>>, %arg8: memref<7x128xi32, #tpu.memory_space<vmem>>, %arg9: memref<7x128xi32, #tpu.memory_space<vmem>>, %arg10: memref<7x128x32xf32, #tpu.memory_space<vmem>>, %arg11: memref<!tpu.dma_semaphore, #tpu.memory_space<semaphore_mem>>, %arg12: memref<!tpu.dma_semaphore, #tpu.memory_space<semaphore_mem>>, %arg13: memref<!tpu.dma_semaphore, #tpu.memory_space<semaphore_mem>>, %arg14: memref<!tpu.dma_semaphore, #tpu.memory_space<semaphore_mem>>, %arg15: memref<!tpu.dma_semaphore, #tpu.memory_space<semaphore_mem>>, %arg16: memref<!tpu.dma_semaphore, #tpu.memory_space<semaphore_mem>>, %arg17: memref<!tpu.dma_semaphore, #tpu.memory_space<semaphore_mem>>, %arg18: memref<!tpu.dma_semaphore, #tpu.memory_space<semaphore_mem>>, %arg19: memref<!tpu.dma_semaphore, #tpu.memory_space<semaphore_mem>>, %arg20: memref<!tpu.dma_semaphore, #tpu.memory_space<semaphore_mem>>, %arg21: memref<!tpu.dma_semaphore, #tpu.memory_space<semaphore_mem>>, %arg22: memref<!tpu.dma_semaphore, #tpu.memory_space<semaphore_mem>>, %arg23: memref<!tpu.dma_semaphore, #tpu.memory_space<semaphore_mem>>, %arg24: memref<!tpu.dma_semaphore, #tpu.memory_space<semaphore_mem>>) attributes {dimension_semantics = [#tpu.dimension_semantics<core_parallel>, #tpu.dimension_semantics<subcore_parallel>], iteration_bounds = array<i64: 2, 16>, scalar_prefetch = 0 : i64, scratch_operands = 18 : i64, tpu.core_type = #tpu.core_type<sc_vector_subcore>, window_params = [{transform_indices = #map}, {transform_indices = #map1}, {transform_indices = #map}, {transform_indices = #map}, {transform_indices = #map1}]} {
    %mul3A = arith.constant 3136 : i32
    %mul3A_0 = arith.muli %arg1, %mul3A : i32
    %add3A = arith.constant 0 : i32
    %add3A_1 = arith.addi %mul3A_0, %add3A : i32
    "tpu.region"() ({
      %run_scoped3A_29 = tpu.sem_alloc : memref<!tpu.dma_semaphore, #tpu.memory_space<semaphore_mem>>
      %dma_start3A = arith.constant 0 : i32
      %dma_start3A_30 = tpu.memref_slice %arg7[%add3A_1, %dma_start3A] : memref<50176x32xf32, #tpu.memory_space<vmem_shared>> -> memref<784x32xf32, #tpu.memory_space<vmem_shared>>
      %dma_start3A_31 = arith.constant 0 : i32
      %dma_start3A_32 = arith.constant 0 : i32
      %dma_start3A_33 = tpu.memref_slice %arg5[%dma_start3A_31, %dma_start3A_32] : memref<784x32xf32, #tpu.memory_space<hbm>> -> memref<784x32xf32, #tpu.memory_space<hbm>>
      tpu.enqueue_dma source(%dma_start3A_33 : memref<784x32xf32, #tpu.memory_space<hbm>>) target(%dma_start3A_30 : memref<784x32xf32, #tpu.memory_space<vmem_shared>>) target_semaphore(%run_scoped3A_29 : memref<!tpu.dma_semaphore, #tpu.memory_space<semaphore_mem>>)
      %dma_wait3A = arith.constant 0 : i32
      %dma_wait3A_34 = tpu.memref_slice %arg7[%add3A_1, %dma_wait3A] : memref<50176x32xf32, #tpu.memory_space<vmem_shared>> -> memref<784x32xf32, #tpu.memory_space<vmem_shared>>
      %dma_wait3A_35 = arith.constant 0 : i32
      %dma_wait3A_36 = arith.constant 0 : i32
      %dma_wait3A_37 = tpu.memref_slice %arg5[%dma_wait3A_35, %dma_wait3A_36] : memref<784x32xf32, #tpu.memory_space<hbm>> -> memref<784x32xf32, #tpu.memory_space<hbm>>
      tpu.wait_dma2 semaphore(%run_scoped3A_29 : memref<!tpu.dma_semaphore, #tpu.memory_space<semaphore_mem>>) src(%dma_wait3A_37 : memref<784x32xf32, #tpu.memory_space<hbm>>) dst(%dma_wait3A_34 : memref<784x32xf32, #tpu.memory_space<vmem_shared>>)
      tpu.yield
    }) : () -> ()
    %mul3A_2 = arith.constant 3136 : i32
    %mul3A_3 = arith.muli %arg1, %mul3A_2 : i32
    %add3A_4 = arith.constant 784 : i32
    %add3A_5 = arith.addi %mul3A_3, %add3A_4 : i32
    "tpu.region"() ({
      %run_scoped3A_29 = tpu.sem_alloc : memref<!tpu.dma_semaphore, #tpu.memory_space<semaphore_mem>>
      %dma_start3A = arith.constant 0 : i32
      %dma_start3A_30 = tpu.memref_slice %arg7[%add3A_5, %dma_start3A] : memref<50176x32xf32, #tpu.memory_space<vmem_shared>> -> memref<784x32xf32, #tpu.memory_space<vmem_shared>>
      %dma_start3A_31 = arith.constant 0 : i32
      %dma_start3A_32 = arith.constant 0 : i32
      %dma_start3A_33 = tpu.memref_slice %arg5[%dma_start3A_31, %dma_start3A_32] : memref<784x32xf32, #tpu.memory_space<hbm>> -> memref<784x32xf32, #tpu.memory_space<hbm>>
      tpu.enqueue_dma source(%dma_start3A_33 : memref<784x32xf32, #tpu.memory_space<hbm>>) target(%dma_start3A_30 : memref<784x32xf32, #tpu.memory_space<vmem_shared>>) target_semaphore(%run_scoped3A_29 : memref<!tpu.dma_semaphore, #tpu.memory_space<semaphore_mem>>)
      %dma_wait3A = arith.constant 0 : i32
      %dma_wait3A_34 = tpu.memref_slice %arg7[%add3A_5, %dma_wait3A] : memref<50176x32xf32, #tpu.memory_space<vmem_shared>> -> memref<784x32xf32, #tpu.memory_space<vmem_shared>>
      %dma_wait3A_35 = arith.constant 0 : i32
      %dma_wait3A_36 = arith.constant 0 : i32
      %dma_wait3A_37 = tpu.memref_slice %arg5[%dma_wait3A_35, %dma_wait3A_36] : memref<784x32xf32, #tpu.memory_space<hbm>> -> memref<784x32xf32, #tpu.memory_space<hbm>>
      tpu.wait_dma2 semaphore(%run_scoped3A_29 : memref<!tpu.dma_semaphore, #tpu.memory_space<semaphore_mem>>) src(%dma_wait3A_37 : memref<784x32xf32, #tpu.memory_space<hbm>>) dst(%dma_wait3A_34 : memref<784x32xf32, #tpu.memory_space<vmem_shared>>)
      tpu.yield
    }) : () -> ()
    %mul3A_6 = arith.constant 3136 : i32
    %mul3A_7 = arith.muli %arg1, %mul3A_6 : i32
    %add3A_8 = arith.constant 1568 : i32
    %add3A_9 = arith.addi %mul3A_7, %add3A_8 : i32
    "tpu.region"() ({
      %run_scoped3A_29 = tpu.sem_alloc : memref<!tpu.dma_semaphore, #tpu.memory_space<semaphore_mem>>
      %dma_start3A = arith.constant 0 : i32
      %dma_start3A_30 = tpu.memref_slice %arg7[%add3A_9, %dma_start3A] : memref<50176x32xf32, #tpu.memory_space<vmem_shared>> -> memref<784x32xf32, #tpu.memory_space<vmem_shared>>
      %dma_start3A_31 = arith.constant 0 : i32
      %dma_start3A_32 = arith.constant 0 : i32
      %dma_start3A_33 = tpu.memref_slice %arg5[%dma_start3A_31, %dma_start3A_32] : memref<784x32xf32, #tpu.memory_space<hbm>> -> memref<784x32xf32, #tpu.memory_space<hbm>>
      tpu.enqueue_dma source(%dma_start3A_33 : memref<784x32xf32, #tpu.memory_space<hbm>>) target(%dma_start3A_30 : memref<784x32xf32, #tpu.memory_space<vmem_shared>>) target_semaphore(%run_scoped3A_29 : memref<!tpu.dma_semaphore, #tpu.memory_space<semaphore_mem>>)
      %dma_wait3A = arith.constant 0 : i32
      %dma_wait3A_34 = tpu.memref_slice %arg7[%add3A_9, %dma_wait3A] : memref<50176x32xf32, #tpu.memory_space<vmem_shared>> -> memref<784x32xf32, #tpu.memory_space<vmem_shared>>
      %dma_wait3A_35 = arith.constant 0 : i32
      %dma_wait3A_36 = arith.constant 0 : i32
      %dma_wait3A_37 = tpu.memref_slice %arg5[%dma_wait3A_35, %dma_wait3A_36] : memref<784x32xf32, #tpu.memory_space<hbm>> -> memref<784x32xf32, #tpu.memory_space<hbm>>
      tpu.wait_dma2 semaphore(%run_scoped3A_29 : memref<!tpu.dma_semaphore, #tpu.memory_space<semaphore_mem>>) src(%dma_wait3A_37 : memref<784x32xf32, #tpu.memory_space<hbm>>) dst(%dma_wait3A_34 : memref<784x32xf32, #tpu.memory_space<vmem_shared>>)
      tpu.yield
    }) : () -> ()
    %mul3A_10 = arith.constant 3136 : i32
    %mul3A_11 = arith.muli %arg1, %mul3A_10 : i32
    %add3A_12 = arith.constant 2352 : i32
    %add3A_13 = arith.addi %mul3A_11, %add3A_12 : i32
    "tpu.region"() ({
      %run_scoped3A_29 = tpu.sem_alloc : memref<!tpu.dma_semaphore, #tpu.memory_space<semaphore_mem>>
      %dma_start3A = arith.constant 0 : i32
      %dma_start3A_30 = tpu.memref_slice %arg7[%add3A_13, %dma_start3A] : memref<50176x32xf32, #tpu.memory_space<vmem_shared>> -> memref<784x32xf32, #tpu.memory_space<vmem_shared>>
      %dma_start3A_31 = arith.constant 0 : i32
      %dma_start3A_32 = arith.constant 0 : i32
      %dma_start3A_33 = tpu.memref_slice %arg5[%dma_start3A_31, %dma_start3A_32] : memref<784x32xf32, #tpu.memory_space<hbm>> -> memref<784x32xf32, #tpu.memory_space<hbm>>
      tpu.enqueue_dma source(%dma_start3A_33 : memref<784x32xf32, #tpu.memory_space<hbm>>) target(%dma_start3A_30 : memref<784x32xf32, #tpu.memory_space<vmem_shared>>) target_semaphore(%run_scoped3A_29 : memref<!tpu.dma_semaphore, #tpu.memory_space<semaphore_mem>>)
      %dma_wait3A = arith.constant 0 : i32
      %dma_wait3A_34 = tpu.memref_slice %arg7[%add3A_13, %dma_wait3A] : memref<50176x32xf32, #tpu.memory_space<vmem_shared>> -> memref<784x32xf32, #tpu.memory_space<vmem_shared>>
      %dma_wait3A_35 = arith.constant 0 : i32
      %dma_wait3A_36 = arith.constant 0 : i32
      %dma_wait3A_37 = tpu.memref_slice %arg5[%dma_wait3A_35, %dma_wait3A_36] : memref<784x32xf32, #tpu.memory_space<hbm>> -> memref<784x32xf32, #tpu.memory_space<hbm>>
      tpu.wait_dma2 semaphore(%run_scoped3A_29 : memref<!tpu.dma_semaphore, #tpu.memory_space<semaphore_mem>>) src(%dma_wait3A_37 : memref<784x32xf32, #tpu.memory_space<hbm>>) dst(%dma_wait3A_34 : memref<784x32xf32, #tpu.memory_space<vmem_shared>>)
      tpu.yield
    }) : () -> ()
    %barrier3A = arith.constant 0 : index
    tpu.barrier barrier_id(%barrier3A)
    %mul3A_14 = arith.constant 3136 : i32
    %mul3A_15 = arith.muli %arg0, %mul3A_14 : i32
    %mul3A_16 = arith.constant 196 : i32
    %mul3A_17 = arith.muli %arg1, %mul3A_16 : i32
    %add3A_18 = arith.addi %mul3A_15, %mul3A_17 : i32
    %run_scoped3A = arith.constant 0 : i32
    "tpu.region"() ({
      %run_scoped3A_29 = tpu.sem_alloc : memref<!tpu.dma_semaphore, #tpu.memory_space<semaphore_mem>>
      %dma_start3A = arith.constant 0 : i32
      %dma_start3A_30 = tpu.memref_slice %arg3[%run_scoped3A, %add3A_18, %dma_start3A] : memref<2x6272x128xi32, #tpu.memory_space<hbm>> -> memref<1x7x128xi32, #tpu.memory_space<hbm>>
      %dma_start3A_31 = tpu.memref_squeeze %dma_start3A_30 : memref<1x7x128xi32, #tpu.memory_space<hbm>> -> memref<7x128xi32, #tpu.memory_space<hbm>>
      %dma_start3A_32 = arith.constant 0 : i32
      %dma_start3A_33 = tpu.memref_slice %arg3[%run_scoped3A, %add3A_18, %dma_start3A_32] : memref<2x6272x128xi32, #tpu.memory_space<hbm>> -> memref<1x7x128xi32, #tpu.memory_space<hbm>>
      %dma_start3A_34 = tpu.memref_squeeze %dma_start3A_33 : memref<1x7x128xi32, #tpu.memory_space<hbm>> -> memref<7x128xi32, #tpu.memory_space<hbm>>
      tpu.enqueue_dma source(%dma_start3A_34 : memref<7x128xi32, #tpu.memory_space<hbm>>) target(%arg8 : memref<7x128xi32, #tpu.memory_space<vmem>>) target_semaphore(%run_scoped3A_29 : memref<!tpu.dma_semaphore, #tpu.memory_space<semaphore_mem>>)
      %dma_wait3A = arith.constant 0 : i32
      %dma_wait3A_35 = tpu.memref_slice %arg3[%run_scoped3A, %add3A_18, %dma_wait3A] : memref<2x6272x128xi32, #tpu.memory_space<hbm>> -> memref<1x7x128xi32, #tpu.memory_space<hbm>>
      %dma_wait3A_36 = tpu.memref_squeeze %dma_wait3A_35 : memref<1x7x128xi32, #tpu.memory_space<hbm>> -> memref<7x128xi32, #tpu.memory_space<hbm>>
      %dma_wait3A_37 = arith.constant 0 : i32
      %dma_wait3A_38 = tpu.memref_slice %arg3[%run_scoped3A, %add3A_18, %dma_wait3A_37] : memref<2x6272x128xi32, #tpu.memory_space<hbm>> -> memref<1x7x128xi32, #tpu.memory_space<hbm>>
      %dma_wait3A_39 = tpu.memref_squeeze %dma_wait3A_38 : memref<1x7x128xi32, #tpu.memory_space<hbm>> -> memref<7x128xi32, #tpu.memory_space<hbm>>
      tpu.wait_dma2 semaphore(%run_scoped3A_29 : memref<!tpu.dma_semaphore, #tpu.memory_space<semaphore_mem>>) src(%dma_wait3A_39 : memref<7x128xi32, #tpu.memory_space<hbm>>) dst(%arg8 : memref<7x128xi32, #tpu.memory_space<vmem>>)
      tpu.yield
    }) : () -> ()
    %scan3A = arith.constant 0 : i32
    %scan3A_19 = arith.constant 0 : i32
    %scan3A_20 = arith.constant 28 : i32
    %scan3A_21 = arith.addi %scan3A_19, %scan3A_20 : i32
    %scan3A_22 = arith.constant 1 : i32
    scf.for %scan3A_29 = %scan3A_19 to %scan3A_21 step %scan3A_22  : i32 {
      %mul3A_30 = arith.constant 7 : i32
      %mul3A_31 = arith.muli %scan3A_29, %mul3A_30 : i32
      %add3A_32 = arith.addi %add3A_18, %mul3A_31 : i32
      %dma_start3A = arith.constant 0 : i32
      %dma_start3A_33 = arith.constant 0 : i32
      %dma_start3A_34 = arith.constant 0 : i32
      %dma_start3A_35 = arith.constant 0 : i32
      %dma_start3A_36 = tpu.memref_slice %arg10[%dma_start3A_33, %dma_start3A_34, %dma_start3A_35] : memref<7x128x32xf32, #tpu.memory_space<vmem>> -> memref<1x128x32xf32, #tpu.memory_space<vmem>>
      %dma_start3A_37 = tpu.memref_squeeze %dma_start3A_36 : memref<1x128x32xf32, #tpu.memory_space<vmem>> -> memref<128x32xf32, #tpu.memory_space<vmem>>
      %dma_start3A_38 = arith.constant 0 : i32
      %dma_start3A_39 = tpu.memref_slice %arg8[%dma_start3A, %dma_start3A_38] : memref<7x128xi32, #tpu.memory_space<vmem>> -> memref<1x128xi32, #tpu.memory_space<vmem>>
      %dma_start3A_40 = tpu.memref_squeeze %dma_start3A_39 : memref<1x128xi32, #tpu.memory_space<vmem>> -> memref<128xi32, #tpu.memory_space<vmem>>
      %dma_start3A_41 = arith.constant 0 : i32
      %dma_start3A_42 = arith.constant 0 : i32
      %dma_start3A_43 = tpu.memref_slice %arg2[%dma_start3A_41, %dma_start3A_42] : memref<50176x32xf32, #tpu.memory_space<hbm>> -> memref<50176x32xf32, #tpu.memory_space<hbm>>
      tpu.enqueue_indirect_dma source(%dma_start3A_43 : memref<50176x32xf32, #tpu.memory_space<hbm>>) target(%dma_start3A_37 : memref<128x32xf32, #tpu.memory_space<vmem>>) offsets(%dma_start3A_40 : memref<128xi32, #tpu.memory_space<vmem>>) semaphore(%arg11 : memref<!tpu.dma_semaphore, #tpu.memory_space<semaphore_mem>>)
      %dma_start3A_44 = arith.constant 1 : i32
      %dma_start3A_45 = arith.constant 1 : i32
      %dma_start3A_46 = arith.constant 0 : i32
      %dma_start3A_47 = arith.constant 0 : i32
      %dma_start3A_48 = tpu.memref_slice %arg10[%dma_start3A_45, %dma_start3A_46, %dma_start3A_47] : memref<7x128x32xf32, #tpu.memory_space<vmem>> -> memref<1x128x32xf32, #tpu.memory_space<vmem>>
      %dma_start3A_49 = tpu.memref_squeeze %dma_start3A_48 : memref<1x128x32xf32, #tpu.memory_space<vmem>> -> memref<128x32xf32, #tpu.memory_space<vmem>>
      %dma_start3A_50 = arith.constant 0 : i32
      %dma_start3A_51 = tpu.memref_slice %arg8[%dma_start3A_44, %dma_start3A_50] : memref<7x128xi32, #tpu.memory_space<vmem>> -> memref<1x128xi32, #tpu.memory_space<vmem>>
      %dma_start3A_52 = tpu.memref_squeeze %dma_start3A_51 : memref<1x128xi32, #tpu.memory_space<vmem>> -> memref<128xi32, #tpu.memory_space<vmem>>
      %dma_start3A_53 = arith.constant 0 : i32
      %dma_start3A_54 = arith.constant 0 : i32
      %dma_start3A_55 = tpu.memref_slice %arg2[%dma_start3A_53, %dma_start3A_54] : memref<50176x32xf32, #tpu.memory_space<hbm>> -> memref<50176x32xf32, #tpu.memory_space<hbm>>
      tpu.enqueue_indirect_dma source(%dma_start3A_55 : memref<50176x32xf32, #tpu.memory_space<hbm>>) target(%dma_start3A_49 : memref<128x32xf32, #tpu.memory_space<vmem>>) offsets(%dma_start3A_52 : memref<128xi32, #tpu.memory_space<vmem>>) semaphore(%arg12 : memref<!tpu.dma_semaphore, #tpu.memory_space<semaphore_mem>>)
      %dma_start3A_56 = arith.constant 2 : i32
      %dma_start3A_57 = arith.constant 2 : i32
      %dma_start3A_58 = arith.constant 0 : i32
      %dma_start3A_59 = arith.constant 0 : i32
      %dma_start3A_60 = tpu.memref_slice %arg10[%dma_start3A_57, %dma_start3A_58, %dma_start3A_59] : memref<7x128x32xf32, #tpu.memory_space<vmem>> -> memref<1x128x32xf32, #tpu.memory_space<vmem>>
      %dma_start3A_61 = tpu.memref_squeeze %dma_start3A_60 : memref<1x128x32xf32, #tpu.memory_space<vmem>> -> memref<128x32xf32, #tpu.memory_space<vmem>>
      %dma_start3A_62 = arith.constant 0 : i32
      %dma_start3A_63 = tpu.memref_slice %arg8[%dma_start3A_56, %dma_start3A_62] : memref<7x128xi32, #tpu.memory_space<vmem>> -> memref<1x128xi32, #tpu.memory_space<vmem>>
      %dma_start3A_64 = tpu.memref_squeeze %dma_start3A_63 : memref<1x128xi32, #tpu.memory_space<vmem>> -> memref<128xi32, #tpu.memory_space<vmem>>
      %dma_start3A_65 = arith.constant 0 : i32
      %dma_start3A_66 = arith.constant 0 : i32
      %dma_start3A_67 = tpu.memref_slice %arg2[%dma_start3A_65, %dma_start3A_66] : memref<50176x32xf32, #tpu.memory_space<hbm>> -> memref<50176x32xf32, #tpu.memory_space<hbm>>
      tpu.enqueue_indirect_dma source(%dma_start3A_67 : memref<50176x32xf32, #tpu.memory_space<hbm>>) target(%dma_start3A_61 : memref<128x32xf32, #tpu.memory_space<vmem>>) offsets(%dma_start3A_64 : memref<128xi32, #tpu.memory_space<vmem>>) semaphore(%arg13 : memref<!tpu.dma_semaphore, #tpu.memory_space<semaphore_mem>>)
      %dma_start3A_68 = arith.constant 3 : i32
      %dma_start3A_69 = arith.constant 3 : i32
      %dma_start3A_70 = arith.constant 0 : i32
      %dma_start3A_71 = arith.constant 0 : i32
      %dma_start3A_72 = tpu.memref_slice %arg10[%dma_start3A_69, %dma_start3A_70, %dma_start3A_71] : memref<7x128x32xf32, #tpu.memory_space<vmem>> -> memref<1x128x32xf32, #tpu.memory_space<vmem>>
      %dma_start3A_73 = tpu.memref_squeeze %dma_start3A_72 : memref<1x128x32xf32, #tpu.memory_space<vmem>> -> memref<128x32xf32, #tpu.memory_space<vmem>>
      %dma_start3A_74 = arith.constant 0 : i32
      %dma_start3A_75 = tpu.memref_slice %arg8[%dma_start3A_68, %dma_start3A_74] : memref<7x128xi32, #tpu.memory_space<vmem>> -> memref<1x128xi32, #tpu.memory_space<vmem>>
      %dma_start3A_76 = tpu.memref_squeeze %dma_start3A_75 : memref<1x128xi32, #tpu.memory_space<vmem>> -> memref<128xi32, #tpu.memory_space<vmem>>
      %dma_start3A_77 = arith.constant 0 : i32
      %dma_start3A_78 = arith.constant 0 : i32
      %dma_start3A_79 = tpu.memref_slice %arg2[%dma_start3A_77, %dma_start3A_78] : memref<50176x32xf32, #tpu.memory_space<hbm>> -> memref<50176x32xf32, #tpu.memory_space<hbm>>
      tpu.enqueue_indirect_dma source(%dma_start3A_79 : memref<50176x32xf32, #tpu.memory_space<hbm>>) target(%dma_start3A_73 : memref<128x32xf32, #tpu.memory_space<vmem>>) offsets(%dma_start3A_76 : memref<128xi32, #tpu.memory_space<vmem>>) semaphore(%arg14 : memref<!tpu.dma_semaphore, #tpu.memory_space<semaphore_mem>>)
      %dma_start3A_80 = arith.constant 4 : i32
      %dma_start3A_81 = arith.constant 4 : i32
      %dma_start3A_82 = arith.constant 0 : i32
      %dma_start3A_83 = arith.constant 0 : i32
      %dma_start3A_84 = tpu.memref_slice %arg10[%dma_start3A_81, %dma_start3A_82, %dma_start3A_83] : memref<7x128x32xf32, #tpu.memory_space<vmem>> -> memref<1x128x32xf32, #tpu.memory_space<vmem>>
      %dma_start3A_85 = tpu.memref_squeeze %dma_start3A_84 : memref<1x128x32xf32, #tpu.memory_space<vmem>> -> memref<128x32xf32, #tpu.memory_space<vmem>>
      %dma_start3A_86 = arith.constant 0 : i32
      %dma_start3A_87 = tpu.memref_slice %arg8[%dma_start3A_80, %dma_start3A_86] : memref<7x128xi32, #tpu.memory_space<vmem>> -> memref<1x128xi32, #tpu.memory_space<vmem>>
      %dma_start3A_88 = tpu.memref_squeeze %dma_start3A_87 : memref<1x128xi32, #tpu.memory_space<vmem>> -> memref<128xi32, #tpu.memory_space<vmem>>
      %dma_start3A_89 = arith.constant 0 : i32
      %dma_start3A_90 = arith.constant 0 : i32
      %dma_start3A_91 = tpu.memref_slice %arg2[%dma_start3A_89, %dma_start3A_90] : memref<50176x32xf32, #tpu.memory_space<hbm>> -> memref<50176x32xf32, #tpu.memory_space<hbm>>
      tpu.enqueue_indirect_dma source(%dma_start3A_91 : memref<50176x32xf32, #tpu.memory_space<hbm>>) target(%dma_start3A_85 : memref<128x32xf32, #tpu.memory_space<vmem>>) offsets(%dma_start3A_88 : memref<128xi32, #tpu.memory_space<vmem>>) semaphore(%arg15 : memref<!tpu.dma_semaphore, #tpu.memory_space<semaphore_mem>>)
      %dma_start3A_92 = arith.constant 5 : i32
      %dma_start3A_93 = arith.constant 5 : i32
      %dma_start3A_94 = arith.constant 0 : i32
      %dma_start3A_95 = arith.constant 0 : i32
      %dma_start3A_96 = tpu.memref_slice %arg10[%dma_start3A_93, %dma_start3A_94, %dma_start3A_95] : memref<7x128x32xf32, #tpu.memory_space<vmem>> -> memref<1x128x32xf32, #tpu.memory_space<vmem>>
      %dma_start3A_97 = tpu.memref_squeeze %dma_start3A_96 : memref<1x128x32xf32, #tpu.memory_space<vmem>> -> memref<128x32xf32, #tpu.memory_space<vmem>>
      %dma_start3A_98 = arith.constant 0 : i32
      %dma_start3A_99 = tpu.memref_slice %arg8[%dma_start3A_92, %dma_start3A_98] : memref<7x128xi32, #tpu.memory_space<vmem>> -> memref<1x128xi32, #tpu.memory_space<vmem>>
      %dma_start3A_100 = tpu.memref_squeeze %dma_start3A_99 : memref<1x128xi32, #tpu.memory_space<vmem>> -> memref<128xi32, #tpu.memory_space<vmem>>
      %dma_start3A_101 = arith.constant 0 : i32
      %dma_start3A_102 = arith.constant 0 : i32
      %dma_start3A_103 = tpu.memref_slice %arg2[%dma_start3A_101, %dma_start3A_102] : memref<50176x32xf32, #tpu.memory_space<hbm>> -> memref<50176x32xf32, #tpu.memory_space<hbm>>
      tpu.enqueue_indirect_dma source(%dma_start3A_103 : memref<50176x32xf32, #tpu.memory_space<hbm>>) target(%dma_start3A_97 : memref<128x32xf32, #tpu.memory_space<vmem>>) offsets(%dma_start3A_100 : memref<128xi32, #tpu.memory_space<vmem>>) semaphore(%arg16 : memref<!tpu.dma_semaphore, #tpu.memory_space<semaphore_mem>>)
      %dma_start3A_104 = arith.constant 6 : i32
      %dma_start3A_105 = arith.constant 6 : i32
      %dma_start3A_106 = arith.constant 0 : i32
      %dma_start3A_107 = arith.constant 0 : i32
      %dma_start3A_108 = tpu.memref_slice %arg10[%dma_start3A_105, %dma_start3A_106, %dma_start3A_107] : memref<7x128x32xf32, #tpu.memory_space<vmem>> -> memref<1x128x32xf32, #tpu.memory_space<vmem>>
      %dma_start3A_109 = tpu.memref_squeeze %dma_start3A_108 : memref<1x128x32xf32, #tpu.memory_space<vmem>> -> memref<128x32xf32, #tpu.memory_space<vmem>>
      %dma_start3A_110 = arith.constant 0 : i32
      %dma_start3A_111 = tpu.memref_slice %arg8[%dma_start3A_104, %dma_start3A_110] : memref<7x128xi32, #tpu.memory_space<vmem>> -> memref<1x128xi32, #tpu.memory_space<vmem>>
      %dma_start3A_112 = tpu.memref_squeeze %dma_start3A_111 : memref<1x128xi32, #tpu.memory_space<vmem>> -> memref<128xi32, #tpu.memory_space<vmem>>
      %dma_start3A_113 = arith.constant 0 : i32
      %dma_start3A_114 = arith.constant 0 : i32
      %dma_start3A_115 = tpu.memref_slice %arg2[%dma_start3A_113, %dma_start3A_114] : memref<50176x32xf32, #tpu.memory_space<hbm>> -> memref<50176x32xf32, #tpu.memory_space<hbm>>
      tpu.enqueue_indirect_dma source(%dma_start3A_115 : memref<50176x32xf32, #tpu.memory_space<hbm>>) target(%dma_start3A_109 : memref<128x32xf32, #tpu.memory_space<vmem>>) offsets(%dma_start3A_112 : memref<128xi32, #tpu.memory_space<vmem>>) semaphore(%arg17 : memref<!tpu.dma_semaphore, #tpu.memory_space<semaphore_mem>>)
      "tpu.region"() ({
        %run_scoped3A_371 = tpu.sem_alloc : memref<!tpu.dma_semaphore, #tpu.memory_space<semaphore_mem>>
        %dma_start3A_372 = arith.constant 0 : i32
        %dma_start3A_373 = tpu.memref_slice %arg4[%add3A_32, %dma_start3A_372] : memref<6272x128xi32, #tpu.memory_space<hbm>> -> memref<7x128xi32, #tpu.memory_space<hbm>>
        %dma_start3A_374 = arith.constant 0 : i32
        %dma_start3A_375 = tpu.memref_slice %arg4[%add3A_32, %dma_start3A_374] : memref<6272x128xi32, #tpu.memory_space<hbm>> -> memref<7x128xi32, #tpu.memory_space<hbm>>
        tpu.enqueue_dma source(%dma_start3A_375 : memref<7x128xi32, #tpu.memory_space<hbm>>) target(%arg9 : memref<7x128xi32, #tpu.memory_space<vmem>>) target_semaphore(%run_scoped3A_371 : memref<!tpu.dma_semaphore, #tpu.memory_space<semaphore_mem>>)
        %dma_wait3A_376 = arith.constant 0 : i32
        %dma_wait3A_377 = tpu.memref_slice %arg4[%add3A_32, %dma_wait3A_376] : memref<6272x128xi32, #tpu.memory_space<hbm>> -> memref<7x128xi32, #tpu.memory_space<hbm>>
        %dma_wait3A_378 = arith.constant 0 : i32
        %dma_wait3A_379 = tpu.memref_slice %arg4[%add3A_32, %dma_wait3A_378] : memref<6272x128xi32, #tpu.memory_space<hbm>> -> memref<7x128xi32, #tpu.memory_space<hbm>>
        tpu.wait_dma2 semaphore(%run_scoped3A_371 : memref<!tpu.dma_semaphore, #tpu.memory_space<semaphore_mem>>) src(%dma_wait3A_379 : memref<7x128xi32, #tpu.memory_space<hbm>>) dst(%arg9 : memref<7x128xi32, #tpu.memory_space<vmem>>)
        tpu.yield
      }) : () -> ()
      %dma_wait3A = arith.constant 0 : i32
      %dma_wait3A_116 = arith.constant 0 : i32
      %dma_wait3A_117 = arith.constant 0 : i32
      %dma_wait3A_118 = arith.constant 0 : i32
      %dma_wait3A_119 = tpu.memref_slice %arg10[%dma_wait3A_116, %dma_wait3A_117, %dma_wait3A_118] : memref<7x128x32xf32, #tpu.memory_space<vmem>> -> memref<1x128x32xf32, #tpu.memory_space<vmem>>
      %dma_wait3A_120 = tpu.memref_squeeze %dma_wait3A_119 : memref<1x128x32xf32, #tpu.memory_space<vmem>> -> memref<128x32xf32, #tpu.memory_space<vmem>>
      %dma_wait3A_121 = arith.constant 0 : i32
      %dma_wait3A_122 = tpu.memref_slice %arg8[%dma_wait3A, %dma_wait3A_121] : memref<7x128xi32, #tpu.memory_space<vmem>> -> memref<1x128xi32, #tpu.memory_space<vmem>>
      %dma_wait3A_123 = tpu.memref_squeeze %dma_wait3A_122 : memref<1x128xi32, #tpu.memory_space<vmem>> -> memref<128xi32, #tpu.memory_space<vmem>>
      %dma_wait3A_124 = arith.constant 0 : i32
      %dma_wait3A_125 = arith.constant 0 : i32
      %dma_wait3A_126 = tpu.memref_slice %arg2[%dma_wait3A_124, %dma_wait3A_125] : memref<50176x32xf32, #tpu.memory_space<hbm>> -> memref<50176x32xf32, #tpu.memory_space<hbm>>
      tpu.wait_indirect_dma semaphore(%arg11 : memref<!tpu.dma_semaphore, #tpu.memory_space<semaphore_mem>>) src(%dma_wait3A_126 : memref<50176x32xf32, #tpu.memory_space<hbm>>) dst(%dma_wait3A_120 : memref<128x32xf32, #tpu.memory_space<vmem>>)
      %dma_start3A_127 = arith.constant 0 : i32
      %dma_start3A_128 = arith.constant 0 : i32
      %dma_start3A_129 = arith.constant 0 : i32
      %dma_start3A_130 = arith.constant 0 : i32
      %dma_start3A_131 = tpu.memref_slice %arg10[%dma_start3A_127, %dma_start3A_129, %dma_start3A_130] : memref<7x128x32xf32, #tpu.memory_space<vmem>> -> memref<1x128x32xf32, #tpu.memory_space<vmem>>
      %dma_start3A_132 = tpu.memref_squeeze %dma_start3A_131 : memref<1x128x32xf32, #tpu.memory_space<vmem>> -> memref<128x32xf32, #tpu.memory_space<vmem>>
      %dma_start3A_133 = arith.constant 0 : i32
      %dma_start3A_134 = tpu.memref_slice %arg9[%dma_start3A_128, %dma_start3A_133] : memref<7x128xi32, #tpu.memory_space<vmem>> -> memref<1x128xi32, #tpu.memory_space<vmem>>
      %dma_start3A_135 = tpu.memref_squeeze %dma_start3A_134 : memref<1x128xi32, #tpu.memory_space<vmem>> -> memref<128xi32, #tpu.memory_space<vmem>>
      %dma_start3A_136 = arith.constant 0 : i32
      %dma_start3A_137 = arith.constant 0 : i32
      %dma_start3A_138 = tpu.memref_slice %arg7[%dma_start3A_136, %dma_start3A_137] : memref<50176x32xf32, #tpu.memory_space<vmem_shared>> -> memref<50176x32xf32, #tpu.memory_space<vmem_shared>>
      tpu.enqueue_indirect_dma source(%dma_start3A_132 : memref<128x32xf32, #tpu.memory_space<vmem>>) target(%dma_start3A_138 : memref<50176x32xf32, #tpu.memory_space<vmem_shared>>) offsets(%dma_start3A_135 : memref<128xi32, #tpu.memory_space<vmem>>) semaphore(%arg18 : memref<!tpu.dma_semaphore, #tpu.memory_space<semaphore_mem>>) {add = true}
      %dma_wait3A_139 = arith.constant 1 : i32
      %dma_wait3A_140 = arith.constant 1 : i32
      %dma_wait3A_141 = arith.constant 0 : i32
      %dma_wait3A_142 = arith.constant 0 : i32
      %dma_wait3A_143 = tpu.memref_slice %arg10[%dma_wait3A_140, %dma_wait3A_141, %dma_wait3A_142] : memref<7x128x32xf32, #tpu.memory_space<vmem>> -> memref<1x128x32xf32, #tpu.memory_space<vmem>>
      %dma_wait3A_144 = tpu.memref_squeeze %dma_wait3A_143 : memref<1x128x32xf32, #tpu.memory_space<vmem>> -> memref<128x32xf32, #tpu.memory_space<vmem>>
      %dma_wait3A_145 = arith.constant 0 : i32
      %dma_wait3A_146 = tpu.memref_slice %arg8[%dma_wait3A_139, %dma_wait3A_145] : memref<7x128xi32, #tpu.memory_space<vmem>> -> memref<1x128xi32, #tpu.memory_space<vmem>>
      %dma_wait3A_147 = tpu.memref_squeeze %dma_wait3A_146 : memref<1x128xi32, #tpu.memory_space<vmem>> -> memref<128xi32, #tpu.memory_space<vmem>>
      %dma_wait3A_148 = arith.constant 0 : i32
      %dma_wait3A_149 = arith.constant 0 : i32
      %dma_wait3A_150 = tpu.memref_slice %arg2[%dma_wait3A_148, %dma_wait3A_149] : memref<50176x32xf32, #tpu.memory_space<hbm>> -> memref<50176x32xf32, #tpu.memory_space<hbm>>
      tpu.wait_indirect_dma semaphore(%arg12 : memref<!tpu.dma_semaphore, #tpu.memory_space<semaphore_mem>>) src(%dma_wait3A_150 : memref<50176x32xf32, #tpu.memory_space<hbm>>) dst(%dma_wait3A_144 : memref<128x32xf32, #tpu.memory_space<vmem>>)
      %dma_start3A_151 = arith.constant 1 : i32
      %dma_start3A_152 = arith.constant 1 : i32
      %dma_start3A_153 = arith.constant 0 : i32
      %dma_start3A_154 = arith.constant 0 : i32
      %dma_start3A_155 = tpu.memref_slice %arg10[%dma_start3A_151, %dma_start3A_153, %dma_start3A_154] : memref<7x128x32xf32, #tpu.memory_space<vmem>> -> memref<1x128x32xf32, #tpu.memory_space<vmem>>
      %dma_start3A_156 = tpu.memref_squeeze %dma_start3A_155 : memref<1x128x32xf32, #tpu.memory_space<vmem>> -> memref<128x32xf32, #tpu.memory_space<vmem>>
      %dma_start3A_157 = arith.constant 0 : i32
      %dma_start3A_158 = tpu.memref_slice %arg9[%dma_start3A_152, %dma_start3A_157] : memref<7x128xi32, #tpu.memory_space<vmem>> -> memref<1x128xi32, #tpu.memory_space<vmem>>
      %dma_start3A_159 = tpu.memref_squeeze %dma_start3A_158 : memref<1x128xi32, #tpu.memory_space<vmem>> -> memref<128xi32, #tpu.memory_space<vmem>>
      %dma_start3A_160 = arith.constant 0 : i32
      %dma_start3A_161 = arith.constant 0 : i32
      %dma_start3A_162 = tpu.memref_slice %arg7[%dma_start3A_160, %dma_start3A_161] : memref<50176x32xf32, #tpu.memory_space<vmem_shared>> -> memref<50176x32xf32, #tpu.memory_space<vmem_shared>>
      tpu.enqueue_indirect_dma source(%dma_start3A_156 : memref<128x32xf32, #tpu.memory_space<vmem>>) target(%dma_start3A_162 : memref<50176x32xf32, #tpu.memory_space<vmem_shared>>) offsets(%dma_start3A_159 : memref<128xi32, #tpu.memory_space<vmem>>) semaphore(%arg19 : memref<!tpu.dma_semaphore, #tpu.memory_space<semaphore_mem>>) {add = true}
      %dma_wait3A_163 = arith.constant 2 : i32
      %dma_wait3A_164 = arith.constant 2 : i32
      %dma_wait3A_165 = arith.constant 0 : i32
      %dma_wait3A_166 = arith.constant 0 : i32
      %dma_wait3A_167 = tpu.memref_slice %arg10[%dma_wait3A_164, %dma_wait3A_165, %dma_wait3A_166] : memref<7x128x32xf32, #tpu.memory_space<vmem>> -> memref<1x128x32xf32, #tpu.memory_space<vmem>>
      %dma_wait3A_168 = tpu.memref_squeeze %dma_wait3A_167 : memref<1x128x32xf32, #tpu.memory_space<vmem>> -> memref<128x32xf32, #tpu.memory_space<vmem>>
      %dma_wait3A_169 = arith.constant 0 : i32
      %dma_wait3A_170 = tpu.memref_slice %arg8[%dma_wait3A_163, %dma_wait3A_169] : memref<7x128xi32, #tpu.memory_space<vmem>> -> memref<1x128xi32, #tpu.memory_space<vmem>>
      %dma_wait3A_171 = tpu.memref_squeeze %dma_wait3A_170 : memref<1x128xi32, #tpu.memory_space<vmem>> -> memref<128xi32, #tpu.memory_space<vmem>>
      %dma_wait3A_172 = arith.constant 0 : i32
      %dma_wait3A_173 = arith.constant 0 : i32
      %dma_wait3A_174 = tpu.memref_slice %arg2[%dma_wait3A_172, %dma_wait3A_173] : memref<50176x32xf32, #tpu.memory_space<hbm>> -> memref<50176x32xf32, #tpu.memory_space<hbm>>
      tpu.wait_indirect_dma semaphore(%arg13 : memref<!tpu.dma_semaphore, #tpu.memory_space<semaphore_mem>>) src(%dma_wait3A_174 : memref<50176x32xf32, #tpu.memory_space<hbm>>) dst(%dma_wait3A_168 : memref<128x32xf32, #tpu.memory_space<vmem>>)
      %dma_start3A_175 = arith.constant 2 : i32
      %dma_start3A_176 = arith.constant 2 : i32
      %dma_start3A_177 = arith.constant 0 : i32
      %dma_start3A_178 = arith.constant 0 : i32
      %dma_start3A_179 = tpu.memref_slice %arg10[%dma_start3A_175, %dma_start3A_177, %dma_start3A_178] : memref<7x128x32xf32, #tpu.memory_space<vmem>> -> memref<1x128x32xf32, #tpu.memory_space<vmem>>
      %dma_start3A_180 = tpu.memref_squeeze %dma_start3A_179 : memref<1x128x32xf32, #tpu.memory_space<vmem>> -> memref<128x32xf32, #tpu.memory_space<vmem>>
      %dma_start3A_181 = arith.constant 0 : i32
      %dma_start3A_182 = tpu.memref_slice %arg9[%dma_start3A_176, %dma_start3A_181] : memref<7x128xi32, #tpu.memory_space<vmem>> -> memref<1x128xi32, #tpu.memory_space<vmem>>
      %dma_start3A_183 = tpu.memref_squeeze %dma_start3A_182 : memref<1x128xi32, #tpu.memory_space<vmem>> -> memref<128xi32, #tpu.memory_space<vmem>>
      %dma_start3A_184 = arith.constant 0 : i32
      %dma_start3A_185 = arith.constant 0 : i32
      %dma_start3A_186 = tpu.memref_slice %arg7[%dma_start3A_184, %dma_start3A_185] : memref<50176x32xf32, #tpu.memory_space<vmem_shared>> -> memref<50176x32xf32, #tpu.memory_space<vmem_shared>>
      tpu.enqueue_indirect_dma source(%dma_start3A_180 : memref<128x32xf32, #tpu.memory_space<vmem>>) target(%dma_start3A_186 : memref<50176x32xf32, #tpu.memory_space<vmem_shared>>) offsets(%dma_start3A_183 : memref<128xi32, #tpu.memory_space<vmem>>) semaphore(%arg20 : memref<!tpu.dma_semaphore, #tpu.memory_space<semaphore_mem>>) {add = true}
      %dma_wait3A_187 = arith.constant 3 : i32
      %dma_wait3A_188 = arith.constant 3 : i32
      %dma_wait3A_189 = arith.constant 0 : i32
      %dma_wait3A_190 = arith.constant 0 : i32
      %dma_wait3A_191 = tpu.memref_slice %arg10[%dma_wait3A_188, %dma_wait3A_189, %dma_wait3A_190] : memref<7x128x32xf32, #tpu.memory_space<vmem>> -> memref<1x128x32xf32, #tpu.memory_space<vmem>>
      %dma_wait3A_192 = tpu.memref_squeeze %dma_wait3A_191 : memref<1x128x32xf32, #tpu.memory_space<vmem>> -> memref<128x32xf32, #tpu.memory_space<vmem>>
      %dma_wait3A_193 = arith.constant 0 : i32
      %dma_wait3A_194 = tpu.memref_slice %arg8[%dma_wait3A_187, %dma_wait3A_193] : memref<7x128xi32, #tpu.memory_space<vmem>> -> memref<1x128xi32, #tpu.memory_space<vmem>>
      %dma_wait3A_195 = tpu.memref_squeeze %dma_wait3A_194 : memref<1x128xi32, #tpu.memory_space<vmem>> -> memref<128xi32, #tpu.memory_space<vmem>>
      %dma_wait3A_196 = arith.constant 0 : i32
      %dma_wait3A_197 = arith.constant 0 : i32
      %dma_wait3A_198 = tpu.memref_slice %arg2[%dma_wait3A_196, %dma_wait3A_197] : memref<50176x32xf32, #tpu.memory_space<hbm>> -> memref<50176x32xf32, #tpu.memory_space<hbm>>
      tpu.wait_indirect_dma semaphore(%arg14 : memref<!tpu.dma_semaphore, #tpu.memory_space<semaphore_mem>>) src(%dma_wait3A_198 : memref<50176x32xf32, #tpu.memory_space<hbm>>) dst(%dma_wait3A_192 : memref<128x32xf32, #tpu.memory_space<vmem>>)
      %dma_start3A_199 = arith.constant 3 : i32
      %dma_start3A_200 = arith.constant 3 : i32
      %dma_start3A_201 = arith.constant 0 : i32
      %dma_start3A_202 = arith.constant 0 : i32
      %dma_start3A_203 = tpu.memref_slice %arg10[%dma_start3A_199, %dma_start3A_201, %dma_start3A_202] : memref<7x128x32xf32, #tpu.memory_space<vmem>> -> memref<1x128x32xf32, #tpu.memory_space<vmem>>
      %dma_start3A_204 = tpu.memref_squeeze %dma_start3A_203 : memref<1x128x32xf32, #tpu.memory_space<vmem>> -> memref<128x32xf32, #tpu.memory_space<vmem>>
      %dma_start3A_205 = arith.constant 0 : i32
      %dma_start3A_206 = tpu.memref_slice %arg9[%dma_start3A_200, %dma_start3A_205] : memref<7x128xi32, #tpu.memory_space<vmem>> -> memref<1x128xi32, #tpu.memory_space<vmem>>
      %dma_start3A_207 = tpu.memref_squeeze %dma_start3A_206 : memref<1x128xi32, #tpu.memory_space<vmem>> -> memref<128xi32, #tpu.memory_space<vmem>>
      %dma_start3A_208 = arith.constant 0 : i32
      %dma_start3A_209 = arith.constant 0 : i32
      %dma_start3A_210 = tpu.memref_slice %arg7[%dma_start3A_208, %dma_start3A_209] : memref<50176x32xf32, #tpu.memory_space<vmem_shared>> -> memref<50176x32xf32, #tpu.memory_space<vmem_shared>>
      tpu.enqueue_indirect_dma source(%dma_start3A_204 : memref<128x32xf32, #tpu.memory_space<vmem>>) target(%dma_start3A_210 : memref<50176x32xf32, #tpu.memory_space<vmem_shared>>) offsets(%dma_start3A_207 : memref<128xi32, #tpu.memory_space<vmem>>) semaphore(%arg21 : memref<!tpu.dma_semaphore, #tpu.memory_space<semaphore_mem>>) {add = true}
      %dma_wait3A_211 = arith.constant 4 : i32
      %dma_wait3A_212 = arith.constant 4 : i32
      %dma_wait3A_213 = arith.constant 0 : i32
      %dma_wait3A_214 = arith.constant 0 : i32
      %dma_wait3A_215 = tpu.memref_slice %arg10[%dma_wait3A_212, %dma_wait3A_213, %dma_wait3A_214] : memref<7x128x32xf32, #tpu.memory_space<vmem>> -> memref<1x128x32xf32, #tpu.memory_space<vmem>>
      %dma_wait3A_216 = tpu.memref_squeeze %dma_wait3A_215 : memref<1x128x32xf32, #tpu.memory_space<vmem>> -> memref<128x32xf32, #tpu.memory_space<vmem>>
      %dma_wait3A_217 = arith.constant 0 : i32
      %dma_wait3A_218 = tpu.memref_slice %arg8[%dma_wait3A_211, %dma_wait3A_217] : memref<7x128xi32, #tpu.memory_space<vmem>> -> memref<1x128xi32, #tpu.memory_space<vmem>>
      %dma_wait3A_219 = tpu.memref_squeeze %dma_wait3A_218 : memref<1x128xi32, #tpu.memory_space<vmem>> -> memref<128xi32, #tpu.memory_space<vmem>>
      %dma_wait3A_220 = arith.constant 0 : i32
      %dma_wait3A_221 = arith.constant 0 : i32
      %dma_wait3A_222 = tpu.memref_slice %arg2[%dma_wait3A_220, %dma_wait3A_221] : memref<50176x32xf32, #tpu.memory_space<hbm>> -> memref<50176x32xf32, #tpu.memory_space<hbm>>
      tpu.wait_indirect_dma semaphore(%arg15 : memref<!tpu.dma_semaphore, #tpu.memory_space<semaphore_mem>>) src(%dma_wait3A_222 : memref<50176x32xf32, #tpu.memory_space<hbm>>) dst(%dma_wait3A_216 : memref<128x32xf32, #tpu.memory_space<vmem>>)
      %dma_start3A_223 = arith.constant 4 : i32
      %dma_start3A_224 = arith.constant 4 : i32
      %dma_start3A_225 = arith.constant 0 : i32
      %dma_start3A_226 = arith.constant 0 : i32
      %dma_start3A_227 = tpu.memref_slice %arg10[%dma_start3A_223, %dma_start3A_225, %dma_start3A_226] : memref<7x128x32xf32, #tpu.memory_space<vmem>> -> memref<1x128x32xf32, #tpu.memory_space<vmem>>
      %dma_start3A_228 = tpu.memref_squeeze %dma_start3A_227 : memref<1x128x32xf32, #tpu.memory_space<vmem>> -> memref<128x32xf32, #tpu.memory_space<vmem>>
      %dma_start3A_229 = arith.constant 0 : i32
      %dma_start3A_230 = tpu.memref_slice %arg9[%dma_start3A_224, %dma_start3A_229] : memref<7x128xi32, #tpu.memory_space<vmem>> -> memref<1x128xi32, #tpu.memory_space<vmem>>
      %dma_start3A_231 = tpu.memref_squeeze %dma_start3A_230 : memref<1x128xi32, #tpu.memory_space<vmem>> -> memref<128xi32, #tpu.memory_space<vmem>>
      %dma_start3A_232 = arith.constant 0 : i32
      %dma_start3A_233 = arith.constant 0 : i32
      %dma_start3A_234 = tpu.memref_slice %arg7[%dma_start3A_232, %dma_start3A_233] : memref<50176x32xf32, #tpu.memory_space<vmem_shared>> -> memref<50176x32xf32, #tpu.memory_space<vmem_shared>>
      tpu.enqueue_indirect_dma source(%dma_start3A_228 : memref<128x32xf32, #tpu.memory_space<vmem>>) target(%dma_start3A_234 : memref<50176x32xf32, #tpu.memory_space<vmem_shared>>) offsets(%dma_start3A_231 : memref<128xi32, #tpu.memory_space<vmem>>) semaphore(%arg22 : memref<!tpu.dma_semaphore, #tpu.memory_space<semaphore_mem>>) {add = true}
      %dma_wait3A_235 = arith.constant 5 : i32
      %dma_wait3A_236 = arith.constant 5 : i32
      %dma_wait3A_237 = arith.constant 0 : i32
      %dma_wait3A_238 = arith.constant 0 : i32
      %dma_wait3A_239 = tpu.memref_slice %arg10[%dma_wait3A_236, %dma_wait3A_237, %dma_wait3A_238] : memref<7x128x32xf32, #tpu.memory_space<vmem>> -> memref<1x128x32xf32, #tpu.memory_space<vmem>>
      %dma_wait3A_240 = tpu.memref_squeeze %dma_wait3A_239 : memref<1x128x32xf32, #tpu.memory_space<vmem>> -> memref<128x32xf32, #tpu.memory_space<vmem>>
      %dma_wait3A_241 = arith.constant 0 : i32
      %dma_wait3A_242 = tpu.memref_slice %arg8[%dma_wait3A_235, %dma_wait3A_241] : memref<7x128xi32, #tpu.memory_space<vmem>> -> memref<1x128xi32, #tpu.memory_space<vmem>>
      %dma_wait3A_243 = tpu.memref_squeeze %dma_wait3A_242 : memref<1x128xi32, #tpu.memory_space<vmem>> -> memref<128xi32, #tpu.memory_space<vmem>>
      %dma_wait3A_244 = arith.constant 0 : i32
      %dma_wait3A_245 = arith.constant 0 : i32
      %dma_wait3A_246 = tpu.memref_slice %arg2[%dma_wait3A_244, %dma_wait3A_245] : memref<50176x32xf32, #tpu.memory_space<hbm>> -> memref<50176x32xf32, #tpu.memory_space<hbm>>
      tpu.wait_indirect_dma semaphore(%arg16 : memref<!tpu.dma_semaphore, #tpu.memory_space<semaphore_mem>>) src(%dma_wait3A_246 : memref<50176x32xf32, #tpu.memory_space<hbm>>) dst(%dma_wait3A_240 : memref<128x32xf32, #tpu.memory_space<vmem>>)
      %dma_start3A_247 = arith.constant 5 : i32
      %dma_start3A_248 = arith.constant 5 : i32
      %dma_start3A_249 = arith.constant 0 : i32
      %dma_start3A_250 = arith.constant 0 : i32
      %dma_start3A_251 = tpu.memref_slice %arg10[%dma_start3A_247, %dma_start3A_249, %dma_start3A_250] : memref<7x128x32xf32, #tpu.memory_space<vmem>> -> memref<1x128x32xf32, #tpu.memory_space<vmem>>
      %dma_start3A_252 = tpu.memref_squeeze %dma_start3A_251 : memref<1x128x32xf32, #tpu.memory_space<vmem>> -> memref<128x32xf32, #tpu.memory_space<vmem>>
      %dma_start3A_253 = arith.constant 0 : i32
      %dma_start3A_254 = tpu.memref_slice %arg9[%dma_start3A_248, %dma_start3A_253] : memref<7x128xi32, #tpu.memory_space<vmem>> -> memref<1x128xi32, #tpu.memory_space<vmem>>
      %dma_start3A_255 = tpu.memref_squeeze %dma_start3A_254 : memref<1x128xi32, #tpu.memory_space<vmem>> -> memref<128xi32, #tpu.memory_space<vmem>>
      %dma_start3A_256 = arith.constant 0 : i32
      %dma_start3A_257 = arith.constant 0 : i32
      %dma_start3A_258 = tpu.memref_slice %arg7[%dma_start3A_256, %dma_start3A_257] : memref<50176x32xf32, #tpu.memory_space<vmem_shared>> -> memref<50176x32xf32, #tpu.memory_space<vmem_shared>>
      tpu.enqueue_indirect_dma source(%dma_start3A_252 : memref<128x32xf32, #tpu.memory_space<vmem>>) target(%dma_start3A_258 : memref<50176x32xf32, #tpu.memory_space<vmem_shared>>) offsets(%dma_start3A_255 : memref<128xi32, #tpu.memory_space<vmem>>) semaphore(%arg23 : memref<!tpu.dma_semaphore, #tpu.memory_space<semaphore_mem>>) {add = true}
      %dma_wait3A_259 = arith.constant 6 : i32
      %dma_wait3A_260 = arith.constant 6 : i32
      %dma_wait3A_261 = arith.constant 0 : i32
      %dma_wait3A_262 = arith.constant 0 : i32
      %dma_wait3A_263 = tpu.memref_slice %arg10[%dma_wait3A_260, %dma_wait3A_261, %dma_wait3A_262] : memref<7x128x32xf32, #tpu.memory_space<vmem>> -> memref<1x128x32xf32, #tpu.memory_space<vmem>>
      %dma_wait3A_264 = tpu.memref_squeeze %dma_wait3A_263 : memref<1x128x32xf32, #tpu.memory_space<vmem>> -> memref<128x32xf32, #tpu.memory_space<vmem>>
      %dma_wait3A_265 = arith.constant 0 : i32
      %dma_wait3A_266 = tpu.memref_slice %arg8[%dma_wait3A_259, %dma_wait3A_265] : memref<7x128xi32, #tpu.memory_space<vmem>> -> memref<1x128xi32, #tpu.memory_space<vmem>>
      %dma_wait3A_267 = tpu.memref_squeeze %dma_wait3A_266 : memref<1x128xi32, #tpu.memory_space<vmem>> -> memref<128xi32, #tpu.memory_space<vmem>>
      %dma_wait3A_268 = arith.constant 0 : i32
      %dma_wait3A_269 = arith.constant 0 : i32
      %dma_wait3A_270 = tpu.memref_slice %arg2[%dma_wait3A_268, %dma_wait3A_269] : memref<50176x32xf32, #tpu.memory_space<hbm>> -> memref<50176x32xf32, #tpu.memory_space<hbm>>
      tpu.wait_indirect_dma semaphore(%arg17 : memref<!tpu.dma_semaphore, #tpu.memory_space<semaphore_mem>>) src(%dma_wait3A_270 : memref<50176x32xf32, #tpu.memory_space<hbm>>) dst(%dma_wait3A_264 : memref<128x32xf32, #tpu.memory_space<vmem>>)
      %dma_start3A_271 = arith.constant 6 : i32
      %dma_start3A_272 = arith.constant 6 : i32
      %dma_start3A_273 = arith.constant 0 : i32
      %dma_start3A_274 = arith.constant 0 : i32
      %dma_start3A_275 = tpu.memref_slice %arg10[%dma_start3A_271, %dma_start3A_273, %dma_start3A_274] : memref<7x128x32xf32, #tpu.memory_space<vmem>> -> memref<1x128x32xf32, #tpu.memory_space<vmem>>
      %dma_start3A_276 = tpu.memref_squeeze %dma_start3A_275 : memref<1x128x32xf32, #tpu.memory_space<vmem>> -> memref<128x32xf32, #tpu.memory_space<vmem>>
      %dma_start3A_277 = arith.constant 0 : i32
      %dma_start3A_278 = tpu.memref_slice %arg9[%dma_start3A_272, %dma_start3A_277] : memref<7x128xi32, #tpu.memory_space<vmem>> -> memref<1x128xi32, #tpu.memory_space<vmem>>
      %dma_start3A_279 = tpu.memref_squeeze %dma_start3A_278 : memref<1x128xi32, #tpu.memory_space<vmem>> -> memref<128xi32, #tpu.memory_space<vmem>>
      %dma_start3A_280 = arith.constant 0 : i32
      %dma_start3A_281 = arith.constant 0 : i32
      %dma_start3A_282 = tpu.memref_slice %arg7[%dma_start3A_280, %dma_start3A_281] : memref<50176x32xf32, #tpu.memory_space<vmem_shared>> -> memref<50176x32xf32, #tpu.memory_space<vmem_shared>>
      tpu.enqueue_indirect_dma source(%dma_start3A_276 : memref<128x32xf32, #tpu.memory_space<vmem>>) target(%dma_start3A_282 : memref<50176x32xf32, #tpu.memory_space<vmem_shared>>) offsets(%dma_start3A_279 : memref<128xi32, #tpu.memory_space<vmem>>) semaphore(%arg24 : memref<!tpu.dma_semaphore, #tpu.memory_space<semaphore_mem>>) {add = true}
      %add3A_283 = arith.constant 7 : i32
      %add3A_284 = arith.addi %add3A_32, %add3A_283 : i32
      %min3A = arith.constant 6265 : i32
      %min3A_285 = arith.minsi %add3A_284, %min3A : i32
      %run_scoped3A_286 = arith.constant 0 : i32
      "tpu.region"() ({
        %run_scoped3A_371 = tpu.sem_alloc : memref<!tpu.dma_semaphore, #tpu.memory_space<semaphore_mem>>
        %dma_start3A_372 = arith.constant 0 : i32
        %dma_start3A_373 = tpu.memref_slice %arg3[%run_scoped3A_286, %min3A_285, %dma_start3A_372] : memref<2x6272x128xi32, #tpu.memory_space<hbm>> -> memref<1x7x128xi32, #tpu.memory_space<hbm>>
        %dma_start3A_374 = tpu.memref_squeeze %dma_start3A_373 : memref<1x7x128xi32, #tpu.memory_space<hbm>> -> memref<7x128xi32, #tpu.memory_space<hbm>>
        %dma_start3A_375 = arith.constant 0 : i32
        %dma_start3A_376 = tpu.memref_slice %arg3[%run_scoped3A_286, %min3A_285, %dma_start3A_375] : memref<2x6272x128xi32, #tpu.memory_space<hbm>> -> memref<1x7x128xi32, #tpu.memory_space<hbm>>
        %dma_start3A_377 = tpu.memref_squeeze %dma_start3A_376 : memref<1x7x128xi32, #tpu.memory_space<hbm>> -> memref<7x128xi32, #tpu.memory_space<hbm>>
        tpu.enqueue_dma source(%dma_start3A_377 : memref<7x128xi32, #tpu.memory_space<hbm>>) target(%arg8 : memref<7x128xi32, #tpu.memory_space<vmem>>) target_semaphore(%run_scoped3A_371 : memref<!tpu.dma_semaphore, #tpu.memory_space<semaphore_mem>>)
        %dma_wait3A_378 = arith.constant 0 : i32
        %dma_wait3A_379 = tpu.memref_slice %arg3[%run_scoped3A_286, %min3A_285, %dma_wait3A_378] : memref<2x6272x128xi32, #tpu.memory_space<hbm>> -> memref<1x7x128xi32, #tpu.memory_space<hbm>>
        %dma_wait3A_380 = tpu.memref_squeeze %dma_wait3A_379 : memref<1x7x128xi32, #tpu.memory_space<hbm>> -> memref<7x128xi32, #tpu.memory_space<hbm>>
        %dma_wait3A_381 = arith.constant 0 : i32
        %dma_wait3A_382 = tpu.memref_slice %arg3[%run_scoped3A_286, %min3A_285, %dma_wait3A_381] : memref<2x6272x128xi32, #tpu.memory_space<hbm>> -> memref<1x7x128xi32, #tpu.memory_space<hbm>>
        %dma_wait3A_383 = tpu.memref_squeeze %dma_wait3A_382 : memref<1x7x128xi32, #tpu.memory_space<hbm>> -> memref<7x128xi32, #tpu.memory_space<hbm>>
        tpu.wait_dma2 semaphore(%run_scoped3A_371 : memref<!tpu.dma_semaphore, #tpu.memory_space<semaphore_mem>>) src(%dma_wait3A_383 : memref<7x128xi32, #tpu.memory_space<hbm>>) dst(%arg8 : memref<7x128xi32, #tpu.memory_space<vmem>>)
        tpu.yield
      }) : () -> ()
      %dma_wait3A_287 = arith.constant 0 : i32
      %dma_wait3A_288 = arith.constant 0 : i32
      %dma_wait3A_289 = arith.constant 0 : i32
      %dma_wait3A_290 = arith.constant 0 : i32
      %dma_wait3A_291 = tpu.memref_slice %arg10[%dma_wait3A_287, %dma_wait3A_289, %dma_wait3A_290] : memref<7x128x32xf32, #tpu.memory_space<vmem>> -> memref<1x128x32xf32, #tpu.memory_space<vmem>>
      %dma_wait3A_292 = tpu.memref_squeeze %dma_wait3A_291 : memref<1x128x32xf32, #tpu.memory_space<vmem>> -> memref<128x32xf32, #tpu.memory_space<vmem>>
      %dma_wait3A_293 = arith.constant 0 : i32
      %dma_wait3A_294 = tpu.memref_slice %arg9[%dma_wait3A_288, %dma_wait3A_293] : memref<7x128xi32, #tpu.memory_space<vmem>> -> memref<1x128xi32, #tpu.memory_space<vmem>>
      %dma_wait3A_295 = tpu.memref_squeeze %dma_wait3A_294 : memref<1x128xi32, #tpu.memory_space<vmem>> -> memref<128xi32, #tpu.memory_space<vmem>>
      %dma_wait3A_296 = arith.constant 0 : i32
      %dma_wait3A_297 = arith.constant 0 : i32
      %dma_wait3A_298 = tpu.memref_slice %arg7[%dma_wait3A_296, %dma_wait3A_297] : memref<50176x32xf32, #tpu.memory_space<vmem_shared>> -> memref<50176x32xf32, #tpu.memory_space<vmem_shared>>
      tpu.wait_indirect_dma semaphore(%arg18 : memref<!tpu.dma_semaphore, #tpu.memory_space<semaphore_mem>>) src(%dma_wait3A_292 : memref<128x32xf32, #tpu.memory_space<vmem>>) dst(%dma_wait3A_298 : memref<50176x32xf32, #tpu.memory_space<vmem_shared>>)
      %dma_wait3A_299 = arith.constant 1 : i32
      %dma_wait3A_300 = arith.constant 1 : i32
      %dma_wait3A_301 = arith.constant 0 : i32
      %dma_wait3A_302 = arith.constant 0 : i32
      %dma_wait3A_303 = tpu.memref_slice %arg10[%dma_wait3A_299, %dma_wait3A_301, %dma_wait3A_302] : memref<7x128x32xf32, #tpu.memory_space<vmem>> -> memref<1x128x32xf32, #tpu.memory_space<vmem>>
      %dma_wait3A_304 = tpu.memref_squeeze %dma_wait3A_303 : memref<1x128x32xf32, #tpu.memory_space<vmem>> -> memref<128x32xf32, #tpu.memory_space<vmem>>
      %dma_wait3A_305 = arith.constant 0 : i32
      %dma_wait3A_306 = tpu.memref_slice %arg9[%dma_wait3A_300, %dma_wait3A_305] : memref<7x128xi32, #tpu.memory_space<vmem>> -> memref<1x128xi32, #tpu.memory_space<vmem>>
      %dma_wait3A_307 = tpu.memref_squeeze %dma_wait3A_306 : memref<1x128xi32, #tpu.memory_space<vmem>> -> memref<128xi32, #tpu.memory_space<vmem>>
      %dma_wait3A_308 = arith.constant 0 : i32
      %dma_wait3A_309 = arith.constant 0 : i32
      %dma_wait3A_310 = tpu.memref_slice %arg7[%dma_wait3A_308, %dma_wait3A_309] : memref<50176x32xf32, #tpu.memory_space<vmem_shared>> -> memref<50176x32xf32, #tpu.memory_space<vmem_shared>>
      tpu.wait_indirect_dma semaphore(%arg19 : memref<!tpu.dma_semaphore, #tpu.memory_space<semaphore_mem>>) src(%dma_wait3A_304 : memref<128x32xf32, #tpu.memory_space<vmem>>) dst(%dma_wait3A_310 : memref<50176x32xf32, #tpu.memory_space<vmem_shared>>)
      %dma_wait3A_311 = arith.constant 2 : i32
      %dma_wait3A_312 = arith.constant 2 : i32
      %dma_wait3A_313 = arith.constant 0 : i32
      %dma_wait3A_314 = arith.constant 0 : i32
      %dma_wait3A_315 = tpu.memref_slice %arg10[%dma_wait3A_311, %dma_wait3A_313, %dma_wait3A_314] : memref<7x128x32xf32, #tpu.memory_space<vmem>> -> memref<1x128x32xf32, #tpu.memory_space<vmem>>
      %dma_wait3A_316 = tpu.memref_squeeze %dma_wait3A_315 : memref<1x128x32xf32, #tpu.memory_space<vmem>> -> memref<128x32xf32, #tpu.memory_space<vmem>>
      %dma_wait3A_317 = arith.constant 0 : i32
      %dma_wait3A_318 = tpu.memref_slice %arg9[%dma_wait3A_312, %dma_wait3A_317] : memref<7x128xi32, #tpu.memory_space<vmem>> -> memref<1x128xi32, #tpu.memory_space<vmem>>
      %dma_wait3A_319 = tpu.memref_squeeze %dma_wait3A_318 : memref<1x128xi32, #tpu.memory_space<vmem>> -> memref<128xi32, #tpu.memory_space<vmem>>
      %dma_wait3A_320 = arith.constant 0 : i32
      %dma_wait3A_321 = arith.constant 0 : i32
      %dma_wait3A_322 = tpu.memref_slice %arg7[%dma_wait3A_320, %dma_wait3A_321] : memref<50176x32xf32, #tpu.memory_space<vmem_shared>> -> memref<50176x32xf32, #tpu.memory_space<vmem_shared>>
      tpu.wait_indirect_dma semaphore(%arg20 : memref<!tpu.dma_semaphore, #tpu.memory_space<semaphore_mem>>) src(%dma_wait3A_316 : memref<128x32xf32, #tpu.memory_space<vmem>>) dst(%dma_wait3A_322 : memref<50176x32xf32, #tpu.memory_space<vmem_shared>>)
      %dma_wait3A_323 = arith.constant 3 : i32
      %dma_wait3A_324 = arith.constant 3 : i32
      %dma_wait3A_325 = arith.constant 0 : i32
      %dma_wait3A_326 = arith.constant 0 : i32
      %dma_wait3A_327 = tpu.memref_slice %arg10[%dma_wait3A_323, %dma_wait3A_325, %dma_wait3A_326] : memref<7x128x32xf32, #tpu.memory_space<vmem>> -> memref<1x128x32xf32, #tpu.memory_space<vmem>>
      %dma_wait3A_328 = tpu.memref_squeeze %dma_wait3A_327 : memref<1x128x32xf32, #tpu.memory_space<vmem>> -> memref<128x32xf32, #tpu.memory_space<vmem>>
      %dma_wait3A_329 = arith.constant 0 : i32
      %dma_wait3A_330 = tpu.memref_slice %arg9[%dma_wait3A_324, %dma_wait3A_329] : memref<7x128xi32, #tpu.memory_space<vmem>> -> memref<1x128xi32, #tpu.memory_space<vmem>>
      %dma_wait3A_331 = tpu.memref_squeeze %dma_wait3A_330 : memref<1x128xi32, #tpu.memory_space<vmem>> -> memref<128xi32, #tpu.memory_space<vmem>>
      %dma_wait3A_332 = arith.constant 0 : i32
      %dma_wait3A_333 = arith.constant 0 : i32
      %dma_wait3A_334 = tpu.memref_slice %arg7[%dma_wait3A_332, %dma_wait3A_333] : memref<50176x32xf32, #tpu.memory_space<vmem_shared>> -> memref<50176x32xf32, #tpu.memory_space<vmem_shared>>
      tpu.wait_indirect_dma semaphore(%arg21 : memref<!tpu.dma_semaphore, #tpu.memory_space<semaphore_mem>>) src(%dma_wait3A_328 : memref<128x32xf32, #tpu.memory_space<vmem>>) dst(%dma_wait3A_334 : memref<50176x32xf32, #tpu.memory_space<vmem_shared>>)
      %dma_wait3A_335 = arith.constant 4 : i32
      %dma_wait3A_336 = arith.constant 4 : i32
      %dma_wait3A_337 = arith.constant 0 : i32
      %dma_wait3A_338 = arith.constant 0 : i32
      %dma_wait3A_339 = tpu.memref_slice %arg10[%dma_wait3A_335, %dma_wait3A_337, %dma_wait3A_338] : memref<7x128x32xf32, #tpu.memory_space<vmem>> -> memref<1x128x32xf32, #tpu.memory_space<vmem>>
      %dma_wait3A_340 = tpu.memref_squeeze %dma_wait3A_339 : memref<1x128x32xf32, #tpu.memory_space<vmem>> -> memref<128x32xf32, #tpu.memory_space<vmem>>
      %dma_wait3A_341 = arith.constant 0 : i32
      %dma_wait3A_342 = tpu.memref_slice %arg9[%dma_wait3A_336, %dma_wait3A_341] : memref<7x128xi32, #tpu.memory_space<vmem>> -> memref<1x128xi32, #tpu.memory_space<vmem>>
      %dma_wait3A_343 = tpu.memref_squeeze %dma_wait3A_342 : memref<1x128xi32, #tpu.memory_space<vmem>> -> memref<128xi32, #tpu.memory_space<vmem>>
      %dma_wait3A_344 = arith.constant 0 : i32
      %dma_wait3A_345 = arith.constant 0 : i32
      %dma_wait3A_346 = tpu.memref_slice %arg7[%dma_wait3A_344, %dma_wait3A_345] : memref<50176x32xf32, #tpu.memory_space<vmem_shared>> -> memref<50176x32xf32, #tpu.memory_space<vmem_shared>>
      tpu.wait_indirect_dma semaphore(%arg22 : memref<!tpu.dma_semaphore, #tpu.memory_space<semaphore_mem>>) src(%dma_wait3A_340 : memref<128x32xf32, #tpu.memory_space<vmem>>) dst(%dma_wait3A_346 : memref<50176x32xf32, #tpu.memory_space<vmem_shared>>)
      %dma_wait3A_347 = arith.constant 5 : i32
      %dma_wait3A_348 = arith.constant 5 : i32
      %dma_wait3A_349 = arith.constant 0 : i32
      %dma_wait3A_350 = arith.constant 0 : i32
      %dma_wait3A_351 = tpu.memref_slice %arg10[%dma_wait3A_347, %dma_wait3A_349, %dma_wait3A_350] : memref<7x128x32xf32, #tpu.memory_space<vmem>> -> memref<1x128x32xf32, #tpu.memory_space<vmem>>
      %dma_wait3A_352 = tpu.memref_squeeze %dma_wait3A_351 : memref<1x128x32xf32, #tpu.memory_space<vmem>> -> memref<128x32xf32, #tpu.memory_space<vmem>>
      %dma_wait3A_353 = arith.constant 0 : i32
      %dma_wait3A_354 = tpu.memref_slice %arg9[%dma_wait3A_348, %dma_wait3A_353] : memref<7x128xi32, #tpu.memory_space<vmem>> -> memref<1x128xi32, #tpu.memory_space<vmem>>
      %dma_wait3A_355 = tpu.memref_squeeze %dma_wait3A_354 : memref<1x128xi32, #tpu.memory_space<vmem>> -> memref<128xi32, #tpu.memory_space<vmem>>
      %dma_wait3A_356 = arith.constant 0 : i32
      %dma_wait3A_357 = arith.constant 0 : i32
      %dma_wait3A_358 = tpu.memref_slice %arg7[%dma_wait3A_356, %dma_wait3A_357] : memref<50176x32xf32, #tpu.memory_space<vmem_shared>> -> memref<50176x32xf32, #tpu.memory_space<vmem_shared>>
      tpu.wait_indirect_dma semaphore(%arg23 : memref<!tpu.dma_semaphore, #tpu.memory_space<semaphore_mem>>) src(%dma_wait3A_352 : memref<128x32xf32, #tpu.memory_space<vmem>>) dst(%dma_wait3A_358 : memref<50176x32xf32, #tpu.memory_space<vmem_shared>>)
      %dma_wait3A_359 = arith.constant 6 : i32
      %dma_wait3A_360 = arith.constant 6 : i32
      %dma_wait3A_361 = arith.constant 0 : i32
      %dma_wait3A_362 = arith.constant 0 : i32
      %dma_wait3A_363 = tpu.memref_slice %arg10[%dma_wait3A_359, %dma_wait3A_361, %dma_wait3A_362] : memref<7x128x32xf32, #tpu.memory_space<vmem>> -> memref<1x128x32xf32, #tpu.memory_space<vmem>>
      %dma_wait3A_364 = tpu.memref_squeeze %dma_wait3A_363 : memref<1x128x32xf32, #tpu.memory_space<vmem>> -> memref<128x32xf32, #tpu.memory_space<vmem>>
      %dma_wait3A_365 = arith.constant 0 : i32
      %dma_wait3A_366 = tpu.memref_slice %arg9[%dma_wait3A_360, %dma_wait3A_365] : memref<7x128xi32, #tpu.memory_space<vmem>> -> memref<1x128xi32, #tpu.memory_space<vmem>>
      %dma_wait3A_367 = tpu.memref_squeeze %dma_wait3A_366 : memref<1x128xi32, #tpu.memory_space<vmem>> -> memref<128xi32, #tpu.memory_space<vmem>>
      %dma_wait3A_368 = arith.constant 0 : i32
      %dma_wait3A_369 = arith.constant 0 : i32
      %dma_wait3A_370 = tpu.memref_slice %arg7[%dma_wait3A_368, %dma_wait3A_369] : memref<50176x32xf32, #tpu.memory_space<vmem_shared>> -> memref<50176x32xf32, #tpu.memory_space<vmem_shared>>
      tpu.wait_indirect_dma semaphore(%arg24 : memref<!tpu.dma_semaphore, #tpu.memory_space<semaphore_mem>>) src(%dma_wait3A_364 : memref<128x32xf32, #tpu.memory_space<vmem>>) dst(%dma_wait3A_370 : memref<50176x32xf32, #tpu.memory_space<vmem_shared>>)
    }
    %scan3A_23 = arith.constant 28 : i32
    %barrier3A_24 = arith.constant 0 : index
    tpu.barrier barrier_id(%barrier3A_24)
    %mul3A_25 = arith.constant 3136 : i32
    %mul3A_26 = arith.muli %arg1, %mul3A_25 : i32
    %mul3A_27 = arith.constant 3136 : i32
    %mul3A_28 = arith.muli %arg1, %mul3A_27 : i32
    "tpu.region"() ({
      %run_scoped3A_29 = tpu.sem_alloc : memref<!tpu.dma_semaphore, #tpu.memory_space<semaphore_mem>>
      %dma_start3A = arith.constant 0 : i32
      %dma_start3A_30 = tpu.memref_slice %arg6[%arg0, %mul3A_28, %dma_start3A] : memref<2x50176x32xf32, #tpu.memory_space<hbm>> -> memref<1x3136x32xf32, #tpu.memory_space<hbm>>
      %dma_start3A_31 = tpu.memref_squeeze %dma_start3A_30 : memref<1x3136x32xf32, #tpu.memory_space<hbm>> -> memref<3136x32xf32, #tpu.memory_space<hbm>>
      %dma_start3A_32 = arith.constant 0 : i32
      %dma_start3A_33 = tpu.memref_slice %arg7[%mul3A_26, %dma_start3A_32] : memref<50176x32xf32, #tpu.memory_space<vmem_shared>> -> memref<3136x32xf32, #tpu.memory_space<vmem_shared>>
      tpu.enqueue_dma source(%dma_start3A_33 : memref<3136x32xf32, #tpu.memory_space<vmem_shared>>) target(%dma_start3A_31 : memref<3136x32xf32, #tpu.memory_space<hbm>>) target_semaphore(%run_scoped3A_29 : memref<!tpu.dma_semaphore, #tpu.memory_space<semaphore_mem>>)
      %dma_wait3A = arith.constant 0 : i32
      %dma_wait3A_34 = tpu.memref_slice %arg6[%arg0, %mul3A_28, %dma_wait3A] : memref<2x50176x32xf32, #tpu.memory_space<hbm>> -> memref<1x3136x32xf32, #tpu.memory_space<hbm>>
      %dma_wait3A_35 = tpu.memref_squeeze %dma_wait3A_34 : memref<1x3136x32xf32, #tpu.memory_space<hbm>> -> memref<3136x32xf32, #tpu.memory_space<hbm>>
      %dma_wait3A_36 = arith.constant 0 : i32
      %dma_wait3A_37 = tpu.memref_slice %arg7[%mul3A_26, %dma_wait3A_36] : memref<50176x32xf32, #tpu.memory_space<vmem_shared>> -> memref<3136x32xf32, #tpu.memory_space<vmem_shared>>
      tpu.wait_dma2 semaphore(%run_scoped3A_29 : memref<!tpu.dma_semaphore, #tpu.memory_space<semaphore_mem>>) src(%dma_wait3A_37 : memref<3136x32xf32, #tpu.memory_space<vmem_shared>>) dst(%dma_wait3A_35 : memref<3136x32xf32, #tpu.memory_space<hbm>>)
      tpu.yield
    }) : () -> ()
    return
  }
}

#map = affine_map<(d0, d1) -> (0, 0)>
#map1 = affine_map<(d0, d1) -> (0, 0, 0)>
module attributes {stable_mosaic.version = 14 : i64} {
  func.func @body(%arg0: i32, %arg1: i32, %arg2: memref<100352x32xf32, #tpu.memory_space<hbm>>, %arg3: memref<2x6272x128xi32, #tpu.memory_space<hbm>>, %arg4: memref<6272x128xi32, #tpu.memory_space<hbm>>, %arg5: memref<784x32xf32, #tpu.memory_space<hbm>>, %arg6: memref<2x50176x32xf32, #tpu.memory_space<hbm>>, %arg7: memref<50176x32xf32, #tpu.memory_space<vmem_shared>>, %arg8: memref<7x128xi32, #tpu.memory_space<vmem>>, %arg9: memref<7x128xi32, #tpu.memory_space<vmem>>, %arg10: memref<7x128x32xf32, #tpu.memory_space<vmem>>, %arg11: memref<!tpu.dma_semaphore, #tpu.memory_space<semaphore_mem>>, %arg12: memref<!tpu.dma_semaphore, #tpu.memory_space<semaphore_mem>>, %arg13: memref<!tpu.dma_semaphore, #tpu.memory_space<semaphore_mem>>, %arg14: memref<!tpu.dma_semaphore, #tpu.memory_space<semaphore_mem>>, %arg15: memref<!tpu.dma_semaphore, #tpu.memory_space<semaphore_mem>>, %arg16: memref<!tpu.dma_semaphore, #tpu.memory_space<semaphore_mem>>, %arg17: memref<!tpu.dma_semaphore, #tpu.memory_space<semaphore_mem>>, %arg18: memref<!tpu.dma_semaphore, #tpu.memory_space<semaphore_mem>>, %arg19: memref<!tpu.dma_semaphore, #tpu.memory_space<semaphore_mem>>, %arg20: memref<!tpu.dma_semaphore, #tpu.memory_space<semaphore_mem>>, %arg21: memref<!tpu.dma_semaphore, #tpu.memory_space<semaphore_mem>>, %arg22: memref<!tpu.dma_semaphore, #tpu.memory_space<semaphore_mem>>, %arg23: memref<!tpu.dma_semaphore, #tpu.memory_space<semaphore_mem>>, %arg24: memref<!tpu.dma_semaphore, #tpu.memory_space<semaphore_mem>>) attributes {dimension_semantics = [#tpu.dimension_semantics<core_parallel>, #tpu.dimension_semantics<subcore_parallel>], iteration_bounds = array<i64: 2, 16>, scalar_prefetch = 0 : i64, scratch_operands = 18 : i64, tpu.core_type = #tpu.core_type<sc_vector_subcore>, window_params = [{transform_indices = #map}, {transform_indices = #map1}, {transform_indices = #map}, {transform_indices = #map}, {transform_indices = #map1}]} {
    %mul3A = arith.constant 3136 : i32
    %mul3A_0 = arith.muli %arg1, %mul3A : i32
    %add3A = arith.constant 0 : i32
    %add3A_1 = arith.addi %mul3A_0, %add3A : i32
    "tpu.region"() ({
      %run_scoped3A = tpu.sem_alloc : memref<!tpu.dma_semaphore, #tpu.memory_space<semaphore_mem>>
      %dma_start3A = arith.constant 0 : i32
      %dma_start3A_26 = tpu.memref_slice %arg7[%add3A_1, %dma_start3A] : memref<50176x32xf32, #tpu.memory_space<vmem_shared>> -> memref<784x32xf32, #tpu.memory_space<vmem_shared>>
      %dma_start3A_27 = arith.constant 0 : i32
      %dma_start3A_28 = arith.constant 0 : i32
      %dma_start3A_29 = tpu.memref_slice %arg5[%dma_start3A_27, %dma_start3A_28] : memref<784x32xf32, #tpu.memory_space<hbm>> -> memref<784x32xf32, #tpu.memory_space<hbm>>
      tpu.enqueue_dma source(%dma_start3A_29 : memref<784x32xf32, #tpu.memory_space<hbm>>) target(%dma_start3A_26 : memref<784x32xf32, #tpu.memory_space<vmem_shared>>) target_semaphore(%run_scoped3A : memref<!tpu.dma_semaphore, #tpu.memory_space<semaphore_mem>>)
      %dma_wait3A = arith.constant 0 : i32
      %dma_wait3A_30 = tpu.memref_slice %arg7[%add3A_1, %dma_wait3A] : memref<50176x32xf32, #tpu.memory_space<vmem_shared>> -> memref<784x32xf32, #tpu.memory_space<vmem_shared>>
      %dma_wait3A_31 = arith.constant 0 : i32
      %dma_wait3A_32 = arith.constant 0 : i32
      %dma_wait3A_33 = tpu.memref_slice %arg5[%dma_wait3A_31, %dma_wait3A_32] : memref<784x32xf32, #tpu.memory_space<hbm>> -> memref<784x32xf32, #tpu.memory_space<hbm>>
      tpu.wait_dma2 semaphore(%run_scoped3A : memref<!tpu.dma_semaphore, #tpu.memory_space<semaphore_mem>>) src(%dma_wait3A_33 : memref<784x32xf32, #tpu.memory_space<hbm>>) dst(%dma_wait3A_30 : memref<784x32xf32, #tpu.memory_space<vmem_shared>>)
      tpu.yield
    }) : () -> ()
    %mul3A_2 = arith.constant 3136 : i32
    %mul3A_3 = arith.muli %arg1, %mul3A_2 : i32
    %add3A_4 = arith.constant 784 : i32
    %add3A_5 = arith.addi %mul3A_3, %add3A_4 : i32
    "tpu.region"() ({
      %run_scoped3A = tpu.sem_alloc : memref<!tpu.dma_semaphore, #tpu.memory_space<semaphore_mem>>
      %dma_start3A = arith.constant 0 : i32
      %dma_start3A_26 = tpu.memref_slice %arg7[%add3A_5, %dma_start3A] : memref<50176x32xf32, #tpu.memory_space<vmem_shared>> -> memref<784x32xf32, #tpu.memory_space<vmem_shared>>
      %dma_start3A_27 = arith.constant 0 : i32
      %dma_start3A_28 = arith.constant 0 : i32
      %dma_start3A_29 = tpu.memref_slice %arg5[%dma_start3A_27, %dma_start3A_28] : memref<784x32xf32, #tpu.memory_space<hbm>> -> memref<784x32xf32, #tpu.memory_space<hbm>>
      tpu.enqueue_dma source(%dma_start3A_29 : memref<784x32xf32, #tpu.memory_space<hbm>>) target(%dma_start3A_26 : memref<784x32xf32, #tpu.memory_space<vmem_shared>>) target_semaphore(%run_scoped3A : memref<!tpu.dma_semaphore, #tpu.memory_space<semaphore_mem>>)
      %dma_wait3A = arith.constant 0 : i32
      %dma_wait3A_30 = tpu.memref_slice %arg7[%add3A_5, %dma_wait3A] : memref<50176x32xf32, #tpu.memory_space<vmem_shared>> -> memref<784x32xf32, #tpu.memory_space<vmem_shared>>
      %dma_wait3A_31 = arith.constant 0 : i32
      %dma_wait3A_32 = arith.constant 0 : i32
      %dma_wait3A_33 = tpu.memref_slice %arg5[%dma_wait3A_31, %dma_wait3A_32] : memref<784x32xf32, #tpu.memory_space<hbm>> -> memref<784x32xf32, #tpu.memory_space<hbm>>
      tpu.wait_dma2 semaphore(%run_scoped3A : memref<!tpu.dma_semaphore, #tpu.memory_space<semaphore_mem>>) src(%dma_wait3A_33 : memref<784x32xf32, #tpu.memory_space<hbm>>) dst(%dma_wait3A_30 : memref<784x32xf32, #tpu.memory_space<vmem_shared>>)
      tpu.yield
    }) : () -> ()
    %mul3A_6 = arith.constant 3136 : i32
    %mul3A_7 = arith.muli %arg1, %mul3A_6 : i32
    %add3A_8 = arith.constant 1568 : i32
    %add3A_9 = arith.addi %mul3A_7, %add3A_8 : i32
    "tpu.region"() ({
      %run_scoped3A = tpu.sem_alloc : memref<!tpu.dma_semaphore, #tpu.memory_space<semaphore_mem>>
      %dma_start3A = arith.constant 0 : i32
      %dma_start3A_26 = tpu.memref_slice %arg7[%add3A_9, %dma_start3A] : memref<50176x32xf32, #tpu.memory_space<vmem_shared>> -> memref<784x32xf32, #tpu.memory_space<vmem_shared>>
      %dma_start3A_27 = arith.constant 0 : i32
      %dma_start3A_28 = arith.constant 0 : i32
      %dma_start3A_29 = tpu.memref_slice %arg5[%dma_start3A_27, %dma_start3A_28] : memref<784x32xf32, #tpu.memory_space<hbm>> -> memref<784x32xf32, #tpu.memory_space<hbm>>
      tpu.enqueue_dma source(%dma_start3A_29 : memref<784x32xf32, #tpu.memory_space<hbm>>) target(%dma_start3A_26 : memref<784x32xf32, #tpu.memory_space<vmem_shared>>) target_semaphore(%run_scoped3A : memref<!tpu.dma_semaphore, #tpu.memory_space<semaphore_mem>>)
      %dma_wait3A = arith.constant 0 : i32
      %dma_wait3A_30 = tpu.memref_slice %arg7[%add3A_9, %dma_wait3A] : memref<50176x32xf32, #tpu.memory_space<vmem_shared>> -> memref<784x32xf32, #tpu.memory_space<vmem_shared>>
      %dma_wait3A_31 = arith.constant 0 : i32
      %dma_wait3A_32 = arith.constant 0 : i32
      %dma_wait3A_33 = tpu.memref_slice %arg5[%dma_wait3A_31, %dma_wait3A_32] : memref<784x32xf32, #tpu.memory_space<hbm>> -> memref<784x32xf32, #tpu.memory_space<hbm>>
      tpu.wait_dma2 semaphore(%run_scoped3A : memref<!tpu.dma_semaphore, #tpu.memory_space<semaphore_mem>>) src(%dma_wait3A_33 : memref<784x32xf32, #tpu.memory_space<hbm>>) dst(%dma_wait3A_30 : memref<784x32xf32, #tpu.memory_space<vmem_shared>>)
      tpu.yield
    }) : () -> ()
    %mul3A_10 = arith.constant 3136 : i32
    %mul3A_11 = arith.muli %arg1, %mul3A_10 : i32
    %add3A_12 = arith.constant 2352 : i32
    %add3A_13 = arith.addi %mul3A_11, %add3A_12 : i32
    "tpu.region"() ({
      %run_scoped3A = tpu.sem_alloc : memref<!tpu.dma_semaphore, #tpu.memory_space<semaphore_mem>>
      %dma_start3A = arith.constant 0 : i32
      %dma_start3A_26 = tpu.memref_slice %arg7[%add3A_13, %dma_start3A] : memref<50176x32xf32, #tpu.memory_space<vmem_shared>> -> memref<784x32xf32, #tpu.memory_space<vmem_shared>>
      %dma_start3A_27 = arith.constant 0 : i32
      %dma_start3A_28 = arith.constant 0 : i32
      %dma_start3A_29 = tpu.memref_slice %arg5[%dma_start3A_27, %dma_start3A_28] : memref<784x32xf32, #tpu.memory_space<hbm>> -> memref<784x32xf32, #tpu.memory_space<hbm>>
      tpu.enqueue_dma source(%dma_start3A_29 : memref<784x32xf32, #tpu.memory_space<hbm>>) target(%dma_start3A_26 : memref<784x32xf32, #tpu.memory_space<vmem_shared>>) target_semaphore(%run_scoped3A : memref<!tpu.dma_semaphore, #tpu.memory_space<semaphore_mem>>)
      %dma_wait3A = arith.constant 0 : i32
      %dma_wait3A_30 = tpu.memref_slice %arg7[%add3A_13, %dma_wait3A] : memref<50176x32xf32, #tpu.memory_space<vmem_shared>> -> memref<784x32xf32, #tpu.memory_space<vmem_shared>>
      %dma_wait3A_31 = arith.constant 0 : i32
      %dma_wait3A_32 = arith.constant 0 : i32
      %dma_wait3A_33 = tpu.memref_slice %arg5[%dma_wait3A_31, %dma_wait3A_32] : memref<784x32xf32, #tpu.memory_space<hbm>> -> memref<784x32xf32, #tpu.memory_space<hbm>>
      tpu.wait_dma2 semaphore(%run_scoped3A : memref<!tpu.dma_semaphore, #tpu.memory_space<semaphore_mem>>) src(%dma_wait3A_33 : memref<784x32xf32, #tpu.memory_space<hbm>>) dst(%dma_wait3A_30 : memref<784x32xf32, #tpu.memory_space<vmem_shared>>)
      tpu.yield
    }) : () -> ()
    %barrier3A = arith.constant 0 : index
    tpu.barrier barrier_id(%barrier3A)
    %mul3A_14 = arith.constant 392 : i32
    %mul3A_15 = arith.muli %arg1, %mul3A_14 : i32
    "tpu.region"() ({
      %run_scoped3A = tpu.sem_alloc : memref<!tpu.dma_semaphore, #tpu.memory_space<semaphore_mem>>
      %dma_start3A = arith.constant 0 : i32
      %dma_start3A_26 = tpu.memref_slice %arg3[%arg0, %mul3A_15, %dma_start3A] : memref<2x6272x128xi32, #tpu.memory_space<hbm>> -> memref<1x7x128xi32, #tpu.memory_space<hbm>>
      %dma_start3A_27 = tpu.memref_squeeze %dma_start3A_26 : memref<1x7x128xi32, #tpu.memory_space<hbm>> -> memref<7x128xi32, #tpu.memory_space<hbm>>
      %dma_start3A_28 = arith.constant 0 : i32
      %dma_start3A_29 = tpu.memref_slice %arg3[%arg0, %mul3A_15, %dma_start3A_28] : memref<2x6272x128xi32, #tpu.memory_space<hbm>> -> memref<1x7x128xi32, #tpu.memory_space<hbm>>
      %dma_start3A_30 = tpu.memref_squeeze %dma_start3A_29 : memref<1x7x128xi32, #tpu.memory_space<hbm>> -> memref<7x128xi32, #tpu.memory_space<hbm>>
      tpu.enqueue_dma source(%dma_start3A_30 : memref<7x128xi32, #tpu.memory_space<hbm>>) target(%arg8 : memref<7x128xi32, #tpu.memory_space<vmem>>) target_semaphore(%run_scoped3A : memref<!tpu.dma_semaphore, #tpu.memory_space<semaphore_mem>>)
      %dma_wait3A = arith.constant 0 : i32
      %dma_wait3A_31 = tpu.memref_slice %arg3[%arg0, %mul3A_15, %dma_wait3A] : memref<2x6272x128xi32, #tpu.memory_space<hbm>> -> memref<1x7x128xi32, #tpu.memory_space<hbm>>
      %dma_wait3A_32 = tpu.memref_squeeze %dma_wait3A_31 : memref<1x7x128xi32, #tpu.memory_space<hbm>> -> memref<7x128xi32, #tpu.memory_space<hbm>>
      %dma_wait3A_33 = arith.constant 0 : i32
      %dma_wait3A_34 = tpu.memref_slice %arg3[%arg0, %mul3A_15, %dma_wait3A_33] : memref<2x6272x128xi32, #tpu.memory_space<hbm>> -> memref<1x7x128xi32, #tpu.memory_space<hbm>>
      %dma_wait3A_35 = tpu.memref_squeeze %dma_wait3A_34 : memref<1x7x128xi32, #tpu.memory_space<hbm>> -> memref<7x128xi32, #tpu.memory_space<hbm>>
      tpu.wait_dma2 semaphore(%run_scoped3A : memref<!tpu.dma_semaphore, #tpu.memory_space<semaphore_mem>>) src(%dma_wait3A_35 : memref<7x128xi32, #tpu.memory_space<hbm>>) dst(%arg8 : memref<7x128xi32, #tpu.memory_space<vmem>>)
      tpu.yield
    }) : () -> ()
    %scan3A = arith.constant 0 : i32
    %scan3A_16 = arith.constant 0 : i32
    %scan3A_17 = arith.constant 56 : i32
    %scan3A_18 = arith.addi %scan3A_16, %scan3A_17 : i32
    %scan3A_19 = arith.constant 1 : i32
    scf.for %scan3A_26 = %scan3A_16 to %scan3A_18 step %scan3A_19  : i32 {
      %mul3A_27 = arith.constant 7 : i32
      %mul3A_28 = arith.muli %scan3A_26, %mul3A_27 : i32
      %add3A_29 = arith.addi %mul3A_15, %mul3A_28 : i32
      %dma_start3A = arith.constant 0 : i32
      %dma_start3A_30 = arith.constant 0 : i32
      %dma_start3A_31 = arith.constant 0 : i32
      %dma_start3A_32 = arith.constant 0 : i32
      %dma_start3A_33 = tpu.memref_slice %arg10[%dma_start3A_30, %dma_start3A_31, %dma_start3A_32] : memref<7x128x32xf32, #tpu.memory_space<vmem>> -> memref<1x128x32xf32, #tpu.memory_space<vmem>>
      %dma_start3A_34 = tpu.memref_squeeze %dma_start3A_33 : memref<1x128x32xf32, #tpu.memory_space<vmem>> -> memref<128x32xf32, #tpu.memory_space<vmem>>
      %dma_start3A_35 = arith.constant 0 : i32
      %dma_start3A_36 = tpu.memref_slice %arg8[%dma_start3A, %dma_start3A_35] : memref<7x128xi32, #tpu.memory_space<vmem>> -> memref<1x128xi32, #tpu.memory_space<vmem>>
      %dma_start3A_37 = tpu.memref_squeeze %dma_start3A_36 : memref<1x128xi32, #tpu.memory_space<vmem>> -> memref<128xi32, #tpu.memory_space<vmem>>
      %dma_start3A_38 = arith.constant 0 : i32
      %dma_start3A_39 = arith.constant 0 : i32
      %dma_start3A_40 = tpu.memref_slice %arg2[%dma_start3A_38, %dma_start3A_39] : memref<100352x32xf32, #tpu.memory_space<hbm>> -> memref<100352x32xf32, #tpu.memory_space<hbm>>
      tpu.enqueue_indirect_dma source(%dma_start3A_40 : memref<100352x32xf32, #tpu.memory_space<hbm>>) target(%dma_start3A_34 : memref<128x32xf32, #tpu.memory_space<vmem>>) offsets(%dma_start3A_37 : memref<128xi32, #tpu.memory_space<vmem>>) semaphore(%arg11 : memref<!tpu.dma_semaphore, #tpu.memory_space<semaphore_mem>>)
      %dma_start3A_41 = arith.constant 1 : i32
      %dma_start3A_42 = arith.constant 1 : i32
      %dma_start3A_43 = arith.constant 0 : i32
      %dma_start3A_44 = arith.constant 0 : i32
      %dma_start3A_45 = tpu.memref_slice %arg10[%dma_start3A_42, %dma_start3A_43, %dma_start3A_44] : memref<7x128x32xf32, #tpu.memory_space<vmem>> -> memref<1x128x32xf32, #tpu.memory_space<vmem>>
      %dma_start3A_46 = tpu.memref_squeeze %dma_start3A_45 : memref<1x128x32xf32, #tpu.memory_space<vmem>> -> memref<128x32xf32, #tpu.memory_space<vmem>>
      %dma_start3A_47 = arith.constant 0 : i32
      %dma_start3A_48 = tpu.memref_slice %arg8[%dma_start3A_41, %dma_start3A_47] : memref<7x128xi32, #tpu.memory_space<vmem>> -> memref<1x128xi32, #tpu.memory_space<vmem>>
      %dma_start3A_49 = tpu.memref_squeeze %dma_start3A_48 : memref<1x128xi32, #tpu.memory_space<vmem>> -> memref<128xi32, #tpu.memory_space<vmem>>
      %dma_start3A_50 = arith.constant 0 : i32
      %dma_start3A_51 = arith.constant 0 : i32
      %dma_start3A_52 = tpu.memref_slice %arg2[%dma_start3A_50, %dma_start3A_51] : memref<100352x32xf32, #tpu.memory_space<hbm>> -> memref<100352x32xf32, #tpu.memory_space<hbm>>
      tpu.enqueue_indirect_dma source(%dma_start3A_52 : memref<100352x32xf32, #tpu.memory_space<hbm>>) target(%dma_start3A_46 : memref<128x32xf32, #tpu.memory_space<vmem>>) offsets(%dma_start3A_49 : memref<128xi32, #tpu.memory_space<vmem>>) semaphore(%arg12 : memref<!tpu.dma_semaphore, #tpu.memory_space<semaphore_mem>>)
      %dma_start3A_53 = arith.constant 2 : i32
      %dma_start3A_54 = arith.constant 2 : i32
      %dma_start3A_55 = arith.constant 0 : i32
      %dma_start3A_56 = arith.constant 0 : i32
      %dma_start3A_57 = tpu.memref_slice %arg10[%dma_start3A_54, %dma_start3A_55, %dma_start3A_56] : memref<7x128x32xf32, #tpu.memory_space<vmem>> -> memref<1x128x32xf32, #tpu.memory_space<vmem>>
      %dma_start3A_58 = tpu.memref_squeeze %dma_start3A_57 : memref<1x128x32xf32, #tpu.memory_space<vmem>> -> memref<128x32xf32, #tpu.memory_space<vmem>>
      %dma_start3A_59 = arith.constant 0 : i32
      %dma_start3A_60 = tpu.memref_slice %arg8[%dma_start3A_53, %dma_start3A_59] : memref<7x128xi32, #tpu.memory_space<vmem>> -> memref<1x128xi32, #tpu.memory_space<vmem>>
      %dma_start3A_61 = tpu.memref_squeeze %dma_start3A_60 : memref<1x128xi32, #tpu.memory_space<vmem>> -> memref<128xi32, #tpu.memory_space<vmem>>
      %dma_start3A_62 = arith.constant 0 : i32
      %dma_start3A_63 = arith.constant 0 : i32
      %dma_start3A_64 = tpu.memref_slice %arg2[%dma_start3A_62, %dma_start3A_63] : memref<100352x32xf32, #tpu.memory_space<hbm>> -> memref<100352x32xf32, #tpu.memory_space<hbm>>
      tpu.enqueue_indirect_dma source(%dma_start3A_64 : memref<100352x32xf32, #tpu.memory_space<hbm>>) target(%dma_start3A_58 : memref<128x32xf32, #tpu.memory_space<vmem>>) offsets(%dma_start3A_61 : memref<128xi32, #tpu.memory_space<vmem>>) semaphore(%arg13 : memref<!tpu.dma_semaphore, #tpu.memory_space<semaphore_mem>>)
      %dma_start3A_65 = arith.constant 3 : i32
      %dma_start3A_66 = arith.constant 3 : i32
      %dma_start3A_67 = arith.constant 0 : i32
      %dma_start3A_68 = arith.constant 0 : i32
      %dma_start3A_69 = tpu.memref_slice %arg10[%dma_start3A_66, %dma_start3A_67, %dma_start3A_68] : memref<7x128x32xf32, #tpu.memory_space<vmem>> -> memref<1x128x32xf32, #tpu.memory_space<vmem>>
      %dma_start3A_70 = tpu.memref_squeeze %dma_start3A_69 : memref<1x128x32xf32, #tpu.memory_space<vmem>> -> memref<128x32xf32, #tpu.memory_space<vmem>>
      %dma_start3A_71 = arith.constant 0 : i32
      %dma_start3A_72 = tpu.memref_slice %arg8[%dma_start3A_65, %dma_start3A_71] : memref<7x128xi32, #tpu.memory_space<vmem>> -> memref<1x128xi32, #tpu.memory_space<vmem>>
      %dma_start3A_73 = tpu.memref_squeeze %dma_start3A_72 : memref<1x128xi32, #tpu.memory_space<vmem>> -> memref<128xi32, #tpu.memory_space<vmem>>
      %dma_start3A_74 = arith.constant 0 : i32
      %dma_start3A_75 = arith.constant 0 : i32
      %dma_start3A_76 = tpu.memref_slice %arg2[%dma_start3A_74, %dma_start3A_75] : memref<100352x32xf32, #tpu.memory_space<hbm>> -> memref<100352x32xf32, #tpu.memory_space<hbm>>
      tpu.enqueue_indirect_dma source(%dma_start3A_76 : memref<100352x32xf32, #tpu.memory_space<hbm>>) target(%dma_start3A_70 : memref<128x32xf32, #tpu.memory_space<vmem>>) offsets(%dma_start3A_73 : memref<128xi32, #tpu.memory_space<vmem>>) semaphore(%arg14 : memref<!tpu.dma_semaphore, #tpu.memory_space<semaphore_mem>>)
      %dma_start3A_77 = arith.constant 4 : i32
      %dma_start3A_78 = arith.constant 4 : i32
      %dma_start3A_79 = arith.constant 0 : i32
      %dma_start3A_80 = arith.constant 0 : i32
      %dma_start3A_81 = tpu.memref_slice %arg10[%dma_start3A_78, %dma_start3A_79, %dma_start3A_80] : memref<7x128x32xf32, #tpu.memory_space<vmem>> -> memref<1x128x32xf32, #tpu.memory_space<vmem>>
      %dma_start3A_82 = tpu.memref_squeeze %dma_start3A_81 : memref<1x128x32xf32, #tpu.memory_space<vmem>> -> memref<128x32xf32, #tpu.memory_space<vmem>>
      %dma_start3A_83 = arith.constant 0 : i32
      %dma_start3A_84 = tpu.memref_slice %arg8[%dma_start3A_77, %dma_start3A_83] : memref<7x128xi32, #tpu.memory_space<vmem>> -> memref<1x128xi32, #tpu.memory_space<vmem>>
      %dma_start3A_85 = tpu.memref_squeeze %dma_start3A_84 : memref<1x128xi32, #tpu.memory_space<vmem>> -> memref<128xi32, #tpu.memory_space<vmem>>
      %dma_start3A_86 = arith.constant 0 : i32
      %dma_start3A_87 = arith.constant 0 : i32
      %dma_start3A_88 = tpu.memref_slice %arg2[%dma_start3A_86, %dma_start3A_87] : memref<100352x32xf32, #tpu.memory_space<hbm>> -> memref<100352x32xf32, #tpu.memory_space<hbm>>
      tpu.enqueue_indirect_dma source(%dma_start3A_88 : memref<100352x32xf32, #tpu.memory_space<hbm>>) target(%dma_start3A_82 : memref<128x32xf32, #tpu.memory_space<vmem>>) offsets(%dma_start3A_85 : memref<128xi32, #tpu.memory_space<vmem>>) semaphore(%arg15 : memref<!tpu.dma_semaphore, #tpu.memory_space<semaphore_mem>>)
      %dma_start3A_89 = arith.constant 5 : i32
      %dma_start3A_90 = arith.constant 5 : i32
      %dma_start3A_91 = arith.constant 0 : i32
      %dma_start3A_92 = arith.constant 0 : i32
      %dma_start3A_93 = tpu.memref_slice %arg10[%dma_start3A_90, %dma_start3A_91, %dma_start3A_92] : memref<7x128x32xf32, #tpu.memory_space<vmem>> -> memref<1x128x32xf32, #tpu.memory_space<vmem>>
      %dma_start3A_94 = tpu.memref_squeeze %dma_start3A_93 : memref<1x128x32xf32, #tpu.memory_space<vmem>> -> memref<128x32xf32, #tpu.memory_space<vmem>>
      %dma_start3A_95 = arith.constant 0 : i32
      %dma_start3A_96 = tpu.memref_slice %arg8[%dma_start3A_89, %dma_start3A_95] : memref<7x128xi32, #tpu.memory_space<vmem>> -> memref<1x128xi32, #tpu.memory_space<vmem>>
      %dma_start3A_97 = tpu.memref_squeeze %dma_start3A_96 : memref<1x128xi32, #tpu.memory_space<vmem>> -> memref<128xi32, #tpu.memory_space<vmem>>
      %dma_start3A_98 = arith.constant 0 : i32
      %dma_start3A_99 = arith.constant 0 : i32
      %dma_start3A_100 = tpu.memref_slice %arg2[%dma_start3A_98, %dma_start3A_99] : memref<100352x32xf32, #tpu.memory_space<hbm>> -> memref<100352x32xf32, #tpu.memory_space<hbm>>
      tpu.enqueue_indirect_dma source(%dma_start3A_100 : memref<100352x32xf32, #tpu.memory_space<hbm>>) target(%dma_start3A_94 : memref<128x32xf32, #tpu.memory_space<vmem>>) offsets(%dma_start3A_97 : memref<128xi32, #tpu.memory_space<vmem>>) semaphore(%arg16 : memref<!tpu.dma_semaphore, #tpu.memory_space<semaphore_mem>>)
      %dma_start3A_101 = arith.constant 6 : i32
      %dma_start3A_102 = arith.constant 6 : i32
      %dma_start3A_103 = arith.constant 0 : i32
      %dma_start3A_104 = arith.constant 0 : i32
      %dma_start3A_105 = tpu.memref_slice %arg10[%dma_start3A_102, %dma_start3A_103, %dma_start3A_104] : memref<7x128x32xf32, #tpu.memory_space<vmem>> -> memref<1x128x32xf32, #tpu.memory_space<vmem>>
      %dma_start3A_106 = tpu.memref_squeeze %dma_start3A_105 : memref<1x128x32xf32, #tpu.memory_space<vmem>> -> memref<128x32xf32, #tpu.memory_space<vmem>>
      %dma_start3A_107 = arith.constant 0 : i32
      %dma_start3A_108 = tpu.memref_slice %arg8[%dma_start3A_101, %dma_start3A_107] : memref<7x128xi32, #tpu.memory_space<vmem>> -> memref<1x128xi32, #tpu.memory_space<vmem>>
      %dma_start3A_109 = tpu.memref_squeeze %dma_start3A_108 : memref<1x128xi32, #tpu.memory_space<vmem>> -> memref<128xi32, #tpu.memory_space<vmem>>
      %dma_start3A_110 = arith.constant 0 : i32
      %dma_start3A_111 = arith.constant 0 : i32
      %dma_start3A_112 = tpu.memref_slice %arg2[%dma_start3A_110, %dma_start3A_111] : memref<100352x32xf32, #tpu.memory_space<hbm>> -> memref<100352x32xf32, #tpu.memory_space<hbm>>
      tpu.enqueue_indirect_dma source(%dma_start3A_112 : memref<100352x32xf32, #tpu.memory_space<hbm>>) target(%dma_start3A_106 : memref<128x32xf32, #tpu.memory_space<vmem>>) offsets(%dma_start3A_109 : memref<128xi32, #tpu.memory_space<vmem>>) semaphore(%arg17 : memref<!tpu.dma_semaphore, #tpu.memory_space<semaphore_mem>>)
      "tpu.region"() ({
        %run_scoped3A = tpu.sem_alloc : memref<!tpu.dma_semaphore, #tpu.memory_space<semaphore_mem>>
        %dma_start3A_367 = arith.constant 0 : i32
        %dma_start3A_368 = tpu.memref_slice %arg4[%add3A_29, %dma_start3A_367] : memref<6272x128xi32, #tpu.memory_space<hbm>> -> memref<7x128xi32, #tpu.memory_space<hbm>>
        %dma_start3A_369 = arith.constant 0 : i32
        %dma_start3A_370 = tpu.memref_slice %arg4[%add3A_29, %dma_start3A_369] : memref<6272x128xi32, #tpu.memory_space<hbm>> -> memref<7x128xi32, #tpu.memory_space<hbm>>
        tpu.enqueue_dma source(%dma_start3A_370 : memref<7x128xi32, #tpu.memory_space<hbm>>) target(%arg9 : memref<7x128xi32, #tpu.memory_space<vmem>>) target_semaphore(%run_scoped3A : memref<!tpu.dma_semaphore, #tpu.memory_space<semaphore_mem>>)
        %dma_wait3A_371 = arith.constant 0 : i32
        %dma_wait3A_372 = tpu.memref_slice %arg4[%add3A_29, %dma_wait3A_371] : memref<6272x128xi32, #tpu.memory_space<hbm>> -> memref<7x128xi32, #tpu.memory_space<hbm>>
        %dma_wait3A_373 = arith.constant 0 : i32
        %dma_wait3A_374 = tpu.memref_slice %arg4[%add3A_29, %dma_wait3A_373] : memref<6272x128xi32, #tpu.memory_space<hbm>> -> memref<7x128xi32, #tpu.memory_space<hbm>>
        tpu.wait_dma2 semaphore(%run_scoped3A : memref<!tpu.dma_semaphore, #tpu.memory_space<semaphore_mem>>) src(%dma_wait3A_374 : memref<7x128xi32, #tpu.memory_space<hbm>>) dst(%arg9 : memref<7x128xi32, #tpu.memory_space<vmem>>)
        tpu.yield
      }) : () -> ()
      %dma_wait3A = arith.constant 0 : i32
      %dma_wait3A_113 = arith.constant 0 : i32
      %dma_wait3A_114 = arith.constant 0 : i32
      %dma_wait3A_115 = arith.constant 0 : i32
      %dma_wait3A_116 = tpu.memref_slice %arg10[%dma_wait3A_113, %dma_wait3A_114, %dma_wait3A_115] : memref<7x128x32xf32, #tpu.memory_space<vmem>> -> memref<1x128x32xf32, #tpu.memory_space<vmem>>
      %dma_wait3A_117 = tpu.memref_squeeze %dma_wait3A_116 : memref<1x128x32xf32, #tpu.memory_space<vmem>> -> memref<128x32xf32, #tpu.memory_space<vmem>>
      %dma_wait3A_118 = arith.constant 0 : i32
      %dma_wait3A_119 = tpu.memref_slice %arg8[%dma_wait3A, %dma_wait3A_118] : memref<7x128xi32, #tpu.memory_space<vmem>> -> memref<1x128xi32, #tpu.memory_space<vmem>>
      %dma_wait3A_120 = tpu.memref_squeeze %dma_wait3A_119 : memref<1x128xi32, #tpu.memory_space<vmem>> -> memref<128xi32, #tpu.memory_space<vmem>>
      %dma_wait3A_121 = arith.constant 0 : i32
      %dma_wait3A_122 = arith.constant 0 : i32
      %dma_wait3A_123 = tpu.memref_slice %arg2[%dma_wait3A_121, %dma_wait3A_122] : memref<100352x32xf32, #tpu.memory_space<hbm>> -> memref<100352x32xf32, #tpu.memory_space<hbm>>
      tpu.wait_indirect_dma semaphore(%arg11 : memref<!tpu.dma_semaphore, #tpu.memory_space<semaphore_mem>>) src(%dma_wait3A_123 : memref<100352x32xf32, #tpu.memory_space<hbm>>) dst(%dma_wait3A_117 : memref<128x32xf32, #tpu.memory_space<vmem>>)
      %dma_start3A_124 = arith.constant 0 : i32
      %dma_start3A_125 = arith.constant 0 : i32
      %dma_start3A_126 = arith.constant 0 : i32
      %dma_start3A_127 = arith.constant 0 : i32
      %dma_start3A_128 = tpu.memref_slice %arg10[%dma_start3A_124, %dma_start3A_126, %dma_start3A_127] : memref<7x128x32xf32, #tpu.memory_space<vmem>> -> memref<1x128x32xf32, #tpu.memory_space<vmem>>
      %dma_start3A_129 = tpu.memref_squeeze %dma_start3A_128 : memref<1x128x32xf32, #tpu.memory_space<vmem>> -> memref<128x32xf32, #tpu.memory_space<vmem>>
      %dma_start3A_130 = arith.constant 0 : i32
      %dma_start3A_131 = tpu.memref_slice %arg9[%dma_start3A_125, %dma_start3A_130] : memref<7x128xi32, #tpu.memory_space<vmem>> -> memref<1x128xi32, #tpu.memory_space<vmem>>
      %dma_start3A_132 = tpu.memref_squeeze %dma_start3A_131 : memref<1x128xi32, #tpu.memory_space<vmem>> -> memref<128xi32, #tpu.memory_space<vmem>>
      %dma_start3A_133 = arith.constant 0 : i32
      %dma_start3A_134 = arith.constant 0 : i32
      %dma_start3A_135 = tpu.memref_slice %arg7[%dma_start3A_133, %dma_start3A_134] : memref<50176x32xf32, #tpu.memory_space<vmem_shared>> -> memref<50176x32xf32, #tpu.memory_space<vmem_shared>>
      tpu.enqueue_indirect_dma source(%dma_start3A_129 : memref<128x32xf32, #tpu.memory_space<vmem>>) target(%dma_start3A_135 : memref<50176x32xf32, #tpu.memory_space<vmem_shared>>) offsets(%dma_start3A_132 : memref<128xi32, #tpu.memory_space<vmem>>) semaphore(%arg18 : memref<!tpu.dma_semaphore, #tpu.memory_space<semaphore_mem>>) {add = true}
      %dma_wait3A_136 = arith.constant 1 : i32
      %dma_wait3A_137 = arith.constant 1 : i32
      %dma_wait3A_138 = arith.constant 0 : i32
      %dma_wait3A_139 = arith.constant 0 : i32
      %dma_wait3A_140 = tpu.memref_slice %arg10[%dma_wait3A_137, %dma_wait3A_138, %dma_wait3A_139] : memref<7x128x32xf32, #tpu.memory_space<vmem>> -> memref<1x128x32xf32, #tpu.memory_space<vmem>>
      %dma_wait3A_141 = tpu.memref_squeeze %dma_wait3A_140 : memref<1x128x32xf32, #tpu.memory_space<vmem>> -> memref<128x32xf32, #tpu.memory_space<vmem>>
      %dma_wait3A_142 = arith.constant 0 : i32
      %dma_wait3A_143 = tpu.memref_slice %arg8[%dma_wait3A_136, %dma_wait3A_142] : memref<7x128xi32, #tpu.memory_space<vmem>> -> memref<1x128xi32, #tpu.memory_space<vmem>>
      %dma_wait3A_144 = tpu.memref_squeeze %dma_wait3A_143 : memref<1x128xi32, #tpu.memory_space<vmem>> -> memref<128xi32, #tpu.memory_space<vmem>>
      %dma_wait3A_145 = arith.constant 0 : i32
      %dma_wait3A_146 = arith.constant 0 : i32
      %dma_wait3A_147 = tpu.memref_slice %arg2[%dma_wait3A_145, %dma_wait3A_146] : memref<100352x32xf32, #tpu.memory_space<hbm>> -> memref<100352x32xf32, #tpu.memory_space<hbm>>
      tpu.wait_indirect_dma semaphore(%arg12 : memref<!tpu.dma_semaphore, #tpu.memory_space<semaphore_mem>>) src(%dma_wait3A_147 : memref<100352x32xf32, #tpu.memory_space<hbm>>) dst(%dma_wait3A_141 : memref<128x32xf32, #tpu.memory_space<vmem>>)
      %dma_start3A_148 = arith.constant 1 : i32
      %dma_start3A_149 = arith.constant 1 : i32
      %dma_start3A_150 = arith.constant 0 : i32
      %dma_start3A_151 = arith.constant 0 : i32
      %dma_start3A_152 = tpu.memref_slice %arg10[%dma_start3A_148, %dma_start3A_150, %dma_start3A_151] : memref<7x128x32xf32, #tpu.memory_space<vmem>> -> memref<1x128x32xf32, #tpu.memory_space<vmem>>
      %dma_start3A_153 = tpu.memref_squeeze %dma_start3A_152 : memref<1x128x32xf32, #tpu.memory_space<vmem>> -> memref<128x32xf32, #tpu.memory_space<vmem>>
      %dma_start3A_154 = arith.constant 0 : i32
      %dma_start3A_155 = tpu.memref_slice %arg9[%dma_start3A_149, %dma_start3A_154] : memref<7x128xi32, #tpu.memory_space<vmem>> -> memref<1x128xi32, #tpu.memory_space<vmem>>
      %dma_start3A_156 = tpu.memref_squeeze %dma_start3A_155 : memref<1x128xi32, #tpu.memory_space<vmem>> -> memref<128xi32, #tpu.memory_space<vmem>>
      %dma_start3A_157 = arith.constant 0 : i32
      %dma_start3A_158 = arith.constant 0 : i32
      %dma_start3A_159 = tpu.memref_slice %arg7[%dma_start3A_157, %dma_start3A_158] : memref<50176x32xf32, #tpu.memory_space<vmem_shared>> -> memref<50176x32xf32, #tpu.memory_space<vmem_shared>>
      tpu.enqueue_indirect_dma source(%dma_start3A_153 : memref<128x32xf32, #tpu.memory_space<vmem>>) target(%dma_start3A_159 : memref<50176x32xf32, #tpu.memory_space<vmem_shared>>) offsets(%dma_start3A_156 : memref<128xi32, #tpu.memory_space<vmem>>) semaphore(%arg19 : memref<!tpu.dma_semaphore, #tpu.memory_space<semaphore_mem>>) {add = true}
      %dma_wait3A_160 = arith.constant 2 : i32
      %dma_wait3A_161 = arith.constant 2 : i32
      %dma_wait3A_162 = arith.constant 0 : i32
      %dma_wait3A_163 = arith.constant 0 : i32
      %dma_wait3A_164 = tpu.memref_slice %arg10[%dma_wait3A_161, %dma_wait3A_162, %dma_wait3A_163] : memref<7x128x32xf32, #tpu.memory_space<vmem>> -> memref<1x128x32xf32, #tpu.memory_space<vmem>>
      %dma_wait3A_165 = tpu.memref_squeeze %dma_wait3A_164 : memref<1x128x32xf32, #tpu.memory_space<vmem>> -> memref<128x32xf32, #tpu.memory_space<vmem>>
      %dma_wait3A_166 = arith.constant 0 : i32
      %dma_wait3A_167 = tpu.memref_slice %arg8[%dma_wait3A_160, %dma_wait3A_166] : memref<7x128xi32, #tpu.memory_space<vmem>> -> memref<1x128xi32, #tpu.memory_space<vmem>>
      %dma_wait3A_168 = tpu.memref_squeeze %dma_wait3A_167 : memref<1x128xi32, #tpu.memory_space<vmem>> -> memref<128xi32, #tpu.memory_space<vmem>>
      %dma_wait3A_169 = arith.constant 0 : i32
      %dma_wait3A_170 = arith.constant 0 : i32
      %dma_wait3A_171 = tpu.memref_slice %arg2[%dma_wait3A_169, %dma_wait3A_170] : memref<100352x32xf32, #tpu.memory_space<hbm>> -> memref<100352x32xf32, #tpu.memory_space<hbm>>
      tpu.wait_indirect_dma semaphore(%arg13 : memref<!tpu.dma_semaphore, #tpu.memory_space<semaphore_mem>>) src(%dma_wait3A_171 : memref<100352x32xf32, #tpu.memory_space<hbm>>) dst(%dma_wait3A_165 : memref<128x32xf32, #tpu.memory_space<vmem>>)
      %dma_start3A_172 = arith.constant 2 : i32
      %dma_start3A_173 = arith.constant 2 : i32
      %dma_start3A_174 = arith.constant 0 : i32
      %dma_start3A_175 = arith.constant 0 : i32
      %dma_start3A_176 = tpu.memref_slice %arg10[%dma_start3A_172, %dma_start3A_174, %dma_start3A_175] : memref<7x128x32xf32, #tpu.memory_space<vmem>> -> memref<1x128x32xf32, #tpu.memory_space<vmem>>
      %dma_start3A_177 = tpu.memref_squeeze %dma_start3A_176 : memref<1x128x32xf32, #tpu.memory_space<vmem>> -> memref<128x32xf32, #tpu.memory_space<vmem>>
      %dma_start3A_178 = arith.constant 0 : i32
      %dma_start3A_179 = tpu.memref_slice %arg9[%dma_start3A_173, %dma_start3A_178] : memref<7x128xi32, #tpu.memory_space<vmem>> -> memref<1x128xi32, #tpu.memory_space<vmem>>
      %dma_start3A_180 = tpu.memref_squeeze %dma_start3A_179 : memref<1x128xi32, #tpu.memory_space<vmem>> -> memref<128xi32, #tpu.memory_space<vmem>>
      %dma_start3A_181 = arith.constant 0 : i32
      %dma_start3A_182 = arith.constant 0 : i32
      %dma_start3A_183 = tpu.memref_slice %arg7[%dma_start3A_181, %dma_start3A_182] : memref<50176x32xf32, #tpu.memory_space<vmem_shared>> -> memref<50176x32xf32, #tpu.memory_space<vmem_shared>>
      tpu.enqueue_indirect_dma source(%dma_start3A_177 : memref<128x32xf32, #tpu.memory_space<vmem>>) target(%dma_start3A_183 : memref<50176x32xf32, #tpu.memory_space<vmem_shared>>) offsets(%dma_start3A_180 : memref<128xi32, #tpu.memory_space<vmem>>) semaphore(%arg20 : memref<!tpu.dma_semaphore, #tpu.memory_space<semaphore_mem>>) {add = true}
      %dma_wait3A_184 = arith.constant 3 : i32
      %dma_wait3A_185 = arith.constant 3 : i32
      %dma_wait3A_186 = arith.constant 0 : i32
      %dma_wait3A_187 = arith.constant 0 : i32
      %dma_wait3A_188 = tpu.memref_slice %arg10[%dma_wait3A_185, %dma_wait3A_186, %dma_wait3A_187] : memref<7x128x32xf32, #tpu.memory_space<vmem>> -> memref<1x128x32xf32, #tpu.memory_space<vmem>>
      %dma_wait3A_189 = tpu.memref_squeeze %dma_wait3A_188 : memref<1x128x32xf32, #tpu.memory_space<vmem>> -> memref<128x32xf32, #tpu.memory_space<vmem>>
      %dma_wait3A_190 = arith.constant 0 : i32
      %dma_wait3A_191 = tpu.memref_slice %arg8[%dma_wait3A_184, %dma_wait3A_190] : memref<7x128xi32, #tpu.memory_space<vmem>> -> memref<1x128xi32, #tpu.memory_space<vmem>>
      %dma_wait3A_192 = tpu.memref_squeeze %dma_wait3A_191 : memref<1x128xi32, #tpu.memory_space<vmem>> -> memref<128xi32, #tpu.memory_space<vmem>>
      %dma_wait3A_193 = arith.constant 0 : i32
      %dma_wait3A_194 = arith.constant 0 : i32
      %dma_wait3A_195 = tpu.memref_slice %arg2[%dma_wait3A_193, %dma_wait3A_194] : memref<100352x32xf32, #tpu.memory_space<hbm>> -> memref<100352x32xf32, #tpu.memory_space<hbm>>
      tpu.wait_indirect_dma semaphore(%arg14 : memref<!tpu.dma_semaphore, #tpu.memory_space<semaphore_mem>>) src(%dma_wait3A_195 : memref<100352x32xf32, #tpu.memory_space<hbm>>) dst(%dma_wait3A_189 : memref<128x32xf32, #tpu.memory_space<vmem>>)
      %dma_start3A_196 = arith.constant 3 : i32
      %dma_start3A_197 = arith.constant 3 : i32
      %dma_start3A_198 = arith.constant 0 : i32
      %dma_start3A_199 = arith.constant 0 : i32
      %dma_start3A_200 = tpu.memref_slice %arg10[%dma_start3A_196, %dma_start3A_198, %dma_start3A_199] : memref<7x128x32xf32, #tpu.memory_space<vmem>> -> memref<1x128x32xf32, #tpu.memory_space<vmem>>
      %dma_start3A_201 = tpu.memref_squeeze %dma_start3A_200 : memref<1x128x32xf32, #tpu.memory_space<vmem>> -> memref<128x32xf32, #tpu.memory_space<vmem>>
      %dma_start3A_202 = arith.constant 0 : i32
      %dma_start3A_203 = tpu.memref_slice %arg9[%dma_start3A_197, %dma_start3A_202] : memref<7x128xi32, #tpu.memory_space<vmem>> -> memref<1x128xi32, #tpu.memory_space<vmem>>
      %dma_start3A_204 = tpu.memref_squeeze %dma_start3A_203 : memref<1x128xi32, #tpu.memory_space<vmem>> -> memref<128xi32, #tpu.memory_space<vmem>>
      %dma_start3A_205 = arith.constant 0 : i32
      %dma_start3A_206 = arith.constant 0 : i32
      %dma_start3A_207 = tpu.memref_slice %arg7[%dma_start3A_205, %dma_start3A_206] : memref<50176x32xf32, #tpu.memory_space<vmem_shared>> -> memref<50176x32xf32, #tpu.memory_space<vmem_shared>>
      tpu.enqueue_indirect_dma source(%dma_start3A_201 : memref<128x32xf32, #tpu.memory_space<vmem>>) target(%dma_start3A_207 : memref<50176x32xf32, #tpu.memory_space<vmem_shared>>) offsets(%dma_start3A_204 : memref<128xi32, #tpu.memory_space<vmem>>) semaphore(%arg21 : memref<!tpu.dma_semaphore, #tpu.memory_space<semaphore_mem>>) {add = true}
      %dma_wait3A_208 = arith.constant 4 : i32
      %dma_wait3A_209 = arith.constant 4 : i32
      %dma_wait3A_210 = arith.constant 0 : i32
      %dma_wait3A_211 = arith.constant 0 : i32
      %dma_wait3A_212 = tpu.memref_slice %arg10[%dma_wait3A_209, %dma_wait3A_210, %dma_wait3A_211] : memref<7x128x32xf32, #tpu.memory_space<vmem>> -> memref<1x128x32xf32, #tpu.memory_space<vmem>>
      %dma_wait3A_213 = tpu.memref_squeeze %dma_wait3A_212 : memref<1x128x32xf32, #tpu.memory_space<vmem>> -> memref<128x32xf32, #tpu.memory_space<vmem>>
      %dma_wait3A_214 = arith.constant 0 : i32
      %dma_wait3A_215 = tpu.memref_slice %arg8[%dma_wait3A_208, %dma_wait3A_214] : memref<7x128xi32, #tpu.memory_space<vmem>> -> memref<1x128xi32, #tpu.memory_space<vmem>>
      %dma_wait3A_216 = tpu.memref_squeeze %dma_wait3A_215 : memref<1x128xi32, #tpu.memory_space<vmem>> -> memref<128xi32, #tpu.memory_space<vmem>>
      %dma_wait3A_217 = arith.constant 0 : i32
      %dma_wait3A_218 = arith.constant 0 : i32
      %dma_wait3A_219 = tpu.memref_slice %arg2[%dma_wait3A_217, %dma_wait3A_218] : memref<100352x32xf32, #tpu.memory_space<hbm>> -> memref<100352x32xf32, #tpu.memory_space<hbm>>
      tpu.wait_indirect_dma semaphore(%arg15 : memref<!tpu.dma_semaphore, #tpu.memory_space<semaphore_mem>>) src(%dma_wait3A_219 : memref<100352x32xf32, #tpu.memory_space<hbm>>) dst(%dma_wait3A_213 : memref<128x32xf32, #tpu.memory_space<vmem>>)
      %dma_start3A_220 = arith.constant 4 : i32
      %dma_start3A_221 = arith.constant 4 : i32
      %dma_start3A_222 = arith.constant 0 : i32
      %dma_start3A_223 = arith.constant 0 : i32
      %dma_start3A_224 = tpu.memref_slice %arg10[%dma_start3A_220, %dma_start3A_222, %dma_start3A_223] : memref<7x128x32xf32, #tpu.memory_space<vmem>> -> memref<1x128x32xf32, #tpu.memory_space<vmem>>
      %dma_start3A_225 = tpu.memref_squeeze %dma_start3A_224 : memref<1x128x32xf32, #tpu.memory_space<vmem>> -> memref<128x32xf32, #tpu.memory_space<vmem>>
      %dma_start3A_226 = arith.constant 0 : i32
      %dma_start3A_227 = tpu.memref_slice %arg9[%dma_start3A_221, %dma_start3A_226] : memref<7x128xi32, #tpu.memory_space<vmem>> -> memref<1x128xi32, #tpu.memory_space<vmem>>
      %dma_start3A_228 = tpu.memref_squeeze %dma_start3A_227 : memref<1x128xi32, #tpu.memory_space<vmem>> -> memref<128xi32, #tpu.memory_space<vmem>>
      %dma_start3A_229 = arith.constant 0 : i32
      %dma_start3A_230 = arith.constant 0 : i32
      %dma_start3A_231 = tpu.memref_slice %arg7[%dma_start3A_229, %dma_start3A_230] : memref<50176x32xf32, #tpu.memory_space<vmem_shared>> -> memref<50176x32xf32, #tpu.memory_space<vmem_shared>>
      tpu.enqueue_indirect_dma source(%dma_start3A_225 : memref<128x32xf32, #tpu.memory_space<vmem>>) target(%dma_start3A_231 : memref<50176x32xf32, #tpu.memory_space<vmem_shared>>) offsets(%dma_start3A_228 : memref<128xi32, #tpu.memory_space<vmem>>) semaphore(%arg22 : memref<!tpu.dma_semaphore, #tpu.memory_space<semaphore_mem>>) {add = true}
      %dma_wait3A_232 = arith.constant 5 : i32
      %dma_wait3A_233 = arith.constant 5 : i32
      %dma_wait3A_234 = arith.constant 0 : i32
      %dma_wait3A_235 = arith.constant 0 : i32
      %dma_wait3A_236 = tpu.memref_slice %arg10[%dma_wait3A_233, %dma_wait3A_234, %dma_wait3A_235] : memref<7x128x32xf32, #tpu.memory_space<vmem>> -> memref<1x128x32xf32, #tpu.memory_space<vmem>>
      %dma_wait3A_237 = tpu.memref_squeeze %dma_wait3A_236 : memref<1x128x32xf32, #tpu.memory_space<vmem>> -> memref<128x32xf32, #tpu.memory_space<vmem>>
      %dma_wait3A_238 = arith.constant 0 : i32
      %dma_wait3A_239 = tpu.memref_slice %arg8[%dma_wait3A_232, %dma_wait3A_238] : memref<7x128xi32, #tpu.memory_space<vmem>> -> memref<1x128xi32, #tpu.memory_space<vmem>>
      %dma_wait3A_240 = tpu.memref_squeeze %dma_wait3A_239 : memref<1x128xi32, #tpu.memory_space<vmem>> -> memref<128xi32, #tpu.memory_space<vmem>>
      %dma_wait3A_241 = arith.constant 0 : i32
      %dma_wait3A_242 = arith.constant 0 : i32
      %dma_wait3A_243 = tpu.memref_slice %arg2[%dma_wait3A_241, %dma_wait3A_242] : memref<100352x32xf32, #tpu.memory_space<hbm>> -> memref<100352x32xf32, #tpu.memory_space<hbm>>
      tpu.wait_indirect_dma semaphore(%arg16 : memref<!tpu.dma_semaphore, #tpu.memory_space<semaphore_mem>>) src(%dma_wait3A_243 : memref<100352x32xf32, #tpu.memory_space<hbm>>) dst(%dma_wait3A_237 : memref<128x32xf32, #tpu.memory_space<vmem>>)
      %dma_start3A_244 = arith.constant 5 : i32
      %dma_start3A_245 = arith.constant 5 : i32
      %dma_start3A_246 = arith.constant 0 : i32
      %dma_start3A_247 = arith.constant 0 : i32
      %dma_start3A_248 = tpu.memref_slice %arg10[%dma_start3A_244, %dma_start3A_246, %dma_start3A_247] : memref<7x128x32xf32, #tpu.memory_space<vmem>> -> memref<1x128x32xf32, #tpu.memory_space<vmem>>
      %dma_start3A_249 = tpu.memref_squeeze %dma_start3A_248 : memref<1x128x32xf32, #tpu.memory_space<vmem>> -> memref<128x32xf32, #tpu.memory_space<vmem>>
      %dma_start3A_250 = arith.constant 0 : i32
      %dma_start3A_251 = tpu.memref_slice %arg9[%dma_start3A_245, %dma_start3A_250] : memref<7x128xi32, #tpu.memory_space<vmem>> -> memref<1x128xi32, #tpu.memory_space<vmem>>
      %dma_start3A_252 = tpu.memref_squeeze %dma_start3A_251 : memref<1x128xi32, #tpu.memory_space<vmem>> -> memref<128xi32, #tpu.memory_space<vmem>>
      %dma_start3A_253 = arith.constant 0 : i32
      %dma_start3A_254 = arith.constant 0 : i32
      %dma_start3A_255 = tpu.memref_slice %arg7[%dma_start3A_253, %dma_start3A_254] : memref<50176x32xf32, #tpu.memory_space<vmem_shared>> -> memref<50176x32xf32, #tpu.memory_space<vmem_shared>>
      tpu.enqueue_indirect_dma source(%dma_start3A_249 : memref<128x32xf32, #tpu.memory_space<vmem>>) target(%dma_start3A_255 : memref<50176x32xf32, #tpu.memory_space<vmem_shared>>) offsets(%dma_start3A_252 : memref<128xi32, #tpu.memory_space<vmem>>) semaphore(%arg23 : memref<!tpu.dma_semaphore, #tpu.memory_space<semaphore_mem>>) {add = true}
      %dma_wait3A_256 = arith.constant 6 : i32
      %dma_wait3A_257 = arith.constant 6 : i32
      %dma_wait3A_258 = arith.constant 0 : i32
      %dma_wait3A_259 = arith.constant 0 : i32
      %dma_wait3A_260 = tpu.memref_slice %arg10[%dma_wait3A_257, %dma_wait3A_258, %dma_wait3A_259] : memref<7x128x32xf32, #tpu.memory_space<vmem>> -> memref<1x128x32xf32, #tpu.memory_space<vmem>>
      %dma_wait3A_261 = tpu.memref_squeeze %dma_wait3A_260 : memref<1x128x32xf32, #tpu.memory_space<vmem>> -> memref<128x32xf32, #tpu.memory_space<vmem>>
      %dma_wait3A_262 = arith.constant 0 : i32
      %dma_wait3A_263 = tpu.memref_slice %arg8[%dma_wait3A_256, %dma_wait3A_262] : memref<7x128xi32, #tpu.memory_space<vmem>> -> memref<1x128xi32, #tpu.memory_space<vmem>>
      %dma_wait3A_264 = tpu.memref_squeeze %dma_wait3A_263 : memref<1x128xi32, #tpu.memory_space<vmem>> -> memref<128xi32, #tpu.memory_space<vmem>>
      %dma_wait3A_265 = arith.constant 0 : i32
      %dma_wait3A_266 = arith.constant 0 : i32
      %dma_wait3A_267 = tpu.memref_slice %arg2[%dma_wait3A_265, %dma_wait3A_266] : memref<100352x32xf32, #tpu.memory_space<hbm>> -> memref<100352x32xf32, #tpu.memory_space<hbm>>
      tpu.wait_indirect_dma semaphore(%arg17 : memref<!tpu.dma_semaphore, #tpu.memory_space<semaphore_mem>>) src(%dma_wait3A_267 : memref<100352x32xf32, #tpu.memory_space<hbm>>) dst(%dma_wait3A_261 : memref<128x32xf32, #tpu.memory_space<vmem>>)
      %dma_start3A_268 = arith.constant 6 : i32
      %dma_start3A_269 = arith.constant 6 : i32
      %dma_start3A_270 = arith.constant 0 : i32
      %dma_start3A_271 = arith.constant 0 : i32
      %dma_start3A_272 = tpu.memref_slice %arg10[%dma_start3A_268, %dma_start3A_270, %dma_start3A_271] : memref<7x128x32xf32, #tpu.memory_space<vmem>> -> memref<1x128x32xf32, #tpu.memory_space<vmem>>
      %dma_start3A_273 = tpu.memref_squeeze %dma_start3A_272 : memref<1x128x32xf32, #tpu.memory_space<vmem>> -> memref<128x32xf32, #tpu.memory_space<vmem>>
      %dma_start3A_274 = arith.constant 0 : i32
      %dma_start3A_275 = tpu.memref_slice %arg9[%dma_start3A_269, %dma_start3A_274] : memref<7x128xi32, #tpu.memory_space<vmem>> -> memref<1x128xi32, #tpu.memory_space<vmem>>
      %dma_start3A_276 = tpu.memref_squeeze %dma_start3A_275 : memref<1x128xi32, #tpu.memory_space<vmem>> -> memref<128xi32, #tpu.memory_space<vmem>>
      %dma_start3A_277 = arith.constant 0 : i32
      %dma_start3A_278 = arith.constant 0 : i32
      %dma_start3A_279 = tpu.memref_slice %arg7[%dma_start3A_277, %dma_start3A_278] : memref<50176x32xf32, #tpu.memory_space<vmem_shared>> -> memref<50176x32xf32, #tpu.memory_space<vmem_shared>>
      tpu.enqueue_indirect_dma source(%dma_start3A_273 : memref<128x32xf32, #tpu.memory_space<vmem>>) target(%dma_start3A_279 : memref<50176x32xf32, #tpu.memory_space<vmem_shared>>) offsets(%dma_start3A_276 : memref<128xi32, #tpu.memory_space<vmem>>) semaphore(%arg24 : memref<!tpu.dma_semaphore, #tpu.memory_space<semaphore_mem>>) {add = true}
      %add3A_280 = arith.constant 7 : i32
      %add3A_281 = arith.addi %add3A_29, %add3A_280 : i32
      %min3A = arith.constant 6265 : i32
      %min3A_282 = arith.minsi %add3A_281, %min3A : i32
      "tpu.region"() ({
        %run_scoped3A = tpu.sem_alloc : memref<!tpu.dma_semaphore, #tpu.memory_space<semaphore_mem>>
        %dma_start3A_367 = arith.constant 0 : i32
        %dma_start3A_368 = tpu.memref_slice %arg3[%arg0, %min3A_282, %dma_start3A_367] : memref<2x6272x128xi32, #tpu.memory_space<hbm>> -> memref<1x7x128xi32, #tpu.memory_space<hbm>>
        %dma_start3A_369 = tpu.memref_squeeze %dma_start3A_368 : memref<1x7x128xi32, #tpu.memory_space<hbm>> -> memref<7x128xi32, #tpu.memory_space<hbm>>
        %dma_start3A_370 = arith.constant 0 : i32
        %dma_start3A_371 = tpu.memref_slice %arg3[%arg0, %min3A_282, %dma_start3A_370] : memref<2x6272x128xi32, #tpu.memory_space<hbm>> -> memref<1x7x128xi32, #tpu.memory_space<hbm>>
        %dma_start3A_372 = tpu.memref_squeeze %dma_start3A_371 : memref<1x7x128xi32, #tpu.memory_space<hbm>> -> memref<7x128xi32, #tpu.memory_space<hbm>>
        tpu.enqueue_dma source(%dma_start3A_372 : memref<7x128xi32, #tpu.memory_space<hbm>>) target(%arg8 : memref<7x128xi32, #tpu.memory_space<vmem>>) target_semaphore(%run_scoped3A : memref<!tpu.dma_semaphore, #tpu.memory_space<semaphore_mem>>)
        %dma_wait3A_373 = arith.constant 0 : i32
        %dma_wait3A_374 = tpu.memref_slice %arg3[%arg0, %min3A_282, %dma_wait3A_373] : memref<2x6272x128xi32, #tpu.memory_space<hbm>> -> memref<1x7x128xi32, #tpu.memory_space<hbm>>
        %dma_wait3A_375 = tpu.memref_squeeze %dma_wait3A_374 : memref<1x7x128xi32, #tpu.memory_space<hbm>> -> memref<7x128xi32, #tpu.memory_space<hbm>>
        %dma_wait3A_376 = arith.constant 0 : i32
        %dma_wait3A_377 = tpu.memref_slice %arg3[%arg0, %min3A_282, %dma_wait3A_376] : memref<2x6272x128xi32, #tpu.memory_space<hbm>> -> memref<1x7x128xi32, #tpu.memory_space<hbm>>
        %dma_wait3A_378 = tpu.memref_squeeze %dma_wait3A_377 : memref<1x7x128xi32, #tpu.memory_space<hbm>> -> memref<7x128xi32, #tpu.memory_space<hbm>>
        tpu.wait_dma2 semaphore(%run_scoped3A : memref<!tpu.dma_semaphore, #tpu.memory_space<semaphore_mem>>) src(%dma_wait3A_378 : memref<7x128xi32, #tpu.memory_space<hbm>>) dst(%arg8 : memref<7x128xi32, #tpu.memory_space<vmem>>)
        tpu.yield
      }) : () -> ()
      %dma_wait3A_283 = arith.constant 0 : i32
      %dma_wait3A_284 = arith.constant 0 : i32
      %dma_wait3A_285 = arith.constant 0 : i32
      %dma_wait3A_286 = arith.constant 0 : i32
      %dma_wait3A_287 = tpu.memref_slice %arg10[%dma_wait3A_283, %dma_wait3A_285, %dma_wait3A_286] : memref<7x128x32xf32, #tpu.memory_space<vmem>> -> memref<1x128x32xf32, #tpu.memory_space<vmem>>
      %dma_wait3A_288 = tpu.memref_squeeze %dma_wait3A_287 : memref<1x128x32xf32, #tpu.memory_space<vmem>> -> memref<128x32xf32, #tpu.memory_space<vmem>>
      %dma_wait3A_289 = arith.constant 0 : i32
      %dma_wait3A_290 = tpu.memref_slice %arg9[%dma_wait3A_284, %dma_wait3A_289] : memref<7x128xi32, #tpu.memory_space<vmem>> -> memref<1x128xi32, #tpu.memory_space<vmem>>
      %dma_wait3A_291 = tpu.memref_squeeze %dma_wait3A_290 : memref<1x128xi32, #tpu.memory_space<vmem>> -> memref<128xi32, #tpu.memory_space<vmem>>
      %dma_wait3A_292 = arith.constant 0 : i32
      %dma_wait3A_293 = arith.constant 0 : i32
      %dma_wait3A_294 = tpu.memref_slice %arg7[%dma_wait3A_292, %dma_wait3A_293] : memref<50176x32xf32, #tpu.memory_space<vmem_shared>> -> memref<50176x32xf32, #tpu.memory_space<vmem_shared>>
      tpu.wait_indirect_dma semaphore(%arg18 : memref<!tpu.dma_semaphore, #tpu.memory_space<semaphore_mem>>) src(%dma_wait3A_288 : memref<128x32xf32, #tpu.memory_space<vmem>>) dst(%dma_wait3A_294 : memref<50176x32xf32, #tpu.memory_space<vmem_shared>>)
      %dma_wait3A_295 = arith.constant 1 : i32
      %dma_wait3A_296 = arith.constant 1 : i32
      %dma_wait3A_297 = arith.constant 0 : i32
      %dma_wait3A_298 = arith.constant 0 : i32
      %dma_wait3A_299 = tpu.memref_slice %arg10[%dma_wait3A_295, %dma_wait3A_297, %dma_wait3A_298] : memref<7x128x32xf32, #tpu.memory_space<vmem>> -> memref<1x128x32xf32, #tpu.memory_space<vmem>>
      %dma_wait3A_300 = tpu.memref_squeeze %dma_wait3A_299 : memref<1x128x32xf32, #tpu.memory_space<vmem>> -> memref<128x32xf32, #tpu.memory_space<vmem>>
      %dma_wait3A_301 = arith.constant 0 : i32
      %dma_wait3A_302 = tpu.memref_slice %arg9[%dma_wait3A_296, %dma_wait3A_301] : memref<7x128xi32, #tpu.memory_space<vmem>> -> memref<1x128xi32, #tpu.memory_space<vmem>>
      %dma_wait3A_303 = tpu.memref_squeeze %dma_wait3A_302 : memref<1x128xi32, #tpu.memory_space<vmem>> -> memref<128xi32, #tpu.memory_space<vmem>>
      %dma_wait3A_304 = arith.constant 0 : i32
      %dma_wait3A_305 = arith.constant 0 : i32
      %dma_wait3A_306 = tpu.memref_slice %arg7[%dma_wait3A_304, %dma_wait3A_305] : memref<50176x32xf32, #tpu.memory_space<vmem_shared>> -> memref<50176x32xf32, #tpu.memory_space<vmem_shared>>
      tpu.wait_indirect_dma semaphore(%arg19 : memref<!tpu.dma_semaphore, #tpu.memory_space<semaphore_mem>>) src(%dma_wait3A_300 : memref<128x32xf32, #tpu.memory_space<vmem>>) dst(%dma_wait3A_306 : memref<50176x32xf32, #tpu.memory_space<vmem_shared>>)
      %dma_wait3A_307 = arith.constant 2 : i32
      %dma_wait3A_308 = arith.constant 2 : i32
      %dma_wait3A_309 = arith.constant 0 : i32
      %dma_wait3A_310 = arith.constant 0 : i32
      %dma_wait3A_311 = tpu.memref_slice %arg10[%dma_wait3A_307, %dma_wait3A_309, %dma_wait3A_310] : memref<7x128x32xf32, #tpu.memory_space<vmem>> -> memref<1x128x32xf32, #tpu.memory_space<vmem>>
      %dma_wait3A_312 = tpu.memref_squeeze %dma_wait3A_311 : memref<1x128x32xf32, #tpu.memory_space<vmem>> -> memref<128x32xf32, #tpu.memory_space<vmem>>
      %dma_wait3A_313 = arith.constant 0 : i32
      %dma_wait3A_314 = tpu.memref_slice %arg9[%dma_wait3A_308, %dma_wait3A_313] : memref<7x128xi32, #tpu.memory_space<vmem>> -> memref<1x128xi32, #tpu.memory_space<vmem>>
      %dma_wait3A_315 = tpu.memref_squeeze %dma_wait3A_314 : memref<1x128xi32, #tpu.memory_space<vmem>> -> memref<128xi32, #tpu.memory_space<vmem>>
      %dma_wait3A_316 = arith.constant 0 : i32
      %dma_wait3A_317 = arith.constant 0 : i32
      %dma_wait3A_318 = tpu.memref_slice %arg7[%dma_wait3A_316, %dma_wait3A_317] : memref<50176x32xf32, #tpu.memory_space<vmem_shared>> -> memref<50176x32xf32, #tpu.memory_space<vmem_shared>>
      tpu.wait_indirect_dma semaphore(%arg20 : memref<!tpu.dma_semaphore, #tpu.memory_space<semaphore_mem>>) src(%dma_wait3A_312 : memref<128x32xf32, #tpu.memory_space<vmem>>) dst(%dma_wait3A_318 : memref<50176x32xf32, #tpu.memory_space<vmem_shared>>)
      %dma_wait3A_319 = arith.constant 3 : i32
      %dma_wait3A_320 = arith.constant 3 : i32
      %dma_wait3A_321 = arith.constant 0 : i32
      %dma_wait3A_322 = arith.constant 0 : i32
      %dma_wait3A_323 = tpu.memref_slice %arg10[%dma_wait3A_319, %dma_wait3A_321, %dma_wait3A_322] : memref<7x128x32xf32, #tpu.memory_space<vmem>> -> memref<1x128x32xf32, #tpu.memory_space<vmem>>
      %dma_wait3A_324 = tpu.memref_squeeze %dma_wait3A_323 : memref<1x128x32xf32, #tpu.memory_space<vmem>> -> memref<128x32xf32, #tpu.memory_space<vmem>>
      %dma_wait3A_325 = arith.constant 0 : i32
      %dma_wait3A_326 = tpu.memref_slice %arg9[%dma_wait3A_320, %dma_wait3A_325] : memref<7x128xi32, #tpu.memory_space<vmem>> -> memref<1x128xi32, #tpu.memory_space<vmem>>
      %dma_wait3A_327 = tpu.memref_squeeze %dma_wait3A_326 : memref<1x128xi32, #tpu.memory_space<vmem>> -> memref<128xi32, #tpu.memory_space<vmem>>
      %dma_wait3A_328 = arith.constant 0 : i32
      %dma_wait3A_329 = arith.constant 0 : i32
      %dma_wait3A_330 = tpu.memref_slice %arg7[%dma_wait3A_328, %dma_wait3A_329] : memref<50176x32xf32, #tpu.memory_space<vmem_shared>> -> memref<50176x32xf32, #tpu.memory_space<vmem_shared>>
      tpu.wait_indirect_dma semaphore(%arg21 : memref<!tpu.dma_semaphore, #tpu.memory_space<semaphore_mem>>) src(%dma_wait3A_324 : memref<128x32xf32, #tpu.memory_space<vmem>>) dst(%dma_wait3A_330 : memref<50176x32xf32, #tpu.memory_space<vmem_shared>>)
      %dma_wait3A_331 = arith.constant 4 : i32
      %dma_wait3A_332 = arith.constant 4 : i32
      %dma_wait3A_333 = arith.constant 0 : i32
      %dma_wait3A_334 = arith.constant 0 : i32
      %dma_wait3A_335 = tpu.memref_slice %arg10[%dma_wait3A_331, %dma_wait3A_333, %dma_wait3A_334] : memref<7x128x32xf32, #tpu.memory_space<vmem>> -> memref<1x128x32xf32, #tpu.memory_space<vmem>>
      %dma_wait3A_336 = tpu.memref_squeeze %dma_wait3A_335 : memref<1x128x32xf32, #tpu.memory_space<vmem>> -> memref<128x32xf32, #tpu.memory_space<vmem>>
      %dma_wait3A_337 = arith.constant 0 : i32
      %dma_wait3A_338 = tpu.memref_slice %arg9[%dma_wait3A_332, %dma_wait3A_337] : memref<7x128xi32, #tpu.memory_space<vmem>> -> memref<1x128xi32, #tpu.memory_space<vmem>>
      %dma_wait3A_339 = tpu.memref_squeeze %dma_wait3A_338 : memref<1x128xi32, #tpu.memory_space<vmem>> -> memref<128xi32, #tpu.memory_space<vmem>>
      %dma_wait3A_340 = arith.constant 0 : i32
      %dma_wait3A_341 = arith.constant 0 : i32
      %dma_wait3A_342 = tpu.memref_slice %arg7[%dma_wait3A_340, %dma_wait3A_341] : memref<50176x32xf32, #tpu.memory_space<vmem_shared>> -> memref<50176x32xf32, #tpu.memory_space<vmem_shared>>
      tpu.wait_indirect_dma semaphore(%arg22 : memref<!tpu.dma_semaphore, #tpu.memory_space<semaphore_mem>>) src(%dma_wait3A_336 : memref<128x32xf32, #tpu.memory_space<vmem>>) dst(%dma_wait3A_342 : memref<50176x32xf32, #tpu.memory_space<vmem_shared>>)
      %dma_wait3A_343 = arith.constant 5 : i32
      %dma_wait3A_344 = arith.constant 5 : i32
      %dma_wait3A_345 = arith.constant 0 : i32
      %dma_wait3A_346 = arith.constant 0 : i32
      %dma_wait3A_347 = tpu.memref_slice %arg10[%dma_wait3A_343, %dma_wait3A_345, %dma_wait3A_346] : memref<7x128x32xf32, #tpu.memory_space<vmem>> -> memref<1x128x32xf32, #tpu.memory_space<vmem>>
      %dma_wait3A_348 = tpu.memref_squeeze %dma_wait3A_347 : memref<1x128x32xf32, #tpu.memory_space<vmem>> -> memref<128x32xf32, #tpu.memory_space<vmem>>
      %dma_wait3A_349 = arith.constant 0 : i32
      %dma_wait3A_350 = tpu.memref_slice %arg9[%dma_wait3A_344, %dma_wait3A_349] : memref<7x128xi32, #tpu.memory_space<vmem>> -> memref<1x128xi32, #tpu.memory_space<vmem>>
      %dma_wait3A_351 = tpu.memref_squeeze %dma_wait3A_350 : memref<1x128xi32, #tpu.memory_space<vmem>> -> memref<128xi32, #tpu.memory_space<vmem>>
      %dma_wait3A_352 = arith.constant 0 : i32
      %dma_wait3A_353 = arith.constant 0 : i32
      %dma_wait3A_354 = tpu.memref_slice %arg7[%dma_wait3A_352, %dma_wait3A_353] : memref<50176x32xf32, #tpu.memory_space<vmem_shared>> -> memref<50176x32xf32, #tpu.memory_space<vmem_shared>>
      tpu.wait_indirect_dma semaphore(%arg23 : memref<!tpu.dma_semaphore, #tpu.memory_space<semaphore_mem>>) src(%dma_wait3A_348 : memref<128x32xf32, #tpu.memory_space<vmem>>) dst(%dma_wait3A_354 : memref<50176x32xf32, #tpu.memory_space<vmem_shared>>)
      %dma_wait3A_355 = arith.constant 6 : i32
      %dma_wait3A_356 = arith.constant 6 : i32
      %dma_wait3A_357 = arith.constant 0 : i32
      %dma_wait3A_358 = arith.constant 0 : i32
      %dma_wait3A_359 = tpu.memref_slice %arg10[%dma_wait3A_355, %dma_wait3A_357, %dma_wait3A_358] : memref<7x128x32xf32, #tpu.memory_space<vmem>> -> memref<1x128x32xf32, #tpu.memory_space<vmem>>
      %dma_wait3A_360 = tpu.memref_squeeze %dma_wait3A_359 : memref<1x128x32xf32, #tpu.memory_space<vmem>> -> memref<128x32xf32, #tpu.memory_space<vmem>>
      %dma_wait3A_361 = arith.constant 0 : i32
      %dma_wait3A_362 = tpu.memref_slice %arg9[%dma_wait3A_356, %dma_wait3A_361] : memref<7x128xi32, #tpu.memory_space<vmem>> -> memref<1x128xi32, #tpu.memory_space<vmem>>
      %dma_wait3A_363 = tpu.memref_squeeze %dma_wait3A_362 : memref<1x128xi32, #tpu.memory_space<vmem>> -> memref<128xi32, #tpu.memory_space<vmem>>
      %dma_wait3A_364 = arith.constant 0 : i32
      %dma_wait3A_365 = arith.constant 0 : i32
      %dma_wait3A_366 = tpu.memref_slice %arg7[%dma_wait3A_364, %dma_wait3A_365] : memref<50176x32xf32, #tpu.memory_space<vmem_shared>> -> memref<50176x32xf32, #tpu.memory_space<vmem_shared>>
      tpu.wait_indirect_dma semaphore(%arg24 : memref<!tpu.dma_semaphore, #tpu.memory_space<semaphore_mem>>) src(%dma_wait3A_360 : memref<128x32xf32, #tpu.memory_space<vmem>>) dst(%dma_wait3A_366 : memref<50176x32xf32, #tpu.memory_space<vmem_shared>>)
    }
    %scan3A_20 = arith.constant 56 : i32
    %barrier3A_21 = arith.constant 0 : index
    tpu.barrier barrier_id(%barrier3A_21)
    %mul3A_22 = arith.constant 3136 : i32
    %mul3A_23 = arith.muli %arg1, %mul3A_22 : i32
    %mul3A_24 = arith.constant 3136 : i32
    %mul3A_25 = arith.muli %arg1, %mul3A_24 : i32
    "tpu.region"() ({
      %run_scoped3A = tpu.sem_alloc : memref<!tpu.dma_semaphore, #tpu.memory_space<semaphore_mem>>
      %dma_start3A = arith.constant 0 : i32
      %dma_start3A_26 = tpu.memref_slice %arg6[%arg0, %mul3A_25, %dma_start3A] : memref<2x50176x32xf32, #tpu.memory_space<hbm>> -> memref<1x3136x32xf32, #tpu.memory_space<hbm>>
      %dma_start3A_27 = tpu.memref_squeeze %dma_start3A_26 : memref<1x3136x32xf32, #tpu.memory_space<hbm>> -> memref<3136x32xf32, #tpu.memory_space<hbm>>
      %dma_start3A_28 = arith.constant 0 : i32
      %dma_start3A_29 = tpu.memref_slice %arg7[%mul3A_23, %dma_start3A_28] : memref<50176x32xf32, #tpu.memory_space<vmem_shared>> -> memref<3136x32xf32, #tpu.memory_space<vmem_shared>>
      tpu.enqueue_dma source(%dma_start3A_29 : memref<3136x32xf32, #tpu.memory_space<vmem_shared>>) target(%dma_start3A_27 : memref<3136x32xf32, #tpu.memory_space<hbm>>) target_semaphore(%run_scoped3A : memref<!tpu.dma_semaphore, #tpu.memory_space<semaphore_mem>>)
      %dma_wait3A = arith.constant 0 : i32
      %dma_wait3A_30 = tpu.memref_slice %arg6[%arg0, %mul3A_25, %dma_wait3A] : memref<2x50176x32xf32, #tpu.memory_space<hbm>> -> memref<1x3136x32xf32, #tpu.memory_space<hbm>>
      %dma_wait3A_31 = tpu.memref_squeeze %dma_wait3A_30 : memref<1x3136x32xf32, #tpu.memory_space<hbm>> -> memref<3136x32xf32, #tpu.memory_space<hbm>>
      %dma_wait3A_32 = arith.constant 0 : i32
      %dma_wait3A_33 = tpu.memref_slice %arg7[%mul3A_23, %dma_wait3A_32] : memref<50176x32xf32, #tpu.memory_space<vmem_shared>> -> memref<3136x32xf32, #tpu.memory_space<vmem_shared>>
      tpu.wait_dma2 semaphore(%run_scoped3A : memref<!tpu.dma_semaphore, #tpu.memory_space<semaphore_mem>>) src(%dma_wait3A_33 : memref<3136x32xf32, #tpu.memory_space<vmem_shared>>) dst(%dma_wait3A_31 : memref<3136x32xf32, #tpu.memory_space<hbm>>)
      tpu.yield
    }) : () -> ()
    return
  }
}

#map = affine_map<(d0, d1) -> (0, 0)>
#map1 = affine_map<(d0, d1) -> (0, 0, 0)>
module attributes {stable_mosaic.version = 14 : i64} {
  func.func @body(%arg0: i32, %arg1: i32, %arg2: memref<100352x32xf32, #tpu.memory_space<hbm>>, %arg3: memref<2x6272x128xi32, #tpu.memory_space<hbm>>, %arg4: memref<6272x128xi32, #tpu.memory_space<hbm>>, %arg5: memref<784x32xf32, #tpu.memory_space<hbm>>, %arg6: memref<2x50176x32xf32, #tpu.memory_space<hbm>>, %arg7: memref<50176x32xf32, #tpu.memory_space<vmem_shared>>, %arg8: memref<7x128xi32, #tpu.memory_space<vmem>>, %arg9: memref<7x128xi32, #tpu.memory_space<vmem>>, %arg10: memref<7x128x32xf32, #tpu.memory_space<vmem>>, %arg11: memref<!tpu.dma_semaphore, #tpu.memory_space<semaphore_mem>>, %arg12: memref<!tpu.dma_semaphore, #tpu.memory_space<semaphore_mem>>, %arg13: memref<!tpu.dma_semaphore, #tpu.memory_space<semaphore_mem>>, %arg14: memref<!tpu.dma_semaphore, #tpu.memory_space<semaphore_mem>>, %arg15: memref<!tpu.dma_semaphore, #tpu.memory_space<semaphore_mem>>, %arg16: memref<!tpu.dma_semaphore, #tpu.memory_space<semaphore_mem>>, %arg17: memref<!tpu.dma_semaphore, #tpu.memory_space<semaphore_mem>>, %arg18: memref<!tpu.dma_semaphore, #tpu.memory_space<semaphore_mem>>, %arg19: memref<!tpu.dma_semaphore, #tpu.memory_space<semaphore_mem>>, %arg20: memref<!tpu.dma_semaphore, #tpu.memory_space<semaphore_mem>>, %arg21: memref<!tpu.dma_semaphore, #tpu.memory_space<semaphore_mem>>, %arg22: memref<!tpu.dma_semaphore, #tpu.memory_space<semaphore_mem>>, %arg23: memref<!tpu.dma_semaphore, #tpu.memory_space<semaphore_mem>>, %arg24: memref<!tpu.dma_semaphore, #tpu.memory_space<semaphore_mem>>) attributes {dimension_semantics = [#tpu.dimension_semantics<core_parallel>, #tpu.dimension_semantics<subcore_parallel>], iteration_bounds = array<i64: 2, 16>, scalar_prefetch = 0 : i64, scratch_operands = 18 : i64, tpu.core_type = #tpu.core_type<sc_vector_subcore>, window_params = [{transform_indices = #map}, {transform_indices = #map1}, {transform_indices = #map}, {transform_indices = #map}, {transform_indices = #map1}]} {
    %mul3A = arith.constant 3136 : i32
    %mul3A_0 = arith.muli %arg1, %mul3A : i32
    %add3A = arith.constant 0 : i32
    %add3A_1 = arith.addi %mul3A_0, %add3A : i32
    "tpu.region"() ({
      %run_scoped3A = tpu.sem_alloc : memref<!tpu.dma_semaphore, #tpu.memory_space<semaphore_mem>>
      %dma_start3A = arith.constant 0 : i32
      %dma_start3A_26 = tpu.memref_slice %arg7[%add3A_1, %dma_start3A] : memref<50176x32xf32, #tpu.memory_space<vmem_shared>> -> memref<784x32xf32, #tpu.memory_space<vmem_shared>>
      %dma_start3A_27 = arith.constant 0 : i32
      %dma_start3A_28 = arith.constant 0 : i32
      %dma_start3A_29 = tpu.memref_slice %arg5[%dma_start3A_27, %dma_start3A_28] : memref<784x32xf32, #tpu.memory_space<hbm>> -> memref<784x32xf32, #tpu.memory_space<hbm>>
      tpu.enqueue_dma source(%dma_start3A_29 : memref<784x32xf32, #tpu.memory_space<hbm>>) target(%dma_start3A_26 : memref<784x32xf32, #tpu.memory_space<vmem_shared>>) target_semaphore(%run_scoped3A : memref<!tpu.dma_semaphore, #tpu.memory_space<semaphore_mem>>)
      %dma_wait3A = arith.constant 0 : i32
      %dma_wait3A_30 = tpu.memref_slice %arg7[%add3A_1, %dma_wait3A] : memref<50176x32xf32, #tpu.memory_space<vmem_shared>> -> memref<784x32xf32, #tpu.memory_space<vmem_shared>>
      %dma_wait3A_31 = arith.constant 0 : i32
      %dma_wait3A_32 = arith.constant 0 : i32
      %dma_wait3A_33 = tpu.memref_slice %arg5[%dma_wait3A_31, %dma_wait3A_32] : memref<784x32xf32, #tpu.memory_space<hbm>> -> memref<784x32xf32, #tpu.memory_space<hbm>>
      tpu.wait_dma2 semaphore(%run_scoped3A : memref<!tpu.dma_semaphore, #tpu.memory_space<semaphore_mem>>) src(%dma_wait3A_33 : memref<784x32xf32, #tpu.memory_space<hbm>>) dst(%dma_wait3A_30 : memref<784x32xf32, #tpu.memory_space<vmem_shared>>)
      tpu.yield
    }) : () -> ()
    %mul3A_2 = arith.constant 3136 : i32
    %mul3A_3 = arith.muli %arg1, %mul3A_2 : i32
    %add3A_4 = arith.constant 784 : i32
    %add3A_5 = arith.addi %mul3A_3, %add3A_4 : i32
    "tpu.region"() ({
      %run_scoped3A = tpu.sem_alloc : memref<!tpu.dma_semaphore, #tpu.memory_space<semaphore_mem>>
      %dma_start3A = arith.constant 0 : i32
      %dma_start3A_26 = tpu.memref_slice %arg7[%add3A_5, %dma_start3A] : memref<50176x32xf32, #tpu.memory_space<vmem_shared>> -> memref<784x32xf32, #tpu.memory_space<vmem_shared>>
      %dma_start3A_27 = arith.constant 0 : i32
      %dma_start3A_28 = arith.constant 0 : i32
      %dma_start3A_29 = tpu.memref_slice %arg5[%dma_start3A_27, %dma_start3A_28] : memref<784x32xf32, #tpu.memory_space<hbm>> -> memref<784x32xf32, #tpu.memory_space<hbm>>
      tpu.enqueue_dma source(%dma_start3A_29 : memref<784x32xf32, #tpu.memory_space<hbm>>) target(%dma_start3A_26 : memref<784x32xf32, #tpu.memory_space<vmem_shared>>) target_semaphore(%run_scoped3A : memref<!tpu.dma_semaphore, #tpu.memory_space<semaphore_mem>>)
      %dma_wait3A = arith.constant 0 : i32
      %dma_wait3A_30 = tpu.memref_slice %arg7[%add3A_5, %dma_wait3A] : memref<50176x32xf32, #tpu.memory_space<vmem_shared>> -> memref<784x32xf32, #tpu.memory_space<vmem_shared>>
      %dma_wait3A_31 = arith.constant 0 : i32
      %dma_wait3A_32 = arith.constant 0 : i32
      %dma_wait3A_33 = tpu.memref_slice %arg5[%dma_wait3A_31, %dma_wait3A_32] : memref<784x32xf32, #tpu.memory_space<hbm>> -> memref<784x32xf32, #tpu.memory_space<hbm>>
      tpu.wait_dma2 semaphore(%run_scoped3A : memref<!tpu.dma_semaphore, #tpu.memory_space<semaphore_mem>>) src(%dma_wait3A_33 : memref<784x32xf32, #tpu.memory_space<hbm>>) dst(%dma_wait3A_30 : memref<784x32xf32, #tpu.memory_space<vmem_shared>>)
      tpu.yield
    }) : () -> ()
    %mul3A_6 = arith.constant 3136 : i32
    %mul3A_7 = arith.muli %arg1, %mul3A_6 : i32
    %add3A_8 = arith.constant 1568 : i32
    %add3A_9 = arith.addi %mul3A_7, %add3A_8 : i32
    "tpu.region"() ({
      %run_scoped3A = tpu.sem_alloc : memref<!tpu.dma_semaphore, #tpu.memory_space<semaphore_mem>>
      %dma_start3A = arith.constant 0 : i32
      %dma_start3A_26 = tpu.memref_slice %arg7[%add3A_9, %dma_start3A] : memref<50176x32xf32, #tpu.memory_space<vmem_shared>> -> memref<784x32xf32, #tpu.memory_space<vmem_shared>>
      %dma_start3A_27 = arith.constant 0 : i32
      %dma_start3A_28 = arith.constant 0 : i32
      %dma_start3A_29 = tpu.memref_slice %arg5[%dma_start3A_27, %dma_start3A_28] : memref<784x32xf32, #tpu.memory_space<hbm>> -> memref<784x32xf32, #tpu.memory_space<hbm>>
      tpu.enqueue_dma source(%dma_start3A_29 : memref<784x32xf32, #tpu.memory_space<hbm>>) target(%dma_start3A_26 : memref<784x32xf32, #tpu.memory_space<vmem_shared>>) target_semaphore(%run_scoped3A : memref<!tpu.dma_semaphore, #tpu.memory_space<semaphore_mem>>)
      %dma_wait3A = arith.constant 0 : i32
      %dma_wait3A_30 = tpu.memref_slice %arg7[%add3A_9, %dma_wait3A] : memref<50176x32xf32, #tpu.memory_space<vmem_shared>> -> memref<784x32xf32, #tpu.memory_space<vmem_shared>>
      %dma_wait3A_31 = arith.constant 0 : i32
      %dma_wait3A_32 = arith.constant 0 : i32
      %dma_wait3A_33 = tpu.memref_slice %arg5[%dma_wait3A_31, %dma_wait3A_32] : memref<784x32xf32, #tpu.memory_space<hbm>> -> memref<784x32xf32, #tpu.memory_space<hbm>>
      tpu.wait_dma2 semaphore(%run_scoped3A : memref<!tpu.dma_semaphore, #tpu.memory_space<semaphore_mem>>) src(%dma_wait3A_33 : memref<784x32xf32, #tpu.memory_space<hbm>>) dst(%dma_wait3A_30 : memref<784x32xf32, #tpu.memory_space<vmem_shared>>)
      tpu.yield
    }) : () -> ()
    %mul3A_10 = arith.constant 3136 : i32
    %mul3A_11 = arith.muli %arg1, %mul3A_10 : i32
    %add3A_12 = arith.constant 2352 : i32
    %add3A_13 = arith.addi %mul3A_11, %add3A_12 : i32
    "tpu.region"() ({
      %run_scoped3A = tpu.sem_alloc : memref<!tpu.dma_semaphore, #tpu.memory_space<semaphore_mem>>
      %dma_start3A = arith.constant 0 : i32
      %dma_start3A_26 = tpu.memref_slice %arg7[%add3A_13, %dma_start3A] : memref<50176x32xf32, #tpu.memory_space<vmem_shared>> -> memref<784x32xf32, #tpu.memory_space<vmem_shared>>
      %dma_start3A_27 = arith.constant 0 : i32
      %dma_start3A_28 = arith.constant 0 : i32
      %dma_start3A_29 = tpu.memref_slice %arg5[%dma_start3A_27, %dma_start3A_28] : memref<784x32xf32, #tpu.memory_space<hbm>> -> memref<784x32xf32, #tpu.memory_space<hbm>>
      tpu.enqueue_dma source(%dma_start3A_29 : memref<784x32xf32, #tpu.memory_space<hbm>>) target(%dma_start3A_26 : memref<784x32xf32, #tpu.memory_space<vmem_shared>>) target_semaphore(%run_scoped3A : memref<!tpu.dma_semaphore, #tpu.memory_space<semaphore_mem>>)
      %dma_wait3A = arith.constant 0 : i32
      %dma_wait3A_30 = tpu.memref_slice %arg7[%add3A_13, %dma_wait3A] : memref<50176x32xf32, #tpu.memory_space<vmem_shared>> -> memref<784x32xf32, #tpu.memory_space<vmem_shared>>
      %dma_wait3A_31 = arith.constant 0 : i32
      %dma_wait3A_32 = arith.constant 0 : i32
      %dma_wait3A_33 = tpu.memref_slice %arg5[%dma_wait3A_31, %dma_wait3A_32] : memref<784x32xf32, #tpu.memory_space<hbm>> -> memref<784x32xf32, #tpu.memory_space<hbm>>
      tpu.wait_dma2 semaphore(%run_scoped3A : memref<!tpu.dma_semaphore, #tpu.memory_space<semaphore_mem>>) src(%dma_wait3A_33 : memref<784x32xf32, #tpu.memory_space<hbm>>) dst(%dma_wait3A_30 : memref<784x32xf32, #tpu.memory_space<vmem_shared>>)
      tpu.yield
    }) : () -> ()
    %barrier3A = arith.constant 0 : index
    tpu.barrier barrier_id(%barrier3A)
    %mul3A_14 = arith.constant 392 : i32
    %mul3A_15 = arith.muli %arg1, %mul3A_14 : i32
    "tpu.region"() ({
      %run_scoped3A = tpu.sem_alloc : memref<!tpu.dma_semaphore, #tpu.memory_space<semaphore_mem>>
      %dma_start3A = arith.constant 0 : i32
      %dma_start3A_26 = tpu.memref_slice %arg3[%arg0, %mul3A_15, %dma_start3A] : memref<2x6272x128xi32, #tpu.memory_space<hbm>> -> memref<1x7x128xi32, #tpu.memory_space<hbm>>
      %dma_start3A_27 = tpu.memref_squeeze %dma_start3A_26 : memref<1x7x128xi32, #tpu.memory_space<hbm>> -> memref<7x128xi32, #tpu.memory_space<hbm>>
      %dma_start3A_28 = arith.constant 0 : i32
      %dma_start3A_29 = tpu.memref_slice %arg3[%arg0, %mul3A_15, %dma_start3A_28] : memref<2x6272x128xi32, #tpu.memory_space<hbm>> -> memref<1x7x128xi32, #tpu.memory_space<hbm>>
      %dma_start3A_30 = tpu.memref_squeeze %dma_start3A_29 : memref<1x7x128xi32, #tpu.memory_space<hbm>> -> memref<7x128xi32, #tpu.memory_space<hbm>>
      tpu.enqueue_dma source(%dma_start3A_30 : memref<7x128xi32, #tpu.memory_space<hbm>>) target(%arg8 : memref<7x128xi32, #tpu.memory_space<vmem>>) target_semaphore(%run_scoped3A : memref<!tpu.dma_semaphore, #tpu.memory_space<semaphore_mem>>)
      %dma_wait3A = arith.constant 0 : i32
      %dma_wait3A_31 = tpu.memref_slice %arg3[%arg0, %mul3A_15, %dma_wait3A] : memref<2x6272x128xi32, #tpu.memory_space<hbm>> -> memref<1x7x128xi32, #tpu.memory_space<hbm>>
      %dma_wait3A_32 = tpu.memref_squeeze %dma_wait3A_31 : memref<1x7x128xi32, #tpu.memory_space<hbm>> -> memref<7x128xi32, #tpu.memory_space<hbm>>
      %dma_wait3A_33 = arith.constant 0 : i32
      %dma_wait3A_34 = tpu.memref_slice %arg3[%arg0, %mul3A_15, %dma_wait3A_33] : memref<2x6272x128xi32, #tpu.memory_space<hbm>> -> memref<1x7x128xi32, #tpu.memory_space<hbm>>
      %dma_wait3A_35 = tpu.memref_squeeze %dma_wait3A_34 : memref<1x7x128xi32, #tpu.memory_space<hbm>> -> memref<7x128xi32, #tpu.memory_space<hbm>>
      tpu.wait_dma2 semaphore(%run_scoped3A : memref<!tpu.dma_semaphore, #tpu.memory_space<semaphore_mem>>) src(%dma_wait3A_35 : memref<7x128xi32, #tpu.memory_space<hbm>>) dst(%arg8 : memref<7x128xi32, #tpu.memory_space<vmem>>)
      tpu.yield
    }) : () -> ()
    %scan3A = arith.constant 0 : i32
    %scan3A_16 = arith.constant 0 : i32
    %scan3A_17 = arith.constant 56 : i32
    %scan3A_18 = arith.addi %scan3A_16, %scan3A_17 : i32
    %scan3A_19 = arith.constant 1 : i32
    scf.for %scan3A_26 = %scan3A_16 to %scan3A_18 step %scan3A_19  : i32 {
      %mul3A_27 = arith.constant 7 : i32
      %mul3A_28 = arith.muli %scan3A_26, %mul3A_27 : i32
      %add3A_29 = arith.addi %mul3A_15, %mul3A_28 : i32
      %dma_start3A = arith.constant 0 : i32
      %dma_start3A_30 = arith.constant 0 : i32
      %dma_start3A_31 = arith.constant 0 : i32
      %dma_start3A_32 = arith.constant 0 : i32
      %dma_start3A_33 = tpu.memref_slice %arg10[%dma_start3A_30, %dma_start3A_31, %dma_start3A_32] : memref<7x128x32xf32, #tpu.memory_space<vmem>> -> memref<1x128x32xf32, #tpu.memory_space<vmem>>
      %dma_start3A_34 = tpu.memref_squeeze %dma_start3A_33 : memref<1x128x32xf32, #tpu.memory_space<vmem>> -> memref<128x32xf32, #tpu.memory_space<vmem>>
      %dma_start3A_35 = arith.constant 0 : i32
      %dma_start3A_36 = tpu.memref_slice %arg8[%dma_start3A, %dma_start3A_35] : memref<7x128xi32, #tpu.memory_space<vmem>> -> memref<1x128xi32, #tpu.memory_space<vmem>>
      %dma_start3A_37 = tpu.memref_squeeze %dma_start3A_36 : memref<1x128xi32, #tpu.memory_space<vmem>> -> memref<128xi32, #tpu.memory_space<vmem>>
      %dma_start3A_38 = arith.constant 0 : i32
      %dma_start3A_39 = arith.constant 0 : i32
      %dma_start3A_40 = tpu.memref_slice %arg2[%dma_start3A_38, %dma_start3A_39] : memref<100352x32xf32, #tpu.memory_space<hbm>> -> memref<100352x32xf32, #tpu.memory_space<hbm>>
      tpu.enqueue_indirect_dma source(%dma_start3A_40 : memref<100352x32xf32, #tpu.memory_space<hbm>>) target(%dma_start3A_34 : memref<128x32xf32, #tpu.memory_space<vmem>>) offsets(%dma_start3A_37 : memref<128xi32, #tpu.memory_space<vmem>>) semaphore(%arg11 : memref<!tpu.dma_semaphore, #tpu.memory_space<semaphore_mem>>)
      %dma_start3A_41 = arith.constant 1 : i32
      %dma_start3A_42 = arith.constant 1 : i32
      %dma_start3A_43 = arith.constant 0 : i32
      %dma_start3A_44 = arith.constant 0 : i32
      %dma_start3A_45 = tpu.memref_slice %arg10[%dma_start3A_42, %dma_start3A_43, %dma_start3A_44] : memref<7x128x32xf32, #tpu.memory_space<vmem>> -> memref<1x128x32xf32, #tpu.memory_space<vmem>>
      %dma_start3A_46 = tpu.memref_squeeze %dma_start3A_45 : memref<1x128x32xf32, #tpu.memory_space<vmem>> -> memref<128x32xf32, #tpu.memory_space<vmem>>
      %dma_start3A_47 = arith.constant 0 : i32
      %dma_start3A_48 = tpu.memref_slice %arg8[%dma_start3A_41, %dma_start3A_47] : memref<7x128xi32, #tpu.memory_space<vmem>> -> memref<1x128xi32, #tpu.memory_space<vmem>>
      %dma_start3A_49 = tpu.memref_squeeze %dma_start3A_48 : memref<1x128xi32, #tpu.memory_space<vmem>> -> memref<128xi32, #tpu.memory_space<vmem>>
      %dma_start3A_50 = arith.constant 0 : i32
      %dma_start3A_51 = arith.constant 0 : i32
      %dma_start3A_52 = tpu.memref_slice %arg2[%dma_start3A_50, %dma_start3A_51] : memref<100352x32xf32, #tpu.memory_space<hbm>> -> memref<100352x32xf32, #tpu.memory_space<hbm>>
      tpu.enqueue_indirect_dma source(%dma_start3A_52 : memref<100352x32xf32, #tpu.memory_space<hbm>>) target(%dma_start3A_46 : memref<128x32xf32, #tpu.memory_space<vmem>>) offsets(%dma_start3A_49 : memref<128xi32, #tpu.memory_space<vmem>>) semaphore(%arg12 : memref<!tpu.dma_semaphore, #tpu.memory_space<semaphore_mem>>)
      %dma_start3A_53 = arith.constant 2 : i32
      %dma_start3A_54 = arith.constant 2 : i32
      %dma_start3A_55 = arith.constant 0 : i32
      %dma_start3A_56 = arith.constant 0 : i32
      %dma_start3A_57 = tpu.memref_slice %arg10[%dma_start3A_54, %dma_start3A_55, %dma_start3A_56] : memref<7x128x32xf32, #tpu.memory_space<vmem>> -> memref<1x128x32xf32, #tpu.memory_space<vmem>>
      %dma_start3A_58 = tpu.memref_squeeze %dma_start3A_57 : memref<1x128x32xf32, #tpu.memory_space<vmem>> -> memref<128x32xf32, #tpu.memory_space<vmem>>
      %dma_start3A_59 = arith.constant 0 : i32
      %dma_start3A_60 = tpu.memref_slice %arg8[%dma_start3A_53, %dma_start3A_59] : memref<7x128xi32, #tpu.memory_space<vmem>> -> memref<1x128xi32, #tpu.memory_space<vmem>>
      %dma_start3A_61 = tpu.memref_squeeze %dma_start3A_60 : memref<1x128xi32, #tpu.memory_space<vmem>> -> memref<128xi32, #tpu.memory_space<vmem>>
      %dma_start3A_62 = arith.constant 0 : i32
      %dma_start3A_63 = arith.constant 0 : i32
      %dma_start3A_64 = tpu.memref_slice %arg2[%dma_start3A_62, %dma_start3A_63] : memref<100352x32xf32, #tpu.memory_space<hbm>> -> memref<100352x32xf32, #tpu.memory_space<hbm>>
      tpu.enqueue_indirect_dma source(%dma_start3A_64 : memref<100352x32xf32, #tpu.memory_space<hbm>>) target(%dma_start3A_58 : memref<128x32xf32, #tpu.memory_space<vmem>>) offsets(%dma_start3A_61 : memref<128xi32, #tpu.memory_space<vmem>>) semaphore(%arg13 : memref<!tpu.dma_semaphore, #tpu.memory_space<semaphore_mem>>)
      %dma_start3A_65 = arith.constant 3 : i32
      %dma_start3A_66 = arith.constant 3 : i32
      %dma_start3A_67 = arith.constant 0 : i32
      %dma_start3A_68 = arith.constant 0 : i32
      %dma_start3A_69 = tpu.memref_slice %arg10[%dma_start3A_66, %dma_start3A_67, %dma_start3A_68] : memref<7x128x32xf32, #tpu.memory_space<vmem>> -> memref<1x128x32xf32, #tpu.memory_space<vmem>>
      %dma_start3A_70 = tpu.memref_squeeze %dma_start3A_69 : memref<1x128x32xf32, #tpu.memory_space<vmem>> -> memref<128x32xf32, #tpu.memory_space<vmem>>
      %dma_start3A_71 = arith.constant 0 : i32
      %dma_start3A_72 = tpu.memref_slice %arg8[%dma_start3A_65, %dma_start3A_71] : memref<7x128xi32, #tpu.memory_space<vmem>> -> memref<1x128xi32, #tpu.memory_space<vmem>>
      %dma_start3A_73 = tpu.memref_squeeze %dma_start3A_72 : memref<1x128xi32, #tpu.memory_space<vmem>> -> memref<128xi32, #tpu.memory_space<vmem>>
      %dma_start3A_74 = arith.constant 0 : i32
      %dma_start3A_75 = arith.constant 0 : i32
      %dma_start3A_76 = tpu.memref_slice %arg2[%dma_start3A_74, %dma_start3A_75] : memref<100352x32xf32, #tpu.memory_space<hbm>> -> memref<100352x32xf32, #tpu.memory_space<hbm>>
      tpu.enqueue_indirect_dma source(%dma_start3A_76 : memref<100352x32xf32, #tpu.memory_space<hbm>>) target(%dma_start3A_70 : memref<128x32xf32, #tpu.memory_space<vmem>>) offsets(%dma_start3A_73 : memref<128xi32, #tpu.memory_space<vmem>>) semaphore(%arg14 : memref<!tpu.dma_semaphore, #tpu.memory_space<semaphore_mem>>)
      %dma_start3A_77 = arith.constant 4 : i32
      %dma_start3A_78 = arith.constant 4 : i32
      %dma_start3A_79 = arith.constant 0 : i32
      %dma_start3A_80 = arith.constant 0 : i32
      %dma_start3A_81 = tpu.memref_slice %arg10[%dma_start3A_78, %dma_start3A_79, %dma_start3A_80] : memref<7x128x32xf32, #tpu.memory_space<vmem>> -> memref<1x128x32xf32, #tpu.memory_space<vmem>>
      %dma_start3A_82 = tpu.memref_squeeze %dma_start3A_81 : memref<1x128x32xf32, #tpu.memory_space<vmem>> -> memref<128x32xf32, #tpu.memory_space<vmem>>
      %dma_start3A_83 = arith.constant 0 : i32
      %dma_start3A_84 = tpu.memref_slice %arg8[%dma_start3A_77, %dma_start3A_83] : memref<7x128xi32, #tpu.memory_space<vmem>> -> memref<1x128xi32, #tpu.memory_space<vmem>>
      %dma_start3A_85 = tpu.memref_squeeze %dma_start3A_84 : memref<1x128xi32, #tpu.memory_space<vmem>> -> memref<128xi32, #tpu.memory_space<vmem>>
      %dma_start3A_86 = arith.constant 0 : i32
      %dma_start3A_87 = arith.constant 0 : i32
      %dma_start3A_88 = tpu.memref_slice %arg2[%dma_start3A_86, %dma_start3A_87] : memref<100352x32xf32, #tpu.memory_space<hbm>> -> memref<100352x32xf32, #tpu.memory_space<hbm>>
      tpu.enqueue_indirect_dma source(%dma_start3A_88 : memref<100352x32xf32, #tpu.memory_space<hbm>>) target(%dma_start3A_82 : memref<128x32xf32, #tpu.memory_space<vmem>>) offsets(%dma_start3A_85 : memref<128xi32, #tpu.memory_space<vmem>>) semaphore(%arg15 : memref<!tpu.dma_semaphore, #tpu.memory_space<semaphore_mem>>)
      %dma_start3A_89 = arith.constant 5 : i32
      %dma_start3A_90 = arith.constant 5 : i32
      %dma_start3A_91 = arith.constant 0 : i32
      %dma_start3A_92 = arith.constant 0 : i32
      %dma_start3A_93 = tpu.memref_slice %arg10[%dma_start3A_90, %dma_start3A_91, %dma_start3A_92] : memref<7x128x32xf32, #tpu.memory_space<vmem>> -> memref<1x128x32xf32, #tpu.memory_space<vmem>>
      %dma_start3A_94 = tpu.memref_squeeze %dma_start3A_93 : memref<1x128x32xf32, #tpu.memory_space<vmem>> -> memref<128x32xf32, #tpu.memory_space<vmem>>
      %dma_start3A_95 = arith.constant 0 : i32
      %dma_start3A_96 = tpu.memref_slice %arg8[%dma_start3A_89, %dma_start3A_95] : memref<7x128xi32, #tpu.memory_space<vmem>> -> memref<1x128xi32, #tpu.memory_space<vmem>>
      %dma_start3A_97 = tpu.memref_squeeze %dma_start3A_96 : memref<1x128xi32, #tpu.memory_space<vmem>> -> memref<128xi32, #tpu.memory_space<vmem>>
      %dma_start3A_98 = arith.constant 0 : i32
      %dma_start3A_99 = arith.constant 0 : i32
      %dma_start3A_100 = tpu.memref_slice %arg2[%dma_start3A_98, %dma_start3A_99] : memref<100352x32xf32, #tpu.memory_space<hbm>> -> memref<100352x32xf32, #tpu.memory_space<hbm>>
      tpu.enqueue_indirect_dma source(%dma_start3A_100 : memref<100352x32xf32, #tpu.memory_space<hbm>>) target(%dma_start3A_94 : memref<128x32xf32, #tpu.memory_space<vmem>>) offsets(%dma_start3A_97 : memref<128xi32, #tpu.memory_space<vmem>>) semaphore(%arg16 : memref<!tpu.dma_semaphore, #tpu.memory_space<semaphore_mem>>)
      %dma_start3A_101 = arith.constant 6 : i32
      %dma_start3A_102 = arith.constant 6 : i32
      %dma_start3A_103 = arith.constant 0 : i32
      %dma_start3A_104 = arith.constant 0 : i32
      %dma_start3A_105 = tpu.memref_slice %arg10[%dma_start3A_102, %dma_start3A_103, %dma_start3A_104] : memref<7x128x32xf32, #tpu.memory_space<vmem>> -> memref<1x128x32xf32, #tpu.memory_space<vmem>>
      %dma_start3A_106 = tpu.memref_squeeze %dma_start3A_105 : memref<1x128x32xf32, #tpu.memory_space<vmem>> -> memref<128x32xf32, #tpu.memory_space<vmem>>
      %dma_start3A_107 = arith.constant 0 : i32
      %dma_start3A_108 = tpu.memref_slice %arg8[%dma_start3A_101, %dma_start3A_107] : memref<7x128xi32, #tpu.memory_space<vmem>> -> memref<1x128xi32, #tpu.memory_space<vmem>>
      %dma_start3A_109 = tpu.memref_squeeze %dma_start3A_108 : memref<1x128xi32, #tpu.memory_space<vmem>> -> memref<128xi32, #tpu.memory_space<vmem>>
      %dma_start3A_110 = arith.constant 0 : i32
      %dma_start3A_111 = arith.constant 0 : i32
      %dma_start3A_112 = tpu.memref_slice %arg2[%dma_start3A_110, %dma_start3A_111] : memref<100352x32xf32, #tpu.memory_space<hbm>> -> memref<100352x32xf32, #tpu.memory_space<hbm>>
      tpu.enqueue_indirect_dma source(%dma_start3A_112 : memref<100352x32xf32, #tpu.memory_space<hbm>>) target(%dma_start3A_106 : memref<128x32xf32, #tpu.memory_space<vmem>>) offsets(%dma_start3A_109 : memref<128xi32, #tpu.memory_space<vmem>>) semaphore(%arg17 : memref<!tpu.dma_semaphore, #tpu.memory_space<semaphore_mem>>)
      "tpu.region"() ({
        %run_scoped3A = tpu.sem_alloc : memref<!tpu.dma_semaphore, #tpu.memory_space<semaphore_mem>>
        %dma_start3A_367 = arith.constant 0 : i32
        %dma_start3A_368 = tpu.memref_slice %arg4[%add3A_29, %dma_start3A_367] : memref<6272x128xi32, #tpu.memory_space<hbm>> -> memref<7x128xi32, #tpu.memory_space<hbm>>
        %dma_start3A_369 = arith.constant 0 : i32
        %dma_start3A_370 = tpu.memref_slice %arg4[%add3A_29, %dma_start3A_369] : memref<6272x128xi32, #tpu.memory_space<hbm>> -> memref<7x128xi32, #tpu.memory_space<hbm>>
        tpu.enqueue_dma source(%dma_start3A_370 : memref<7x128xi32, #tpu.memory_space<hbm>>) target(%arg9 : memref<7x128xi32, #tpu.memory_space<vmem>>) target_semaphore(%run_scoped3A : memref<!tpu.dma_semaphore, #tpu.memory_space<semaphore_mem>>)
        %dma_wait3A_371 = arith.constant 0 : i32
        %dma_wait3A_372 = tpu.memref_slice %arg4[%add3A_29, %dma_wait3A_371] : memref<6272x128xi32, #tpu.memory_space<hbm>> -> memref<7x128xi32, #tpu.memory_space<hbm>>
        %dma_wait3A_373 = arith.constant 0 : i32
        %dma_wait3A_374 = tpu.memref_slice %arg4[%add3A_29, %dma_wait3A_373] : memref<6272x128xi32, #tpu.memory_space<hbm>> -> memref<7x128xi32, #tpu.memory_space<hbm>>
        tpu.wait_dma2 semaphore(%run_scoped3A : memref<!tpu.dma_semaphore, #tpu.memory_space<semaphore_mem>>) src(%dma_wait3A_374 : memref<7x128xi32, #tpu.memory_space<hbm>>) dst(%arg9 : memref<7x128xi32, #tpu.memory_space<vmem>>)
        tpu.yield
      }) : () -> ()
      %dma_wait3A = arith.constant 0 : i32
      %dma_wait3A_113 = arith.constant 0 : i32
      %dma_wait3A_114 = arith.constant 0 : i32
      %dma_wait3A_115 = arith.constant 0 : i32
      %dma_wait3A_116 = tpu.memref_slice %arg10[%dma_wait3A_113, %dma_wait3A_114, %dma_wait3A_115] : memref<7x128x32xf32, #tpu.memory_space<vmem>> -> memref<1x128x32xf32, #tpu.memory_space<vmem>>
      %dma_wait3A_117 = tpu.memref_squeeze %dma_wait3A_116 : memref<1x128x32xf32, #tpu.memory_space<vmem>> -> memref<128x32xf32, #tpu.memory_space<vmem>>
      %dma_wait3A_118 = arith.constant 0 : i32
      %dma_wait3A_119 = tpu.memref_slice %arg8[%dma_wait3A, %dma_wait3A_118] : memref<7x128xi32, #tpu.memory_space<vmem>> -> memref<1x128xi32, #tpu.memory_space<vmem>>
      %dma_wait3A_120 = tpu.memref_squeeze %dma_wait3A_119 : memref<1x128xi32, #tpu.memory_space<vmem>> -> memref<128xi32, #tpu.memory_space<vmem>>
      %dma_wait3A_121 = arith.constant 0 : i32
      %dma_wait3A_122 = arith.constant 0 : i32
      %dma_wait3A_123 = tpu.memref_slice %arg2[%dma_wait3A_121, %dma_wait3A_122] : memref<100352x32xf32, #tpu.memory_space<hbm>> -> memref<100352x32xf32, #tpu.memory_space<hbm>>
      tpu.wait_indirect_dma semaphore(%arg11 : memref<!tpu.dma_semaphore, #tpu.memory_space<semaphore_mem>>) src(%dma_wait3A_123 : memref<100352x32xf32, #tpu.memory_space<hbm>>) dst(%dma_wait3A_117 : memref<128x32xf32, #tpu.memory_space<vmem>>)
      %dma_start3A_124 = arith.constant 0 : i32
      %dma_start3A_125 = arith.constant 0 : i32
      %dma_start3A_126 = arith.constant 0 : i32
      %dma_start3A_127 = arith.constant 0 : i32
      %dma_start3A_128 = tpu.memref_slice %arg10[%dma_start3A_124, %dma_start3A_126, %dma_start3A_127] : memref<7x128x32xf32, #tpu.memory_space<vmem>> -> memref<1x128x32xf32, #tpu.memory_space<vmem>>
      %dma_start3A_129 = tpu.memref_squeeze %dma_start3A_128 : memref<1x128x32xf32, #tpu.memory_space<vmem>> -> memref<128x32xf32, #tpu.memory_space<vmem>>
      %dma_start3A_130 = arith.constant 0 : i32
      %dma_start3A_131 = tpu.memref_slice %arg9[%dma_start3A_125, %dma_start3A_130] : memref<7x128xi32, #tpu.memory_space<vmem>> -> memref<1x128xi32, #tpu.memory_space<vmem>>
      %dma_start3A_132 = tpu.memref_squeeze %dma_start3A_131 : memref<1x128xi32, #tpu.memory_space<vmem>> -> memref<128xi32, #tpu.memory_space<vmem>>
      %dma_start3A_133 = arith.constant 0 : i32
      %dma_start3A_134 = arith.constant 0 : i32
      %dma_start3A_135 = tpu.memref_slice %arg7[%dma_start3A_133, %dma_start3A_134] : memref<50176x32xf32, #tpu.memory_space<vmem_shared>> -> memref<50176x32xf32, #tpu.memory_space<vmem_shared>>
      tpu.enqueue_indirect_dma source(%dma_start3A_129 : memref<128x32xf32, #tpu.memory_space<vmem>>) target(%dma_start3A_135 : memref<50176x32xf32, #tpu.memory_space<vmem_shared>>) offsets(%dma_start3A_132 : memref<128xi32, #tpu.memory_space<vmem>>) semaphore(%arg18 : memref<!tpu.dma_semaphore, #tpu.memory_space<semaphore_mem>>) {add = true}
      %dma_wait3A_136 = arith.constant 1 : i32
      %dma_wait3A_137 = arith.constant 1 : i32
      %dma_wait3A_138 = arith.constant 0 : i32
      %dma_wait3A_139 = arith.constant 0 : i32
      %dma_wait3A_140 = tpu.memref_slice %arg10[%dma_wait3A_137, %dma_wait3A_138, %dma_wait3A_139] : memref<7x128x32xf32, #tpu.memory_space<vmem>> -> memref<1x128x32xf32, #tpu.memory_space<vmem>>
      %dma_wait3A_141 = tpu.memref_squeeze %dma_wait3A_140 : memref<1x128x32xf32, #tpu.memory_space<vmem>> -> memref<128x32xf32, #tpu.memory_space<vmem>>
      %dma_wait3A_142 = arith.constant 0 : i32
      %dma_wait3A_143 = tpu.memref_slice %arg8[%dma_wait3A_136, %dma_wait3A_142] : memref<7x128xi32, #tpu.memory_space<vmem>> -> memref<1x128xi32, #tpu.memory_space<vmem>>
      %dma_wait3A_144 = tpu.memref_squeeze %dma_wait3A_143 : memref<1x128xi32, #tpu.memory_space<vmem>> -> memref<128xi32, #tpu.memory_space<vmem>>
      %dma_wait3A_145 = arith.constant 0 : i32
      %dma_wait3A_146 = arith.constant 0 : i32
      %dma_wait3A_147 = tpu.memref_slice %arg2[%dma_wait3A_145, %dma_wait3A_146] : memref<100352x32xf32, #tpu.memory_space<hbm>> -> memref<100352x32xf32, #tpu.memory_space<hbm>>
      tpu.wait_indirect_dma semaphore(%arg12 : memref<!tpu.dma_semaphore, #tpu.memory_space<semaphore_mem>>) src(%dma_wait3A_147 : memref<100352x32xf32, #tpu.memory_space<hbm>>) dst(%dma_wait3A_141 : memref<128x32xf32, #tpu.memory_space<vmem>>)
      %dma_start3A_148 = arith.constant 1 : i32
      %dma_start3A_149 = arith.constant 1 : i32
      %dma_start3A_150 = arith.constant 0 : i32
      %dma_start3A_151 = arith.constant 0 : i32
      %dma_start3A_152 = tpu.memref_slice %arg10[%dma_start3A_148, %dma_start3A_150, %dma_start3A_151] : memref<7x128x32xf32, #tpu.memory_space<vmem>> -> memref<1x128x32xf32, #tpu.memory_space<vmem>>
      %dma_start3A_153 = tpu.memref_squeeze %dma_start3A_152 : memref<1x128x32xf32, #tpu.memory_space<vmem>> -> memref<128x32xf32, #tpu.memory_space<vmem>>
      %dma_start3A_154 = arith.constant 0 : i32
      %dma_start3A_155 = tpu.memref_slice %arg9[%dma_start3A_149, %dma_start3A_154] : memref<7x128xi32, #tpu.memory_space<vmem>> -> memref<1x128xi32, #tpu.memory_space<vmem>>
      %dma_start3A_156 = tpu.memref_squeeze %dma_start3A_155 : memref<1x128xi32, #tpu.memory_space<vmem>> -> memref<128xi32, #tpu.memory_space<vmem>>
      %dma_start3A_157 = arith.constant 0 : i32
      %dma_start3A_158 = arith.constant 0 : i32
      %dma_start3A_159 = tpu.memref_slice %arg7[%dma_start3A_157, %dma_start3A_158] : memref<50176x32xf32, #tpu.memory_space<vmem_shared>> -> memref<50176x32xf32, #tpu.memory_space<vmem_shared>>
      tpu.enqueue_indirect_dma source(%dma_start3A_153 : memref<128x32xf32, #tpu.memory_space<vmem>>) target(%dma_start3A_159 : memref<50176x32xf32, #tpu.memory_space<vmem_shared>>) offsets(%dma_start3A_156 : memref<128xi32, #tpu.memory_space<vmem>>) semaphore(%arg19 : memref<!tpu.dma_semaphore, #tpu.memory_space<semaphore_mem>>) {add = true}
      %dma_wait3A_160 = arith.constant 2 : i32
      %dma_wait3A_161 = arith.constant 2 : i32
      %dma_wait3A_162 = arith.constant 0 : i32
      %dma_wait3A_163 = arith.constant 0 : i32
      %dma_wait3A_164 = tpu.memref_slice %arg10[%dma_wait3A_161, %dma_wait3A_162, %dma_wait3A_163] : memref<7x128x32xf32, #tpu.memory_space<vmem>> -> memref<1x128x32xf32, #tpu.memory_space<vmem>>
      %dma_wait3A_165 = tpu.memref_squeeze %dma_wait3A_164 : memref<1x128x32xf32, #tpu.memory_space<vmem>> -> memref<128x32xf32, #tpu.memory_space<vmem>>
      %dma_wait3A_166 = arith.constant 0 : i32
      %dma_wait3A_167 = tpu.memref_slice %arg8[%dma_wait3A_160, %dma_wait3A_166] : memref<7x128xi32, #tpu.memory_space<vmem>> -> memref<1x128xi32, #tpu.memory_space<vmem>>
      %dma_wait3A_168 = tpu.memref_squeeze %dma_wait3A_167 : memref<1x128xi32, #tpu.memory_space<vmem>> -> memref<128xi32, #tpu.memory_space<vmem>>
      %dma_wait3A_169 = arith.constant 0 : i32
      %dma_wait3A_170 = arith.constant 0 : i32
      %dma_wait3A_171 = tpu.memref_slice %arg2[%dma_wait3A_169, %dma_wait3A_170] : memref<100352x32xf32, #tpu.memory_space<hbm>> -> memref<100352x32xf32, #tpu.memory_space<hbm>>
      tpu.wait_indirect_dma semaphore(%arg13 : memref<!tpu.dma_semaphore, #tpu.memory_space<semaphore_mem>>) src(%dma_wait3A_171 : memref<100352x32xf32, #tpu.memory_space<hbm>>) dst(%dma_wait3A_165 : memref<128x32xf32, #tpu.memory_space<vmem>>)
      %dma_start3A_172 = arith.constant 2 : i32
      %dma_start3A_173 = arith.constant 2 : i32
      %dma_start3A_174 = arith.constant 0 : i32
      %dma_start3A_175 = arith.constant 0 : i32
      %dma_start3A_176 = tpu.memref_slice %arg10[%dma_start3A_172, %dma_start3A_174, %dma_start3A_175] : memref<7x128x32xf32, #tpu.memory_space<vmem>> -> memref<1x128x32xf32, #tpu.memory_space<vmem>>
      %dma_start3A_177 = tpu.memref_squeeze %dma_start3A_176 : memref<1x128x32xf32, #tpu.memory_space<vmem>> -> memref<128x32xf32, #tpu.memory_space<vmem>>
      %dma_start3A_178 = arith.constant 0 : i32
      %dma_start3A_179 = tpu.memref_slice %arg9[%dma_start3A_173, %dma_start3A_178] : memref<7x128xi32, #tpu.memory_space<vmem>> -> memref<1x128xi32, #tpu.memory_space<vmem>>
      %dma_start3A_180 = tpu.memref_squeeze %dma_start3A_179 : memref<1x128xi32, #tpu.memory_space<vmem>> -> memref<128xi32, #tpu.memory_space<vmem>>
      %dma_start3A_181 = arith.constant 0 : i32
      %dma_start3A_182 = arith.constant 0 : i32
      %dma_start3A_183 = tpu.memref_slice %arg7[%dma_start3A_181, %dma_start3A_182] : memref<50176x32xf32, #tpu.memory_space<vmem_shared>> -> memref<50176x32xf32, #tpu.memory_space<vmem_shared>>
      tpu.enqueue_indirect_dma source(%dma_start3A_177 : memref<128x32xf32, #tpu.memory_space<vmem>>) target(%dma_start3A_183 : memref<50176x32xf32, #tpu.memory_space<vmem_shared>>) offsets(%dma_start3A_180 : memref<128xi32, #tpu.memory_space<vmem>>) semaphore(%arg20 : memref<!tpu.dma_semaphore, #tpu.memory_space<semaphore_mem>>) {add = true}
      %dma_wait3A_184 = arith.constant 3 : i32
      %dma_wait3A_185 = arith.constant 3 : i32
      %dma_wait3A_186 = arith.constant 0 : i32
      %dma_wait3A_187 = arith.constant 0 : i32
      %dma_wait3A_188 = tpu.memref_slice %arg10[%dma_wait3A_185, %dma_wait3A_186, %dma_wait3A_187] : memref<7x128x32xf32, #tpu.memory_space<vmem>> -> memref<1x128x32xf32, #tpu.memory_space<vmem>>
      %dma_wait3A_189 = tpu.memref_squeeze %dma_wait3A_188 : memref<1x128x32xf32, #tpu.memory_space<vmem>> -> memref<128x32xf32, #tpu.memory_space<vmem>>
      %dma_wait3A_190 = arith.constant 0 : i32
      %dma_wait3A_191 = tpu.memref_slice %arg8[%dma_wait3A_184, %dma_wait3A_190] : memref<7x128xi32, #tpu.memory_space<vmem>> -> memref<1x128xi32, #tpu.memory_space<vmem>>
      %dma_wait3A_192 = tpu.memref_squeeze %dma_wait3A_191 : memref<1x128xi32, #tpu.memory_space<vmem>> -> memref<128xi32, #tpu.memory_space<vmem>>
      %dma_wait3A_193 = arith.constant 0 : i32
      %dma_wait3A_194 = arith.constant 0 : i32
      %dma_wait3A_195 = tpu.memref_slice %arg2[%dma_wait3A_193, %dma_wait3A_194] : memref<100352x32xf32, #tpu.memory_space<hbm>> -> memref<100352x32xf32, #tpu.memory_space<hbm>>
      tpu.wait_indirect_dma semaphore(%arg14 : memref<!tpu.dma_semaphore, #tpu.memory_space<semaphore_mem>>) src(%dma_wait3A_195 : memref<100352x32xf32, #tpu.memory_space<hbm>>) dst(%dma_wait3A_189 : memref<128x32xf32, #tpu.memory_space<vmem>>)
      %dma_start3A_196 = arith.constant 3 : i32
      %dma_start3A_197 = arith.constant 3 : i32
      %dma_start3A_198 = arith.constant 0 : i32
      %dma_start3A_199 = arith.constant 0 : i32
      %dma_start3A_200 = tpu.memref_slice %arg10[%dma_start3A_196, %dma_start3A_198, %dma_start3A_199] : memref<7x128x32xf32, #tpu.memory_space<vmem>> -> memref<1x128x32xf32, #tpu.memory_space<vmem>>
      %dma_start3A_201 = tpu.memref_squeeze %dma_start3A_200 : memref<1x128x32xf32, #tpu.memory_space<vmem>> -> memref<128x32xf32, #tpu.memory_space<vmem>>
      %dma_start3A_202 = arith.constant 0 : i32
      %dma_start3A_203 = tpu.memref_slice %arg9[%dma_start3A_197, %dma_start3A_202] : memref<7x128xi32, #tpu.memory_space<vmem>> -> memref<1x128xi32, #tpu.memory_space<vmem>>
      %dma_start3A_204 = tpu.memref_squeeze %dma_start3A_203 : memref<1x128xi32, #tpu.memory_space<vmem>> -> memref<128xi32, #tpu.memory_space<vmem>>
      %dma_start3A_205 = arith.constant 0 : i32
      %dma_start3A_206 = arith.constant 0 : i32
      %dma_start3A_207 = tpu.memref_slice %arg7[%dma_start3A_205, %dma_start3A_206] : memref<50176x32xf32, #tpu.memory_space<vmem_shared>> -> memref<50176x32xf32, #tpu.memory_space<vmem_shared>>
      tpu.enqueue_indirect_dma source(%dma_start3A_201 : memref<128x32xf32, #tpu.memory_space<vmem>>) target(%dma_start3A_207 : memref<50176x32xf32, #tpu.memory_space<vmem_shared>>) offsets(%dma_start3A_204 : memref<128xi32, #tpu.memory_space<vmem>>) semaphore(%arg21 : memref<!tpu.dma_semaphore, #tpu.memory_space<semaphore_mem>>) {add = true}
      %dma_wait3A_208 = arith.constant 4 : i32
      %dma_wait3A_209 = arith.constant 4 : i32
      %dma_wait3A_210 = arith.constant 0 : i32
      %dma_wait3A_211 = arith.constant 0 : i32
      %dma_wait3A_212 = tpu.memref_slice %arg10[%dma_wait3A_209, %dma_wait3A_210, %dma_wait3A_211] : memref<7x128x32xf32, #tpu.memory_space<vmem>> -> memref<1x128x32xf32, #tpu.memory_space<vmem>>
      %dma_wait3A_213 = tpu.memref_squeeze %dma_wait3A_212 : memref<1x128x32xf32, #tpu.memory_space<vmem>> -> memref<128x32xf32, #tpu.memory_space<vmem>>
      %dma_wait3A_214 = arith.constant 0 : i32
      %dma_wait3A_215 = tpu.memref_slice %arg8[%dma_wait3A_208, %dma_wait3A_214] : memref<7x128xi32, #tpu.memory_space<vmem>> -> memref<1x128xi32, #tpu.memory_space<vmem>>
      %dma_wait3A_216 = tpu.memref_squeeze %dma_wait3A_215 : memref<1x128xi32, #tpu.memory_space<vmem>> -> memref<128xi32, #tpu.memory_space<vmem>>
      %dma_wait3A_217 = arith.constant 0 : i32
      %dma_wait3A_218 = arith.constant 0 : i32
      %dma_wait3A_219 = tpu.memref_slice %arg2[%dma_wait3A_217, %dma_wait3A_218] : memref<100352x32xf32, #tpu.memory_space<hbm>> -> memref<100352x32xf32, #tpu.memory_space<hbm>>
      tpu.wait_indirect_dma semaphore(%arg15 : memref<!tpu.dma_semaphore, #tpu.memory_space<semaphore_mem>>) src(%dma_wait3A_219 : memref<100352x32xf32, #tpu.memory_space<hbm>>) dst(%dma_wait3A_213 : memref<128x32xf32, #tpu.memory_space<vmem>>)
      %dma_start3A_220 = arith.constant 4 : i32
      %dma_start3A_221 = arith.constant 4 : i32
      %dma_start3A_222 = arith.constant 0 : i32
      %dma_start3A_223 = arith.constant 0 : i32
      %dma_start3A_224 = tpu.memref_slice %arg10[%dma_start3A_220, %dma_start3A_222, %dma_start3A_223] : memref<7x128x32xf32, #tpu.memory_space<vmem>> -> memref<1x128x32xf32, #tpu.memory_space<vmem>>
      %dma_start3A_225 = tpu.memref_squeeze %dma_start3A_224 : memref<1x128x32xf32, #tpu.memory_space<vmem>> -> memref<128x32xf32, #tpu.memory_space<vmem>>
      %dma_start3A_226 = arith.constant 0 : i32
      %dma_start3A_227 = tpu.memref_slice %arg9[%dma_start3A_221, %dma_start3A_226] : memref<7x128xi32, #tpu.memory_space<vmem>> -> memref<1x128xi32, #tpu.memory_space<vmem>>
      %dma_start3A_228 = tpu.memref_squeeze %dma_start3A_227 : memref<1x128xi32, #tpu.memory_space<vmem>> -> memref<128xi32, #tpu.memory_space<vmem>>
      %dma_start3A_229 = arith.constant 0 : i32
      %dma_start3A_230 = arith.constant 0 : i32
      %dma_start3A_231 = tpu.memref_slice %arg7[%dma_start3A_229, %dma_start3A_230] : memref<50176x32xf32, #tpu.memory_space<vmem_shared>> -> memref<50176x32xf32, #tpu.memory_space<vmem_shared>>
      tpu.enqueue_indirect_dma source(%dma_start3A_225 : memref<128x32xf32, #tpu.memory_space<vmem>>) target(%dma_start3A_231 : memref<50176x32xf32, #tpu.memory_space<vmem_shared>>) offsets(%dma_start3A_228 : memref<128xi32, #tpu.memory_space<vmem>>) semaphore(%arg22 : memref<!tpu.dma_semaphore, #tpu.memory_space<semaphore_mem>>) {add = true}
      %dma_wait3A_232 = arith.constant 5 : i32
      %dma_wait3A_233 = arith.constant 5 : i32
      %dma_wait3A_234 = arith.constant 0 : i32
      %dma_wait3A_235 = arith.constant 0 : i32
      %dma_wait3A_236 = tpu.memref_slice %arg10[%dma_wait3A_233, %dma_wait3A_234, %dma_wait3A_235] : memref<7x128x32xf32, #tpu.memory_space<vmem>> -> memref<1x128x32xf32, #tpu.memory_space<vmem>>
      %dma_wait3A_237 = tpu.memref_squeeze %dma_wait3A_236 : memref<1x128x32xf32, #tpu.memory_space<vmem>> -> memref<128x32xf32, #tpu.memory_space<vmem>>
      %dma_wait3A_238 = arith.constant 0 : i32
      %dma_wait3A_239 = tpu.memref_slice %arg8[%dma_wait3A_232, %dma_wait3A_238] : memref<7x128xi32, #tpu.memory_space<vmem>> -> memref<1x128xi32, #tpu.memory_space<vmem>>
      %dma_wait3A_240 = tpu.memref_squeeze %dma_wait3A_239 : memref<1x128xi32, #tpu.memory_space<vmem>> -> memref<128xi32, #tpu.memory_space<vmem>>
      %dma_wait3A_241 = arith.constant 0 : i32
      %dma_wait3A_242 = arith.constant 0 : i32
      %dma_wait3A_243 = tpu.memref_slice %arg2[%dma_wait3A_241, %dma_wait3A_242] : memref<100352x32xf32, #tpu.memory_space<hbm>> -> memref<100352x32xf32, #tpu.memory_space<hbm>>
      tpu.wait_indirect_dma semaphore(%arg16 : memref<!tpu.dma_semaphore, #tpu.memory_space<semaphore_mem>>) src(%dma_wait3A_243 : memref<100352x32xf32, #tpu.memory_space<hbm>>) dst(%dma_wait3A_237 : memref<128x32xf32, #tpu.memory_space<vmem>>)
      %dma_start3A_244 = arith.constant 5 : i32
      %dma_start3A_245 = arith.constant 5 : i32
      %dma_start3A_246 = arith.constant 0 : i32
      %dma_start3A_247 = arith.constant 0 : i32
      %dma_start3A_248 = tpu.memref_slice %arg10[%dma_start3A_244, %dma_start3A_246, %dma_start3A_247] : memref<7x128x32xf32, #tpu.memory_space<vmem>> -> memref<1x128x32xf32, #tpu.memory_space<vmem>>
      %dma_start3A_249 = tpu.memref_squeeze %dma_start3A_248 : memref<1x128x32xf32, #tpu.memory_space<vmem>> -> memref<128x32xf32, #tpu.memory_space<vmem>>
      %dma_start3A_250 = arith.constant 0 : i32
      %dma_start3A_251 = tpu.memref_slice %arg9[%dma_start3A_245, %dma_start3A_250] : memref<7x128xi32, #tpu.memory_space<vmem>> -> memref<1x128xi32, #tpu.memory_space<vmem>>
      %dma_start3A_252 = tpu.memref_squeeze %dma_start3A_251 : memref<1x128xi32, #tpu.memory_space<vmem>> -> memref<128xi32, #tpu.memory_space<vmem>>
      %dma_start3A_253 = arith.constant 0 : i32
      %dma_start3A_254 = arith.constant 0 : i32
      %dma_start3A_255 = tpu.memref_slice %arg7[%dma_start3A_253, %dma_start3A_254] : memref<50176x32xf32, #tpu.memory_space<vmem_shared>> -> memref<50176x32xf32, #tpu.memory_space<vmem_shared>>
      tpu.enqueue_indirect_dma source(%dma_start3A_249 : memref<128x32xf32, #tpu.memory_space<vmem>>) target(%dma_start3A_255 : memref<50176x32xf32, #tpu.memory_space<vmem_shared>>) offsets(%dma_start3A_252 : memref<128xi32, #tpu.memory_space<vmem>>) semaphore(%arg23 : memref<!tpu.dma_semaphore, #tpu.memory_space<semaphore_mem>>) {add = true}
      %dma_wait3A_256 = arith.constant 6 : i32
      %dma_wait3A_257 = arith.constant 6 : i32
      %dma_wait3A_258 = arith.constant 0 : i32
      %dma_wait3A_259 = arith.constant 0 : i32
      %dma_wait3A_260 = tpu.memref_slice %arg10[%dma_wait3A_257, %dma_wait3A_258, %dma_wait3A_259] : memref<7x128x32xf32, #tpu.memory_space<vmem>> -> memref<1x128x32xf32, #tpu.memory_space<vmem>>
      %dma_wait3A_261 = tpu.memref_squeeze %dma_wait3A_260 : memref<1x128x32xf32, #tpu.memory_space<vmem>> -> memref<128x32xf32, #tpu.memory_space<vmem>>
      %dma_wait3A_262 = arith.constant 0 : i32
      %dma_wait3A_263 = tpu.memref_slice %arg8[%dma_wait3A_256, %dma_wait3A_262] : memref<7x128xi32, #tpu.memory_space<vmem>> -> memref<1x128xi32, #tpu.memory_space<vmem>>
      %dma_wait3A_264 = tpu.memref_squeeze %dma_wait3A_263 : memref<1x128xi32, #tpu.memory_space<vmem>> -> memref<128xi32, #tpu.memory_space<vmem>>
      %dma_wait3A_265 = arith.constant 0 : i32
      %dma_wait3A_266 = arith.constant 0 : i32
      %dma_wait3A_267 = tpu.memref_slice %arg2[%dma_wait3A_265, %dma_wait3A_266] : memref<100352x32xf32, #tpu.memory_space<hbm>> -> memref<100352x32xf32, #tpu.memory_space<hbm>>
      tpu.wait_indirect_dma semaphore(%arg17 : memref<!tpu.dma_semaphore, #tpu.memory_space<semaphore_mem>>) src(%dma_wait3A_267 : memref<100352x32xf32, #tpu.memory_space<hbm>>) dst(%dma_wait3A_261 : memref<128x32xf32, #tpu.memory_space<vmem>>)
      %dma_start3A_268 = arith.constant 6 : i32
      %dma_start3A_269 = arith.constant 6 : i32
      %dma_start3A_270 = arith.constant 0 : i32
      %dma_start3A_271 = arith.constant 0 : i32
      %dma_start3A_272 = tpu.memref_slice %arg10[%dma_start3A_268, %dma_start3A_270, %dma_start3A_271] : memref<7x128x32xf32, #tpu.memory_space<vmem>> -> memref<1x128x32xf32, #tpu.memory_space<vmem>>
      %dma_start3A_273 = tpu.memref_squeeze %dma_start3A_272 : memref<1x128x32xf32, #tpu.memory_space<vmem>> -> memref<128x32xf32, #tpu.memory_space<vmem>>
      %dma_start3A_274 = arith.constant 0 : i32
      %dma_start3A_275 = tpu.memref_slice %arg9[%dma_start3A_269, %dma_start3A_274] : memref<7x128xi32, #tpu.memory_space<vmem>> -> memref<1x128xi32, #tpu.memory_space<vmem>>
      %dma_start3A_276 = tpu.memref_squeeze %dma_start3A_275 : memref<1x128xi32, #tpu.memory_space<vmem>> -> memref<128xi32, #tpu.memory_space<vmem>>
      %dma_start3A_277 = arith.constant 0 : i32
      %dma_start3A_278 = arith.constant 0 : i32
      %dma_start3A_279 = tpu.memref_slice %arg7[%dma_start3A_277, %dma_start3A_278] : memref<50176x32xf32, #tpu.memory_space<vmem_shared>> -> memref<50176x32xf32, #tpu.memory_space<vmem_shared>>
      tpu.enqueue_indirect_dma source(%dma_start3A_273 : memref<128x32xf32, #tpu.memory_space<vmem>>) target(%dma_start3A_279 : memref<50176x32xf32, #tpu.memory_space<vmem_shared>>) offsets(%dma_start3A_276 : memref<128xi32, #tpu.memory_space<vmem>>) semaphore(%arg24 : memref<!tpu.dma_semaphore, #tpu.memory_space<semaphore_mem>>) {add = true}
      %add3A_280 = arith.constant 7 : i32
      %add3A_281 = arith.addi %add3A_29, %add3A_280 : i32
      %min3A = arith.constant 6265 : i32
      %min3A_282 = arith.minsi %add3A_281, %min3A : i32
      "tpu.region"() ({
        %run_scoped3A = tpu.sem_alloc : memref<!tpu.dma_semaphore, #tpu.memory_space<semaphore_mem>>
        %dma_start3A_367 = arith.constant 0 : i32
        %dma_start3A_368 = tpu.memref_slice %arg3[%arg0, %min3A_282, %dma_start3A_367] : memref<2x6272x128xi32, #tpu.memory_space<hbm>> -> memref<1x7x128xi32, #tpu.memory_space<hbm>>
        %dma_start3A_369 = tpu.memref_squeeze %dma_start3A_368 : memref<1x7x128xi32, #tpu.memory_space<hbm>> -> memref<7x128xi32, #tpu.memory_space<hbm>>
        %dma_start3A_370 = arith.constant 0 : i32
        %dma_start3A_371 = tpu.memref_slice %arg3[%arg0, %min3A_282, %dma_start3A_370] : memref<2x6272x128xi32, #tpu.memory_space<hbm>> -> memref<1x7x128xi32, #tpu.memory_space<hbm>>
        %dma_start3A_372 = tpu.memref_squeeze %dma_start3A_371 : memref<1x7x128xi32, #tpu.memory_space<hbm>> -> memref<7x128xi32, #tpu.memory_space<hbm>>
        tpu.enqueue_dma source(%dma_start3A_372 : memref<7x128xi32, #tpu.memory_space<hbm>>) target(%arg8 : memref<7x128xi32, #tpu.memory_space<vmem>>) target_semaphore(%run_scoped3A : memref<!tpu.dma_semaphore, #tpu.memory_space<semaphore_mem>>)
        %dma_wait3A_373 = arith.constant 0 : i32
        %dma_wait3A_374 = tpu.memref_slice %arg3[%arg0, %min3A_282, %dma_wait3A_373] : memref<2x6272x128xi32, #tpu.memory_space<hbm>> -> memref<1x7x128xi32, #tpu.memory_space<hbm>>
        %dma_wait3A_375 = tpu.memref_squeeze %dma_wait3A_374 : memref<1x7x128xi32, #tpu.memory_space<hbm>> -> memref<7x128xi32, #tpu.memory_space<hbm>>
        %dma_wait3A_376 = arith.constant 0 : i32
        %dma_wait3A_377 = tpu.memref_slice %arg3[%arg0, %min3A_282, %dma_wait3A_376] : memref<2x6272x128xi32, #tpu.memory_space<hbm>> -> memref<1x7x128xi32, #tpu.memory_space<hbm>>
        %dma_wait3A_378 = tpu.memref_squeeze %dma_wait3A_377 : memref<1x7x128xi32, #tpu.memory_space<hbm>> -> memref<7x128xi32, #tpu.memory_space<hbm>>
        tpu.wait_dma2 semaphore(%run_scoped3A : memref<!tpu.dma_semaphore, #tpu.memory_space<semaphore_mem>>) src(%dma_wait3A_378 : memref<7x128xi32, #tpu.memory_space<hbm>>) dst(%arg8 : memref<7x128xi32, #tpu.memory_space<vmem>>)
        tpu.yield
      }) : () -> ()
      %dma_wait3A_283 = arith.constant 0 : i32
      %dma_wait3A_284 = arith.constant 0 : i32
      %dma_wait3A_285 = arith.constant 0 : i32
      %dma_wait3A_286 = arith.constant 0 : i32
      %dma_wait3A_287 = tpu.memref_slice %arg10[%dma_wait3A_283, %dma_wait3A_285, %dma_wait3A_286] : memref<7x128x32xf32, #tpu.memory_space<vmem>> -> memref<1x128x32xf32, #tpu.memory_space<vmem>>
      %dma_wait3A_288 = tpu.memref_squeeze %dma_wait3A_287 : memref<1x128x32xf32, #tpu.memory_space<vmem>> -> memref<128x32xf32, #tpu.memory_space<vmem>>
      %dma_wait3A_289 = arith.constant 0 : i32
      %dma_wait3A_290 = tpu.memref_slice %arg9[%dma_wait3A_284, %dma_wait3A_289] : memref<7x128xi32, #tpu.memory_space<vmem>> -> memref<1x128xi32, #tpu.memory_space<vmem>>
      %dma_wait3A_291 = tpu.memref_squeeze %dma_wait3A_290 : memref<1x128xi32, #tpu.memory_space<vmem>> -> memref<128xi32, #tpu.memory_space<vmem>>
      %dma_wait3A_292 = arith.constant 0 : i32
      %dma_wait3A_293 = arith.constant 0 : i32
      %dma_wait3A_294 = tpu.memref_slice %arg7[%dma_wait3A_292, %dma_wait3A_293] : memref<50176x32xf32, #tpu.memory_space<vmem_shared>> -> memref<50176x32xf32, #tpu.memory_space<vmem_shared>>
      tpu.wait_indirect_dma semaphore(%arg18 : memref<!tpu.dma_semaphore, #tpu.memory_space<semaphore_mem>>) src(%dma_wait3A_288 : memref<128x32xf32, #tpu.memory_space<vmem>>) dst(%dma_wait3A_294 : memref<50176x32xf32, #tpu.memory_space<vmem_shared>>)
      %dma_wait3A_295 = arith.constant 1 : i32
      %dma_wait3A_296 = arith.constant 1 : i32
      %dma_wait3A_297 = arith.constant 0 : i32
      %dma_wait3A_298 = arith.constant 0 : i32
      %dma_wait3A_299 = tpu.memref_slice %arg10[%dma_wait3A_295, %dma_wait3A_297, %dma_wait3A_298] : memref<7x128x32xf32, #tpu.memory_space<vmem>> -> memref<1x128x32xf32, #tpu.memory_space<vmem>>
      %dma_wait3A_300 = tpu.memref_squeeze %dma_wait3A_299 : memref<1x128x32xf32, #tpu.memory_space<vmem>> -> memref<128x32xf32, #tpu.memory_space<vmem>>
      %dma_wait3A_301 = arith.constant 0 : i32
      %dma_wait3A_302 = tpu.memref_slice %arg9[%dma_wait3A_296, %dma_wait3A_301] : memref<7x128xi32, #tpu.memory_space<vmem>> -> memref<1x128xi32, #tpu.memory_space<vmem>>
      %dma_wait3A_303 = tpu.memref_squeeze %dma_wait3A_302 : memref<1x128xi32, #tpu.memory_space<vmem>> -> memref<128xi32, #tpu.memory_space<vmem>>
      %dma_wait3A_304 = arith.constant 0 : i32
      %dma_wait3A_305 = arith.constant 0 : i32
      %dma_wait3A_306 = tpu.memref_slice %arg7[%dma_wait3A_304, %dma_wait3A_305] : memref<50176x32xf32, #tpu.memory_space<vmem_shared>> -> memref<50176x32xf32, #tpu.memory_space<vmem_shared>>
      tpu.wait_indirect_dma semaphore(%arg19 : memref<!tpu.dma_semaphore, #tpu.memory_space<semaphore_mem>>) src(%dma_wait3A_300 : memref<128x32xf32, #tpu.memory_space<vmem>>) dst(%dma_wait3A_306 : memref<50176x32xf32, #tpu.memory_space<vmem_shared>>)
      %dma_wait3A_307 = arith.constant 2 : i32
      %dma_wait3A_308 = arith.constant 2 : i32
      %dma_wait3A_309 = arith.constant 0 : i32
      %dma_wait3A_310 = arith.constant 0 : i32
      %dma_wait3A_311 = tpu.memref_slice %arg10[%dma_wait3A_307, %dma_wait3A_309, %dma_wait3A_310] : memref<7x128x32xf32, #tpu.memory_space<vmem>> -> memref<1x128x32xf32, #tpu.memory_space<vmem>>
      %dma_wait3A_312 = tpu.memref_squeeze %dma_wait3A_311 : memref<1x128x32xf32, #tpu.memory_space<vmem>> -> memref<128x32xf32, #tpu.memory_space<vmem>>
      %dma_wait3A_313 = arith.constant 0 : i32
      %dma_wait3A_314 = tpu.memref_slice %arg9[%dma_wait3A_308, %dma_wait3A_313] : memref<7x128xi32, #tpu.memory_space<vmem>> -> memref<1x128xi32, #tpu.memory_space<vmem>>
      %dma_wait3A_315 = tpu.memref_squeeze %dma_wait3A_314 : memref<1x128xi32, #tpu.memory_space<vmem>> -> memref<128xi32, #tpu.memory_space<vmem>>
      %dma_wait3A_316 = arith.constant 0 : i32
      %dma_wait3A_317 = arith.constant 0 : i32
      %dma_wait3A_318 = tpu.memref_slice %arg7[%dma_wait3A_316, %dma_wait3A_317] : memref<50176x32xf32, #tpu.memory_space<vmem_shared>> -> memref<50176x32xf32, #tpu.memory_space<vmem_shared>>
      tpu.wait_indirect_dma semaphore(%arg20 : memref<!tpu.dma_semaphore, #tpu.memory_space<semaphore_mem>>) src(%dma_wait3A_312 : memref<128x32xf32, #tpu.memory_space<vmem>>) dst(%dma_wait3A_318 : memref<50176x32xf32, #tpu.memory_space<vmem_shared>>)
      %dma_wait3A_319 = arith.constant 3 : i32
      %dma_wait3A_320 = arith.constant 3 : i32
      %dma_wait3A_321 = arith.constant 0 : i32
      %dma_wait3A_322 = arith.constant 0 : i32
      %dma_wait3A_323 = tpu.memref_slice %arg10[%dma_wait3A_319, %dma_wait3A_321, %dma_wait3A_322] : memref<7x128x32xf32, #tpu.memory_space<vmem>> -> memref<1x128x32xf32, #tpu.memory_space<vmem>>
      %dma_wait3A_324 = tpu.memref_squeeze %dma_wait3A_323 : memref<1x128x32xf32, #tpu.memory_space<vmem>> -> memref<128x32xf32, #tpu.memory_space<vmem>>
      %dma_wait3A_325 = arith.constant 0 : i32
      %dma_wait3A_326 = tpu.memref_slice %arg9[%dma_wait3A_320, %dma_wait3A_325] : memref<7x128xi32, #tpu.memory_space<vmem>> -> memref<1x128xi32, #tpu.memory_space<vmem>>
      %dma_wait3A_327 = tpu.memref_squeeze %dma_wait3A_326 : memref<1x128xi32, #tpu.memory_space<vmem>> -> memref<128xi32, #tpu.memory_space<vmem>>
      %dma_wait3A_328 = arith.constant 0 : i32
      %dma_wait3A_329 = arith.constant 0 : i32
      %dma_wait3A_330 = tpu.memref_slice %arg7[%dma_wait3A_328, %dma_wait3A_329] : memref<50176x32xf32, #tpu.memory_space<vmem_shared>> -> memref<50176x32xf32, #tpu.memory_space<vmem_shared>>
      tpu.wait_indirect_dma semaphore(%arg21 : memref<!tpu.dma_semaphore, #tpu.memory_space<semaphore_mem>>) src(%dma_wait3A_324 : memref<128x32xf32, #tpu.memory_space<vmem>>) dst(%dma_wait3A_330 : memref<50176x32xf32, #tpu.memory_space<vmem_shared>>)
      %dma_wait3A_331 = arith.constant 4 : i32
      %dma_wait3A_332 = arith.constant 4 : i32
      %dma_wait3A_333 = arith.constant 0 : i32
      %dma_wait3A_334 = arith.constant 0 : i32
      %dma_wait3A_335 = tpu.memref_slice %arg10[%dma_wait3A_331, %dma_wait3A_333, %dma_wait3A_334] : memref<7x128x32xf32, #tpu.memory_space<vmem>> -> memref<1x128x32xf32, #tpu.memory_space<vmem>>
      %dma_wait3A_336 = tpu.memref_squeeze %dma_wait3A_335 : memref<1x128x32xf32, #tpu.memory_space<vmem>> -> memref<128x32xf32, #tpu.memory_space<vmem>>
      %dma_wait3A_337 = arith.constant 0 : i32
      %dma_wait3A_338 = tpu.memref_slice %arg9[%dma_wait3A_332, %dma_wait3A_337] : memref<7x128xi32, #tpu.memory_space<vmem>> -> memref<1x128xi32, #tpu.memory_space<vmem>>
      %dma_wait3A_339 = tpu.memref_squeeze %dma_wait3A_338 : memref<1x128xi32, #tpu.memory_space<vmem>> -> memref<128xi32, #tpu.memory_space<vmem>>
      %dma_wait3A_340 = arith.constant 0 : i32
      %dma_wait3A_341 = arith.constant 0 : i32
      %dma_wait3A_342 = tpu.memref_slice %arg7[%dma_wait3A_340, %dma_wait3A_341] : memref<50176x32xf32, #tpu.memory_space<vmem_shared>> -> memref<50176x32xf32, #tpu.memory_space<vmem_shared>>
      tpu.wait_indirect_dma semaphore(%arg22 : memref<!tpu.dma_semaphore, #tpu.memory_space<semaphore_mem>>) src(%dma_wait3A_336 : memref<128x32xf32, #tpu.memory_space<vmem>>) dst(%dma_wait3A_342 : memref<50176x32xf32, #tpu.memory_space<vmem_shared>>)
      %dma_wait3A_343 = arith.constant 5 : i32
      %dma_wait3A_344 = arith.constant 5 : i32
      %dma_wait3A_345 = arith.constant 0 : i32
      %dma_wait3A_346 = arith.constant 0 : i32
      %dma_wait3A_347 = tpu.memref_slice %arg10[%dma_wait3A_343, %dma_wait3A_345, %dma_wait3A_346] : memref<7x128x32xf32, #tpu.memory_space<vmem>> -> memref<1x128x32xf32, #tpu.memory_space<vmem>>
      %dma_wait3A_348 = tpu.memref_squeeze %dma_wait3A_347 : memref<1x128x32xf32, #tpu.memory_space<vmem>> -> memref<128x32xf32, #tpu.memory_space<vmem>>
      %dma_wait3A_349 = arith.constant 0 : i32
      %dma_wait3A_350 = tpu.memref_slice %arg9[%dma_wait3A_344, %dma_wait3A_349] : memref<7x128xi32, #tpu.memory_space<vmem>> -> memref<1x128xi32, #tpu.memory_space<vmem>>
      %dma_wait3A_351 = tpu.memref_squeeze %dma_wait3A_350 : memref<1x128xi32, #tpu.memory_space<vmem>> -> memref<128xi32, #tpu.memory_space<vmem>>
      %dma_wait3A_352 = arith.constant 0 : i32
      %dma_wait3A_353 = arith.constant 0 : i32
      %dma_wait3A_354 = tpu.memref_slice %arg7[%dma_wait3A_352, %dma_wait3A_353] : memref<50176x32xf32, #tpu.memory_space<vmem_shared>> -> memref<50176x32xf32, #tpu.memory_space<vmem_shared>>
      tpu.wait_indirect_dma semaphore(%arg23 : memref<!tpu.dma_semaphore, #tpu.memory_space<semaphore_mem>>) src(%dma_wait3A_348 : memref<128x32xf32, #tpu.memory_space<vmem>>) dst(%dma_wait3A_354 : memref<50176x32xf32, #tpu.memory_space<vmem_shared>>)
      %dma_wait3A_355 = arith.constant 6 : i32
      %dma_wait3A_356 = arith.constant 6 : i32
      %dma_wait3A_357 = arith.constant 0 : i32
      %dma_wait3A_358 = arith.constant 0 : i32
      %dma_wait3A_359 = tpu.memref_slice %arg10[%dma_wait3A_355, %dma_wait3A_357, %dma_wait3A_358] : memref<7x128x32xf32, #tpu.memory_space<vmem>> -> memref<1x128x32xf32, #tpu.memory_space<vmem>>
      %dma_wait3A_360 = tpu.memref_squeeze %dma_wait3A_359 : memref<1x128x32xf32, #tpu.memory_space<vmem>> -> memref<128x32xf32, #tpu.memory_space<vmem>>
      %dma_wait3A_361 = arith.constant 0 : i32
      %dma_wait3A_362 = tpu.memref_slice %arg9[%dma_wait3A_356, %dma_wait3A_361] : memref<7x128xi32, #tpu.memory_space<vmem>> -> memref<1x128xi32, #tpu.memory_space<vmem>>
      %dma_wait3A_363 = tpu.memref_squeeze %dma_wait3A_362 : memref<1x128xi32, #tpu.memory_space<vmem>> -> memref<128xi32, #tpu.memory_space<vmem>>
      %dma_wait3A_364 = arith.constant 0 : i32
      %dma_wait3A_365 = arith.constant 0 : i32
      %dma_wait3A_366 = tpu.memref_slice %arg7[%dma_wait3A_364, %dma_wait3A_365] : memref<50176x32xf32, #tpu.memory_space<vmem_shared>> -> memref<50176x32xf32, #tpu.memory_space<vmem_shared>>
      tpu.wait_indirect_dma semaphore(%arg24 : memref<!tpu.dma_semaphore, #tpu.memory_space<semaphore_mem>>) src(%dma_wait3A_360 : memref<128x32xf32, #tpu.memory_space<vmem>>) dst(%dma_wait3A_366 : memref<50176x32xf32, #tpu.memory_space<vmem_shared>>)
    }
    %scan3A_20 = arith.constant 56 : i32
    %barrier3A_21 = arith.constant 0 : index
    tpu.barrier barrier_id(%barrier3A_21)
    %mul3A_22 = arith.constant 3136 : i32
    %mul3A_23 = arith.muli %arg1, %mul3A_22 : i32
    %mul3A_24 = arith.constant 3136 : i32
    %mul3A_25 = arith.muli %arg1, %mul3A_24 : i32
    "tpu.region"() ({
      %run_scoped3A = tpu.sem_alloc : memref<!tpu.dma_semaphore, #tpu.memory_space<semaphore_mem>>
      %dma_start3A = arith.constant 0 : i32
      %dma_start3A_26 = tpu.memref_slice %arg6[%arg0, %mul3A_25, %dma_start3A] : memref<2x50176x32xf32, #tpu.memory_space<hbm>> -> memref<1x3136x32xf32, #tpu.memory_space<hbm>>
      %dma_start3A_27 = tpu.memref_squeeze %dma_start3A_26 : memref<1x3136x32xf32, #tpu.memory_space<hbm>> -> memref<3136x32xf32, #tpu.memory_space<hbm>>
      %dma_start3A_28 = arith.constant 0 : i32
      %dma_start3A_29 = tpu.memref_slice %arg7[%mul3A_23, %dma_start3A_28] : memref<50176x32xf32, #tpu.memory_space<vmem_shared>> -> memref<3136x32xf32, #tpu.memory_space<vmem_shared>>
      tpu.enqueue_dma source(%dma_start3A_29 : memref<3136x32xf32, #tpu.memory_space<vmem_shared>>) target(%dma_start3A_27 : memref<3136x32xf32, #tpu.memory_space<hbm>>) target_semaphore(%run_scoped3A : memref<!tpu.dma_semaphore, #tpu.memory_space<semaphore_mem>>)
      %dma_wait3A = arith.constant 0 : i32
      %dma_wait3A_30 = tpu.memref_slice %arg6[%arg0, %mul3A_25, %dma_wait3A] : memref<2x50176x32xf32, #tpu.memory_space<hbm>> -> memref<1x3136x32xf32, #tpu.memory_space<hbm>>
      %dma_wait3A_31 = tpu.memref_squeeze %dma_wait3A_30 : memref<1x3136x32xf32, #tpu.memory_space<hbm>> -> memref<3136x32xf32, #tpu.memory_space<hbm>>
      %dma_wait3A_32 = arith.constant 0 : i32
      %dma_wait3A_33 = tpu.memref_slice %arg7[%mul3A_23, %dma_wait3A_32] : memref<50176x32xf32, #tpu.memory_space<vmem_shared>> -> memref<3136x32xf32, #tpu.memory_space<vmem_shared>>
      tpu.wait_dma2 semaphore(%run_scoped3A : memref<!tpu.dma_semaphore, #tpu.memory_space<semaphore_mem>>) src(%dma_wait3A_33 : memref<3136x32xf32, #tpu.memory_space<vmem_shared>>) dst(%dma_wait3A_31 : memref<3136x32xf32, #tpu.memory_space<hbm>>)
      tpu.yield
    }) : () -> ()
    return
  }
}

#map = affine_map<(d0, d1) -> (0, 0)>
#map1 = affine_map<(d0, d1) -> (0, 0, 0)>
module attributes {stable_mosaic.version = 14 : i64} {
  func.func @body(%arg0: i32, %arg1: i32, %arg2: memref<100352x32xf32, #tpu.memory_space<hbm>>, %arg3: memref<2x6272x128xi32, #tpu.memory_space<hbm>>, %arg4: memref<6272x128xi32, #tpu.memory_space<hbm>>, %arg5: memref<784x32xf32, #tpu.memory_space<hbm>>, %arg6: memref<2x50176x32xf32, #tpu.memory_space<hbm>>, %arg7: memref<50176x32xf32, #tpu.memory_space<vmem_shared>>, %arg8: memref<7x128xi32, #tpu.memory_space<vmem>>, %arg9: memref<7x128xi32, #tpu.memory_space<vmem>>, %arg10: memref<7x128x32xf32, #tpu.memory_space<vmem>>, %arg11: memref<!tpu.dma_semaphore, #tpu.memory_space<semaphore_mem>>, %arg12: memref<!tpu.dma_semaphore, #tpu.memory_space<semaphore_mem>>, %arg13: memref<!tpu.dma_semaphore, #tpu.memory_space<semaphore_mem>>, %arg14: memref<!tpu.dma_semaphore, #tpu.memory_space<semaphore_mem>>, %arg15: memref<!tpu.dma_semaphore, #tpu.memory_space<semaphore_mem>>, %arg16: memref<!tpu.dma_semaphore, #tpu.memory_space<semaphore_mem>>, %arg17: memref<!tpu.dma_semaphore, #tpu.memory_space<semaphore_mem>>, %arg18: memref<!tpu.dma_semaphore, #tpu.memory_space<semaphore_mem>>, %arg19: memref<!tpu.dma_semaphore, #tpu.memory_space<semaphore_mem>>, %arg20: memref<!tpu.dma_semaphore, #tpu.memory_space<semaphore_mem>>, %arg21: memref<!tpu.dma_semaphore, #tpu.memory_space<semaphore_mem>>, %arg22: memref<!tpu.dma_semaphore, #tpu.memory_space<semaphore_mem>>, %arg23: memref<!tpu.dma_semaphore, #tpu.memory_space<semaphore_mem>>, %arg24: memref<!tpu.dma_semaphore, #tpu.memory_space<semaphore_mem>>) attributes {dimension_semantics = [#tpu.dimension_semantics<core_parallel>, #tpu.dimension_semantics<subcore_parallel>], iteration_bounds = array<i64: 2, 16>, scalar_prefetch = 0 : i64, scratch_operands = 18 : i64, tpu.core_type = #tpu.core_type<sc_vector_subcore>, window_params = [{transform_indices = #map}, {transform_indices = #map1}, {transform_indices = #map}, {transform_indices = #map}, {transform_indices = #map1}]} {
    %mul3A = arith.constant 3136 : i32
    %mul3A_0 = arith.muli %arg1, %mul3A : i32
    %add3A = arith.constant 0 : i32
    %add3A_1 = arith.addi %mul3A_0, %add3A : i32
    "tpu.region"() ({
      %run_scoped3A = tpu.sem_alloc : memref<!tpu.dma_semaphore, #tpu.memory_space<semaphore_mem>>
      %dma_start3A = arith.constant 0 : i32
      %dma_start3A_26 = tpu.memref_slice %arg7[%add3A_1, %dma_start3A] : memref<50176x32xf32, #tpu.memory_space<vmem_shared>> -> memref<784x32xf32, #tpu.memory_space<vmem_shared>>
      %dma_start3A_27 = arith.constant 0 : i32
      %dma_start3A_28 = arith.constant 0 : i32
      %dma_start3A_29 = tpu.memref_slice %arg5[%dma_start3A_27, %dma_start3A_28] : memref<784x32xf32, #tpu.memory_space<hbm>> -> memref<784x32xf32, #tpu.memory_space<hbm>>
      tpu.enqueue_dma source(%dma_start3A_29 : memref<784x32xf32, #tpu.memory_space<hbm>>) target(%dma_start3A_26 : memref<784x32xf32, #tpu.memory_space<vmem_shared>>) target_semaphore(%run_scoped3A : memref<!tpu.dma_semaphore, #tpu.memory_space<semaphore_mem>>)
      %dma_wait3A = arith.constant 0 : i32
      %dma_wait3A_30 = tpu.memref_slice %arg7[%add3A_1, %dma_wait3A] : memref<50176x32xf32, #tpu.memory_space<vmem_shared>> -> memref<784x32xf32, #tpu.memory_space<vmem_shared>>
      %dma_wait3A_31 = arith.constant 0 : i32
      %dma_wait3A_32 = arith.constant 0 : i32
      %dma_wait3A_33 = tpu.memref_slice %arg5[%dma_wait3A_31, %dma_wait3A_32] : memref<784x32xf32, #tpu.memory_space<hbm>> -> memref<784x32xf32, #tpu.memory_space<hbm>>
      tpu.wait_dma2 semaphore(%run_scoped3A : memref<!tpu.dma_semaphore, #tpu.memory_space<semaphore_mem>>) src(%dma_wait3A_33 : memref<784x32xf32, #tpu.memory_space<hbm>>) dst(%dma_wait3A_30 : memref<784x32xf32, #tpu.memory_space<vmem_shared>>)
      tpu.yield
    }) : () -> ()
    %mul3A_2 = arith.constant 3136 : i32
    %mul3A_3 = arith.muli %arg1, %mul3A_2 : i32
    %add3A_4 = arith.constant 784 : i32
    %add3A_5 = arith.addi %mul3A_3, %add3A_4 : i32
    "tpu.region"() ({
      %run_scoped3A = tpu.sem_alloc : memref<!tpu.dma_semaphore, #tpu.memory_space<semaphore_mem>>
      %dma_start3A = arith.constant 0 : i32
      %dma_start3A_26 = tpu.memref_slice %arg7[%add3A_5, %dma_start3A] : memref<50176x32xf32, #tpu.memory_space<vmem_shared>> -> memref<784x32xf32, #tpu.memory_space<vmem_shared>>
      %dma_start3A_27 = arith.constant 0 : i32
      %dma_start3A_28 = arith.constant 0 : i32
      %dma_start3A_29 = tpu.memref_slice %arg5[%dma_start3A_27, %dma_start3A_28] : memref<784x32xf32, #tpu.memory_space<hbm>> -> memref<784x32xf32, #tpu.memory_space<hbm>>
      tpu.enqueue_dma source(%dma_start3A_29 : memref<784x32xf32, #tpu.memory_space<hbm>>) target(%dma_start3A_26 : memref<784x32xf32, #tpu.memory_space<vmem_shared>>) target_semaphore(%run_scoped3A : memref<!tpu.dma_semaphore, #tpu.memory_space<semaphore_mem>>)
      %dma_wait3A = arith.constant 0 : i32
      %dma_wait3A_30 = tpu.memref_slice %arg7[%add3A_5, %dma_wait3A] : memref<50176x32xf32, #tpu.memory_space<vmem_shared>> -> memref<784x32xf32, #tpu.memory_space<vmem_shared>>
      %dma_wait3A_31 = arith.constant 0 : i32
      %dma_wait3A_32 = arith.constant 0 : i32
      %dma_wait3A_33 = tpu.memref_slice %arg5[%dma_wait3A_31, %dma_wait3A_32] : memref<784x32xf32, #tpu.memory_space<hbm>> -> memref<784x32xf32, #tpu.memory_space<hbm>>
      tpu.wait_dma2 semaphore(%run_scoped3A : memref<!tpu.dma_semaphore, #tpu.memory_space<semaphore_mem>>) src(%dma_wait3A_33 : memref<784x32xf32, #tpu.memory_space<hbm>>) dst(%dma_wait3A_30 : memref<784x32xf32, #tpu.memory_space<vmem_shared>>)
      tpu.yield
    }) : () -> ()
    %mul3A_6 = arith.constant 3136 : i32
    %mul3A_7 = arith.muli %arg1, %mul3A_6 : i32
    %add3A_8 = arith.constant 1568 : i32
    %add3A_9 = arith.addi %mul3A_7, %add3A_8 : i32
    "tpu.region"() ({
      %run_scoped3A = tpu.sem_alloc : memref<!tpu.dma_semaphore, #tpu.memory_space<semaphore_mem>>
      %dma_start3A = arith.constant 0 : i32
      %dma_start3A_26 = tpu.memref_slice %arg7[%add3A_9, %dma_start3A] : memref<50176x32xf32, #tpu.memory_space<vmem_shared>> -> memref<784x32xf32, #tpu.memory_space<vmem_shared>>
      %dma_start3A_27 = arith.constant 0 : i32
      %dma_start3A_28 = arith.constant 0 : i32
      %dma_start3A_29 = tpu.memref_slice %arg5[%dma_start3A_27, %dma_start3A_28] : memref<784x32xf32, #tpu.memory_space<hbm>> -> memref<784x32xf32, #tpu.memory_space<hbm>>
      tpu.enqueue_dma source(%dma_start3A_29 : memref<784x32xf32, #tpu.memory_space<hbm>>) target(%dma_start3A_26 : memref<784x32xf32, #tpu.memory_space<vmem_shared>>) target_semaphore(%run_scoped3A : memref<!tpu.dma_semaphore, #tpu.memory_space<semaphore_mem>>)
      %dma_wait3A = arith.constant 0 : i32
      %dma_wait3A_30 = tpu.memref_slice %arg7[%add3A_9, %dma_wait3A] : memref<50176x32xf32, #tpu.memory_space<vmem_shared>> -> memref<784x32xf32, #tpu.memory_space<vmem_shared>>
      %dma_wait3A_31 = arith.constant 0 : i32
      %dma_wait3A_32 = arith.constant 0 : i32
      %dma_wait3A_33 = tpu.memref_slice %arg5[%dma_wait3A_31, %dma_wait3A_32] : memref<784x32xf32, #tpu.memory_space<hbm>> -> memref<784x32xf32, #tpu.memory_space<hbm>>
      tpu.wait_dma2 semaphore(%run_scoped3A : memref<!tpu.dma_semaphore, #tpu.memory_space<semaphore_mem>>) src(%dma_wait3A_33 : memref<784x32xf32, #tpu.memory_space<hbm>>) dst(%dma_wait3A_30 : memref<784x32xf32, #tpu.memory_space<vmem_shared>>)
      tpu.yield
    }) : () -> ()
    %mul3A_10 = arith.constant 3136 : i32
    %mul3A_11 = arith.muli %arg1, %mul3A_10 : i32
    %add3A_12 = arith.constant 2352 : i32
    %add3A_13 = arith.addi %mul3A_11, %add3A_12 : i32
    "tpu.region"() ({
      %run_scoped3A = tpu.sem_alloc : memref<!tpu.dma_semaphore, #tpu.memory_space<semaphore_mem>>
      %dma_start3A = arith.constant 0 : i32
      %dma_start3A_26 = tpu.memref_slice %arg7[%add3A_13, %dma_start3A] : memref<50176x32xf32, #tpu.memory_space<vmem_shared>> -> memref<784x32xf32, #tpu.memory_space<vmem_shared>>
      %dma_start3A_27 = arith.constant 0 : i32
      %dma_start3A_28 = arith.constant 0 : i32
      %dma_start3A_29 = tpu.memref_slice %arg5[%dma_start3A_27, %dma_start3A_28] : memref<784x32xf32, #tpu.memory_space<hbm>> -> memref<784x32xf32, #tpu.memory_space<hbm>>
      tpu.enqueue_dma source(%dma_start3A_29 : memref<784x32xf32, #tpu.memory_space<hbm>>) target(%dma_start3A_26 : memref<784x32xf32, #tpu.memory_space<vmem_shared>>) target_semaphore(%run_scoped3A : memref<!tpu.dma_semaphore, #tpu.memory_space<semaphore_mem>>)
      %dma_wait3A = arith.constant 0 : i32
      %dma_wait3A_30 = tpu.memref_slice %arg7[%add3A_13, %dma_wait3A] : memref<50176x32xf32, #tpu.memory_space<vmem_shared>> -> memref<784x32xf32, #tpu.memory_space<vmem_shared>>
      %dma_wait3A_31 = arith.constant 0 : i32
      %dma_wait3A_32 = arith.constant 0 : i32
      %dma_wait3A_33 = tpu.memref_slice %arg5[%dma_wait3A_31, %dma_wait3A_32] : memref<784x32xf32, #tpu.memory_space<hbm>> -> memref<784x32xf32, #tpu.memory_space<hbm>>
      tpu.wait_dma2 semaphore(%run_scoped3A : memref<!tpu.dma_semaphore, #tpu.memory_space<semaphore_mem>>) src(%dma_wait3A_33 : memref<784x32xf32, #tpu.memory_space<hbm>>) dst(%dma_wait3A_30 : memref<784x32xf32, #tpu.memory_space<vmem_shared>>)
      tpu.yield
    }) : () -> ()
    %barrier3A = arith.constant 0 : index
    tpu.barrier barrier_id(%barrier3A)
    %mul3A_14 = arith.constant 392 : i32
    %mul3A_15 = arith.muli %arg1, %mul3A_14 : i32
    "tpu.region"() ({
      %run_scoped3A = tpu.sem_alloc : memref<!tpu.dma_semaphore, #tpu.memory_space<semaphore_mem>>
      %dma_start3A = arith.constant 0 : i32
      %dma_start3A_26 = tpu.memref_slice %arg3[%arg0, %mul3A_15, %dma_start3A] : memref<2x6272x128xi32, #tpu.memory_space<hbm>> -> memref<1x7x128xi32, #tpu.memory_space<hbm>>
      %dma_start3A_27 = tpu.memref_squeeze %dma_start3A_26 : memref<1x7x128xi32, #tpu.memory_space<hbm>> -> memref<7x128xi32, #tpu.memory_space<hbm>>
      %dma_start3A_28 = arith.constant 0 : i32
      %dma_start3A_29 = tpu.memref_slice %arg3[%arg0, %mul3A_15, %dma_start3A_28] : memref<2x6272x128xi32, #tpu.memory_space<hbm>> -> memref<1x7x128xi32, #tpu.memory_space<hbm>>
      %dma_start3A_30 = tpu.memref_squeeze %dma_start3A_29 : memref<1x7x128xi32, #tpu.memory_space<hbm>> -> memref<7x128xi32, #tpu.memory_space<hbm>>
      tpu.enqueue_dma source(%dma_start3A_30 : memref<7x128xi32, #tpu.memory_space<hbm>>) target(%arg8 : memref<7x128xi32, #tpu.memory_space<vmem>>) target_semaphore(%run_scoped3A : memref<!tpu.dma_semaphore, #tpu.memory_space<semaphore_mem>>)
      %dma_wait3A = arith.constant 0 : i32
      %dma_wait3A_31 = tpu.memref_slice %arg3[%arg0, %mul3A_15, %dma_wait3A] : memref<2x6272x128xi32, #tpu.memory_space<hbm>> -> memref<1x7x128xi32, #tpu.memory_space<hbm>>
      %dma_wait3A_32 = tpu.memref_squeeze %dma_wait3A_31 : memref<1x7x128xi32, #tpu.memory_space<hbm>> -> memref<7x128xi32, #tpu.memory_space<hbm>>
      %dma_wait3A_33 = arith.constant 0 : i32
      %dma_wait3A_34 = tpu.memref_slice %arg3[%arg0, %mul3A_15, %dma_wait3A_33] : memref<2x6272x128xi32, #tpu.memory_space<hbm>> -> memref<1x7x128xi32, #tpu.memory_space<hbm>>
      %dma_wait3A_35 = tpu.memref_squeeze %dma_wait3A_34 : memref<1x7x128xi32, #tpu.memory_space<hbm>> -> memref<7x128xi32, #tpu.memory_space<hbm>>
      tpu.wait_dma2 semaphore(%run_scoped3A : memref<!tpu.dma_semaphore, #tpu.memory_space<semaphore_mem>>) src(%dma_wait3A_35 : memref<7x128xi32, #tpu.memory_space<hbm>>) dst(%arg8 : memref<7x128xi32, #tpu.memory_space<vmem>>)
      tpu.yield
    }) : () -> ()
    %scan3A = arith.constant 0 : i32
    %scan3A_16 = arith.constant 0 : i32
    %scan3A_17 = arith.constant 56 : i32
    %scan3A_18 = arith.addi %scan3A_16, %scan3A_17 : i32
    %scan3A_19 = arith.constant 1 : i32
    scf.for %scan3A_26 = %scan3A_16 to %scan3A_18 step %scan3A_19  : i32 {
      %mul3A_27 = arith.constant 7 : i32
      %mul3A_28 = arith.muli %scan3A_26, %mul3A_27 : i32
      %add3A_29 = arith.addi %mul3A_15, %mul3A_28 : i32
      %dma_start3A = arith.constant 0 : i32
      %dma_start3A_30 = arith.constant 0 : i32
      %dma_start3A_31 = arith.constant 0 : i32
      %dma_start3A_32 = arith.constant 0 : i32
      %dma_start3A_33 = tpu.memref_slice %arg10[%dma_start3A_30, %dma_start3A_31, %dma_start3A_32] : memref<7x128x32xf32, #tpu.memory_space<vmem>> -> memref<1x128x32xf32, #tpu.memory_space<vmem>>
      %dma_start3A_34 = tpu.memref_squeeze %dma_start3A_33 : memref<1x128x32xf32, #tpu.memory_space<vmem>> -> memref<128x32xf32, #tpu.memory_space<vmem>>
      %dma_start3A_35 = arith.constant 0 : i32
      %dma_start3A_36 = tpu.memref_slice %arg8[%dma_start3A, %dma_start3A_35] : memref<7x128xi32, #tpu.memory_space<vmem>> -> memref<1x128xi32, #tpu.memory_space<vmem>>
      %dma_start3A_37 = tpu.memref_squeeze %dma_start3A_36 : memref<1x128xi32, #tpu.memory_space<vmem>> -> memref<128xi32, #tpu.memory_space<vmem>>
      %dma_start3A_38 = arith.constant 0 : i32
      %dma_start3A_39 = arith.constant 0 : i32
      %dma_start3A_40 = tpu.memref_slice %arg2[%dma_start3A_38, %dma_start3A_39] : memref<100352x32xf32, #tpu.memory_space<hbm>> -> memref<100352x32xf32, #tpu.memory_space<hbm>>
      tpu.enqueue_indirect_dma source(%dma_start3A_40 : memref<100352x32xf32, #tpu.memory_space<hbm>>) target(%dma_start3A_34 : memref<128x32xf32, #tpu.memory_space<vmem>>) offsets(%dma_start3A_37 : memref<128xi32, #tpu.memory_space<vmem>>) semaphore(%arg11 : memref<!tpu.dma_semaphore, #tpu.memory_space<semaphore_mem>>)
      %dma_start3A_41 = arith.constant 1 : i32
      %dma_start3A_42 = arith.constant 1 : i32
      %dma_start3A_43 = arith.constant 0 : i32
      %dma_start3A_44 = arith.constant 0 : i32
      %dma_start3A_45 = tpu.memref_slice %arg10[%dma_start3A_42, %dma_start3A_43, %dma_start3A_44] : memref<7x128x32xf32, #tpu.memory_space<vmem>> -> memref<1x128x32xf32, #tpu.memory_space<vmem>>
      %dma_start3A_46 = tpu.memref_squeeze %dma_start3A_45 : memref<1x128x32xf32, #tpu.memory_space<vmem>> -> memref<128x32xf32, #tpu.memory_space<vmem>>
      %dma_start3A_47 = arith.constant 0 : i32
      %dma_start3A_48 = tpu.memref_slice %arg8[%dma_start3A_41, %dma_start3A_47] : memref<7x128xi32, #tpu.memory_space<vmem>> -> memref<1x128xi32, #tpu.memory_space<vmem>>
      %dma_start3A_49 = tpu.memref_squeeze %dma_start3A_48 : memref<1x128xi32, #tpu.memory_space<vmem>> -> memref<128xi32, #tpu.memory_space<vmem>>
      %dma_start3A_50 = arith.constant 0 : i32
      %dma_start3A_51 = arith.constant 0 : i32
      %dma_start3A_52 = tpu.memref_slice %arg2[%dma_start3A_50, %dma_start3A_51] : memref<100352x32xf32, #tpu.memory_space<hbm>> -> memref<100352x32xf32, #tpu.memory_space<hbm>>
      tpu.enqueue_indirect_dma source(%dma_start3A_52 : memref<100352x32xf32, #tpu.memory_space<hbm>>) target(%dma_start3A_46 : memref<128x32xf32, #tpu.memory_space<vmem>>) offsets(%dma_start3A_49 : memref<128xi32, #tpu.memory_space<vmem>>) semaphore(%arg12 : memref<!tpu.dma_semaphore, #tpu.memory_space<semaphore_mem>>)
      %dma_start3A_53 = arith.constant 2 : i32
      %dma_start3A_54 = arith.constant 2 : i32
      %dma_start3A_55 = arith.constant 0 : i32
      %dma_start3A_56 = arith.constant 0 : i32
      %dma_start3A_57 = tpu.memref_slice %arg10[%dma_start3A_54, %dma_start3A_55, %dma_start3A_56] : memref<7x128x32xf32, #tpu.memory_space<vmem>> -> memref<1x128x32xf32, #tpu.memory_space<vmem>>
      %dma_start3A_58 = tpu.memref_squeeze %dma_start3A_57 : memref<1x128x32xf32, #tpu.memory_space<vmem>> -> memref<128x32xf32, #tpu.memory_space<vmem>>
      %dma_start3A_59 = arith.constant 0 : i32
      %dma_start3A_60 = tpu.memref_slice %arg8[%dma_start3A_53, %dma_start3A_59] : memref<7x128xi32, #tpu.memory_space<vmem>> -> memref<1x128xi32, #tpu.memory_space<vmem>>
      %dma_start3A_61 = tpu.memref_squeeze %dma_start3A_60 : memref<1x128xi32, #tpu.memory_space<vmem>> -> memref<128xi32, #tpu.memory_space<vmem>>
      %dma_start3A_62 = arith.constant 0 : i32
      %dma_start3A_63 = arith.constant 0 : i32
      %dma_start3A_64 = tpu.memref_slice %arg2[%dma_start3A_62, %dma_start3A_63] : memref<100352x32xf32, #tpu.memory_space<hbm>> -> memref<100352x32xf32, #tpu.memory_space<hbm>>
      tpu.enqueue_indirect_dma source(%dma_start3A_64 : memref<100352x32xf32, #tpu.memory_space<hbm>>) target(%dma_start3A_58 : memref<128x32xf32, #tpu.memory_space<vmem>>) offsets(%dma_start3A_61 : memref<128xi32, #tpu.memory_space<vmem>>) semaphore(%arg13 : memref<!tpu.dma_semaphore, #tpu.memory_space<semaphore_mem>>)
      %dma_start3A_65 = arith.constant 3 : i32
      %dma_start3A_66 = arith.constant 3 : i32
      %dma_start3A_67 = arith.constant 0 : i32
      %dma_start3A_68 = arith.constant 0 : i32
      %dma_start3A_69 = tpu.memref_slice %arg10[%dma_start3A_66, %dma_start3A_67, %dma_start3A_68] : memref<7x128x32xf32, #tpu.memory_space<vmem>> -> memref<1x128x32xf32, #tpu.memory_space<vmem>>
      %dma_start3A_70 = tpu.memref_squeeze %dma_start3A_69 : memref<1x128x32xf32, #tpu.memory_space<vmem>> -> memref<128x32xf32, #tpu.memory_space<vmem>>
      %dma_start3A_71 = arith.constant 0 : i32
      %dma_start3A_72 = tpu.memref_slice %arg8[%dma_start3A_65, %dma_start3A_71] : memref<7x128xi32, #tpu.memory_space<vmem>> -> memref<1x128xi32, #tpu.memory_space<vmem>>
      %dma_start3A_73 = tpu.memref_squeeze %dma_start3A_72 : memref<1x128xi32, #tpu.memory_space<vmem>> -> memref<128xi32, #tpu.memory_space<vmem>>
      %dma_start3A_74 = arith.constant 0 : i32
      %dma_start3A_75 = arith.constant 0 : i32
      %dma_start3A_76 = tpu.memref_slice %arg2[%dma_start3A_74, %dma_start3A_75] : memref<100352x32xf32, #tpu.memory_space<hbm>> -> memref<100352x32xf32, #tpu.memory_space<hbm>>
      tpu.enqueue_indirect_dma source(%dma_start3A_76 : memref<100352x32xf32, #tpu.memory_space<hbm>>) target(%dma_start3A_70 : memref<128x32xf32, #tpu.memory_space<vmem>>) offsets(%dma_start3A_73 : memref<128xi32, #tpu.memory_space<vmem>>) semaphore(%arg14 : memref<!tpu.dma_semaphore, #tpu.memory_space<semaphore_mem>>)
      %dma_start3A_77 = arith.constant 4 : i32
      %dma_start3A_78 = arith.constant 4 : i32
      %dma_start3A_79 = arith.constant 0 : i32
      %dma_start3A_80 = arith.constant 0 : i32
      %dma_start3A_81 = tpu.memref_slice %arg10[%dma_start3A_78, %dma_start3A_79, %dma_start3A_80] : memref<7x128x32xf32, #tpu.memory_space<vmem>> -> memref<1x128x32xf32, #tpu.memory_space<vmem>>
      %dma_start3A_82 = tpu.memref_squeeze %dma_start3A_81 : memref<1x128x32xf32, #tpu.memory_space<vmem>> -> memref<128x32xf32, #tpu.memory_space<vmem>>
      %dma_start3A_83 = arith.constant 0 : i32
      %dma_start3A_84 = tpu.memref_slice %arg8[%dma_start3A_77, %dma_start3A_83] : memref<7x128xi32, #tpu.memory_space<vmem>> -> memref<1x128xi32, #tpu.memory_space<vmem>>
      %dma_start3A_85 = tpu.memref_squeeze %dma_start3A_84 : memref<1x128xi32, #tpu.memory_space<vmem>> -> memref<128xi32, #tpu.memory_space<vmem>>
      %dma_start3A_86 = arith.constant 0 : i32
      %dma_start3A_87 = arith.constant 0 : i32
      %dma_start3A_88 = tpu.memref_slice %arg2[%dma_start3A_86, %dma_start3A_87] : memref<100352x32xf32, #tpu.memory_space<hbm>> -> memref<100352x32xf32, #tpu.memory_space<hbm>>
      tpu.enqueue_indirect_dma source(%dma_start3A_88 : memref<100352x32xf32, #tpu.memory_space<hbm>>) target(%dma_start3A_82 : memref<128x32xf32, #tpu.memory_space<vmem>>) offsets(%dma_start3A_85 : memref<128xi32, #tpu.memory_space<vmem>>) semaphore(%arg15 : memref<!tpu.dma_semaphore, #tpu.memory_space<semaphore_mem>>)
      %dma_start3A_89 = arith.constant 5 : i32
      %dma_start3A_90 = arith.constant 5 : i32
      %dma_start3A_91 = arith.constant 0 : i32
      %dma_start3A_92 = arith.constant 0 : i32
      %dma_start3A_93 = tpu.memref_slice %arg10[%dma_start3A_90, %dma_start3A_91, %dma_start3A_92] : memref<7x128x32xf32, #tpu.memory_space<vmem>> -> memref<1x128x32xf32, #tpu.memory_space<vmem>>
      %dma_start3A_94 = tpu.memref_squeeze %dma_start3A_93 : memref<1x128x32xf32, #tpu.memory_space<vmem>> -> memref<128x32xf32, #tpu.memory_space<vmem>>
      %dma_start3A_95 = arith.constant 0 : i32
      %dma_start3A_96 = tpu.memref_slice %arg8[%dma_start3A_89, %dma_start3A_95] : memref<7x128xi32, #tpu.memory_space<vmem>> -> memref<1x128xi32, #tpu.memory_space<vmem>>
      %dma_start3A_97 = tpu.memref_squeeze %dma_start3A_96 : memref<1x128xi32, #tpu.memory_space<vmem>> -> memref<128xi32, #tpu.memory_space<vmem>>
      %dma_start3A_98 = arith.constant 0 : i32
      %dma_start3A_99 = arith.constant 0 : i32
      %dma_start3A_100 = tpu.memref_slice %arg2[%dma_start3A_98, %dma_start3A_99] : memref<100352x32xf32, #tpu.memory_space<hbm>> -> memref<100352x32xf32, #tpu.memory_space<hbm>>
      tpu.enqueue_indirect_dma source(%dma_start3A_100 : memref<100352x32xf32, #tpu.memory_space<hbm>>) target(%dma_start3A_94 : memref<128x32xf32, #tpu.memory_space<vmem>>) offsets(%dma_start3A_97 : memref<128xi32, #tpu.memory_space<vmem>>) semaphore(%arg16 : memref<!tpu.dma_semaphore, #tpu.memory_space<semaphore_mem>>)
      %dma_start3A_101 = arith.constant 6 : i32
      %dma_start3A_102 = arith.constant 6 : i32
      %dma_start3A_103 = arith.constant 0 : i32
      %dma_start3A_104 = arith.constant 0 : i32
      %dma_start3A_105 = tpu.memref_slice %arg10[%dma_start3A_102, %dma_start3A_103, %dma_start3A_104] : memref<7x128x32xf32, #tpu.memory_space<vmem>> -> memref<1x128x32xf32, #tpu.memory_space<vmem>>
      %dma_start3A_106 = tpu.memref_squeeze %dma_start3A_105 : memref<1x128x32xf32, #tpu.memory_space<vmem>> -> memref<128x32xf32, #tpu.memory_space<vmem>>
      %dma_start3A_107 = arith.constant 0 : i32
      %dma_start3A_108 = tpu.memref_slice %arg8[%dma_start3A_101, %dma_start3A_107] : memref<7x128xi32, #tpu.memory_space<vmem>> -> memref<1x128xi32, #tpu.memory_space<vmem>>
      %dma_start3A_109 = tpu.memref_squeeze %dma_start3A_108 : memref<1x128xi32, #tpu.memory_space<vmem>> -> memref<128xi32, #tpu.memory_space<vmem>>
      %dma_start3A_110 = arith.constant 0 : i32
      %dma_start3A_111 = arith.constant 0 : i32
      %dma_start3A_112 = tpu.memref_slice %arg2[%dma_start3A_110, %dma_start3A_111] : memref<100352x32xf32, #tpu.memory_space<hbm>> -> memref<100352x32xf32, #tpu.memory_space<hbm>>
      tpu.enqueue_indirect_dma source(%dma_start3A_112 : memref<100352x32xf32, #tpu.memory_space<hbm>>) target(%dma_start3A_106 : memref<128x32xf32, #tpu.memory_space<vmem>>) offsets(%dma_start3A_109 : memref<128xi32, #tpu.memory_space<vmem>>) semaphore(%arg17 : memref<!tpu.dma_semaphore, #tpu.memory_space<semaphore_mem>>)
      "tpu.region"() ({
        %run_scoped3A = tpu.sem_alloc : memref<!tpu.dma_semaphore, #tpu.memory_space<semaphore_mem>>
        %dma_start3A_367 = arith.constant 0 : i32
        %dma_start3A_368 = tpu.memref_slice %arg4[%add3A_29, %dma_start3A_367] : memref<6272x128xi32, #tpu.memory_space<hbm>> -> memref<7x128xi32, #tpu.memory_space<hbm>>
        %dma_start3A_369 = arith.constant 0 : i32
        %dma_start3A_370 = tpu.memref_slice %arg4[%add3A_29, %dma_start3A_369] : memref<6272x128xi32, #tpu.memory_space<hbm>> -> memref<7x128xi32, #tpu.memory_space<hbm>>
        tpu.enqueue_dma source(%dma_start3A_370 : memref<7x128xi32, #tpu.memory_space<hbm>>) target(%arg9 : memref<7x128xi32, #tpu.memory_space<vmem>>) target_semaphore(%run_scoped3A : memref<!tpu.dma_semaphore, #tpu.memory_space<semaphore_mem>>)
        %dma_wait3A_371 = arith.constant 0 : i32
        %dma_wait3A_372 = tpu.memref_slice %arg4[%add3A_29, %dma_wait3A_371] : memref<6272x128xi32, #tpu.memory_space<hbm>> -> memref<7x128xi32, #tpu.memory_space<hbm>>
        %dma_wait3A_373 = arith.constant 0 : i32
        %dma_wait3A_374 = tpu.memref_slice %arg4[%add3A_29, %dma_wait3A_373] : memref<6272x128xi32, #tpu.memory_space<hbm>> -> memref<7x128xi32, #tpu.memory_space<hbm>>
        tpu.wait_dma2 semaphore(%run_scoped3A : memref<!tpu.dma_semaphore, #tpu.memory_space<semaphore_mem>>) src(%dma_wait3A_374 : memref<7x128xi32, #tpu.memory_space<hbm>>) dst(%arg9 : memref<7x128xi32, #tpu.memory_space<vmem>>)
        tpu.yield
      }) : () -> ()
      %dma_wait3A = arith.constant 0 : i32
      %dma_wait3A_113 = arith.constant 0 : i32
      %dma_wait3A_114 = arith.constant 0 : i32
      %dma_wait3A_115 = arith.constant 0 : i32
      %dma_wait3A_116 = tpu.memref_slice %arg10[%dma_wait3A_113, %dma_wait3A_114, %dma_wait3A_115] : memref<7x128x32xf32, #tpu.memory_space<vmem>> -> memref<1x128x32xf32, #tpu.memory_space<vmem>>
      %dma_wait3A_117 = tpu.memref_squeeze %dma_wait3A_116 : memref<1x128x32xf32, #tpu.memory_space<vmem>> -> memref<128x32xf32, #tpu.memory_space<vmem>>
      %dma_wait3A_118 = arith.constant 0 : i32
      %dma_wait3A_119 = tpu.memref_slice %arg8[%dma_wait3A, %dma_wait3A_118] : memref<7x128xi32, #tpu.memory_space<vmem>> -> memref<1x128xi32, #tpu.memory_space<vmem>>
      %dma_wait3A_120 = tpu.memref_squeeze %dma_wait3A_119 : memref<1x128xi32, #tpu.memory_space<vmem>> -> memref<128xi32, #tpu.memory_space<vmem>>
      %dma_wait3A_121 = arith.constant 0 : i32
      %dma_wait3A_122 = arith.constant 0 : i32
      %dma_wait3A_123 = tpu.memref_slice %arg2[%dma_wait3A_121, %dma_wait3A_122] : memref<100352x32xf32, #tpu.memory_space<hbm>> -> memref<100352x32xf32, #tpu.memory_space<hbm>>
      tpu.wait_indirect_dma semaphore(%arg11 : memref<!tpu.dma_semaphore, #tpu.memory_space<semaphore_mem>>) src(%dma_wait3A_123 : memref<100352x32xf32, #tpu.memory_space<hbm>>) dst(%dma_wait3A_117 : memref<128x32xf32, #tpu.memory_space<vmem>>)
      %dma_start3A_124 = arith.constant 0 : i32
      %dma_start3A_125 = arith.constant 0 : i32
      %dma_start3A_126 = arith.constant 0 : i32
      %dma_start3A_127 = arith.constant 0 : i32
      %dma_start3A_128 = tpu.memref_slice %arg10[%dma_start3A_124, %dma_start3A_126, %dma_start3A_127] : memref<7x128x32xf32, #tpu.memory_space<vmem>> -> memref<1x128x32xf32, #tpu.memory_space<vmem>>
      %dma_start3A_129 = tpu.memref_squeeze %dma_start3A_128 : memref<1x128x32xf32, #tpu.memory_space<vmem>> -> memref<128x32xf32, #tpu.memory_space<vmem>>
      %dma_start3A_130 = arith.constant 0 : i32
      %dma_start3A_131 = tpu.memref_slice %arg9[%dma_start3A_125, %dma_start3A_130] : memref<7x128xi32, #tpu.memory_space<vmem>> -> memref<1x128xi32, #tpu.memory_space<vmem>>
      %dma_start3A_132 = tpu.memref_squeeze %dma_start3A_131 : memref<1x128xi32, #tpu.memory_space<vmem>> -> memref<128xi32, #tpu.memory_space<vmem>>
      %dma_start3A_133 = arith.constant 0 : i32
      %dma_start3A_134 = arith.constant 0 : i32
      %dma_start3A_135 = tpu.memref_slice %arg7[%dma_start3A_133, %dma_start3A_134] : memref<50176x32xf32, #tpu.memory_space<vmem_shared>> -> memref<50176x32xf32, #tpu.memory_space<vmem_shared>>
      tpu.enqueue_indirect_dma source(%dma_start3A_129 : memref<128x32xf32, #tpu.memory_space<vmem>>) target(%dma_start3A_135 : memref<50176x32xf32, #tpu.memory_space<vmem_shared>>) offsets(%dma_start3A_132 : memref<128xi32, #tpu.memory_space<vmem>>) semaphore(%arg18 : memref<!tpu.dma_semaphore, #tpu.memory_space<semaphore_mem>>) {add = true}
      %dma_wait3A_136 = arith.constant 1 : i32
      %dma_wait3A_137 = arith.constant 1 : i32
      %dma_wait3A_138 = arith.constant 0 : i32
      %dma_wait3A_139 = arith.constant 0 : i32
      %dma_wait3A_140 = tpu.memref_slice %arg10[%dma_wait3A_137, %dma_wait3A_138, %dma_wait3A_139] : memref<7x128x32xf32, #tpu.memory_space<vmem>> -> memref<1x128x32xf32, #tpu.memory_space<vmem>>
      %dma_wait3A_141 = tpu.memref_squeeze %dma_wait3A_140 : memref<1x128x32xf32, #tpu.memory_space<vmem>> -> memref<128x32xf32, #tpu.memory_space<vmem>>
      %dma_wait3A_142 = arith.constant 0 : i32
      %dma_wait3A_143 = tpu.memref_slice %arg8[%dma_wait3A_136, %dma_wait3A_142] : memref<7x128xi32, #tpu.memory_space<vmem>> -> memref<1x128xi32, #tpu.memory_space<vmem>>
      %dma_wait3A_144 = tpu.memref_squeeze %dma_wait3A_143 : memref<1x128xi32, #tpu.memory_space<vmem>> -> memref<128xi32, #tpu.memory_space<vmem>>
      %dma_wait3A_145 = arith.constant 0 : i32
      %dma_wait3A_146 = arith.constant 0 : i32
      %dma_wait3A_147 = tpu.memref_slice %arg2[%dma_wait3A_145, %dma_wait3A_146] : memref<100352x32xf32, #tpu.memory_space<hbm>> -> memref<100352x32xf32, #tpu.memory_space<hbm>>
      tpu.wait_indirect_dma semaphore(%arg12 : memref<!tpu.dma_semaphore, #tpu.memory_space<semaphore_mem>>) src(%dma_wait3A_147 : memref<100352x32xf32, #tpu.memory_space<hbm>>) dst(%dma_wait3A_141 : memref<128x32xf32, #tpu.memory_space<vmem>>)
      %dma_start3A_148 = arith.constant 1 : i32
      %dma_start3A_149 = arith.constant 1 : i32
      %dma_start3A_150 = arith.constant 0 : i32
      %dma_start3A_151 = arith.constant 0 : i32
      %dma_start3A_152 = tpu.memref_slice %arg10[%dma_start3A_148, %dma_start3A_150, %dma_start3A_151] : memref<7x128x32xf32, #tpu.memory_space<vmem>> -> memref<1x128x32xf32, #tpu.memory_space<vmem>>
      %dma_start3A_153 = tpu.memref_squeeze %dma_start3A_152 : memref<1x128x32xf32, #tpu.memory_space<vmem>> -> memref<128x32xf32, #tpu.memory_space<vmem>>
      %dma_start3A_154 = arith.constant 0 : i32
      %dma_start3A_155 = tpu.memref_slice %arg9[%dma_start3A_149, %dma_start3A_154] : memref<7x128xi32, #tpu.memory_space<vmem>> -> memref<1x128xi32, #tpu.memory_space<vmem>>
      %dma_start3A_156 = tpu.memref_squeeze %dma_start3A_155 : memref<1x128xi32, #tpu.memory_space<vmem>> -> memref<128xi32, #tpu.memory_space<vmem>>
      %dma_start3A_157 = arith.constant 0 : i32
      %dma_start3A_158 = arith.constant 0 : i32
      %dma_start3A_159 = tpu.memref_slice %arg7[%dma_start3A_157, %dma_start3A_158] : memref<50176x32xf32, #tpu.memory_space<vmem_shared>> -> memref<50176x32xf32, #tpu.memory_space<vmem_shared>>
      tpu.enqueue_indirect_dma source(%dma_start3A_153 : memref<128x32xf32, #tpu.memory_space<vmem>>) target(%dma_start3A_159 : memref<50176x32xf32, #tpu.memory_space<vmem_shared>>) offsets(%dma_start3A_156 : memref<128xi32, #tpu.memory_space<vmem>>) semaphore(%arg19 : memref<!tpu.dma_semaphore, #tpu.memory_space<semaphore_mem>>) {add = true}
      %dma_wait3A_160 = arith.constant 2 : i32
      %dma_wait3A_161 = arith.constant 2 : i32
      %dma_wait3A_162 = arith.constant 0 : i32
      %dma_wait3A_163 = arith.constant 0 : i32
      %dma_wait3A_164 = tpu.memref_slice %arg10[%dma_wait3A_161, %dma_wait3A_162, %dma_wait3A_163] : memref<7x128x32xf32, #tpu.memory_space<vmem>> -> memref<1x128x32xf32, #tpu.memory_space<vmem>>
      %dma_wait3A_165 = tpu.memref_squeeze %dma_wait3A_164 : memref<1x128x32xf32, #tpu.memory_space<vmem>> -> memref<128x32xf32, #tpu.memory_space<vmem>>
      %dma_wait3A_166 = arith.constant 0 : i32
      %dma_wait3A_167 = tpu.memref_slice %arg8[%dma_wait3A_160, %dma_wait3A_166] : memref<7x128xi32, #tpu.memory_space<vmem>> -> memref<1x128xi32, #tpu.memory_space<vmem>>
      %dma_wait3A_168 = tpu.memref_squeeze %dma_wait3A_167 : memref<1x128xi32, #tpu.memory_space<vmem>> -> memref<128xi32, #tpu.memory_space<vmem>>
      %dma_wait3A_169 = arith.constant 0 : i32
      %dma_wait3A_170 = arith.constant 0 : i32
      %dma_wait3A_171 = tpu.memref_slice %arg2[%dma_wait3A_169, %dma_wait3A_170] : memref<100352x32xf32, #tpu.memory_space<hbm>> -> memref<100352x32xf32, #tpu.memory_space<hbm>>
      tpu.wait_indirect_dma semaphore(%arg13 : memref<!tpu.dma_semaphore, #tpu.memory_space<semaphore_mem>>) src(%dma_wait3A_171 : memref<100352x32xf32, #tpu.memory_space<hbm>>) dst(%dma_wait3A_165 : memref<128x32xf32, #tpu.memory_space<vmem>>)
      %dma_start3A_172 = arith.constant 2 : i32
      %dma_start3A_173 = arith.constant 2 : i32
      %dma_start3A_174 = arith.constant 0 : i32
      %dma_start3A_175 = arith.constant 0 : i32
      %dma_start3A_176 = tpu.memref_slice %arg10[%dma_start3A_172, %dma_start3A_174, %dma_start3A_175] : memref<7x128x32xf32, #tpu.memory_space<vmem>> -> memref<1x128x32xf32, #tpu.memory_space<vmem>>
      %dma_start3A_177 = tpu.memref_squeeze %dma_start3A_176 : memref<1x128x32xf32, #tpu.memory_space<vmem>> -> memref<128x32xf32, #tpu.memory_space<vmem>>
      %dma_start3A_178 = arith.constant 0 : i32
      %dma_start3A_179 = tpu.memref_slice %arg9[%dma_start3A_173, %dma_start3A_178] : memref<7x128xi32, #tpu.memory_space<vmem>> -> memref<1x128xi32, #tpu.memory_space<vmem>>
      %dma_start3A_180 = tpu.memref_squeeze %dma_start3A_179 : memref<1x128xi32, #tpu.memory_space<vmem>> -> memref<128xi32, #tpu.memory_space<vmem>>
      %dma_start3A_181 = arith.constant 0 : i32
      %dma_start3A_182 = arith.constant 0 : i32
      %dma_start3A_183 = tpu.memref_slice %arg7[%dma_start3A_181, %dma_start3A_182] : memref<50176x32xf32, #tpu.memory_space<vmem_shared>> -> memref<50176x32xf32, #tpu.memory_space<vmem_shared>>
      tpu.enqueue_indirect_dma source(%dma_start3A_177 : memref<128x32xf32, #tpu.memory_space<vmem>>) target(%dma_start3A_183 : memref<50176x32xf32, #tpu.memory_space<vmem_shared>>) offsets(%dma_start3A_180 : memref<128xi32, #tpu.memory_space<vmem>>) semaphore(%arg20 : memref<!tpu.dma_semaphore, #tpu.memory_space<semaphore_mem>>) {add = true}
      %dma_wait3A_184 = arith.constant 3 : i32
      %dma_wait3A_185 = arith.constant 3 : i32
      %dma_wait3A_186 = arith.constant 0 : i32
      %dma_wait3A_187 = arith.constant 0 : i32
      %dma_wait3A_188 = tpu.memref_slice %arg10[%dma_wait3A_185, %dma_wait3A_186, %dma_wait3A_187] : memref<7x128x32xf32, #tpu.memory_space<vmem>> -> memref<1x128x32xf32, #tpu.memory_space<vmem>>
      %dma_wait3A_189 = tpu.memref_squeeze %dma_wait3A_188 : memref<1x128x32xf32, #tpu.memory_space<vmem>> -> memref<128x32xf32, #tpu.memory_space<vmem>>
      %dma_wait3A_190 = arith.constant 0 : i32
      %dma_wait3A_191 = tpu.memref_slice %arg8[%dma_wait3A_184, %dma_wait3A_190] : memref<7x128xi32, #tpu.memory_space<vmem>> -> memref<1x128xi32, #tpu.memory_space<vmem>>
      %dma_wait3A_192 = tpu.memref_squeeze %dma_wait3A_191 : memref<1x128xi32, #tpu.memory_space<vmem>> -> memref<128xi32, #tpu.memory_space<vmem>>
      %dma_wait3A_193 = arith.constant 0 : i32
      %dma_wait3A_194 = arith.constant 0 : i32
      %dma_wait3A_195 = tpu.memref_slice %arg2[%dma_wait3A_193, %dma_wait3A_194] : memref<100352x32xf32, #tpu.memory_space<hbm>> -> memref<100352x32xf32, #tpu.memory_space<hbm>>
      tpu.wait_indirect_dma semaphore(%arg14 : memref<!tpu.dma_semaphore, #tpu.memory_space<semaphore_mem>>) src(%dma_wait3A_195 : memref<100352x32xf32, #tpu.memory_space<hbm>>) dst(%dma_wait3A_189 : memref<128x32xf32, #tpu.memory_space<vmem>>)
      %dma_start3A_196 = arith.constant 3 : i32
      %dma_start3A_197 = arith.constant 3 : i32
      %dma_start3A_198 = arith.constant 0 : i32
      %dma_start3A_199 = arith.constant 0 : i32
      %dma_start3A_200 = tpu.memref_slice %arg10[%dma_start3A_196, %dma_start3A_198, %dma_start3A_199] : memref<7x128x32xf32, #tpu.memory_space<vmem>> -> memref<1x128x32xf32, #tpu.memory_space<vmem>>
      %dma_start3A_201 = tpu.memref_squeeze %dma_start3A_200 : memref<1x128x32xf32, #tpu.memory_space<vmem>> -> memref<128x32xf32, #tpu.memory_space<vmem>>
      %dma_start3A_202 = arith.constant 0 : i32
      %dma_start3A_203 = tpu.memref_slice %arg9[%dma_start3A_197, %dma_start3A_202] : memref<7x128xi32, #tpu.memory_space<vmem>> -> memref<1x128xi32, #tpu.memory_space<vmem>>
      %dma_start3A_204 = tpu.memref_squeeze %dma_start3A_203 : memref<1x128xi32, #tpu.memory_space<vmem>> -> memref<128xi32, #tpu.memory_space<vmem>>
      %dma_start3A_205 = arith.constant 0 : i32
      %dma_start3A_206 = arith.constant 0 : i32
      %dma_start3A_207 = tpu.memref_slice %arg7[%dma_start3A_205, %dma_start3A_206] : memref<50176x32xf32, #tpu.memory_space<vmem_shared>> -> memref<50176x32xf32, #tpu.memory_space<vmem_shared>>
      tpu.enqueue_indirect_dma source(%dma_start3A_201 : memref<128x32xf32, #tpu.memory_space<vmem>>) target(%dma_start3A_207 : memref<50176x32xf32, #tpu.memory_space<vmem_shared>>) offsets(%dma_start3A_204 : memref<128xi32, #tpu.memory_space<vmem>>) semaphore(%arg21 : memref<!tpu.dma_semaphore, #tpu.memory_space<semaphore_mem>>) {add = true}
      %dma_wait3A_208 = arith.constant 4 : i32
      %dma_wait3A_209 = arith.constant 4 : i32
      %dma_wait3A_210 = arith.constant 0 : i32
      %dma_wait3A_211 = arith.constant 0 : i32
      %dma_wait3A_212 = tpu.memref_slice %arg10[%dma_wait3A_209, %dma_wait3A_210, %dma_wait3A_211] : memref<7x128x32xf32, #tpu.memory_space<vmem>> -> memref<1x128x32xf32, #tpu.memory_space<vmem>>
      %dma_wait3A_213 = tpu.memref_squeeze %dma_wait3A_212 : memref<1x128x32xf32, #tpu.memory_space<vmem>> -> memref<128x32xf32, #tpu.memory_space<vmem>>
      %dma_wait3A_214 = arith.constant 0 : i32
      %dma_wait3A_215 = tpu.memref_slice %arg8[%dma_wait3A_208, %dma_wait3A_214] : memref<7x128xi32, #tpu.memory_space<vmem>> -> memref<1x128xi32, #tpu.memory_space<vmem>>
      %dma_wait3A_216 = tpu.memref_squeeze %dma_wait3A_215 : memref<1x128xi32, #tpu.memory_space<vmem>> -> memref<128xi32, #tpu.memory_space<vmem>>
      %dma_wait3A_217 = arith.constant 0 : i32
      %dma_wait3A_218 = arith.constant 0 : i32
      %dma_wait3A_219 = tpu.memref_slice %arg2[%dma_wait3A_217, %dma_wait3A_218] : memref<100352x32xf32, #tpu.memory_space<hbm>> -> memref<100352x32xf32, #tpu.memory_space<hbm>>
      tpu.wait_indirect_dma semaphore(%arg15 : memref<!tpu.dma_semaphore, #tpu.memory_space<semaphore_mem>>) src(%dma_wait3A_219 : memref<100352x32xf32, #tpu.memory_space<hbm>>) dst(%dma_wait3A_213 : memref<128x32xf32, #tpu.memory_space<vmem>>)
      %dma_start3A_220 = arith.constant 4 : i32
      %dma_start3A_221 = arith.constant 4 : i32
      %dma_start3A_222 = arith.constant 0 : i32
      %dma_start3A_223 = arith.constant 0 : i32
      %dma_start3A_224 = tpu.memref_slice %arg10[%dma_start3A_220, %dma_start3A_222, %dma_start3A_223] : memref<7x128x32xf32, #tpu.memory_space<vmem>> -> memref<1x128x32xf32, #tpu.memory_space<vmem>>
      %dma_start3A_225 = tpu.memref_squeeze %dma_start3A_224 : memref<1x128x32xf32, #tpu.memory_space<vmem>> -> memref<128x32xf32, #tpu.memory_space<vmem>>
      %dma_start3A_226 = arith.constant 0 : i32
      %dma_start3A_227 = tpu.memref_slice %arg9[%dma_start3A_221, %dma_start3A_226] : memref<7x128xi32, #tpu.memory_space<vmem>> -> memref<1x128xi32, #tpu.memory_space<vmem>>
      %dma_start3A_228 = tpu.memref_squeeze %dma_start3A_227 : memref<1x128xi32, #tpu.memory_space<vmem>> -> memref<128xi32, #tpu.memory_space<vmem>>
      %dma_start3A_229 = arith.constant 0 : i32
      %dma_start3A_230 = arith.constant 0 : i32
      %dma_start3A_231 = tpu.memref_slice %arg7[%dma_start3A_229, %dma_start3A_230] : memref<50176x32xf32, #tpu.memory_space<vmem_shared>> -> memref<50176x32xf32, #tpu.memory_space<vmem_shared>>
      tpu.enqueue_indirect_dma source(%dma_start3A_225 : memref<128x32xf32, #tpu.memory_space<vmem>>) target(%dma_start3A_231 : memref<50176x32xf32, #tpu.memory_space<vmem_shared>>) offsets(%dma_start3A_228 : memref<128xi32, #tpu.memory_space<vmem>>) semaphore(%arg22 : memref<!tpu.dma_semaphore, #tpu.memory_space<semaphore_mem>>) {add = true}
      %dma_wait3A_232 = arith.constant 5 : i32
      %dma_wait3A_233 = arith.constant 5 : i32
      %dma_wait3A_234 = arith.constant 0 : i32
      %dma_wait3A_235 = arith.constant 0 : i32
      %dma_wait3A_236 = tpu.memref_slice %arg10[%dma_wait3A_233, %dma_wait3A_234, %dma_wait3A_235] : memref<7x128x32xf32, #tpu.memory_space<vmem>> -> memref<1x128x32xf32, #tpu.memory_space<vmem>>
      %dma_wait3A_237 = tpu.memref_squeeze %dma_wait3A_236 : memref<1x128x32xf32, #tpu.memory_space<vmem>> -> memref<128x32xf32, #tpu.memory_space<vmem>>
      %dma_wait3A_238 = arith.constant 0 : i32
      %dma_wait3A_239 = tpu.memref_slice %arg8[%dma_wait3A_232, %dma_wait3A_238] : memref<7x128xi32, #tpu.memory_space<vmem>> -> memref<1x128xi32, #tpu.memory_space<vmem>>
      %dma_wait3A_240 = tpu.memref_squeeze %dma_wait3A_239 : memref<1x128xi32, #tpu.memory_space<vmem>> -> memref<128xi32, #tpu.memory_space<vmem>>
      %dma_wait3A_241 = arith.constant 0 : i32
      %dma_wait3A_242 = arith.constant 0 : i32
      %dma_wait3A_243 = tpu.memref_slice %arg2[%dma_wait3A_241, %dma_wait3A_242] : memref<100352x32xf32, #tpu.memory_space<hbm>> -> memref<100352x32xf32, #tpu.memory_space<hbm>>
      tpu.wait_indirect_dma semaphore(%arg16 : memref<!tpu.dma_semaphore, #tpu.memory_space<semaphore_mem>>) src(%dma_wait3A_243 : memref<100352x32xf32, #tpu.memory_space<hbm>>) dst(%dma_wait3A_237 : memref<128x32xf32, #tpu.memory_space<vmem>>)
      %dma_start3A_244 = arith.constant 5 : i32
      %dma_start3A_245 = arith.constant 5 : i32
      %dma_start3A_246 = arith.constant 0 : i32
      %dma_start3A_247 = arith.constant 0 : i32
      %dma_start3A_248 = tpu.memref_slice %arg10[%dma_start3A_244, %dma_start3A_246, %dma_start3A_247] : memref<7x128x32xf32, #tpu.memory_space<vmem>> -> memref<1x128x32xf32, #tpu.memory_space<vmem>>
      %dma_start3A_249 = tpu.memref_squeeze %dma_start3A_248 : memref<1x128x32xf32, #tpu.memory_space<vmem>> -> memref<128x32xf32, #tpu.memory_space<vmem>>
      %dma_start3A_250 = arith.constant 0 : i32
      %dma_start3A_251 = tpu.memref_slice %arg9[%dma_start3A_245, %dma_start3A_250] : memref<7x128xi32, #tpu.memory_space<vmem>> -> memref<1x128xi32, #tpu.memory_space<vmem>>
      %dma_start3A_252 = tpu.memref_squeeze %dma_start3A_251 : memref<1x128xi32, #tpu.memory_space<vmem>> -> memref<128xi32, #tpu.memory_space<vmem>>
      %dma_start3A_253 = arith.constant 0 : i32
      %dma_start3A_254 = arith.constant 0 : i32
      %dma_start3A_255 = tpu.memref_slice %arg7[%dma_start3A_253, %dma_start3A_254] : memref<50176x32xf32, #tpu.memory_space<vmem_shared>> -> memref<50176x32xf32, #tpu.memory_space<vmem_shared>>
      tpu.enqueue_indirect_dma source(%dma_start3A_249 : memref<128x32xf32, #tpu.memory_space<vmem>>) target(%dma_start3A_255 : memref<50176x32xf32, #tpu.memory_space<vmem_shared>>) offsets(%dma_start3A_252 : memref<128xi32, #tpu.memory_space<vmem>>) semaphore(%arg23 : memref<!tpu.dma_semaphore, #tpu.memory_space<semaphore_mem>>) {add = true}
      %dma_wait3A_256 = arith.constant 6 : i32
      %dma_wait3A_257 = arith.constant 6 : i32
      %dma_wait3A_258 = arith.constant 0 : i32
      %dma_wait3A_259 = arith.constant 0 : i32
      %dma_wait3A_260 = tpu.memref_slice %arg10[%dma_wait3A_257, %dma_wait3A_258, %dma_wait3A_259] : memref<7x128x32xf32, #tpu.memory_space<vmem>> -> memref<1x128x32xf32, #tpu.memory_space<vmem>>
      %dma_wait3A_261 = tpu.memref_squeeze %dma_wait3A_260 : memref<1x128x32xf32, #tpu.memory_space<vmem>> -> memref<128x32xf32, #tpu.memory_space<vmem>>
      %dma_wait3A_262 = arith.constant 0 : i32
      %dma_wait3A_263 = tpu.memref_slice %arg8[%dma_wait3A_256, %dma_wait3A_262] : memref<7x128xi32, #tpu.memory_space<vmem>> -> memref<1x128xi32, #tpu.memory_space<vmem>>
      %dma_wait3A_264 = tpu.memref_squeeze %dma_wait3A_263 : memref<1x128xi32, #tpu.memory_space<vmem>> -> memref<128xi32, #tpu.memory_space<vmem>>
      %dma_wait3A_265 = arith.constant 0 : i32
      %dma_wait3A_266 = arith.constant 0 : i32
      %dma_wait3A_267 = tpu.memref_slice %arg2[%dma_wait3A_265, %dma_wait3A_266] : memref<100352x32xf32, #tpu.memory_space<hbm>> -> memref<100352x32xf32, #tpu.memory_space<hbm>>
      tpu.wait_indirect_dma semaphore(%arg17 : memref<!tpu.dma_semaphore, #tpu.memory_space<semaphore_mem>>) src(%dma_wait3A_267 : memref<100352x32xf32, #tpu.memory_space<hbm>>) dst(%dma_wait3A_261 : memref<128x32xf32, #tpu.memory_space<vmem>>)
      %dma_start3A_268 = arith.constant 6 : i32
      %dma_start3A_269 = arith.constant 6 : i32
      %dma_start3A_270 = arith.constant 0 : i32
      %dma_start3A_271 = arith.constant 0 : i32
      %dma_start3A_272 = tpu.memref_slice %arg10[%dma_start3A_268, %dma_start3A_270, %dma_start3A_271] : memref<7x128x32xf32, #tpu.memory_space<vmem>> -> memref<1x128x32xf32, #tpu.memory_space<vmem>>
      %dma_start3A_273 = tpu.memref_squeeze %dma_start3A_272 : memref<1x128x32xf32, #tpu.memory_space<vmem>> -> memref<128x32xf32, #tpu.memory_space<vmem>>
      %dma_start3A_274 = arith.constant 0 : i32
      %dma_start3A_275 = tpu.memref_slice %arg9[%dma_start3A_269, %dma_start3A_274] : memref<7x128xi32, #tpu.memory_space<vmem>> -> memref<1x128xi32, #tpu.memory_space<vmem>>
      %dma_start3A_276 = tpu.memref_squeeze %dma_start3A_275 : memref<1x128xi32, #tpu.memory_space<vmem>> -> memref<128xi32, #tpu.memory_space<vmem>>
      %dma_start3A_277 = arith.constant 0 : i32
      %dma_start3A_278 = arith.constant 0 : i32
      %dma_start3A_279 = tpu.memref_slice %arg7[%dma_start3A_277, %dma_start3A_278] : memref<50176x32xf32, #tpu.memory_space<vmem_shared>> -> memref<50176x32xf32, #tpu.memory_space<vmem_shared>>
      tpu.enqueue_indirect_dma source(%dma_start3A_273 : memref<128x32xf32, #tpu.memory_space<vmem>>) target(%dma_start3A_279 : memref<50176x32xf32, #tpu.memory_space<vmem_shared>>) offsets(%dma_start3A_276 : memref<128xi32, #tpu.memory_space<vmem>>) semaphore(%arg24 : memref<!tpu.dma_semaphore, #tpu.memory_space<semaphore_mem>>) {add = true}
      %add3A_280 = arith.constant 7 : i32
      %add3A_281 = arith.addi %add3A_29, %add3A_280 : i32
      %min3A = arith.constant 6265 : i32
      %min3A_282 = arith.minsi %add3A_281, %min3A : i32
      "tpu.region"() ({
        %run_scoped3A = tpu.sem_alloc : memref<!tpu.dma_semaphore, #tpu.memory_space<semaphore_mem>>
        %dma_start3A_367 = arith.constant 0 : i32
        %dma_start3A_368 = tpu.memref_slice %arg3[%arg0, %min3A_282, %dma_start3A_367] : memref<2x6272x128xi32, #tpu.memory_space<hbm>> -> memref<1x7x128xi32, #tpu.memory_space<hbm>>
        %dma_start3A_369 = tpu.memref_squeeze %dma_start3A_368 : memref<1x7x128xi32, #tpu.memory_space<hbm>> -> memref<7x128xi32, #tpu.memory_space<hbm>>
        %dma_start3A_370 = arith.constant 0 : i32
        %dma_start3A_371 = tpu.memref_slice %arg3[%arg0, %min3A_282, %dma_start3A_370] : memref<2x6272x128xi32, #tpu.memory_space<hbm>> -> memref<1x7x128xi32, #tpu.memory_space<hbm>>
        %dma_start3A_372 = tpu.memref_squeeze %dma_start3A_371 : memref<1x7x128xi32, #tpu.memory_space<hbm>> -> memref<7x128xi32, #tpu.memory_space<hbm>>
        tpu.enqueue_dma source(%dma_start3A_372 : memref<7x128xi32, #tpu.memory_space<hbm>>) target(%arg8 : memref<7x128xi32, #tpu.memory_space<vmem>>) target_semaphore(%run_scoped3A : memref<!tpu.dma_semaphore, #tpu.memory_space<semaphore_mem>>)
        %dma_wait3A_373 = arith.constant 0 : i32
        %dma_wait3A_374 = tpu.memref_slice %arg3[%arg0, %min3A_282, %dma_wait3A_373] : memref<2x6272x128xi32, #tpu.memory_space<hbm>> -> memref<1x7x128xi32, #tpu.memory_space<hbm>>
        %dma_wait3A_375 = tpu.memref_squeeze %dma_wait3A_374 : memref<1x7x128xi32, #tpu.memory_space<hbm>> -> memref<7x128xi32, #tpu.memory_space<hbm>>
        %dma_wait3A_376 = arith.constant 0 : i32
        %dma_wait3A_377 = tpu.memref_slice %arg3[%arg0, %min3A_282, %dma_wait3A_376] : memref<2x6272x128xi32, #tpu.memory_space<hbm>> -> memref<1x7x128xi32, #tpu.memory_space<hbm>>
        %dma_wait3A_378 = tpu.memref_squeeze %dma_wait3A_377 : memref<1x7x128xi32, #tpu.memory_space<hbm>> -> memref<7x128xi32, #tpu.memory_space<hbm>>
        tpu.wait_dma2 semaphore(%run_scoped3A : memref<!tpu.dma_semaphore, #tpu.memory_space<semaphore_mem>>) src(%dma_wait3A_378 : memref<7x128xi32, #tpu.memory_space<hbm>>) dst(%arg8 : memref<7x128xi32, #tpu.memory_space<vmem>>)
        tpu.yield
      }) : () -> ()
      %dma_wait3A_283 = arith.constant 0 : i32
      %dma_wait3A_284 = arith.constant 0 : i32
      %dma_wait3A_285 = arith.constant 0 : i32
      %dma_wait3A_286 = arith.constant 0 : i32
      %dma_wait3A_287 = tpu.memref_slice %arg10[%dma_wait3A_283, %dma_wait3A_285, %dma_wait3A_286] : memref<7x128x32xf32, #tpu.memory_space<vmem>> -> memref<1x128x32xf32, #tpu.memory_space<vmem>>
      %dma_wait3A_288 = tpu.memref_squeeze %dma_wait3A_287 : memref<1x128x32xf32, #tpu.memory_space<vmem>> -> memref<128x32xf32, #tpu.memory_space<vmem>>
      %dma_wait3A_289 = arith.constant 0 : i32
      %dma_wait3A_290 = tpu.memref_slice %arg9[%dma_wait3A_284, %dma_wait3A_289] : memref<7x128xi32, #tpu.memory_space<vmem>> -> memref<1x128xi32, #tpu.memory_space<vmem>>
      %dma_wait3A_291 = tpu.memref_squeeze %dma_wait3A_290 : memref<1x128xi32, #tpu.memory_space<vmem>> -> memref<128xi32, #tpu.memory_space<vmem>>
      %dma_wait3A_292 = arith.constant 0 : i32
      %dma_wait3A_293 = arith.constant 0 : i32
      %dma_wait3A_294 = tpu.memref_slice %arg7[%dma_wait3A_292, %dma_wait3A_293] : memref<50176x32xf32, #tpu.memory_space<vmem_shared>> -> memref<50176x32xf32, #tpu.memory_space<vmem_shared>>
      tpu.wait_indirect_dma semaphore(%arg18 : memref<!tpu.dma_semaphore, #tpu.memory_space<semaphore_mem>>) src(%dma_wait3A_288 : memref<128x32xf32, #tpu.memory_space<vmem>>) dst(%dma_wait3A_294 : memref<50176x32xf32, #tpu.memory_space<vmem_shared>>)
      %dma_wait3A_295 = arith.constant 1 : i32
      %dma_wait3A_296 = arith.constant 1 : i32
      %dma_wait3A_297 = arith.constant 0 : i32
      %dma_wait3A_298 = arith.constant 0 : i32
      %dma_wait3A_299 = tpu.memref_slice %arg10[%dma_wait3A_295, %dma_wait3A_297, %dma_wait3A_298] : memref<7x128x32xf32, #tpu.memory_space<vmem>> -> memref<1x128x32xf32, #tpu.memory_space<vmem>>
      %dma_wait3A_300 = tpu.memref_squeeze %dma_wait3A_299 : memref<1x128x32xf32, #tpu.memory_space<vmem>> -> memref<128x32xf32, #tpu.memory_space<vmem>>
      %dma_wait3A_301 = arith.constant 0 : i32
      %dma_wait3A_302 = tpu.memref_slice %arg9[%dma_wait3A_296, %dma_wait3A_301] : memref<7x128xi32, #tpu.memory_space<vmem>> -> memref<1x128xi32, #tpu.memory_space<vmem>>
      %dma_wait3A_303 = tpu.memref_squeeze %dma_wait3A_302 : memref<1x128xi32, #tpu.memory_space<vmem>> -> memref<128xi32, #tpu.memory_space<vmem>>
      %dma_wait3A_304 = arith.constant 0 : i32
      %dma_wait3A_305 = arith.constant 0 : i32
      %dma_wait3A_306 = tpu.memref_slice %arg7[%dma_wait3A_304, %dma_wait3A_305] : memref<50176x32xf32, #tpu.memory_space<vmem_shared>> -> memref<50176x32xf32, #tpu.memory_space<vmem_shared>>
      tpu.wait_indirect_dma semaphore(%arg19 : memref<!tpu.dma_semaphore, #tpu.memory_space<semaphore_mem>>) src(%dma_wait3A_300 : memref<128x32xf32, #tpu.memory_space<vmem>>) dst(%dma_wait3A_306 : memref<50176x32xf32, #tpu.memory_space<vmem_shared>>)
      %dma_wait3A_307 = arith.constant 2 : i32
      %dma_wait3A_308 = arith.constant 2 : i32
      %dma_wait3A_309 = arith.constant 0 : i32
      %dma_wait3A_310 = arith.constant 0 : i32
      %dma_wait3A_311 = tpu.memref_slice %arg10[%dma_wait3A_307, %dma_wait3A_309, %dma_wait3A_310] : memref<7x128x32xf32, #tpu.memory_space<vmem>> -> memref<1x128x32xf32, #tpu.memory_space<vmem>>
      %dma_wait3A_312 = tpu.memref_squeeze %dma_wait3A_311 : memref<1x128x32xf32, #tpu.memory_space<vmem>> -> memref<128x32xf32, #tpu.memory_space<vmem>>
      %dma_wait3A_313 = arith.constant 0 : i32
      %dma_wait3A_314 = tpu.memref_slice %arg9[%dma_wait3A_308, %dma_wait3A_313] : memref<7x128xi32, #tpu.memory_space<vmem>> -> memref<1x128xi32, #tpu.memory_space<vmem>>
      %dma_wait3A_315 = tpu.memref_squeeze %dma_wait3A_314 : memref<1x128xi32, #tpu.memory_space<vmem>> -> memref<128xi32, #tpu.memory_space<vmem>>
      %dma_wait3A_316 = arith.constant 0 : i32
      %dma_wait3A_317 = arith.constant 0 : i32
      %dma_wait3A_318 = tpu.memref_slice %arg7[%dma_wait3A_316, %dma_wait3A_317] : memref<50176x32xf32, #tpu.memory_space<vmem_shared>> -> memref<50176x32xf32, #tpu.memory_space<vmem_shared>>
      tpu.wait_indirect_dma semaphore(%arg20 : memref<!tpu.dma_semaphore, #tpu.memory_space<semaphore_mem>>) src(%dma_wait3A_312 : memref<128x32xf32, #tpu.memory_space<vmem>>) dst(%dma_wait3A_318 : memref<50176x32xf32, #tpu.memory_space<vmem_shared>>)
      %dma_wait3A_319 = arith.constant 3 : i32
      %dma_wait3A_320 = arith.constant 3 : i32
      %dma_wait3A_321 = arith.constant 0 : i32
      %dma_wait3A_322 = arith.constant 0 : i32
      %dma_wait3A_323 = tpu.memref_slice %arg10[%dma_wait3A_319, %dma_wait3A_321, %dma_wait3A_322] : memref<7x128x32xf32, #tpu.memory_space<vmem>> -> memref<1x128x32xf32, #tpu.memory_space<vmem>>
      %dma_wait3A_324 = tpu.memref_squeeze %dma_wait3A_323 : memref<1x128x32xf32, #tpu.memory_space<vmem>> -> memref<128x32xf32, #tpu.memory_space<vmem>>
      %dma_wait3A_325 = arith.constant 0 : i32
      %dma_wait3A_326 = tpu.memref_slice %arg9[%dma_wait3A_320, %dma_wait3A_325] : memref<7x128xi32, #tpu.memory_space<vmem>> -> memref<1x128xi32, #tpu.memory_space<vmem>>
      %dma_wait3A_327 = tpu.memref_squeeze %dma_wait3A_326 : memref<1x128xi32, #tpu.memory_space<vmem>> -> memref<128xi32, #tpu.memory_space<vmem>>
      %dma_wait3A_328 = arith.constant 0 : i32
      %dma_wait3A_329 = arith.constant 0 : i32
      %dma_wait3A_330 = tpu.memref_slice %arg7[%dma_wait3A_328, %dma_wait3A_329] : memref<50176x32xf32, #tpu.memory_space<vmem_shared>> -> memref<50176x32xf32, #tpu.memory_space<vmem_shared>>
      tpu.wait_indirect_dma semaphore(%arg21 : memref<!tpu.dma_semaphore, #tpu.memory_space<semaphore_mem>>) src(%dma_wait3A_324 : memref<128x32xf32, #tpu.memory_space<vmem>>) dst(%dma_wait3A_330 : memref<50176x32xf32, #tpu.memory_space<vmem_shared>>)
      %dma_wait3A_331 = arith.constant 4 : i32
      %dma_wait3A_332 = arith.constant 4 : i32
      %dma_wait3A_333 = arith.constant 0 : i32
      %dma_wait3A_334 = arith.constant 0 : i32
      %dma_wait3A_335 = tpu.memref_slice %arg10[%dma_wait3A_331, %dma_wait3A_333, %dma_wait3A_334] : memref<7x128x32xf32, #tpu.memory_space<vmem>> -> memref<1x128x32xf32, #tpu.memory_space<vmem>>
      %dma_wait3A_336 = tpu.memref_squeeze %dma_wait3A_335 : memref<1x128x32xf32, #tpu.memory_space<vmem>> -> memref<128x32xf32, #tpu.memory_space<vmem>>
      %dma_wait3A_337 = arith.constant 0 : i32
      %dma_wait3A_338 = tpu.memref_slice %arg9[%dma_wait3A_332, %dma_wait3A_337] : memref<7x128xi32, #tpu.memory_space<vmem>> -> memref<1x128xi32, #tpu.memory_space<vmem>>
      %dma_wait3A_339 = tpu.memref_squeeze %dma_wait3A_338 : memref<1x128xi32, #tpu.memory_space<vmem>> -> memref<128xi32, #tpu.memory_space<vmem>>
      %dma_wait3A_340 = arith.constant 0 : i32
      %dma_wait3A_341 = arith.constant 0 : i32
      %dma_wait3A_342 = tpu.memref_slice %arg7[%dma_wait3A_340, %dma_wait3A_341] : memref<50176x32xf32, #tpu.memory_space<vmem_shared>> -> memref<50176x32xf32, #tpu.memory_space<vmem_shared>>
      tpu.wait_indirect_dma semaphore(%arg22 : memref<!tpu.dma_semaphore, #tpu.memory_space<semaphore_mem>>) src(%dma_wait3A_336 : memref<128x32xf32, #tpu.memory_space<vmem>>) dst(%dma_wait3A_342 : memref<50176x32xf32, #tpu.memory_space<vmem_shared>>)
      %dma_wait3A_343 = arith.constant 5 : i32
      %dma_wait3A_344 = arith.constant 5 : i32
      %dma_wait3A_345 = arith.constant 0 : i32
      %dma_wait3A_346 = arith.constant 0 : i32
      %dma_wait3A_347 = tpu.memref_slice %arg10[%dma_wait3A_343, %dma_wait3A_345, %dma_wait3A_346] : memref<7x128x32xf32, #tpu.memory_space<vmem>> -> memref<1x128x32xf32, #tpu.memory_space<vmem>>
      %dma_wait3A_348 = tpu.memref_squeeze %dma_wait3A_347 : memref<1x128x32xf32, #tpu.memory_space<vmem>> -> memref<128x32xf32, #tpu.memory_space<vmem>>
      %dma_wait3A_349 = arith.constant 0 : i32
      %dma_wait3A_350 = tpu.memref_slice %arg9[%dma_wait3A_344, %dma_wait3A_349] : memref<7x128xi32, #tpu.memory_space<vmem>> -> memref<1x128xi32, #tpu.memory_space<vmem>>
      %dma_wait3A_351 = tpu.memref_squeeze %dma_wait3A_350 : memref<1x128xi32, #tpu.memory_space<vmem>> -> memref<128xi32, #tpu.memory_space<vmem>>
      %dma_wait3A_352 = arith.constant 0 : i32
      %dma_wait3A_353 = arith.constant 0 : i32
      %dma_wait3A_354 = tpu.memref_slice %arg7[%dma_wait3A_352, %dma_wait3A_353] : memref<50176x32xf32, #tpu.memory_space<vmem_shared>> -> memref<50176x32xf32, #tpu.memory_space<vmem_shared>>
      tpu.wait_indirect_dma semaphore(%arg23 : memref<!tpu.dma_semaphore, #tpu.memory_space<semaphore_mem>>) src(%dma_wait3A_348 : memref<128x32xf32, #tpu.memory_space<vmem>>) dst(%dma_wait3A_354 : memref<50176x32xf32, #tpu.memory_space<vmem_shared>>)
      %dma_wait3A_355 = arith.constant 6 : i32
      %dma_wait3A_356 = arith.constant 6 : i32
      %dma_wait3A_357 = arith.constant 0 : i32
      %dma_wait3A_358 = arith.constant 0 : i32
      %dma_wait3A_359 = tpu.memref_slice %arg10[%dma_wait3A_355, %dma_wait3A_357, %dma_wait3A_358] : memref<7x128x32xf32, #tpu.memory_space<vmem>> -> memref<1x128x32xf32, #tpu.memory_space<vmem>>
      %dma_wait3A_360 = tpu.memref_squeeze %dma_wait3A_359 : memref<1x128x32xf32, #tpu.memory_space<vmem>> -> memref<128x32xf32, #tpu.memory_space<vmem>>
      %dma_wait3A_361 = arith.constant 0 : i32
      %dma_wait3A_362 = tpu.memref_slice %arg9[%dma_wait3A_356, %dma_wait3A_361] : memref<7x128xi32, #tpu.memory_space<vmem>> -> memref<1x128xi32, #tpu.memory_space<vmem>>
      %dma_wait3A_363 = tpu.memref_squeeze %dma_wait3A_362 : memref<1x128xi32, #tpu.memory_space<vmem>> -> memref<128xi32, #tpu.memory_space<vmem>>
      %dma_wait3A_364 = arith.constant 0 : i32
      %dma_wait3A_365 = arith.constant 0 : i32
      %dma_wait3A_366 = tpu.memref_slice %arg7[%dma_wait3A_364, %dma_wait3A_365] : memref<50176x32xf32, #tpu.memory_space<vmem_shared>> -> memref<50176x32xf32, #tpu.memory_space<vmem_shared>>
      tpu.wait_indirect_dma semaphore(%arg24 : memref<!tpu.dma_semaphore, #tpu.memory_space<semaphore_mem>>) src(%dma_wait3A_360 : memref<128x32xf32, #tpu.memory_space<vmem>>) dst(%dma_wait3A_366 : memref<50176x32xf32, #tpu.memory_space<vmem_shared>>)
    }
    %scan3A_20 = arith.constant 56 : i32
    %barrier3A_21 = arith.constant 0 : index
    tpu.barrier barrier_id(%barrier3A_21)
    %mul3A_22 = arith.constant 3136 : i32
    %mul3A_23 = arith.muli %arg1, %mul3A_22 : i32
    %mul3A_24 = arith.constant 3136 : i32
    %mul3A_25 = arith.muli %arg1, %mul3A_24 : i32
    "tpu.region"() ({
      %run_scoped3A = tpu.sem_alloc : memref<!tpu.dma_semaphore, #tpu.memory_space<semaphore_mem>>
      %dma_start3A = arith.constant 0 : i32
      %dma_start3A_26 = tpu.memref_slice %arg6[%arg0, %mul3A_25, %dma_start3A] : memref<2x50176x32xf32, #tpu.memory_space<hbm>> -> memref<1x3136x32xf32, #tpu.memory_space<hbm>>
      %dma_start3A_27 = tpu.memref_squeeze %dma_start3A_26 : memref<1x3136x32xf32, #tpu.memory_space<hbm>> -> memref<3136x32xf32, #tpu.memory_space<hbm>>
      %dma_start3A_28 = arith.constant 0 : i32
      %dma_start3A_29 = tpu.memref_slice %arg7[%mul3A_23, %dma_start3A_28] : memref<50176x32xf32, #tpu.memory_space<vmem_shared>> -> memref<3136x32xf32, #tpu.memory_space<vmem_shared>>
      tpu.enqueue_dma source(%dma_start3A_29 : memref<3136x32xf32, #tpu.memory_space<vmem_shared>>) target(%dma_start3A_27 : memref<3136x32xf32, #tpu.memory_space<hbm>>) target_semaphore(%run_scoped3A : memref<!tpu.dma_semaphore, #tpu.memory_space<semaphore_mem>>)
      %dma_wait3A = arith.constant 0 : i32
      %dma_wait3A_30 = tpu.memref_slice %arg6[%arg0, %mul3A_25, %dma_wait3A] : memref<2x50176x32xf32, #tpu.memory_space<hbm>> -> memref<1x3136x32xf32, #tpu.memory_space<hbm>>
      %dma_wait3A_31 = tpu.memref_squeeze %dma_wait3A_30 : memref<1x3136x32xf32, #tpu.memory_space<hbm>> -> memref<3136x32xf32, #tpu.memory_space<hbm>>
      %dma_wait3A_32 = arith.constant 0 : i32
      %dma_wait3A_33 = tpu.memref_slice %arg7[%mul3A_23, %dma_wait3A_32] : memref<50176x32xf32, #tpu.memory_space<vmem_shared>> -> memref<3136x32xf32, #tpu.memory_space<vmem_shared>>
      tpu.wait_dma2 semaphore(%run_scoped3A : memref<!tpu.dma_semaphore, #tpu.memory_space<semaphore_mem>>) src(%dma_wait3A_33 : memref<3136x32xf32, #tpu.memory_space<vmem_shared>>) dst(%dma_wait3A_31 : memref<3136x32xf32, #tpu.memory_space<hbm>>)
      tpu.yield
    }) : () -> ()
    return
  }
}

#map = affine_map<(d0, d1) -> (0, 0)>
#map1 = affine_map<(d0, d1) -> (0, 0, 0)>
module attributes {stable_mosaic.version = 14 : i64} {
  func.func @body(%arg0: i32, %arg1: i32, %arg2: memref<50176x32xf32, #tpu.memory_space<hbm>>, %arg3: memref<2x6272x128xi32, #tpu.memory_space<hbm>>, %arg4: memref<6272x128xi32, #tpu.memory_space<hbm>>, %arg5: memref<784x32xf32, #tpu.memory_space<hbm>>, %arg6: memref<2x50176x32xf32, #tpu.memory_space<hbm>>, %arg7: memref<50176x32xf32, #tpu.memory_space<vmem_shared>>, %arg8: memref<7x128xi32, #tpu.memory_space<vmem>>, %arg9: memref<7x128xi32, #tpu.memory_space<vmem>>, %arg10: memref<7x128x32xf32, #tpu.memory_space<vmem>>, %arg11: memref<!tpu.dma_semaphore, #tpu.memory_space<semaphore_mem>>, %arg12: memref<!tpu.dma_semaphore, #tpu.memory_space<semaphore_mem>>, %arg13: memref<!tpu.dma_semaphore, #tpu.memory_space<semaphore_mem>>, %arg14: memref<!tpu.dma_semaphore, #tpu.memory_space<semaphore_mem>>, %arg15: memref<!tpu.dma_semaphore, #tpu.memory_space<semaphore_mem>>, %arg16: memref<!tpu.dma_semaphore, #tpu.memory_space<semaphore_mem>>, %arg17: memref<!tpu.dma_semaphore, #tpu.memory_space<semaphore_mem>>, %arg18: memref<!tpu.dma_semaphore, #tpu.memory_space<semaphore_mem>>, %arg19: memref<!tpu.dma_semaphore, #tpu.memory_space<semaphore_mem>>, %arg20: memref<!tpu.dma_semaphore, #tpu.memory_space<semaphore_mem>>, %arg21: memref<!tpu.dma_semaphore, #tpu.memory_space<semaphore_mem>>, %arg22: memref<!tpu.dma_semaphore, #tpu.memory_space<semaphore_mem>>, %arg23: memref<!tpu.dma_semaphore, #tpu.memory_space<semaphore_mem>>, %arg24: memref<!tpu.dma_semaphore, #tpu.memory_space<semaphore_mem>>) attributes {dimension_semantics = [#tpu.dimension_semantics<core_parallel>, #tpu.dimension_semantics<subcore_parallel>], iteration_bounds = array<i64: 2, 16>, scalar_prefetch = 0 : i64, scratch_operands = 18 : i64, tpu.core_type = #tpu.core_type<sc_vector_subcore>, window_params = [{transform_indices = #map}, {transform_indices = #map1}, {transform_indices = #map}, {transform_indices = #map}, {transform_indices = #map1}]} {
    %mul3A = arith.constant 3136 : i32
    %mul3A_0 = arith.muli %arg1, %mul3A : i32
    %add3A = arith.constant 0 : i32
    %add3A_1 = arith.addi %mul3A_0, %add3A : i32
    "tpu.region"() ({
      %run_scoped3A_29 = tpu.sem_alloc : memref<!tpu.dma_semaphore, #tpu.memory_space<semaphore_mem>>
      %dma_start3A = arith.constant 0 : i32
      %dma_start3A_30 = tpu.memref_slice %arg7[%add3A_1, %dma_start3A] : memref<50176x32xf32, #tpu.memory_space<vmem_shared>> -> memref<784x32xf32, #tpu.memory_space<vmem_shared>>
      %dma_start3A_31 = arith.constant 0 : i32
      %dma_start3A_32 = arith.constant 0 : i32
      %dma_start3A_33 = tpu.memref_slice %arg5[%dma_start3A_31, %dma_start3A_32] : memref<784x32xf32, #tpu.memory_space<hbm>> -> memref<784x32xf32, #tpu.memory_space<hbm>>
      tpu.enqueue_dma source(%dma_start3A_33 : memref<784x32xf32, #tpu.memory_space<hbm>>) target(%dma_start3A_30 : memref<784x32xf32, #tpu.memory_space<vmem_shared>>) target_semaphore(%run_scoped3A_29 : memref<!tpu.dma_semaphore, #tpu.memory_space<semaphore_mem>>)
      %dma_wait3A = arith.constant 0 : i32
      %dma_wait3A_34 = tpu.memref_slice %arg7[%add3A_1, %dma_wait3A] : memref<50176x32xf32, #tpu.memory_space<vmem_shared>> -> memref<784x32xf32, #tpu.memory_space<vmem_shared>>
      %dma_wait3A_35 = arith.constant 0 : i32
      %dma_wait3A_36 = arith.constant 0 : i32
      %dma_wait3A_37 = tpu.memref_slice %arg5[%dma_wait3A_35, %dma_wait3A_36] : memref<784x32xf32, #tpu.memory_space<hbm>> -> memref<784x32xf32, #tpu.memory_space<hbm>>
      tpu.wait_dma2 semaphore(%run_scoped3A_29 : memref<!tpu.dma_semaphore, #tpu.memory_space<semaphore_mem>>) src(%dma_wait3A_37 : memref<784x32xf32, #tpu.memory_space<hbm>>) dst(%dma_wait3A_34 : memref<784x32xf32, #tpu.memory_space<vmem_shared>>)
      tpu.yield
    }) : () -> ()
    %mul3A_2 = arith.constant 3136 : i32
    %mul3A_3 = arith.muli %arg1, %mul3A_2 : i32
    %add3A_4 = arith.constant 784 : i32
    %add3A_5 = arith.addi %mul3A_3, %add3A_4 : i32
    "tpu.region"() ({
      %run_scoped3A_29 = tpu.sem_alloc : memref<!tpu.dma_semaphore, #tpu.memory_space<semaphore_mem>>
      %dma_start3A = arith.constant 0 : i32
      %dma_start3A_30 = tpu.memref_slice %arg7[%add3A_5, %dma_start3A] : memref<50176x32xf32, #tpu.memory_space<vmem_shared>> -> memref<784x32xf32, #tpu.memory_space<vmem_shared>>
      %dma_start3A_31 = arith.constant 0 : i32
      %dma_start3A_32 = arith.constant 0 : i32
      %dma_start3A_33 = tpu.memref_slice %arg5[%dma_start3A_31, %dma_start3A_32] : memref<784x32xf32, #tpu.memory_space<hbm>> -> memref<784x32xf32, #tpu.memory_space<hbm>>
      tpu.enqueue_dma source(%dma_start3A_33 : memref<784x32xf32, #tpu.memory_space<hbm>>) target(%dma_start3A_30 : memref<784x32xf32, #tpu.memory_space<vmem_shared>>) target_semaphore(%run_scoped3A_29 : memref<!tpu.dma_semaphore, #tpu.memory_space<semaphore_mem>>)
      %dma_wait3A = arith.constant 0 : i32
      %dma_wait3A_34 = tpu.memref_slice %arg7[%add3A_5, %dma_wait3A] : memref<50176x32xf32, #tpu.memory_space<vmem_shared>> -> memref<784x32xf32, #tpu.memory_space<vmem_shared>>
      %dma_wait3A_35 = arith.constant 0 : i32
      %dma_wait3A_36 = arith.constant 0 : i32
      %dma_wait3A_37 = tpu.memref_slice %arg5[%dma_wait3A_35, %dma_wait3A_36] : memref<784x32xf32, #tpu.memory_space<hbm>> -> memref<784x32xf32, #tpu.memory_space<hbm>>
      tpu.wait_dma2 semaphore(%run_scoped3A_29 : memref<!tpu.dma_semaphore, #tpu.memory_space<semaphore_mem>>) src(%dma_wait3A_37 : memref<784x32xf32, #tpu.memory_space<hbm>>) dst(%dma_wait3A_34 : memref<784x32xf32, #tpu.memory_space<vmem_shared>>)
      tpu.yield
    }) : () -> ()
    %mul3A_6 = arith.constant 3136 : i32
    %mul3A_7 = arith.muli %arg1, %mul3A_6 : i32
    %add3A_8 = arith.constant 1568 : i32
    %add3A_9 = arith.addi %mul3A_7, %add3A_8 : i32
    "tpu.region"() ({
      %run_scoped3A_29 = tpu.sem_alloc : memref<!tpu.dma_semaphore, #tpu.memory_space<semaphore_mem>>
      %dma_start3A = arith.constant 0 : i32
      %dma_start3A_30 = tpu.memref_slice %arg7[%add3A_9, %dma_start3A] : memref<50176x32xf32, #tpu.memory_space<vmem_shared>> -> memref<784x32xf32, #tpu.memory_space<vmem_shared>>
      %dma_start3A_31 = arith.constant 0 : i32
      %dma_start3A_32 = arith.constant 0 : i32
      %dma_start3A_33 = tpu.memref_slice %arg5[%dma_start3A_31, %dma_start3A_32] : memref<784x32xf32, #tpu.memory_space<hbm>> -> memref<784x32xf32, #tpu.memory_space<hbm>>
      tpu.enqueue_dma source(%dma_start3A_33 : memref<784x32xf32, #tpu.memory_space<hbm>>) target(%dma_start3A_30 : memref<784x32xf32, #tpu.memory_space<vmem_shared>>) target_semaphore(%run_scoped3A_29 : memref<!tpu.dma_semaphore, #tpu.memory_space<semaphore_mem>>)
      %dma_wait3A = arith.constant 0 : i32
      %dma_wait3A_34 = tpu.memref_slice %arg7[%add3A_9, %dma_wait3A] : memref<50176x32xf32, #tpu.memory_space<vmem_shared>> -> memref<784x32xf32, #tpu.memory_space<vmem_shared>>
      %dma_wait3A_35 = arith.constant 0 : i32
      %dma_wait3A_36 = arith.constant 0 : i32
      %dma_wait3A_37 = tpu.memref_slice %arg5[%dma_wait3A_35, %dma_wait3A_36] : memref<784x32xf32, #tpu.memory_space<hbm>> -> memref<784x32xf32, #tpu.memory_space<hbm>>
      tpu.wait_dma2 semaphore(%run_scoped3A_29 : memref<!tpu.dma_semaphore, #tpu.memory_space<semaphore_mem>>) src(%dma_wait3A_37 : memref<784x32xf32, #tpu.memory_space<hbm>>) dst(%dma_wait3A_34 : memref<784x32xf32, #tpu.memory_space<vmem_shared>>)
      tpu.yield
    }) : () -> ()
    %mul3A_10 = arith.constant 3136 : i32
    %mul3A_11 = arith.muli %arg1, %mul3A_10 : i32
    %add3A_12 = arith.constant 2352 : i32
    %add3A_13 = arith.addi %mul3A_11, %add3A_12 : i32
    "tpu.region"() ({
      %run_scoped3A_29 = tpu.sem_alloc : memref<!tpu.dma_semaphore, #tpu.memory_space<semaphore_mem>>
      %dma_start3A = arith.constant 0 : i32
      %dma_start3A_30 = tpu.memref_slice %arg7[%add3A_13, %dma_start3A] : memref<50176x32xf32, #tpu.memory_space<vmem_shared>> -> memref<784x32xf32, #tpu.memory_space<vmem_shared>>
      %dma_start3A_31 = arith.constant 0 : i32
      %dma_start3A_32 = arith.constant 0 : i32
      %dma_start3A_33 = tpu.memref_slice %arg5[%dma_start3A_31, %dma_start3A_32] : memref<784x32xf32, #tpu.memory_space<hbm>> -> memref<784x32xf32, #tpu.memory_space<hbm>>
      tpu.enqueue_dma source(%dma_start3A_33 : memref<784x32xf32, #tpu.memory_space<hbm>>) target(%dma_start3A_30 : memref<784x32xf32, #tpu.memory_space<vmem_shared>>) target_semaphore(%run_scoped3A_29 : memref<!tpu.dma_semaphore, #tpu.memory_space<semaphore_mem>>)
      %dma_wait3A = arith.constant 0 : i32
      %dma_wait3A_34 = tpu.memref_slice %arg7[%add3A_13, %dma_wait3A] : memref<50176x32xf32, #tpu.memory_space<vmem_shared>> -> memref<784x32xf32, #tpu.memory_space<vmem_shared>>
      %dma_wait3A_35 = arith.constant 0 : i32
      %dma_wait3A_36 = arith.constant 0 : i32
      %dma_wait3A_37 = tpu.memref_slice %arg5[%dma_wait3A_35, %dma_wait3A_36] : memref<784x32xf32, #tpu.memory_space<hbm>> -> memref<784x32xf32, #tpu.memory_space<hbm>>
      tpu.wait_dma2 semaphore(%run_scoped3A_29 : memref<!tpu.dma_semaphore, #tpu.memory_space<semaphore_mem>>) src(%dma_wait3A_37 : memref<784x32xf32, #tpu.memory_space<hbm>>) dst(%dma_wait3A_34 : memref<784x32xf32, #tpu.memory_space<vmem_shared>>)
      tpu.yield
    }) : () -> ()
    %barrier3A = arith.constant 0 : index
    tpu.barrier barrier_id(%barrier3A)
    %mul3A_14 = arith.constant 3136 : i32
    %mul3A_15 = arith.muli %arg0, %mul3A_14 : i32
    %mul3A_16 = arith.constant 196 : i32
    %mul3A_17 = arith.muli %arg1, %mul3A_16 : i32
    %add3A_18 = arith.addi %mul3A_15, %mul3A_17 : i32
    %run_scoped3A = arith.constant 0 : i32
    "tpu.region"() ({
      %run_scoped3A_29 = tpu.sem_alloc : memref<!tpu.dma_semaphore, #tpu.memory_space<semaphore_mem>>
      %dma_start3A = arith.constant 0 : i32
      %dma_start3A_30 = tpu.memref_slice %arg3[%run_scoped3A, %add3A_18, %dma_start3A] : memref<2x6272x128xi32, #tpu.memory_space<hbm>> -> memref<1x7x128xi32, #tpu.memory_space<hbm>>
      %dma_start3A_31 = tpu.memref_squeeze %dma_start3A_30 : memref<1x7x128xi32, #tpu.memory_space<hbm>> -> memref<7x128xi32, #tpu.memory_space<hbm>>
      %dma_start3A_32 = arith.constant 0 : i32
      %dma_start3A_33 = tpu.memref_slice %arg3[%run_scoped3A, %add3A_18, %dma_start3A_32] : memref<2x6272x128xi32, #tpu.memory_space<hbm>> -> memref<1x7x128xi32, #tpu.memory_space<hbm>>
      %dma_start3A_34 = tpu.memref_squeeze %dma_start3A_33 : memref<1x7x128xi32, #tpu.memory_space<hbm>> -> memref<7x128xi32, #tpu.memory_space<hbm>>
      tpu.enqueue_dma source(%dma_start3A_34 : memref<7x128xi32, #tpu.memory_space<hbm>>) target(%arg8 : memref<7x128xi32, #tpu.memory_space<vmem>>) target_semaphore(%run_scoped3A_29 : memref<!tpu.dma_semaphore, #tpu.memory_space<semaphore_mem>>)
      %dma_wait3A = arith.constant 0 : i32
      %dma_wait3A_35 = tpu.memref_slice %arg3[%run_scoped3A, %add3A_18, %dma_wait3A] : memref<2x6272x128xi32, #tpu.memory_space<hbm>> -> memref<1x7x128xi32, #tpu.memory_space<hbm>>
      %dma_wait3A_36 = tpu.memref_squeeze %dma_wait3A_35 : memref<1x7x128xi32, #tpu.memory_space<hbm>> -> memref<7x128xi32, #tpu.memory_space<hbm>>
      %dma_wait3A_37 = arith.constant 0 : i32
      %dma_wait3A_38 = tpu.memref_slice %arg3[%run_scoped3A, %add3A_18, %dma_wait3A_37] : memref<2x6272x128xi32, #tpu.memory_space<hbm>> -> memref<1x7x128xi32, #tpu.memory_space<hbm>>
      %dma_wait3A_39 = tpu.memref_squeeze %dma_wait3A_38 : memref<1x7x128xi32, #tpu.memory_space<hbm>> -> memref<7x128xi32, #tpu.memory_space<hbm>>
      tpu.wait_dma2 semaphore(%run_scoped3A_29 : memref<!tpu.dma_semaphore, #tpu.memory_space<semaphore_mem>>) src(%dma_wait3A_39 : memref<7x128xi32, #tpu.memory_space<hbm>>) dst(%arg8 : memref<7x128xi32, #tpu.memory_space<vmem>>)
      tpu.yield
    }) : () -> ()
    %scan3A = arith.constant 0 : i32
    %scan3A_19 = arith.constant 0 : i32
    %scan3A_20 = arith.constant 28 : i32
    %scan3A_21 = arith.addi %scan3A_19, %scan3A_20 : i32
    %scan3A_22 = arith.constant 1 : i32
    scf.for %scan3A_29 = %scan3A_19 to %scan3A_21 step %scan3A_22  : i32 {
      %mul3A_30 = arith.constant 7 : i32
      %mul3A_31 = arith.muli %scan3A_29, %mul3A_30 : i32
      %add3A_32 = arith.addi %add3A_18, %mul3A_31 : i32
      %dma_start3A = arith.constant 0 : i32
      %dma_start3A_33 = arith.constant 0 : i32
      %dma_start3A_34 = arith.constant 0 : i32
      %dma_start3A_35 = arith.constant 0 : i32
      %dma_start3A_36 = tpu.memref_slice %arg10[%dma_start3A_33, %dma_start3A_34, %dma_start3A_35] : memref<7x128x32xf32, #tpu.memory_space<vmem>> -> memref<1x128x32xf32, #tpu.memory_space<vmem>>
      %dma_start3A_37 = tpu.memref_squeeze %dma_start3A_36 : memref<1x128x32xf32, #tpu.memory_space<vmem>> -> memref<128x32xf32, #tpu.memory_space<vmem>>
      %dma_start3A_38 = arith.constant 0 : i32
      %dma_start3A_39 = tpu.memref_slice %arg8[%dma_start3A, %dma_start3A_38] : memref<7x128xi32, #tpu.memory_space<vmem>> -> memref<1x128xi32, #tpu.memory_space<vmem>>
      %dma_start3A_40 = tpu.memref_squeeze %dma_start3A_39 : memref<1x128xi32, #tpu.memory_space<vmem>> -> memref<128xi32, #tpu.memory_space<vmem>>
      %dma_start3A_41 = arith.constant 0 : i32
      %dma_start3A_42 = arith.constant 0 : i32
      %dma_start3A_43 = tpu.memref_slice %arg2[%dma_start3A_41, %dma_start3A_42] : memref<50176x32xf32, #tpu.memory_space<hbm>> -> memref<50176x32xf32, #tpu.memory_space<hbm>>
      tpu.enqueue_indirect_dma source(%dma_start3A_43 : memref<50176x32xf32, #tpu.memory_space<hbm>>) target(%dma_start3A_37 : memref<128x32xf32, #tpu.memory_space<vmem>>) offsets(%dma_start3A_40 : memref<128xi32, #tpu.memory_space<vmem>>) semaphore(%arg11 : memref<!tpu.dma_semaphore, #tpu.memory_space<semaphore_mem>>)
      %dma_start3A_44 = arith.constant 1 : i32
      %dma_start3A_45 = arith.constant 1 : i32
      %dma_start3A_46 = arith.constant 0 : i32
      %dma_start3A_47 = arith.constant 0 : i32
      %dma_start3A_48 = tpu.memref_slice %arg10[%dma_start3A_45, %dma_start3A_46, %dma_start3A_47] : memref<7x128x32xf32, #tpu.memory_space<vmem>> -> memref<1x128x32xf32, #tpu.memory_space<vmem>>
      %dma_start3A_49 = tpu.memref_squeeze %dma_start3A_48 : memref<1x128x32xf32, #tpu.memory_space<vmem>> -> memref<128x32xf32, #tpu.memory_space<vmem>>
      %dma_start3A_50 = arith.constant 0 : i32
      %dma_start3A_51 = tpu.memref_slice %arg8[%dma_start3A_44, %dma_start3A_50] : memref<7x128xi32, #tpu.memory_space<vmem>> -> memref<1x128xi32, #tpu.memory_space<vmem>>
      %dma_start3A_52 = tpu.memref_squeeze %dma_start3A_51 : memref<1x128xi32, #tpu.memory_space<vmem>> -> memref<128xi32, #tpu.memory_space<vmem>>
      %dma_start3A_53 = arith.constant 0 : i32
      %dma_start3A_54 = arith.constant 0 : i32
      %dma_start3A_55 = tpu.memref_slice %arg2[%dma_start3A_53, %dma_start3A_54] : memref<50176x32xf32, #tpu.memory_space<hbm>> -> memref<50176x32xf32, #tpu.memory_space<hbm>>
      tpu.enqueue_indirect_dma source(%dma_start3A_55 : memref<50176x32xf32, #tpu.memory_space<hbm>>) target(%dma_start3A_49 : memref<128x32xf32, #tpu.memory_space<vmem>>) offsets(%dma_start3A_52 : memref<128xi32, #tpu.memory_space<vmem>>) semaphore(%arg12 : memref<!tpu.dma_semaphore, #tpu.memory_space<semaphore_mem>>)
      %dma_start3A_56 = arith.constant 2 : i32
      %dma_start3A_57 = arith.constant 2 : i32
      %dma_start3A_58 = arith.constant 0 : i32
      %dma_start3A_59 = arith.constant 0 : i32
      %dma_start3A_60 = tpu.memref_slice %arg10[%dma_start3A_57, %dma_start3A_58, %dma_start3A_59] : memref<7x128x32xf32, #tpu.memory_space<vmem>> -> memref<1x128x32xf32, #tpu.memory_space<vmem>>
      %dma_start3A_61 = tpu.memref_squeeze %dma_start3A_60 : memref<1x128x32xf32, #tpu.memory_space<vmem>> -> memref<128x32xf32, #tpu.memory_space<vmem>>
      %dma_start3A_62 = arith.constant 0 : i32
      %dma_start3A_63 = tpu.memref_slice %arg8[%dma_start3A_56, %dma_start3A_62] : memref<7x128xi32, #tpu.memory_space<vmem>> -> memref<1x128xi32, #tpu.memory_space<vmem>>
      %dma_start3A_64 = tpu.memref_squeeze %dma_start3A_63 : memref<1x128xi32, #tpu.memory_space<vmem>> -> memref<128xi32, #tpu.memory_space<vmem>>
      %dma_start3A_65 = arith.constant 0 : i32
      %dma_start3A_66 = arith.constant 0 : i32
      %dma_start3A_67 = tpu.memref_slice %arg2[%dma_start3A_65, %dma_start3A_66] : memref<50176x32xf32, #tpu.memory_space<hbm>> -> memref<50176x32xf32, #tpu.memory_space<hbm>>
      tpu.enqueue_indirect_dma source(%dma_start3A_67 : memref<50176x32xf32, #tpu.memory_space<hbm>>) target(%dma_start3A_61 : memref<128x32xf32, #tpu.memory_space<vmem>>) offsets(%dma_start3A_64 : memref<128xi32, #tpu.memory_space<vmem>>) semaphore(%arg13 : memref<!tpu.dma_semaphore, #tpu.memory_space<semaphore_mem>>)
      %dma_start3A_68 = arith.constant 3 : i32
      %dma_start3A_69 = arith.constant 3 : i32
      %dma_start3A_70 = arith.constant 0 : i32
      %dma_start3A_71 = arith.constant 0 : i32
      %dma_start3A_72 = tpu.memref_slice %arg10[%dma_start3A_69, %dma_start3A_70, %dma_start3A_71] : memref<7x128x32xf32, #tpu.memory_space<vmem>> -> memref<1x128x32xf32, #tpu.memory_space<vmem>>
      %dma_start3A_73 = tpu.memref_squeeze %dma_start3A_72 : memref<1x128x32xf32, #tpu.memory_space<vmem>> -> memref<128x32xf32, #tpu.memory_space<vmem>>
      %dma_start3A_74 = arith.constant 0 : i32
      %dma_start3A_75 = tpu.memref_slice %arg8[%dma_start3A_68, %dma_start3A_74] : memref<7x128xi32, #tpu.memory_space<vmem>> -> memref<1x128xi32, #tpu.memory_space<vmem>>
      %dma_start3A_76 = tpu.memref_squeeze %dma_start3A_75 : memref<1x128xi32, #tpu.memory_space<vmem>> -> memref<128xi32, #tpu.memory_space<vmem>>
      %dma_start3A_77 = arith.constant 0 : i32
      %dma_start3A_78 = arith.constant 0 : i32
      %dma_start3A_79 = tpu.memref_slice %arg2[%dma_start3A_77, %dma_start3A_78] : memref<50176x32xf32, #tpu.memory_space<hbm>> -> memref<50176x32xf32, #tpu.memory_space<hbm>>
      tpu.enqueue_indirect_dma source(%dma_start3A_79 : memref<50176x32xf32, #tpu.memory_space<hbm>>) target(%dma_start3A_73 : memref<128x32xf32, #tpu.memory_space<vmem>>) offsets(%dma_start3A_76 : memref<128xi32, #tpu.memory_space<vmem>>) semaphore(%arg14 : memref<!tpu.dma_semaphore, #tpu.memory_space<semaphore_mem>>)
      %dma_start3A_80 = arith.constant 4 : i32
      %dma_start3A_81 = arith.constant 4 : i32
      %dma_start3A_82 = arith.constant 0 : i32
      %dma_start3A_83 = arith.constant 0 : i32
      %dma_start3A_84 = tpu.memref_slice %arg10[%dma_start3A_81, %dma_start3A_82, %dma_start3A_83] : memref<7x128x32xf32, #tpu.memory_space<vmem>> -> memref<1x128x32xf32, #tpu.memory_space<vmem>>
      %dma_start3A_85 = tpu.memref_squeeze %dma_start3A_84 : memref<1x128x32xf32, #tpu.memory_space<vmem>> -> memref<128x32xf32, #tpu.memory_space<vmem>>
      %dma_start3A_86 = arith.constant 0 : i32
      %dma_start3A_87 = tpu.memref_slice %arg8[%dma_start3A_80, %dma_start3A_86] : memref<7x128xi32, #tpu.memory_space<vmem>> -> memref<1x128xi32, #tpu.memory_space<vmem>>
      %dma_start3A_88 = tpu.memref_squeeze %dma_start3A_87 : memref<1x128xi32, #tpu.memory_space<vmem>> -> memref<128xi32, #tpu.memory_space<vmem>>
      %dma_start3A_89 = arith.constant 0 : i32
      %dma_start3A_90 = arith.constant 0 : i32
      %dma_start3A_91 = tpu.memref_slice %arg2[%dma_start3A_89, %dma_start3A_90] : memref<50176x32xf32, #tpu.memory_space<hbm>> -> memref<50176x32xf32, #tpu.memory_space<hbm>>
      tpu.enqueue_indirect_dma source(%dma_start3A_91 : memref<50176x32xf32, #tpu.memory_space<hbm>>) target(%dma_start3A_85 : memref<128x32xf32, #tpu.memory_space<vmem>>) offsets(%dma_start3A_88 : memref<128xi32, #tpu.memory_space<vmem>>) semaphore(%arg15 : memref<!tpu.dma_semaphore, #tpu.memory_space<semaphore_mem>>)
      %dma_start3A_92 = arith.constant 5 : i32
      %dma_start3A_93 = arith.constant 5 : i32
      %dma_start3A_94 = arith.constant 0 : i32
      %dma_start3A_95 = arith.constant 0 : i32
      %dma_start3A_96 = tpu.memref_slice %arg10[%dma_start3A_93, %dma_start3A_94, %dma_start3A_95] : memref<7x128x32xf32, #tpu.memory_space<vmem>> -> memref<1x128x32xf32, #tpu.memory_space<vmem>>
      %dma_start3A_97 = tpu.memref_squeeze %dma_start3A_96 : memref<1x128x32xf32, #tpu.memory_space<vmem>> -> memref<128x32xf32, #tpu.memory_space<vmem>>
      %dma_start3A_98 = arith.constant 0 : i32
      %dma_start3A_99 = tpu.memref_slice %arg8[%dma_start3A_92, %dma_start3A_98] : memref<7x128xi32, #tpu.memory_space<vmem>> -> memref<1x128xi32, #tpu.memory_space<vmem>>
      %dma_start3A_100 = tpu.memref_squeeze %dma_start3A_99 : memref<1x128xi32, #tpu.memory_space<vmem>> -> memref<128xi32, #tpu.memory_space<vmem>>
      %dma_start3A_101 = arith.constant 0 : i32
      %dma_start3A_102 = arith.constant 0 : i32
      %dma_start3A_103 = tpu.memref_slice %arg2[%dma_start3A_101, %dma_start3A_102] : memref<50176x32xf32, #tpu.memory_space<hbm>> -> memref<50176x32xf32, #tpu.memory_space<hbm>>
      tpu.enqueue_indirect_dma source(%dma_start3A_103 : memref<50176x32xf32, #tpu.memory_space<hbm>>) target(%dma_start3A_97 : memref<128x32xf32, #tpu.memory_space<vmem>>) offsets(%dma_start3A_100 : memref<128xi32, #tpu.memory_space<vmem>>) semaphore(%arg16 : memref<!tpu.dma_semaphore, #tpu.memory_space<semaphore_mem>>)
      %dma_start3A_104 = arith.constant 6 : i32
      %dma_start3A_105 = arith.constant 6 : i32
      %dma_start3A_106 = arith.constant 0 : i32
      %dma_start3A_107 = arith.constant 0 : i32
      %dma_start3A_108 = tpu.memref_slice %arg10[%dma_start3A_105, %dma_start3A_106, %dma_start3A_107] : memref<7x128x32xf32, #tpu.memory_space<vmem>> -> memref<1x128x32xf32, #tpu.memory_space<vmem>>
      %dma_start3A_109 = tpu.memref_squeeze %dma_start3A_108 : memref<1x128x32xf32, #tpu.memory_space<vmem>> -> memref<128x32xf32, #tpu.memory_space<vmem>>
      %dma_start3A_110 = arith.constant 0 : i32
      %dma_start3A_111 = tpu.memref_slice %arg8[%dma_start3A_104, %dma_start3A_110] : memref<7x128xi32, #tpu.memory_space<vmem>> -> memref<1x128xi32, #tpu.memory_space<vmem>>
      %dma_start3A_112 = tpu.memref_squeeze %dma_start3A_111 : memref<1x128xi32, #tpu.memory_space<vmem>> -> memref<128xi32, #tpu.memory_space<vmem>>
      %dma_start3A_113 = arith.constant 0 : i32
      %dma_start3A_114 = arith.constant 0 : i32
      %dma_start3A_115 = tpu.memref_slice %arg2[%dma_start3A_113, %dma_start3A_114] : memref<50176x32xf32, #tpu.memory_space<hbm>> -> memref<50176x32xf32, #tpu.memory_space<hbm>>
      tpu.enqueue_indirect_dma source(%dma_start3A_115 : memref<50176x32xf32, #tpu.memory_space<hbm>>) target(%dma_start3A_109 : memref<128x32xf32, #tpu.memory_space<vmem>>) offsets(%dma_start3A_112 : memref<128xi32, #tpu.memory_space<vmem>>) semaphore(%arg17 : memref<!tpu.dma_semaphore, #tpu.memory_space<semaphore_mem>>)
      "tpu.region"() ({
        %run_scoped3A_371 = tpu.sem_alloc : memref<!tpu.dma_semaphore, #tpu.memory_space<semaphore_mem>>
        %dma_start3A_372 = arith.constant 0 : i32
        %dma_start3A_373 = tpu.memref_slice %arg4[%add3A_32, %dma_start3A_372] : memref<6272x128xi32, #tpu.memory_space<hbm>> -> memref<7x128xi32, #tpu.memory_space<hbm>>
        %dma_start3A_374 = arith.constant 0 : i32
        %dma_start3A_375 = tpu.memref_slice %arg4[%add3A_32, %dma_start3A_374] : memref<6272x128xi32, #tpu.memory_space<hbm>> -> memref<7x128xi32, #tpu.memory_space<hbm>>
        tpu.enqueue_dma source(%dma_start3A_375 : memref<7x128xi32, #tpu.memory_space<hbm>>) target(%arg9 : memref<7x128xi32, #tpu.memory_space<vmem>>) target_semaphore(%run_scoped3A_371 : memref<!tpu.dma_semaphore, #tpu.memory_space<semaphore_mem>>)
        %dma_wait3A_376 = arith.constant 0 : i32
        %dma_wait3A_377 = tpu.memref_slice %arg4[%add3A_32, %dma_wait3A_376] : memref<6272x128xi32, #tpu.memory_space<hbm>> -> memref<7x128xi32, #tpu.memory_space<hbm>>
        %dma_wait3A_378 = arith.constant 0 : i32
        %dma_wait3A_379 = tpu.memref_slice %arg4[%add3A_32, %dma_wait3A_378] : memref<6272x128xi32, #tpu.memory_space<hbm>> -> memref<7x128xi32, #tpu.memory_space<hbm>>
        tpu.wait_dma2 semaphore(%run_scoped3A_371 : memref<!tpu.dma_semaphore, #tpu.memory_space<semaphore_mem>>) src(%dma_wait3A_379 : memref<7x128xi32, #tpu.memory_space<hbm>>) dst(%arg9 : memref<7x128xi32, #tpu.memory_space<vmem>>)
        tpu.yield
      }) : () -> ()
      %dma_wait3A = arith.constant 0 : i32
      %dma_wait3A_116 = arith.constant 0 : i32
      %dma_wait3A_117 = arith.constant 0 : i32
      %dma_wait3A_118 = arith.constant 0 : i32
      %dma_wait3A_119 = tpu.memref_slice %arg10[%dma_wait3A_116, %dma_wait3A_117, %dma_wait3A_118] : memref<7x128x32xf32, #tpu.memory_space<vmem>> -> memref<1x128x32xf32, #tpu.memory_space<vmem>>
      %dma_wait3A_120 = tpu.memref_squeeze %dma_wait3A_119 : memref<1x128x32xf32, #tpu.memory_space<vmem>> -> memref<128x32xf32, #tpu.memory_space<vmem>>
      %dma_wait3A_121 = arith.constant 0 : i32
      %dma_wait3A_122 = tpu.memref_slice %arg8[%dma_wait3A, %dma_wait3A_121] : memref<7x128xi32, #tpu.memory_space<vmem>> -> memref<1x128xi32, #tpu.memory_space<vmem>>
      %dma_wait3A_123 = tpu.memref_squeeze %dma_wait3A_122 : memref<1x128xi32, #tpu.memory_space<vmem>> -> memref<128xi32, #tpu.memory_space<vmem>>
      %dma_wait3A_124 = arith.constant 0 : i32
      %dma_wait3A_125 = arith.constant 0 : i32
      %dma_wait3A_126 = tpu.memref_slice %arg2[%dma_wait3A_124, %dma_wait3A_125] : memref<50176x32xf32, #tpu.memory_space<hbm>> -> memref<50176x32xf32, #tpu.memory_space<hbm>>
      tpu.wait_indirect_dma semaphore(%arg11 : memref<!tpu.dma_semaphore, #tpu.memory_space<semaphore_mem>>) src(%dma_wait3A_126 : memref<50176x32xf32, #tpu.memory_space<hbm>>) dst(%dma_wait3A_120 : memref<128x32xf32, #tpu.memory_space<vmem>>)
      %dma_start3A_127 = arith.constant 0 : i32
      %dma_start3A_128 = arith.constant 0 : i32
      %dma_start3A_129 = arith.constant 0 : i32
      %dma_start3A_130 = arith.constant 0 : i32
      %dma_start3A_131 = tpu.memref_slice %arg10[%dma_start3A_127, %dma_start3A_129, %dma_start3A_130] : memref<7x128x32xf32, #tpu.memory_space<vmem>> -> memref<1x128x32xf32, #tpu.memory_space<vmem>>
      %dma_start3A_132 = tpu.memref_squeeze %dma_start3A_131 : memref<1x128x32xf32, #tpu.memory_space<vmem>> -> memref<128x32xf32, #tpu.memory_space<vmem>>
      %dma_start3A_133 = arith.constant 0 : i32
      %dma_start3A_134 = tpu.memref_slice %arg9[%dma_start3A_128, %dma_start3A_133] : memref<7x128xi32, #tpu.memory_space<vmem>> -> memref<1x128xi32, #tpu.memory_space<vmem>>
      %dma_start3A_135 = tpu.memref_squeeze %dma_start3A_134 : memref<1x128xi32, #tpu.memory_space<vmem>> -> memref<128xi32, #tpu.memory_space<vmem>>
      %dma_start3A_136 = arith.constant 0 : i32
      %dma_start3A_137 = arith.constant 0 : i32
      %dma_start3A_138 = tpu.memref_slice %arg7[%dma_start3A_136, %dma_start3A_137] : memref<50176x32xf32, #tpu.memory_space<vmem_shared>> -> memref<50176x32xf32, #tpu.memory_space<vmem_shared>>
      tpu.enqueue_indirect_dma source(%dma_start3A_132 : memref<128x32xf32, #tpu.memory_space<vmem>>) target(%dma_start3A_138 : memref<50176x32xf32, #tpu.memory_space<vmem_shared>>) offsets(%dma_start3A_135 : memref<128xi32, #tpu.memory_space<vmem>>) semaphore(%arg18 : memref<!tpu.dma_semaphore, #tpu.memory_space<semaphore_mem>>) {add = true}
      %dma_wait3A_139 = arith.constant 1 : i32
      %dma_wait3A_140 = arith.constant 1 : i32
      %dma_wait3A_141 = arith.constant 0 : i32
      %dma_wait3A_142 = arith.constant 0 : i32
      %dma_wait3A_143 = tpu.memref_slice %arg10[%dma_wait3A_140, %dma_wait3A_141, %dma_wait3A_142] : memref<7x128x32xf32, #tpu.memory_space<vmem>> -> memref<1x128x32xf32, #tpu.memory_space<vmem>>
      %dma_wait3A_144 = tpu.memref_squeeze %dma_wait3A_143 : memref<1x128x32xf32, #tpu.memory_space<vmem>> -> memref<128x32xf32, #tpu.memory_space<vmem>>
      %dma_wait3A_145 = arith.constant 0 : i32
      %dma_wait3A_146 = tpu.memref_slice %arg8[%dma_wait3A_139, %dma_wait3A_145] : memref<7x128xi32, #tpu.memory_space<vmem>> -> memref<1x128xi32, #tpu.memory_space<vmem>>
      %dma_wait3A_147 = tpu.memref_squeeze %dma_wait3A_146 : memref<1x128xi32, #tpu.memory_space<vmem>> -> memref<128xi32, #tpu.memory_space<vmem>>
      %dma_wait3A_148 = arith.constant 0 : i32
      %dma_wait3A_149 = arith.constant 0 : i32
      %dma_wait3A_150 = tpu.memref_slice %arg2[%dma_wait3A_148, %dma_wait3A_149] : memref<50176x32xf32, #tpu.memory_space<hbm>> -> memref<50176x32xf32, #tpu.memory_space<hbm>>
      tpu.wait_indirect_dma semaphore(%arg12 : memref<!tpu.dma_semaphore, #tpu.memory_space<semaphore_mem>>) src(%dma_wait3A_150 : memref<50176x32xf32, #tpu.memory_space<hbm>>) dst(%dma_wait3A_144 : memref<128x32xf32, #tpu.memory_space<vmem>>)
      %dma_start3A_151 = arith.constant 1 : i32
      %dma_start3A_152 = arith.constant 1 : i32
      %dma_start3A_153 = arith.constant 0 : i32
      %dma_start3A_154 = arith.constant 0 : i32
      %dma_start3A_155 = tpu.memref_slice %arg10[%dma_start3A_151, %dma_start3A_153, %dma_start3A_154] : memref<7x128x32xf32, #tpu.memory_space<vmem>> -> memref<1x128x32xf32, #tpu.memory_space<vmem>>
      %dma_start3A_156 = tpu.memref_squeeze %dma_start3A_155 : memref<1x128x32xf32, #tpu.memory_space<vmem>> -> memref<128x32xf32, #tpu.memory_space<vmem>>
      %dma_start3A_157 = arith.constant 0 : i32
      %dma_start3A_158 = tpu.memref_slice %arg9[%dma_start3A_152, %dma_start3A_157] : memref<7x128xi32, #tpu.memory_space<vmem>> -> memref<1x128xi32, #tpu.memory_space<vmem>>
      %dma_start3A_159 = tpu.memref_squeeze %dma_start3A_158 : memref<1x128xi32, #tpu.memory_space<vmem>> -> memref<128xi32, #tpu.memory_space<vmem>>
      %dma_start3A_160 = arith.constant 0 : i32
      %dma_start3A_161 = arith.constant 0 : i32
      %dma_start3A_162 = tpu.memref_slice %arg7[%dma_start3A_160, %dma_start3A_161] : memref<50176x32xf32, #tpu.memory_space<vmem_shared>> -> memref<50176x32xf32, #tpu.memory_space<vmem_shared>>
      tpu.enqueue_indirect_dma source(%dma_start3A_156 : memref<128x32xf32, #tpu.memory_space<vmem>>) target(%dma_start3A_162 : memref<50176x32xf32, #tpu.memory_space<vmem_shared>>) offsets(%dma_start3A_159 : memref<128xi32, #tpu.memory_space<vmem>>) semaphore(%arg19 : memref<!tpu.dma_semaphore, #tpu.memory_space<semaphore_mem>>) {add = true}
      %dma_wait3A_163 = arith.constant 2 : i32
      %dma_wait3A_164 = arith.constant 2 : i32
      %dma_wait3A_165 = arith.constant 0 : i32
      %dma_wait3A_166 = arith.constant 0 : i32
      %dma_wait3A_167 = tpu.memref_slice %arg10[%dma_wait3A_164, %dma_wait3A_165, %dma_wait3A_166] : memref<7x128x32xf32, #tpu.memory_space<vmem>> -> memref<1x128x32xf32, #tpu.memory_space<vmem>>
      %dma_wait3A_168 = tpu.memref_squeeze %dma_wait3A_167 : memref<1x128x32xf32, #tpu.memory_space<vmem>> -> memref<128x32xf32, #tpu.memory_space<vmem>>
      %dma_wait3A_169 = arith.constant 0 : i32
      %dma_wait3A_170 = tpu.memref_slice %arg8[%dma_wait3A_163, %dma_wait3A_169] : memref<7x128xi32, #tpu.memory_space<vmem>> -> memref<1x128xi32, #tpu.memory_space<vmem>>
      %dma_wait3A_171 = tpu.memref_squeeze %dma_wait3A_170 : memref<1x128xi32, #tpu.memory_space<vmem>> -> memref<128xi32, #tpu.memory_space<vmem>>
      %dma_wait3A_172 = arith.constant 0 : i32
      %dma_wait3A_173 = arith.constant 0 : i32
      %dma_wait3A_174 = tpu.memref_slice %arg2[%dma_wait3A_172, %dma_wait3A_173] : memref<50176x32xf32, #tpu.memory_space<hbm>> -> memref<50176x32xf32, #tpu.memory_space<hbm>>
      tpu.wait_indirect_dma semaphore(%arg13 : memref<!tpu.dma_semaphore, #tpu.memory_space<semaphore_mem>>) src(%dma_wait3A_174 : memref<50176x32xf32, #tpu.memory_space<hbm>>) dst(%dma_wait3A_168 : memref<128x32xf32, #tpu.memory_space<vmem>>)
      %dma_start3A_175 = arith.constant 2 : i32
      %dma_start3A_176 = arith.constant 2 : i32
      %dma_start3A_177 = arith.constant 0 : i32
      %dma_start3A_178 = arith.constant 0 : i32
      %dma_start3A_179 = tpu.memref_slice %arg10[%dma_start3A_175, %dma_start3A_177, %dma_start3A_178] : memref<7x128x32xf32, #tpu.memory_space<vmem>> -> memref<1x128x32xf32, #tpu.memory_space<vmem>>
      %dma_start3A_180 = tpu.memref_squeeze %dma_start3A_179 : memref<1x128x32xf32, #tpu.memory_space<vmem>> -> memref<128x32xf32, #tpu.memory_space<vmem>>
      %dma_start3A_181 = arith.constant 0 : i32
      %dma_start3A_182 = tpu.memref_slice %arg9[%dma_start3A_176, %dma_start3A_181] : memref<7x128xi32, #tpu.memory_space<vmem>> -> memref<1x128xi32, #tpu.memory_space<vmem>>
      %dma_start3A_183 = tpu.memref_squeeze %dma_start3A_182 : memref<1x128xi32, #tpu.memory_space<vmem>> -> memref<128xi32, #tpu.memory_space<vmem>>
      %dma_start3A_184 = arith.constant 0 : i32
      %dma_start3A_185 = arith.constant 0 : i32
      %dma_start3A_186 = tpu.memref_slice %arg7[%dma_start3A_184, %dma_start3A_185] : memref<50176x32xf32, #tpu.memory_space<vmem_shared>> -> memref<50176x32xf32, #tpu.memory_space<vmem_shared>>
      tpu.enqueue_indirect_dma source(%dma_start3A_180 : memref<128x32xf32, #tpu.memory_space<vmem>>) target(%dma_start3A_186 : memref<50176x32xf32, #tpu.memory_space<vmem_shared>>) offsets(%dma_start3A_183 : memref<128xi32, #tpu.memory_space<vmem>>) semaphore(%arg20 : memref<!tpu.dma_semaphore, #tpu.memory_space<semaphore_mem>>) {add = true}
      %dma_wait3A_187 = arith.constant 3 : i32
      %dma_wait3A_188 = arith.constant 3 : i32
      %dma_wait3A_189 = arith.constant 0 : i32
      %dma_wait3A_190 = arith.constant 0 : i32
      %dma_wait3A_191 = tpu.memref_slice %arg10[%dma_wait3A_188, %dma_wait3A_189, %dma_wait3A_190] : memref<7x128x32xf32, #tpu.memory_space<vmem>> -> memref<1x128x32xf32, #tpu.memory_space<vmem>>
      %dma_wait3A_192 = tpu.memref_squeeze %dma_wait3A_191 : memref<1x128x32xf32, #tpu.memory_space<vmem>> -> memref<128x32xf32, #tpu.memory_space<vmem>>
      %dma_wait3A_193 = arith.constant 0 : i32
      %dma_wait3A_194 = tpu.memref_slice %arg8[%dma_wait3A_187, %dma_wait3A_193] : memref<7x128xi32, #tpu.memory_space<vmem>> -> memref<1x128xi32, #tpu.memory_space<vmem>>
      %dma_wait3A_195 = tpu.memref_squeeze %dma_wait3A_194 : memref<1x128xi32, #tpu.memory_space<vmem>> -> memref<128xi32, #tpu.memory_space<vmem>>
      %dma_wait3A_196 = arith.constant 0 : i32
      %dma_wait3A_197 = arith.constant 0 : i32
      %dma_wait3A_198 = tpu.memref_slice %arg2[%dma_wait3A_196, %dma_wait3A_197] : memref<50176x32xf32, #tpu.memory_space<hbm>> -> memref<50176x32xf32, #tpu.memory_space<hbm>>
      tpu.wait_indirect_dma semaphore(%arg14 : memref<!tpu.dma_semaphore, #tpu.memory_space<semaphore_mem>>) src(%dma_wait3A_198 : memref<50176x32xf32, #tpu.memory_space<hbm>>) dst(%dma_wait3A_192 : memref<128x32xf32, #tpu.memory_space<vmem>>)
      %dma_start3A_199 = arith.constant 3 : i32
      %dma_start3A_200 = arith.constant 3 : i32
      %dma_start3A_201 = arith.constant 0 : i32
      %dma_start3A_202 = arith.constant 0 : i32
      %dma_start3A_203 = tpu.memref_slice %arg10[%dma_start3A_199, %dma_start3A_201, %dma_start3A_202] : memref<7x128x32xf32, #tpu.memory_space<vmem>> -> memref<1x128x32xf32, #tpu.memory_space<vmem>>
      %dma_start3A_204 = tpu.memref_squeeze %dma_start3A_203 : memref<1x128x32xf32, #tpu.memory_space<vmem>> -> memref<128x32xf32, #tpu.memory_space<vmem>>
      %dma_start3A_205 = arith.constant 0 : i32
      %dma_start3A_206 = tpu.memref_slice %arg9[%dma_start3A_200, %dma_start3A_205] : memref<7x128xi32, #tpu.memory_space<vmem>> -> memref<1x128xi32, #tpu.memory_space<vmem>>
      %dma_start3A_207 = tpu.memref_squeeze %dma_start3A_206 : memref<1x128xi32, #tpu.memory_space<vmem>> -> memref<128xi32, #tpu.memory_space<vmem>>
      %dma_start3A_208 = arith.constant 0 : i32
      %dma_start3A_209 = arith.constant 0 : i32
      %dma_start3A_210 = tpu.memref_slice %arg7[%dma_start3A_208, %dma_start3A_209] : memref<50176x32xf32, #tpu.memory_space<vmem_shared>> -> memref<50176x32xf32, #tpu.memory_space<vmem_shared>>
      tpu.enqueue_indirect_dma source(%dma_start3A_204 : memref<128x32xf32, #tpu.memory_space<vmem>>) target(%dma_start3A_210 : memref<50176x32xf32, #tpu.memory_space<vmem_shared>>) offsets(%dma_start3A_207 : memref<128xi32, #tpu.memory_space<vmem>>) semaphore(%arg21 : memref<!tpu.dma_semaphore, #tpu.memory_space<semaphore_mem>>) {add = true}
      %dma_wait3A_211 = arith.constant 4 : i32
      %dma_wait3A_212 = arith.constant 4 : i32
      %dma_wait3A_213 = arith.constant 0 : i32
      %dma_wait3A_214 = arith.constant 0 : i32
      %dma_wait3A_215 = tpu.memref_slice %arg10[%dma_wait3A_212, %dma_wait3A_213, %dma_wait3A_214] : memref<7x128x32xf32, #tpu.memory_space<vmem>> -> memref<1x128x32xf32, #tpu.memory_space<vmem>>
      %dma_wait3A_216 = tpu.memref_squeeze %dma_wait3A_215 : memref<1x128x32xf32, #tpu.memory_space<vmem>> -> memref<128x32xf32, #tpu.memory_space<vmem>>
      %dma_wait3A_217 = arith.constant 0 : i32
      %dma_wait3A_218 = tpu.memref_slice %arg8[%dma_wait3A_211, %dma_wait3A_217] : memref<7x128xi32, #tpu.memory_space<vmem>> -> memref<1x128xi32, #tpu.memory_space<vmem>>
      %dma_wait3A_219 = tpu.memref_squeeze %dma_wait3A_218 : memref<1x128xi32, #tpu.memory_space<vmem>> -> memref<128xi32, #tpu.memory_space<vmem>>
      %dma_wait3A_220 = arith.constant 0 : i32
      %dma_wait3A_221 = arith.constant 0 : i32
      %dma_wait3A_222 = tpu.memref_slice %arg2[%dma_wait3A_220, %dma_wait3A_221] : memref<50176x32xf32, #tpu.memory_space<hbm>> -> memref<50176x32xf32, #tpu.memory_space<hbm>>
      tpu.wait_indirect_dma semaphore(%arg15 : memref<!tpu.dma_semaphore, #tpu.memory_space<semaphore_mem>>) src(%dma_wait3A_222 : memref<50176x32xf32, #tpu.memory_space<hbm>>) dst(%dma_wait3A_216 : memref<128x32xf32, #tpu.memory_space<vmem>>)
      %dma_start3A_223 = arith.constant 4 : i32
      %dma_start3A_224 = arith.constant 4 : i32
      %dma_start3A_225 = arith.constant 0 : i32
      %dma_start3A_226 = arith.constant 0 : i32
      %dma_start3A_227 = tpu.memref_slice %arg10[%dma_start3A_223, %dma_start3A_225, %dma_start3A_226] : memref<7x128x32xf32, #tpu.memory_space<vmem>> -> memref<1x128x32xf32, #tpu.memory_space<vmem>>
      %dma_start3A_228 = tpu.memref_squeeze %dma_start3A_227 : memref<1x128x32xf32, #tpu.memory_space<vmem>> -> memref<128x32xf32, #tpu.memory_space<vmem>>
      %dma_start3A_229 = arith.constant 0 : i32
      %dma_start3A_230 = tpu.memref_slice %arg9[%dma_start3A_224, %dma_start3A_229] : memref<7x128xi32, #tpu.memory_space<vmem>> -> memref<1x128xi32, #tpu.memory_space<vmem>>
      %dma_start3A_231 = tpu.memref_squeeze %dma_start3A_230 : memref<1x128xi32, #tpu.memory_space<vmem>> -> memref<128xi32, #tpu.memory_space<vmem>>
      %dma_start3A_232 = arith.constant 0 : i32
      %dma_start3A_233 = arith.constant 0 : i32
      %dma_start3A_234 = tpu.memref_slice %arg7[%dma_start3A_232, %dma_start3A_233] : memref<50176x32xf32, #tpu.memory_space<vmem_shared>> -> memref<50176x32xf32, #tpu.memory_space<vmem_shared>>
      tpu.enqueue_indirect_dma source(%dma_start3A_228 : memref<128x32xf32, #tpu.memory_space<vmem>>) target(%dma_start3A_234 : memref<50176x32xf32, #tpu.memory_space<vmem_shared>>) offsets(%dma_start3A_231 : memref<128xi32, #tpu.memory_space<vmem>>) semaphore(%arg22 : memref<!tpu.dma_semaphore, #tpu.memory_space<semaphore_mem>>) {add = true}
      %dma_wait3A_235 = arith.constant 5 : i32
      %dma_wait3A_236 = arith.constant 5 : i32
      %dma_wait3A_237 = arith.constant 0 : i32
      %dma_wait3A_238 = arith.constant 0 : i32
      %dma_wait3A_239 = tpu.memref_slice %arg10[%dma_wait3A_236, %dma_wait3A_237, %dma_wait3A_238] : memref<7x128x32xf32, #tpu.memory_space<vmem>> -> memref<1x128x32xf32, #tpu.memory_space<vmem>>
      %dma_wait3A_240 = tpu.memref_squeeze %dma_wait3A_239 : memref<1x128x32xf32, #tpu.memory_space<vmem>> -> memref<128x32xf32, #tpu.memory_space<vmem>>
      %dma_wait3A_241 = arith.constant 0 : i32
      %dma_wait3A_242 = tpu.memref_slice %arg8[%dma_wait3A_235, %dma_wait3A_241] : memref<7x128xi32, #tpu.memory_space<vmem>> -> memref<1x128xi32, #tpu.memory_space<vmem>>
      %dma_wait3A_243 = tpu.memref_squeeze %dma_wait3A_242 : memref<1x128xi32, #tpu.memory_space<vmem>> -> memref<128xi32, #tpu.memory_space<vmem>>
      %dma_wait3A_244 = arith.constant 0 : i32
      %dma_wait3A_245 = arith.constant 0 : i32
      %dma_wait3A_246 = tpu.memref_slice %arg2[%dma_wait3A_244, %dma_wait3A_245] : memref<50176x32xf32, #tpu.memory_space<hbm>> -> memref<50176x32xf32, #tpu.memory_space<hbm>>
      tpu.wait_indirect_dma semaphore(%arg16 : memref<!tpu.dma_semaphore, #tpu.memory_space<semaphore_mem>>) src(%dma_wait3A_246 : memref<50176x32xf32, #tpu.memory_space<hbm>>) dst(%dma_wait3A_240 : memref<128x32xf32, #tpu.memory_space<vmem>>)
      %dma_start3A_247 = arith.constant 5 : i32
      %dma_start3A_248 = arith.constant 5 : i32
      %dma_start3A_249 = arith.constant 0 : i32
      %dma_start3A_250 = arith.constant 0 : i32
      %dma_start3A_251 = tpu.memref_slice %arg10[%dma_start3A_247, %dma_start3A_249, %dma_start3A_250] : memref<7x128x32xf32, #tpu.memory_space<vmem>> -> memref<1x128x32xf32, #tpu.memory_space<vmem>>
      %dma_start3A_252 = tpu.memref_squeeze %dma_start3A_251 : memref<1x128x32xf32, #tpu.memory_space<vmem>> -> memref<128x32xf32, #tpu.memory_space<vmem>>
      %dma_start3A_253 = arith.constant 0 : i32
      %dma_start3A_254 = tpu.memref_slice %arg9[%dma_start3A_248, %dma_start3A_253] : memref<7x128xi32, #tpu.memory_space<vmem>> -> memref<1x128xi32, #tpu.memory_space<vmem>>
      %dma_start3A_255 = tpu.memref_squeeze %dma_start3A_254 : memref<1x128xi32, #tpu.memory_space<vmem>> -> memref<128xi32, #tpu.memory_space<vmem>>
      %dma_start3A_256 = arith.constant 0 : i32
      %dma_start3A_257 = arith.constant 0 : i32
      %dma_start3A_258 = tpu.memref_slice %arg7[%dma_start3A_256, %dma_start3A_257] : memref<50176x32xf32, #tpu.memory_space<vmem_shared>> -> memref<50176x32xf32, #tpu.memory_space<vmem_shared>>
      tpu.enqueue_indirect_dma source(%dma_start3A_252 : memref<128x32xf32, #tpu.memory_space<vmem>>) target(%dma_start3A_258 : memref<50176x32xf32, #tpu.memory_space<vmem_shared>>) offsets(%dma_start3A_255 : memref<128xi32, #tpu.memory_space<vmem>>) semaphore(%arg23 : memref<!tpu.dma_semaphore, #tpu.memory_space<semaphore_mem>>) {add = true}
      %dma_wait3A_259 = arith.constant 6 : i32
      %dma_wait3A_260 = arith.constant 6 : i32
      %dma_wait3A_261 = arith.constant 0 : i32
      %dma_wait3A_262 = arith.constant 0 : i32
      %dma_wait3A_263 = tpu.memref_slice %arg10[%dma_wait3A_260, %dma_wait3A_261, %dma_wait3A_262] : memref<7x128x32xf32, #tpu.memory_space<vmem>> -> memref<1x128x32xf32, #tpu.memory_space<vmem>>
      %dma_wait3A_264 = tpu.memref_squeeze %dma_wait3A_263 : memref<1x128x32xf32, #tpu.memory_space<vmem>> -> memref<128x32xf32, #tpu.memory_space<vmem>>
      %dma_wait3A_265 = arith.constant 0 : i32
      %dma_wait3A_266 = tpu.memref_slice %arg8[%dma_wait3A_259, %dma_wait3A_265] : memref<7x128xi32, #tpu.memory_space<vmem>> -> memref<1x128xi32, #tpu.memory_space<vmem>>
      %dma_wait3A_267 = tpu.memref_squeeze %dma_wait3A_266 : memref<1x128xi32, #tpu.memory_space<vmem>> -> memref<128xi32, #tpu.memory_space<vmem>>
      %dma_wait3A_268 = arith.constant 0 : i32
      %dma_wait3A_269 = arith.constant 0 : i32
      %dma_wait3A_270 = tpu.memref_slice %arg2[%dma_wait3A_268, %dma_wait3A_269] : memref<50176x32xf32, #tpu.memory_space<hbm>> -> memref<50176x32xf32, #tpu.memory_space<hbm>>
      tpu.wait_indirect_dma semaphore(%arg17 : memref<!tpu.dma_semaphore, #tpu.memory_space<semaphore_mem>>) src(%dma_wait3A_270 : memref<50176x32xf32, #tpu.memory_space<hbm>>) dst(%dma_wait3A_264 : memref<128x32xf32, #tpu.memory_space<vmem>>)
      %dma_start3A_271 = arith.constant 6 : i32
      %dma_start3A_272 = arith.constant 6 : i32
      %dma_start3A_273 = arith.constant 0 : i32
      %dma_start3A_274 = arith.constant 0 : i32
      %dma_start3A_275 = tpu.memref_slice %arg10[%dma_start3A_271, %dma_start3A_273, %dma_start3A_274] : memref<7x128x32xf32, #tpu.memory_space<vmem>> -> memref<1x128x32xf32, #tpu.memory_space<vmem>>
      %dma_start3A_276 = tpu.memref_squeeze %dma_start3A_275 : memref<1x128x32xf32, #tpu.memory_space<vmem>> -> memref<128x32xf32, #tpu.memory_space<vmem>>
      %dma_start3A_277 = arith.constant 0 : i32
      %dma_start3A_278 = tpu.memref_slice %arg9[%dma_start3A_272, %dma_start3A_277] : memref<7x128xi32, #tpu.memory_space<vmem>> -> memref<1x128xi32, #tpu.memory_space<vmem>>
      %dma_start3A_279 = tpu.memref_squeeze %dma_start3A_278 : memref<1x128xi32, #tpu.memory_space<vmem>> -> memref<128xi32, #tpu.memory_space<vmem>>
      %dma_start3A_280 = arith.constant 0 : i32
      %dma_start3A_281 = arith.constant 0 : i32
      %dma_start3A_282 = tpu.memref_slice %arg7[%dma_start3A_280, %dma_start3A_281] : memref<50176x32xf32, #tpu.memory_space<vmem_shared>> -> memref<50176x32xf32, #tpu.memory_space<vmem_shared>>
      tpu.enqueue_indirect_dma source(%dma_start3A_276 : memref<128x32xf32, #tpu.memory_space<vmem>>) target(%dma_start3A_282 : memref<50176x32xf32, #tpu.memory_space<vmem_shared>>) offsets(%dma_start3A_279 : memref<128xi32, #tpu.memory_space<vmem>>) semaphore(%arg24 : memref<!tpu.dma_semaphore, #tpu.memory_space<semaphore_mem>>) {add = true}
      %add3A_283 = arith.constant 7 : i32
      %add3A_284 = arith.addi %add3A_32, %add3A_283 : i32
      %min3A = arith.constant 6265 : i32
      %min3A_285 = arith.minsi %add3A_284, %min3A : i32
      %run_scoped3A_286 = arith.constant 0 : i32
      "tpu.region"() ({
        %run_scoped3A_371 = tpu.sem_alloc : memref<!tpu.dma_semaphore, #tpu.memory_space<semaphore_mem>>
        %dma_start3A_372 = arith.constant 0 : i32
        %dma_start3A_373 = tpu.memref_slice %arg3[%run_scoped3A_286, %min3A_285, %dma_start3A_372] : memref<2x6272x128xi32, #tpu.memory_space<hbm>> -> memref<1x7x128xi32, #tpu.memory_space<hbm>>
        %dma_start3A_374 = tpu.memref_squeeze %dma_start3A_373 : memref<1x7x128xi32, #tpu.memory_space<hbm>> -> memref<7x128xi32, #tpu.memory_space<hbm>>
        %dma_start3A_375 = arith.constant 0 : i32
        %dma_start3A_376 = tpu.memref_slice %arg3[%run_scoped3A_286, %min3A_285, %dma_start3A_375] : memref<2x6272x128xi32, #tpu.memory_space<hbm>> -> memref<1x7x128xi32, #tpu.memory_space<hbm>>
        %dma_start3A_377 = tpu.memref_squeeze %dma_start3A_376 : memref<1x7x128xi32, #tpu.memory_space<hbm>> -> memref<7x128xi32, #tpu.memory_space<hbm>>
        tpu.enqueue_dma source(%dma_start3A_377 : memref<7x128xi32, #tpu.memory_space<hbm>>) target(%arg8 : memref<7x128xi32, #tpu.memory_space<vmem>>) target_semaphore(%run_scoped3A_371 : memref<!tpu.dma_semaphore, #tpu.memory_space<semaphore_mem>>)
        %dma_wait3A_378 = arith.constant 0 : i32
        %dma_wait3A_379 = tpu.memref_slice %arg3[%run_scoped3A_286, %min3A_285, %dma_wait3A_378] : memref<2x6272x128xi32, #tpu.memory_space<hbm>> -> memref<1x7x128xi32, #tpu.memory_space<hbm>>
        %dma_wait3A_380 = tpu.memref_squeeze %dma_wait3A_379 : memref<1x7x128xi32, #tpu.memory_space<hbm>> -> memref<7x128xi32, #tpu.memory_space<hbm>>
        %dma_wait3A_381 = arith.constant 0 : i32
        %dma_wait3A_382 = tpu.memref_slice %arg3[%run_scoped3A_286, %min3A_285, %dma_wait3A_381] : memref<2x6272x128xi32, #tpu.memory_space<hbm>> -> memref<1x7x128xi32, #tpu.memory_space<hbm>>
        %dma_wait3A_383 = tpu.memref_squeeze %dma_wait3A_382 : memref<1x7x128xi32, #tpu.memory_space<hbm>> -> memref<7x128xi32, #tpu.memory_space<hbm>>
        tpu.wait_dma2 semaphore(%run_scoped3A_371 : memref<!tpu.dma_semaphore, #tpu.memory_space<semaphore_mem>>) src(%dma_wait3A_383 : memref<7x128xi32, #tpu.memory_space<hbm>>) dst(%arg8 : memref<7x128xi32, #tpu.memory_space<vmem>>)
        tpu.yield
      }) : () -> ()
      %dma_wait3A_287 = arith.constant 0 : i32
      %dma_wait3A_288 = arith.constant 0 : i32
      %dma_wait3A_289 = arith.constant 0 : i32
      %dma_wait3A_290 = arith.constant 0 : i32
      %dma_wait3A_291 = tpu.memref_slice %arg10[%dma_wait3A_287, %dma_wait3A_289, %dma_wait3A_290] : memref<7x128x32xf32, #tpu.memory_space<vmem>> -> memref<1x128x32xf32, #tpu.memory_space<vmem>>
      %dma_wait3A_292 = tpu.memref_squeeze %dma_wait3A_291 : memref<1x128x32xf32, #tpu.memory_space<vmem>> -> memref<128x32xf32, #tpu.memory_space<vmem>>
      %dma_wait3A_293 = arith.constant 0 : i32
      %dma_wait3A_294 = tpu.memref_slice %arg9[%dma_wait3A_288, %dma_wait3A_293] : memref<7x128xi32, #tpu.memory_space<vmem>> -> memref<1x128xi32, #tpu.memory_space<vmem>>
      %dma_wait3A_295 = tpu.memref_squeeze %dma_wait3A_294 : memref<1x128xi32, #tpu.memory_space<vmem>> -> memref<128xi32, #tpu.memory_space<vmem>>
      %dma_wait3A_296 = arith.constant 0 : i32
      %dma_wait3A_297 = arith.constant 0 : i32
      %dma_wait3A_298 = tpu.memref_slice %arg7[%dma_wait3A_296, %dma_wait3A_297] : memref<50176x32xf32, #tpu.memory_space<vmem_shared>> -> memref<50176x32xf32, #tpu.memory_space<vmem_shared>>
      tpu.wait_indirect_dma semaphore(%arg18 : memref<!tpu.dma_semaphore, #tpu.memory_space<semaphore_mem>>) src(%dma_wait3A_292 : memref<128x32xf32, #tpu.memory_space<vmem>>) dst(%dma_wait3A_298 : memref<50176x32xf32, #tpu.memory_space<vmem_shared>>)
      %dma_wait3A_299 = arith.constant 1 : i32
      %dma_wait3A_300 = arith.constant 1 : i32
      %dma_wait3A_301 = arith.constant 0 : i32
      %dma_wait3A_302 = arith.constant 0 : i32
      %dma_wait3A_303 = tpu.memref_slice %arg10[%dma_wait3A_299, %dma_wait3A_301, %dma_wait3A_302] : memref<7x128x32xf32, #tpu.memory_space<vmem>> -> memref<1x128x32xf32, #tpu.memory_space<vmem>>
      %dma_wait3A_304 = tpu.memref_squeeze %dma_wait3A_303 : memref<1x128x32xf32, #tpu.memory_space<vmem>> -> memref<128x32xf32, #tpu.memory_space<vmem>>
      %dma_wait3A_305 = arith.constant 0 : i32
      %dma_wait3A_306 = tpu.memref_slice %arg9[%dma_wait3A_300, %dma_wait3A_305] : memref<7x128xi32, #tpu.memory_space<vmem>> -> memref<1x128xi32, #tpu.memory_space<vmem>>
      %dma_wait3A_307 = tpu.memref_squeeze %dma_wait3A_306 : memref<1x128xi32, #tpu.memory_space<vmem>> -> memref<128xi32, #tpu.memory_space<vmem>>
      %dma_wait3A_308 = arith.constant 0 : i32
      %dma_wait3A_309 = arith.constant 0 : i32
      %dma_wait3A_310 = tpu.memref_slice %arg7[%dma_wait3A_308, %dma_wait3A_309] : memref<50176x32xf32, #tpu.memory_space<vmem_shared>> -> memref<50176x32xf32, #tpu.memory_space<vmem_shared>>
      tpu.wait_indirect_dma semaphore(%arg19 : memref<!tpu.dma_semaphore, #tpu.memory_space<semaphore_mem>>) src(%dma_wait3A_304 : memref<128x32xf32, #tpu.memory_space<vmem>>) dst(%dma_wait3A_310 : memref<50176x32xf32, #tpu.memory_space<vmem_shared>>)
      %dma_wait3A_311 = arith.constant 2 : i32
      %dma_wait3A_312 = arith.constant 2 : i32
      %dma_wait3A_313 = arith.constant 0 : i32
      %dma_wait3A_314 = arith.constant 0 : i32
      %dma_wait3A_315 = tpu.memref_slice %arg10[%dma_wait3A_311, %dma_wait3A_313, %dma_wait3A_314] : memref<7x128x32xf32, #tpu.memory_space<vmem>> -> memref<1x128x32xf32, #tpu.memory_space<vmem>>
      %dma_wait3A_316 = tpu.memref_squeeze %dma_wait3A_315 : memref<1x128x32xf32, #tpu.memory_space<vmem>> -> memref<128x32xf32, #tpu.memory_space<vmem>>
      %dma_wait3A_317 = arith.constant 0 : i32
      %dma_wait3A_318 = tpu.memref_slice %arg9[%dma_wait3A_312, %dma_wait3A_317] : memref<7x128xi32, #tpu.memory_space<vmem>> -> memref<1x128xi32, #tpu.memory_space<vmem>>
      %dma_wait3A_319 = tpu.memref_squeeze %dma_wait3A_318 : memref<1x128xi32, #tpu.memory_space<vmem>> -> memref<128xi32, #tpu.memory_space<vmem>>
      %dma_wait3A_320 = arith.constant 0 : i32
      %dma_wait3A_321 = arith.constant 0 : i32
      %dma_wait3A_322 = tpu.memref_slice %arg7[%dma_wait3A_320, %dma_wait3A_321] : memref<50176x32xf32, #tpu.memory_space<vmem_shared>> -> memref<50176x32xf32, #tpu.memory_space<vmem_shared>>
      tpu.wait_indirect_dma semaphore(%arg20 : memref<!tpu.dma_semaphore, #tpu.memory_space<semaphore_mem>>) src(%dma_wait3A_316 : memref<128x32xf32, #tpu.memory_space<vmem>>) dst(%dma_wait3A_322 : memref<50176x32xf32, #tpu.memory_space<vmem_shared>>)
      %dma_wait3A_323 = arith.constant 3 : i32
      %dma_wait3A_324 = arith.constant 3 : i32
      %dma_wait3A_325 = arith.constant 0 : i32
      %dma_wait3A_326 = arith.constant 0 : i32
      %dma_wait3A_327 = tpu.memref_slice %arg10[%dma_wait3A_323, %dma_wait3A_325, %dma_wait3A_326] : memref<7x128x32xf32, #tpu.memory_space<vmem>> -> memref<1x128x32xf32, #tpu.memory_space<vmem>>
      %dma_wait3A_328 = tpu.memref_squeeze %dma_wait3A_327 : memref<1x128x32xf32, #tpu.memory_space<vmem>> -> memref<128x32xf32, #tpu.memory_space<vmem>>
      %dma_wait3A_329 = arith.constant 0 : i32
      %dma_wait3A_330 = tpu.memref_slice %arg9[%dma_wait3A_324, %dma_wait3A_329] : memref<7x128xi32, #tpu.memory_space<vmem>> -> memref<1x128xi32, #tpu.memory_space<vmem>>
      %dma_wait3A_331 = tpu.memref_squeeze %dma_wait3A_330 : memref<1x128xi32, #tpu.memory_space<vmem>> -> memref<128xi32, #tpu.memory_space<vmem>>
      %dma_wait3A_332 = arith.constant 0 : i32
      %dma_wait3A_333 = arith.constant 0 : i32
      %dma_wait3A_334 = tpu.memref_slice %arg7[%dma_wait3A_332, %dma_wait3A_333] : memref<50176x32xf32, #tpu.memory_space<vmem_shared>> -> memref<50176x32xf32, #tpu.memory_space<vmem_shared>>
      tpu.wait_indirect_dma semaphore(%arg21 : memref<!tpu.dma_semaphore, #tpu.memory_space<semaphore_mem>>) src(%dma_wait3A_328 : memref<128x32xf32, #tpu.memory_space<vmem>>) dst(%dma_wait3A_334 : memref<50176x32xf32, #tpu.memory_space<vmem_shared>>)
      %dma_wait3A_335 = arith.constant 4 : i32
      %dma_wait3A_336 = arith.constant 4 : i32
      %dma_wait3A_337 = arith.constant 0 : i32
      %dma_wait3A_338 = arith.constant 0 : i32
      %dma_wait3A_339 = tpu.memref_slice %arg10[%dma_wait3A_335, %dma_wait3A_337, %dma_wait3A_338] : memref<7x128x32xf32, #tpu.memory_space<vmem>> -> memref<1x128x32xf32, #tpu.memory_space<vmem>>
      %dma_wait3A_340 = tpu.memref_squeeze %dma_wait3A_339 : memref<1x128x32xf32, #tpu.memory_space<vmem>> -> memref<128x32xf32, #tpu.memory_space<vmem>>
      %dma_wait3A_341 = arith.constant 0 : i32
      %dma_wait3A_342 = tpu.memref_slice %arg9[%dma_wait3A_336, %dma_wait3A_341] : memref<7x128xi32, #tpu.memory_space<vmem>> -> memref<1x128xi32, #tpu.memory_space<vmem>>
      %dma_wait3A_343 = tpu.memref_squeeze %dma_wait3A_342 : memref<1x128xi32, #tpu.memory_space<vmem>> -> memref<128xi32, #tpu.memory_space<vmem>>
      %dma_wait3A_344 = arith.constant 0 : i32
      %dma_wait3A_345 = arith.constant 0 : i32
      %dma_wait3A_346 = tpu.memref_slice %arg7[%dma_wait3A_344, %dma_wait3A_345] : memref<50176x32xf32, #tpu.memory_space<vmem_shared>> -> memref<50176x32xf32, #tpu.memory_space<vmem_shared>>
      tpu.wait_indirect_dma semaphore(%arg22 : memref<!tpu.dma_semaphore, #tpu.memory_space<semaphore_mem>>) src(%dma_wait3A_340 : memref<128x32xf32, #tpu.memory_space<vmem>>) dst(%dma_wait3A_346 : memref<50176x32xf32, #tpu.memory_space<vmem_shared>>)
      %dma_wait3A_347 = arith.constant 5 : i32
      %dma_wait3A_348 = arith.constant 5 : i32
      %dma_wait3A_349 = arith.constant 0 : i32
      %dma_wait3A_350 = arith.constant 0 : i32
      %dma_wait3A_351 = tpu.memref_slice %arg10[%dma_wait3A_347, %dma_wait3A_349, %dma_wait3A_350] : memref<7x128x32xf32, #tpu.memory_space<vmem>> -> memref<1x128x32xf32, #tpu.memory_space<vmem>>
      %dma_wait3A_352 = tpu.memref_squeeze %dma_wait3A_351 : memref<1x128x32xf32, #tpu.memory_space<vmem>> -> memref<128x32xf32, #tpu.memory_space<vmem>>
      %dma_wait3A_353 = arith.constant 0 : i32
      %dma_wait3A_354 = tpu.memref_slice %arg9[%dma_wait3A_348, %dma_wait3A_353] : memref<7x128xi32, #tpu.memory_space<vmem>> -> memref<1x128xi32, #tpu.memory_space<vmem>>
      %dma_wait3A_355 = tpu.memref_squeeze %dma_wait3A_354 : memref<1x128xi32, #tpu.memory_space<vmem>> -> memref<128xi32, #tpu.memory_space<vmem>>
      %dma_wait3A_356 = arith.constant 0 : i32
      %dma_wait3A_357 = arith.constant 0 : i32
      %dma_wait3A_358 = tpu.memref_slice %arg7[%dma_wait3A_356, %dma_wait3A_357] : memref<50176x32xf32, #tpu.memory_space<vmem_shared>> -> memref<50176x32xf32, #tpu.memory_space<vmem_shared>>
      tpu.wait_indirect_dma semaphore(%arg23 : memref<!tpu.dma_semaphore, #tpu.memory_space<semaphore_mem>>) src(%dma_wait3A_352 : memref<128x32xf32, #tpu.memory_space<vmem>>) dst(%dma_wait3A_358 : memref<50176x32xf32, #tpu.memory_space<vmem_shared>>)
      %dma_wait3A_359 = arith.constant 6 : i32
      %dma_wait3A_360 = arith.constant 6 : i32
      %dma_wait3A_361 = arith.constant 0 : i32
      %dma_wait3A_362 = arith.constant 0 : i32
      %dma_wait3A_363 = tpu.memref_slice %arg10[%dma_wait3A_359, %dma_wait3A_361, %dma_wait3A_362] : memref<7x128x32xf32, #tpu.memory_space<vmem>> -> memref<1x128x32xf32, #tpu.memory_space<vmem>>
      %dma_wait3A_364 = tpu.memref_squeeze %dma_wait3A_363 : memref<1x128x32xf32, #tpu.memory_space<vmem>> -> memref<128x32xf32, #tpu.memory_space<vmem>>
      %dma_wait3A_365 = arith.constant 0 : i32
      %dma_wait3A_366 = tpu.memref_slice %arg9[%dma_wait3A_360, %dma_wait3A_365] : memref<7x128xi32, #tpu.memory_space<vmem>> -> memref<1x128xi32, #tpu.memory_space<vmem>>
      %dma_wait3A_367 = tpu.memref_squeeze %dma_wait3A_366 : memref<1x128xi32, #tpu.memory_space<vmem>> -> memref<128xi32, #tpu.memory_space<vmem>>
      %dma_wait3A_368 = arith.constant 0 : i32
      %dma_wait3A_369 = arith.constant 0 : i32
      %dma_wait3A_370 = tpu.memref_slice %arg7[%dma_wait3A_368, %dma_wait3A_369] : memref<50176x32xf32, #tpu.memory_space<vmem_shared>> -> memref<50176x32xf32, #tpu.memory_space<vmem_shared>>
      tpu.wait_indirect_dma semaphore(%arg24 : memref<!tpu.dma_semaphore, #tpu.memory_space<semaphore_mem>>) src(%dma_wait3A_364 : memref<128x32xf32, #tpu.memory_space<vmem>>) dst(%dma_wait3A_370 : memref<50176x32xf32, #tpu.memory_space<vmem_shared>>)
    }
    %scan3A_23 = arith.constant 28 : i32
    %barrier3A_24 = arith.constant 0 : index
    tpu.barrier barrier_id(%barrier3A_24)
    %mul3A_25 = arith.constant 3136 : i32
    %mul3A_26 = arith.muli %arg1, %mul3A_25 : i32
    %mul3A_27 = arith.constant 3136 : i32
    %mul3A_28 = arith.muli %arg1, %mul3A_27 : i32
    "tpu.region"() ({
      %run_scoped3A_29 = tpu.sem_alloc : memref<!tpu.dma_semaphore, #tpu.memory_space<semaphore_mem>>
      %dma_start3A = arith.constant 0 : i32
      %dma_start3A_30 = tpu.memref_slice %arg6[%arg0, %mul3A_28, %dma_start3A] : memref<2x50176x32xf32, #tpu.memory_space<hbm>> -> memref<1x3136x32xf32, #tpu.memory_space<hbm>>
      %dma_start3A_31 = tpu.memref_squeeze %dma_start3A_30 : memref<1x3136x32xf32, #tpu.memory_space<hbm>> -> memref<3136x32xf32, #tpu.memory_space<hbm>>
      %dma_start3A_32 = arith.constant 0 : i32
      %dma_start3A_33 = tpu.memref_slice %arg7[%mul3A_26, %dma_start3A_32] : memref<50176x32xf32, #tpu.memory_space<vmem_shared>> -> memref<3136x32xf32, #tpu.memory_space<vmem_shared>>
      tpu.enqueue_dma source(%dma_start3A_33 : memref<3136x32xf32, #tpu.memory_space<vmem_shared>>) target(%dma_start3A_31 : memref<3136x32xf32, #tpu.memory_space<hbm>>) target_semaphore(%run_scoped3A_29 : memref<!tpu.dma_semaphore, #tpu.memory_space<semaphore_mem>>)
      %dma_wait3A = arith.constant 0 : i32
      %dma_wait3A_34 = tpu.memref_slice %arg6[%arg0, %mul3A_28, %dma_wait3A] : memref<2x50176x32xf32, #tpu.memory_space<hbm>> -> memref<1x3136x32xf32, #tpu.memory_space<hbm>>
      %dma_wait3A_35 = tpu.memref_squeeze %dma_wait3A_34 : memref<1x3136x32xf32, #tpu.memory_space<hbm>> -> memref<3136x32xf32, #tpu.memory_space<hbm>>
      %dma_wait3A_36 = arith.constant 0 : i32
      %dma_wait3A_37 = tpu.memref_slice %arg7[%mul3A_26, %dma_wait3A_36] : memref<50176x32xf32, #tpu.memory_space<vmem_shared>> -> memref<3136x32xf32, #tpu.memory_space<vmem_shared>>
      tpu.wait_dma2 semaphore(%run_scoped3A_29 : memref<!tpu.dma_semaphore, #tpu.memory_space<semaphore_mem>>) src(%dma_wait3A_37 : memref<3136x32xf32, #tpu.memory_space<vmem_shared>>) dst(%dma_wait3A_35 : memref<3136x32xf32, #tpu.memory_space<hbm>>)
      tpu.yield
    }) : () -> ()
    return
  }
}

module attributes {stable_mosaic.version = 14 : i64} {
  func.func @_tc1_body(%arg0: i32, %arg1: memref<2x1568x128xf32, #tpu.memory_space<vmem>>, %arg2: memref<128x128xf32, #tpu.memory_space<vmem>>, %arg3: memref<128x128xf32, #tpu.memory_space<vmem>>, %arg4: memref<128x128xf32, #tpu.memory_space<vmem>>, %arg5: memref<2x128xf32, #tpu.memory_space<vmem>>, %arg6: memref<2x1568x128xf32, #tpu.memory_space<vmem>>, %arg7: memref<1568x128xf32, #tpu.memory_space<vmem>>) attributes {dimension_semantics = [#tpu.dimension_semantics<arbitrary>], iteration_bounds = array<i64: 8>, scalar_prefetch = 0 : i64, scratch_operands = 0 : i64, tpu.core_type = #tpu.core_type<tc>, window_params = [{transform_indices = @transform_0, window_bounds = array<i64: 2, 1568, 128>}, {pipeline_mode = #tpu.pipeline_mode<synchronous>, transform_indices = @transform_1, window_bounds = array<i64: 128, 128>}, {pipeline_mode = #tpu.pipeline_mode<synchronous>, transform_indices = @transform_2, window_bounds = array<i64: 128, 128>}, {pipeline_mode = #tpu.pipeline_mode<synchronous>, transform_indices = @transform_3, window_bounds = array<i64: 128, 128>}, {pipeline_mode = #tpu.pipeline_mode<synchronous>, transform_indices = @transform_4, window_bounds = array<i64: 2, 128>}, {transform_indices = @transform_5, window_bounds = array<i64: 2, 1568, 128>}, {transform_indices = @transform_6, window_bounds = array<i64: 1568, 128>}]} {
    %get3A = arith.constant 0 : index
    %get3A_0 = arith.constant 0 : index
    %get3A_1 = arith.constant 0 : index
    %get3A_2 = vector.load %arg1[%get3A, %get3A_0, %get3A_1] : memref<2x1568x128xf32, #tpu.memory_space<vmem>>, vector<1x1568x128xf32>
    %get3A_3 = vector.shape_cast %get3A_2 : vector<1x1568x128xf32> to vector<1568x128xf32>
    %get3A_4 = arith.constant 1 : index
    %get3A_5 = arith.constant 0 : index
    %get3A_6 = arith.constant 0 : index
    %get3A_7 = vector.load %arg1[%get3A_4, %get3A_5, %get3A_6] : memref<2x1568x128xf32, #tpu.memory_space<vmem>>, vector<1x1568x128xf32>
    %get3A_8 = vector.shape_cast %get3A_7 : vector<1x1568x128xf32> to vector<1568x128xf32>
    %add3A = arith.addf %get3A_3, %get3A_8 : vector<1568x128xf32>
    %get3A_9 = arith.constant 0 : index
    %get3A_10 = arith.constant 0 : index
    %get3A_11 = vector.load %arg2[%get3A_9, %get3A_10] : memref<128x128xf32, #tpu.memory_space<vmem>>, vector<128x128xf32>
    %dot_general3A = arith.constant dense<0.000000e+00> : vector<1568x128xf32>
    %dot_general3A_12 = tpu.matmul %add3A, %get3A_11, %dot_general3A {dimension_numbers = #tpu.dot_dimension_numbers<[1], [0], [0], [1], [0, 0, 1, 1], [], []>, transpose_lhs_hint = false} : vector<1568x128xf32>, vector<128x128xf32>, vector<1568x128xf32> -> vector<1568x128xf32>
    %max3A = arith.constant 1.000000e+00 : f32
    %max3A_13 = vector.broadcast %max3A : f32 to vector<1568x128xf32>
    %max3A_14 = arith.maximumf %dot_general3A_12, %max3A_13 : vector<1568x128xf32>
    %div3A = arith.constant 1.000000e+00 : f32
    %div3A_15 = vector.broadcast %div3A : f32 to vector<1568x128xf32>
    %div3A_16 = arith.divf %div3A_15, %max3A_14 : vector<1568x128xf32>
    %mul3A = arith.mulf %add3A, %div3A_16 : vector<1568x128xf32>
    %get3A_17 = arith.constant 0 : index
    %get3A_18 = arith.constant 0 : index
    %get3A_19 = vector.load %arg3[%get3A_17, %get3A_18] : memref<128x128xf32, #tpu.memory_space<vmem>>, vector<128x128xf32>
    %dot_general3A_20 = arith.constant dense<0.000000e+00> : vector<1568x128xf32>
    %dot_general3A_21 = tpu.matmul %mul3A, %get3A_19, %dot_general3A_20 {dimension_numbers = #tpu.dot_dimension_numbers<[1], [0], [0], [1], [0, 0, 1, 1], [], []>, transpose_lhs_hint = false} : vector<1568x128xf32>, vector<128x128xf32>, vector<1568x128xf32> -> vector<1568x128xf32>
    %get3A_22 = arith.constant 0 : index
    %get3A_23 = arith.constant 0 : index
    %get3A_24 = vector.load %arg5[%get3A_22, %get3A_23] : memref<2x128xf32, #tpu.memory_space<vmem>>, vector<1x128xf32>
    %add3A_25 = vector.broadcast %get3A_24 : vector<1x128xf32> to vector<1568x128xf32>
    %add3A_26 = arith.addf %dot_general3A_21, %add3A_25 : vector<1568x128xf32>
    %ge3A = arith.constant 0.000000e+00 : f32
    %ge3A_27 = vector.broadcast %ge3A : f32 to vector<1568x128xf32>
    %ge3A_28 = arith.cmpf oge, %add3A_26, %ge3A_27 : vector<1568x128xf32>
    %mul3A_29 = arith.constant 0.00999999977 : f32
    %mul3A_30 = vector.broadcast %mul3A_29 : f32 to vector<1568x128xf32>
    %mul3A_31 = arith.mulf %mul3A_30, %add3A_26 : vector<1568x128xf32>
    %select_n3A = arith.select %ge3A_28, %add3A_26, %mul3A_31 : vector<1568x128xi1>, vector<1568x128xf32>
    %swap3A = arith.constant 0 : index
    %swap3A_32 = arith.constant 0 : index
    %swap3A_33 = arith.constant 0 : index
    %swap3A_34 = vector.load %arg6[%swap3A, %swap3A_32, %swap3A_33] : memref<2x1568x128xf32, #tpu.memory_space<vmem>>, vector<1x1568x128xf32>
    %swap3A_35 = vector.shape_cast %swap3A_34 : vector<1x1568x128xf32> to vector<1568x128xf32>
    %swap3A_36 = vector.shape_cast %select_n3A : vector<1568x128xf32> to vector<1x1568x128xf32>
    tpu.vector_store %arg6[%swap3A, %swap3A_32, %swap3A_33], %swap3A_36 {strides = array<i32>} : memref<2x1568x128xf32, #tpu.memory_space<vmem>>, vector<1x1568x128xf32>,
    %get3A_37 = arith.constant 0 : index
    %get3A_38 = arith.constant 0 : index
    %get3A_39 = vector.load %arg4[%get3A_37, %get3A_38] : memref<128x128xf32, #tpu.memory_space<vmem>>, vector<128x128xf32>
    %dot_general3A_40 = arith.constant dense<0.000000e+00> : vector<1568x128xf32>
    %dot_general3A_41 = tpu.matmul %mul3A, %get3A_39, %dot_general3A_40 {dimension_numbers = #tpu.dot_dimension_numbers<[1], [0], [0], [1], [0, 0, 1, 1], [], []>, transpose_lhs_hint = false} : vector<1568x128xf32>, vector<128x128xf32>, vector<1568x128xf32> -> vector<1568x128xf32>
    %get3A_42 = arith.constant 1 : index
    %get3A_43 = arith.constant 0 : index
    %get3A_44 = vector.load %arg5[%get3A_42, %get3A_43] : memref<2x128xf32, #tpu.memory_space<vmem>>, vector<1x128xf32>
    %add3A_45 = vector.broadcast %get3A_44 : vector<1x128xf32> to vector<1568x128xf32>
    %add3A_46 = arith.addf %dot_general3A_41, %add3A_45 : vector<1568x128xf32>
    %ge3A_47 = arith.constant 0.000000e+00 : f32
    %ge3A_48 = vector.broadcast %ge3A_47 : f32 to vector<1568x128xf32>
    %ge3A_49 = arith.cmpf oge, %add3A_46, %ge3A_48 : vector<1568x128xf32>
    %mul3A_50 = arith.constant 0.00999999977 : f32
    %mul3A_51 = vector.broadcast %mul3A_50 : f32 to vector<1568x128xf32>
    %mul3A_52 = arith.mulf %mul3A_51, %add3A_46 : vector<1568x128xf32>
    %select_n3A_53 = arith.select %ge3A_49, %add3A_46, %mul3A_52 : vector<1568x128xi1>, vector<1568x128xf32>
    %swap3A_54 = arith.constant 1 : index
    %swap3A_55 = arith.constant 0 : index
    %swap3A_56 = arith.constant 0 : index
    %swap3A_57 = vector.load %arg6[%swap3A_54, %swap3A_55, %swap3A_56] : memref<2x1568x128xf32, #tpu.memory_space<vmem>>, vector<1x1568x128xf32>
    %swap3A_58 = vector.shape_cast %swap3A_57 : vector<1x1568x128xf32> to vector<1568x128xf32>
    %swap3A_59 = vector.shape_cast %select_n3A_53 : vector<1568x128xf32> to vector<1x1568x128xf32>
    tpu.vector_store %arg6[%swap3A_54, %swap3A_55, %swap3A_56], %swap3A_59 {strides = array<i32>} : memref<2x1568x128xf32, #tpu.memory_space<vmem>>, vector<1x1568x128xf32>,
    %swap3A_60 = arith.constant 0 : index
    %swap3A_61 = arith.constant 0 : index
    %swap3A_62 = vector.load %arg7[%swap3A_60, %swap3A_61] : memref<1568x128xf32, #tpu.memory_space<vmem>>, vector<1568x128xf32>
    tpu.vector_store %arg7[%swap3A_60, %swap3A_61], %div3A_16 {strides = array<i32>} : memref<1568x128xf32, #tpu.memory_space<vmem>>, vector<1568x128xf32>,
    return
  }
  func.func @transform_0(%arg0: i32) -> (i32, i32, i32) {
    %c0_i32 = arith.constant 0 : i32
    %c0_i32_0 = arith.constant 0 : i32
    %c0_i32_1 = arith.constant 0 : i32
    return %c0_i32, %arg0, %c0_i32_0 : i32, i32, i32
  }
  func.func @transform_1(%arg0: i32) -> (i32, i32) {
    %c0_i32 = arith.constant 0 : i32
    %c0_i32_0 = arith.constant 0 : i32
    %c0_i32_1 = arith.constant 0 : i32
    return %c0_i32, %c0_i32_0 : i32, i32
  }
  func.func @transform_2(%arg0: i32) -> (i32, i32) {
    %c0_i32 = arith.constant 0 : i32
    %c0_i32_0 = arith.constant 0 : i32
    %c0_i32_1 = arith.constant 0 : i32
    return %c0_i32, %c0_i32_0 : i32, i32
  }
  func.func @transform_3(%arg0: i32) -> (i32, i32) {
    %c0_i32 = arith.constant 0 : i32
    %c0_i32_0 = arith.constant 0 : i32
    %c0_i32_1 = arith.constant 0 : i32
    return %c0_i32, %c0_i32_0 : i32, i32
  }
  func.func @transform_4(%arg0: i32) -> (i32, i32) {
    %c0_i32 = arith.constant 0 : i32
    %c0_i32_0 = arith.constant 0 : i32
    %c0_i32_1 = arith.constant 0 : i32
    return %c0_i32, %c0_i32_0 : i32, i32
  }
  func.func @transform_5(%arg0: i32) -> (i32, i32, i32) {
    %c0_i32 = arith.constant 0 : i32
    %c0_i32_0 = arith.constant 0 : i32
    %c0_i32_1 = arith.constant 0 : i32
    return %c0_i32, %arg0, %c0_i32_0 : i32, i32, i32
  }
  func.func @transform_6(%arg0: i32) -> (i32, i32) {
    %c0_i32 = arith.constant 0 : i32
    %c0_i32_0 = arith.constant 0 : i32
    return %arg0, %c0_i32 : i32, i32
  }
}

module attributes {stable_mosaic.version = 14 : i64} {
  func.func @_tcmid_body(%arg0: i32, %arg1: memref<2x1568x128xf32, #tpu.memory_space<vmem>>, %arg2: memref<1568x128xf32, #tpu.memory_space<vmem>>, %arg3: memref<128x128xf32, #tpu.memory_space<vmem>>, %arg4: memref<128x128xf32, #tpu.memory_space<vmem>>, %arg5: memref<128x128xf32, #tpu.memory_space<vmem>>, %arg6: memref<128x128xf32, #tpu.memory_space<vmem>>, %arg7: memref<2x128xf32, #tpu.memory_space<vmem>>, %arg8: memref<2x1568x128xf32, #tpu.memory_space<vmem>>) attributes {dimension_semantics = [#tpu.dimension_semantics<arbitrary>], iteration_bounds = array<i64: 8>, scalar_prefetch = 0 : i64, scratch_operands = 0 : i64, tpu.core_type = #tpu.core_type<tc>, window_params = [{transform_indices = @transform_0, window_bounds = array<i64: 2, 1568, 128>}, {transform_indices = @transform_1, window_bounds = array<i64: 1568, 128>}, {pipeline_mode = #tpu.pipeline_mode<synchronous>, transform_indices = @transform_2, window_bounds = array<i64: 128, 128>}, {pipeline_mode = #tpu.pipeline_mode<synchronous>, transform_indices = @transform_3, window_bounds = array<i64: 128, 128>}, {pipeline_mode = #tpu.pipeline_mode<synchronous>, transform_indices = @transform_4, window_bounds = array<i64: 128, 128>}, {pipeline_mode = #tpu.pipeline_mode<synchronous>, transform_indices = @transform_5, window_bounds = array<i64: 128, 128>}, {pipeline_mode = #tpu.pipeline_mode<synchronous>, transform_indices = @transform_6, window_bounds = array<i64: 2, 128>}, {transform_indices = @transform_7, window_bounds = array<i64: 2, 1568, 128>}]} {
    %get3A = arith.constant 0 : index
    %get3A_0 = arith.constant 0 : index
    %get3A_1 = vector.load %arg2[%get3A, %get3A_0] : memref<1568x128xf32, #tpu.memory_space<vmem>>, vector<1568x128xf32>
    %get3A_2 = arith.constant 0 : index
    %get3A_3 = arith.constant 0 : index
    %get3A_4 = arith.constant 0 : index
    %get3A_5 = vector.load %arg1[%get3A_2, %get3A_3, %get3A_4] : memref<2x1568x128xf32, #tpu.memory_space<vmem>>, vector<1x1568x128xf32>
    %get3A_6 = vector.shape_cast %get3A_5 : vector<1x1568x128xf32> to vector<1568x128xf32>
    %mul3A = arith.mulf %get3A_6, %get3A_1 : vector<1568x128xf32>
    %get3A_7 = arith.constant 1 : index
    %get3A_8 = arith.constant 0 : index
    %get3A_9 = arith.constant 0 : index
    %get3A_10 = vector.load %arg1[%get3A_7, %get3A_8, %get3A_9] : memref<2x1568x128xf32, #tpu.memory_space<vmem>>, vector<1x1568x128xf32>
    %get3A_11 = vector.shape_cast %get3A_10 : vector<1x1568x128xf32> to vector<1568x128xf32>
    %mul3A_12 = arith.mulf %get3A_11, %get3A_1 : vector<1568x128xf32>
    %get3A_13 = arith.constant 0 : index
    %get3A_14 = arith.constant 0 : index
    %get3A_15 = vector.load %arg3[%get3A_13, %get3A_14] : memref<128x128xf32, #tpu.memory_space<vmem>>, vector<128x128xf32>
    %dot_general3A = arith.constant dense<0.000000e+00> : vector<1568x128xf32>
    %dot_general3A_16 = tpu.matmul %mul3A, %get3A_15, %dot_general3A {dimension_numbers = #tpu.dot_dimension_numbers<[1], [0], [0], [1], [0, 0, 1, 1], [], []>, transpose_lhs_hint = false} : vector<1568x128xf32>, vector<128x128xf32>, vector<1568x128xf32> -> vector<1568x128xf32>
    %get3A_17 = arith.constant 0 : index
    %get3A_18 = arith.constant 0 : index
    %get3A_19 = vector.load %arg4[%get3A_17, %get3A_18] : memref<128x128xf32, #tpu.memory_space<vmem>>, vector<128x128xf32>
    %dot_general3A_20 = arith.constant dense<0.000000e+00> : vector<1568x128xf32>
    %dot_general3A_21 = tpu.matmul %mul3A_12, %get3A_19, %dot_general3A_20 {dimension_numbers = #tpu.dot_dimension_numbers<[1], [0], [0], [1], [0, 0, 1, 1], [], []>, transpose_lhs_hint = false} : vector<1568x128xf32>, vector<128x128xf32>, vector<1568x128xf32> -> vector<1568x128xf32>
    %add3A = arith.addf %dot_general3A_16, %dot_general3A_21 : vector<1568x128xf32>
    %get3A_22 = arith.constant 0 : index
    %get3A_23 = arith.constant 0 : index
    %get3A_24 = vector.load %arg7[%get3A_22, %get3A_23] : memref<2x128xf32, #tpu.memory_space<vmem>>, vector<1x128xf32>
    %add3A_25 = vector.broadcast %get3A_24 : vector<1x128xf32> to vector<1568x128xf32>
    %add3A_26 = arith.addf %add3A, %add3A_25 : vector<1568x128xf32>
    %ge3A = arith.constant 0.000000e+00 : f32
    %ge3A_27 = vector.broadcast %ge3A : f32 to vector<1568x128xf32>
    %ge3A_28 = arith.cmpf oge, %add3A_26, %ge3A_27 : vector<1568x128xf32>
    %mul3A_29 = arith.constant 0.00999999977 : f32
    %mul3A_30 = vector.broadcast %mul3A_29 : f32 to vector<1568x128xf32>
    %mul3A_31 = arith.mulf %mul3A_30, %add3A_26 : vector<1568x128xf32>
    %select_n3A = arith.select %ge3A_28, %add3A_26, %mul3A_31 : vector<1568x128xi1>, vector<1568x128xf32>
    %swap3A = arith.constant 0 : index
    %swap3A_32 = arith.constant 0 : index
    %swap3A_33 = arith.constant 0 : index
    %swap3A_34 = vector.load %arg8[%swap3A, %swap3A_32, %swap3A_33] : memref<2x1568x128xf32, #tpu.memory_space<vmem>>, vector<1x1568x128xf32>
    %swap3A_35 = vector.shape_cast %swap3A_34 : vector<1x1568x128xf32> to vector<1568x128xf32>
    %swap3A_36 = vector.shape_cast %select_n3A : vector<1568x128xf32> to vector<1x1568x128xf32>
    tpu.vector_store %arg8[%swap3A, %swap3A_32, %swap3A_33], %swap3A_36 {strides = array<i32>} : memref<2x1568x128xf32, #tpu.memory_space<vmem>>, vector<1x1568x128xf32>,
    %get3A_37 = arith.constant 0 : index
    %get3A_38 = arith.constant 0 : index
    %get3A_39 = vector.load %arg5[%get3A_37, %get3A_38] : memref<128x128xf32, #tpu.memory_space<vmem>>, vector<128x128xf32>
    %dot_general3A_40 = arith.constant dense<0.000000e+00> : vector<1568x128xf32>
    %dot_general3A_41 = tpu.matmul %mul3A, %get3A_39, %dot_general3A_40 {dimension_numbers = #tpu.dot_dimension_numbers<[1], [0], [0], [1], [0, 0, 1, 1], [], []>, transpose_lhs_hint = false} : vector<1568x128xf32>, vector<128x128xf32>, vector<1568x128xf32> -> vector<1568x128xf32>
    %get3A_42 = arith.constant 0 : index
    %get3A_43 = arith.constant 0 : index
    %get3A_44 = vector.load %arg6[%get3A_42, %get3A_43] : memref<128x128xf32, #tpu.memory_space<vmem>>, vector<128x128xf32>
    %dot_general3A_45 = arith.constant dense<0.000000e+00> : vector<1568x128xf32>
    %dot_general3A_46 = tpu.matmul %mul3A_12, %get3A_44, %dot_general3A_45 {dimension_numbers = #tpu.dot_dimension_numbers<[1], [0], [0], [1], [0, 0, 1, 1], [], []>, transpose_lhs_hint = false} : vector<1568x128xf32>, vector<128x128xf32>, vector<1568x128xf32> -> vector<1568x128xf32>
    %add3A_47 = arith.addf %dot_general3A_41, %dot_general3A_46 : vector<1568x128xf32>
    %get3A_48 = arith.constant 1 : index
    %get3A_49 = arith.constant 0 : index
    %get3A_50 = vector.load %arg7[%get3A_48, %get3A_49] : memref<2x128xf32, #tpu.memory_space<vmem>>, vector<1x128xf32>
    %add3A_51 = vector.broadcast %get3A_50 : vector<1x128xf32> to vector<1568x128xf32>
    %add3A_52 = arith.addf %add3A_47, %add3A_51 : vector<1568x128xf32>
    %ge3A_53 = arith.constant 0.000000e+00 : f32
    %ge3A_54 = vector.broadcast %ge3A_53 : f32 to vector<1568x128xf32>
    %ge3A_55 = arith.cmpf oge, %add3A_52, %ge3A_54 : vector<1568x128xf32>
    %mul3A_56 = arith.constant 0.00999999977 : f32
    %mul3A_57 = vector.broadcast %mul3A_56 : f32 to vector<1568x128xf32>
    %mul3A_58 = arith.mulf %mul3A_57, %add3A_52 : vector<1568x128xf32>
    %select_n3A_59 = arith.select %ge3A_55, %add3A_52, %mul3A_58 : vector<1568x128xi1>, vector<1568x128xf32>
    %swap3A_60 = arith.constant 1 : index
    %swap3A_61 = arith.constant 0 : index
    %swap3A_62 = arith.constant 0 : index
    %swap3A_63 = vector.load %arg8[%swap3A_60, %swap3A_61, %swap3A_62] : memref<2x1568x128xf32, #tpu.memory_space<vmem>>, vector<1x1568x128xf32>
    %swap3A_64 = vector.shape_cast %swap3A_63 : vector<1x1568x128xf32> to vector<1568x128xf32>
    %swap3A_65 = vector.shape_cast %select_n3A_59 : vector<1568x128xf32> to vector<1x1568x128xf32>
    tpu.vector_store %arg8[%swap3A_60, %swap3A_61, %swap3A_62], %swap3A_65 {strides = array<i32>} : memref<2x1568x128xf32, #tpu.memory_space<vmem>>, vector<1x1568x128xf32>,
    return
  }
  func.func @transform_0(%arg0: i32) -> (i32, i32, i32) {
    %c0_i32 = arith.constant 0 : i32
    %c0_i32_0 = arith.constant 0 : i32
    %c0_i32_1 = arith.constant 0 : i32
    return %c0_i32, %arg0, %c0_i32_0 : i32, i32, i32
  }
  func.func @transform_1(%arg0: i32) -> (i32, i32) {
    %c0_i32 = arith.constant 0 : i32
    %c0_i32_0 = arith.constant 0 : i32
    return %arg0, %c0_i32 : i32, i32
  }
  func.func @transform_2(%arg0: i32) -> (i32, i32) {
    %c0_i32 = arith.constant 0 : i32
    %c0_i32_0 = arith.constant 0 : i32
    %c0_i32_1 = arith.constant 0 : i32
    return %c0_i32, %c0_i32_0 : i32, i32
  }
  func.func @transform_3(%arg0: i32) -> (i32, i32) {
    %c0_i32 = arith.constant 0 : i32
    %c0_i32_0 = arith.constant 0 : i32
    %c0_i32_1 = arith.constant 0 : i32
    return %c0_i32, %c0_i32_0 : i32, i32
  }
  func.func @transform_4(%arg0: i32) -> (i32, i32) {
    %c0_i32 = arith.constant 0 : i32
    %c0_i32_0 = arith.constant 0 : i32
    %c0_i32_1 = arith.constant 0 : i32
    return %c0_i32, %c0_i32_0 : i32, i32
  }
  func.func @transform_5(%arg0: i32) -> (i32, i32) {
    %c0_i32 = arith.constant 0 : i32
    %c0_i32_0 = arith.constant 0 : i32
    %c0_i32_1 = arith.constant 0 : i32
    return %c0_i32, %c0_i32_0 : i32, i32
  }
  func.func @transform_6(%arg0: i32) -> (i32, i32) {
    %c0_i32 = arith.constant 0 : i32
    %c0_i32_0 = arith.constant 0 : i32
    %c0_i32_1 = arith.constant 0 : i32
    return %c0_i32, %c0_i32_0 : i32, i32
  }
  func.func @transform_7(%arg0: i32) -> (i32, i32, i32) {
    %c0_i32 = arith.constant 0 : i32
    %c0_i32_0 = arith.constant 0 : i32
    %c0_i32_1 = arith.constant 0 : i32
    return %c0_i32, %arg0, %c0_i32_0 : i32, i32, i32
  }
}

module attributes {stable_mosaic.version = 14 : i64} {
  func.func @_tc5a_body(%arg0: i32, %arg1: memref<2x1568x128xf32, #tpu.memory_space<vmem>>, %arg2: memref<128x128xf32, #tpu.memory_space<vmem>>, %arg3: memref<128x128xf32, #tpu.memory_space<vmem>>, %arg4: memref<1568x128xf32, #tpu.memory_space<vmem>>) attributes {dimension_semantics = [#tpu.dimension_semantics<arbitrary>], iteration_bounds = array<i64: 8>, scalar_prefetch = 0 : i64, scratch_operands = 0 : i64, tpu.core_type = #tpu.core_type<tc>, window_params = [{transform_indices = @transform_0, window_bounds = array<i64: 2, 1568, 128>}, {pipeline_mode = #tpu.pipeline_mode<synchronous>, transform_indices = @transform_1, window_bounds = array<i64: 128, 128>}, {pipeline_mode = #tpu.pipeline_mode<synchronous>, transform_indices = @transform_2, window_bounds = array<i64: 128, 128>}, {transform_indices = @transform_3, window_bounds = array<i64: 1568, 128>}]} {
    %get3A = arith.constant 0 : index
    %get3A_0 = arith.constant 0 : index
    %get3A_1 = arith.constant 0 : index
    %get3A_2 = vector.load %arg1[%get3A, %get3A_0, %get3A_1] : memref<2x1568x128xf32, #tpu.memory_space<vmem>>, vector<1x1568x128xf32>
    %get3A_3 = vector.shape_cast %get3A_2 : vector<1x1568x128xf32> to vector<1568x128xf32>
    %get3A_4 = arith.constant 0 : index
    %get3A_5 = arith.constant 0 : index
    %get3A_6 = vector.load %arg2[%get3A_4, %get3A_5] : memref<128x128xf32, #tpu.memory_space<vmem>>, vector<128x128xf32>
    %dot_general3A = arith.constant dense<0.000000e+00> : vector<1568x128xf32>
    %dot_general3A_7 = tpu.matmul %get3A_3, %get3A_6, %dot_general3A {dimension_numbers = #tpu.dot_dimension_numbers<[1], [0], [0], [1], [0, 0, 1, 1], [], []>, transpose_lhs_hint = false} : vector<1568x128xf32>, vector<128x128xf32>, vector<1568x128xf32> -> vector<1568x128xf32>
    %get3A_8 = arith.constant 1 : index
    %get3A_9 = arith.constant 0 : index
    %get3A_10 = arith.constant 0 : index
    %get3A_11 = vector.load %arg1[%get3A_8, %get3A_9, %get3A_10] : memref<2x1568x128xf32, #tpu.memory_space<vmem>>, vector<1x1568x128xf32>
    %get3A_12 = vector.shape_cast %get3A_11 : vector<1x1568x128xf32> to vector<1568x128xf32>
    %get3A_13 = arith.constant 0 : index
    %get3A_14 = arith.constant 0 : index
    %get3A_15 = vector.load %arg3[%get3A_13, %get3A_14] : memref<128x128xf32, #tpu.memory_space<vmem>>, vector<128x128xf32>
    %dot_general3A_16 = arith.constant dense<0.000000e+00> : vector<1568x128xf32>
    %dot_general3A_17 = tpu.matmul %get3A_12, %get3A_15, %dot_general3A_16 {dimension_numbers = #tpu.dot_dimension_numbers<[1], [0], [0], [1], [0, 0, 1, 1], [], []>, transpose_lhs_hint = false} : vector<1568x128xf32>, vector<128x128xf32>, vector<1568x128xf32> -> vector<1568x128xf32>
    %add3A = arith.addf %dot_general3A_7, %dot_general3A_17 : vector<1568x128xf32>
    %swap3A = arith.constant 0 : index
    %swap3A_18 = arith.constant 0 : index
    %swap3A_19 = vector.load %arg4[%swap3A, %swap3A_18] : memref<1568x128xf32, #tpu.memory_space<vmem>>, vector<1568x128xf32>
    tpu.vector_store %arg4[%swap3A, %swap3A_18], %add3A {strides = array<i32>} : memref<1568x128xf32, #tpu.memory_space<vmem>>, vector<1568x128xf32>,
    return
  }
  func.func @transform_0(%arg0: i32) -> (i32, i32, i32) {
    %c0_i32 = arith.constant 0 : i32
    %c0_i32_0 = arith.constant 0 : i32
    %c0_i32_1 = arith.constant 0 : i32
    return %c0_i32, %arg0, %c0_i32_0 : i32, i32, i32
  }
  func.func @transform_1(%arg0: i32) -> (i32, i32) {
    %c0_i32 = arith.constant 0 : i32
    %c0_i32_0 = arith.constant 0 : i32
    %c0_i32_1 = arith.constant 0 : i32
    return %c0_i32, %c0_i32_0 : i32, i32
  }
  func.func @transform_2(%arg0: i32) -> (i32, i32) {
    %c0_i32 = arith.constant 0 : i32
    %c0_i32_0 = arith.constant 0 : i32
    %c0_i32_1 = arith.constant 0 : i32
    return %c0_i32, %c0_i32_0 : i32, i32
  }
  func.func @transform_3(%arg0: i32) -> (i32, i32) {
    %c0_i32 = arith.constant 0 : i32
    %c0_i32_0 = arith.constant 0 : i32
    return %arg0, %c0_i32 : i32, i32
  }
}

module attributes {stable_mosaic.version = 14 : i64} {
  func.func @_tc5b_body(%arg0: i32, %arg1: memref<2x1568x128xf32, #tpu.memory_space<vmem>>, %arg2: memref<1568x128xf32, #tpu.memory_space<vmem>>, %arg3: memref<1x128xf32, #tpu.memory_space<vmem>>, %arg4: memref<1568x128xf32, #tpu.memory_space<vmem>>) attributes {dimension_semantics = [#tpu.dimension_semantics<arbitrary>], iteration_bounds = array<i64: 8>, scalar_prefetch = 0 : i64, scratch_operands = 0 : i64, tpu.core_type = #tpu.core_type<tc>, window_params = [{transform_indices = @transform_0, window_bounds = array<i64: 2, 1568, 128>}, {transform_indices = @transform_1, window_bounds = array<i64: 1568, 128>}, {pipeline_mode = #tpu.pipeline_mode<synchronous>, transform_indices = @transform_2, window_bounds = array<i64: 1, 128>}, {transform_indices = @transform_3, window_bounds = array<i64: 1568, 128>}]} {
    %get3A = arith.constant 0 : index
    %get3A_0 = arith.constant 0 : index
    %get3A_1 = arith.constant 0 : index
    %get3A_2 = vector.load %arg1[%get3A, %get3A_0, %get3A_1] : memref<2x1568x128xf32, #tpu.memory_space<vmem>>, vector<1x1568x128xf32>
    %get3A_3 = vector.shape_cast %get3A_2 : vector<1x1568x128xf32> to vector<1568x128xf32>
    %get3A_4 = arith.constant 1 : index
    %get3A_5 = arith.constant 0 : index
    %get3A_6 = arith.constant 0 : index
    %get3A_7 = vector.load %arg1[%get3A_4, %get3A_5, %get3A_6] : memref<2x1568x128xf32, #tpu.memory_space<vmem>>, vector<1x1568x128xf32>
    %get3A_8 = vector.shape_cast %get3A_7 : vector<1x1568x128xf32> to vector<1568x128xf32>
    %add3A = arith.addf %get3A_3, %get3A_8 : vector<1568x128xf32>
    %get3A_9 = arith.constant 0 : index
    %get3A_10 = arith.constant 0 : index
    %get3A_11 = vector.load %arg2[%get3A_9, %get3A_10] : memref<1568x128xf32, #tpu.memory_space<vmem>>, vector<1568x128xf32>
    %mul3A = arith.mulf %add3A, %get3A_11 : vector<1568x128xf32>
    %get3A_12 = arith.constant 0 : index
    %get3A_13 = arith.constant 0 : index
    %get3A_14 = vector.load %arg3[%get3A_12, %get3A_13] : memref<1x128xf32, #tpu.memory_space<vmem>>, vector<1x128xf32>
    %add3A_15 = vector.broadcast %get3A_14 : vector<1x128xf32> to vector<1568x128xf32>
    %add3A_16 = arith.addf %mul3A, %add3A_15 : vector<1568x128xf32>
    %swap3A = arith.constant 0 : index
    %swap3A_17 = arith.constant 0 : index
    %swap3A_18 = vector.load %arg4[%swap3A, %swap3A_17] : memref<1568x128xf32, #tpu.memory_space<vmem>>, vector<1568x128xf32>
    tpu.vector_store %arg4[%swap3A, %swap3A_17], %add3A_16 {strides = array<i32>} : memref<1568x128xf32, #tpu.memory_space<vmem>>, vector<1568x128xf32>,
    return
  }
  func.func @transform_0(%arg0: i32) -> (i32, i32, i32) {
    %c0_i32 = arith.constant 0 : i32
    %c0_i32_0 = arith.constant 0 : i32
    %c0_i32_1 = arith.constant 0 : i32
    return %c0_i32, %arg0, %c0_i32_0 : i32, i32, i32
  }
  func.func @transform_1(%arg0: i32) -> (i32, i32) {
    %c0_i32 = arith.constant 0 : i32
    %c0_i32_0 = arith.constant 0 : i32
    return %arg0, %c0_i32 : i32, i32
  }
  func.func @transform_2(%arg0: i32) -> (i32, i32) {
    %c0_i32 = arith.constant 0 : i32
    %c0_i32_0 = arith.constant 0 : i32
    %c0_i32_1 = arith.constant 0 : i32
    return %c0_i32, %c0_i32_0 : i32, i32
  }
  func.func @transform_3(%arg0: i32) -> (i32, i32) {
    %c0_i32 = arith.constant 0 : i32
    %c0_i32_0 = arith.constant 0 : i32
    return %arg0, %c0_i32 : i32, i32
  }
}

</mosaic_0001>

<sc_bundles>
// kernel: kernel.13.cloned.1.call-start
scs
__scs_entry_jumppad:
0x0: {  	(pc) =	sbr.rel $0x88, $3  }
0x1: {  	(tag) =	ssettag $0x0;
	lr =	simm.s32 $0x1  }
0x2: {  	[smem:$0x3F95] =	sst lr;
	_ =	strace $0xD0000000  }
0x3: {  	_ = 	snop  }
0x4: {  	_ = 	snop  }
0x5: {  	_ = 	snop  }
0x6: {  	_ = 	snop  }
0x7: {  	_ = 	snop  }
__scs_overlays_trampoline_lowered:
0x8: {  	[smem:$0x3FA4] =	sst s0  }
0x9: {  	[smem:$0x3FA5] =	sst s1  }
0xa: {  	[smem:$0x3FA6] =	sst s2  }
0xb: {  	[smem:$0x3FA7] =	sst s3  }
0xc: {  	[smem:$0x3FA8] =	sst s4  }
0xd: {  	[smem:$0x3FA9] =	sst s5  }
0xe: {  	[smem:$0x3FAA] =	sst s6  }
0xf: {  	[smem:$0x3FAB] =	sst s7  }
0x10: {  	[smem:$0x3FAC] =	sst s8  }
0x11: {  	[smem:$0x3FAD] =	sst s9;
	s0 =	simm.s32 @!p0 $0x0  }
0x12: {  	s1 =	sld [smem:$0x3F93];
	s0 =	simm.s32 @p0 $0x1  }
0x13: {  	[smem:$0x3FAE] =	sst s0;
	s0 =	simm.s32 @!p1 $0x0  }
0x14: {  	s2 =	sld [smem:$0x3F92];
	s0 =	simm.s32 @p1 $0x1  }
0x15: {  	[smem:$0x3FAF] =	sst s0;
	s0 =	simm.s32 @!p2 $0x0  }
0x16: {  	s3 =	sld [smem:$0x3FDB];
	s0 =	simm.s32 @p2 $0x1  }
0x17: {  	s4 =	simm.s32 $0x1BF5;
	[smem:$0x3FB1] =	sst s0  }
0x18: {  	s0 =	sld [smem:$0x3F94];
	_ =	swait.ge [sflag:s4], $0x0  }
0x19: {  	s7 =	sld [smem:$0x3F95]  }
0x1a: {  	s8 =	sadd.s32 $0xFFFFE003, lr  }
0x1b: {  	s9 =	sadd.s32 $0xFFFFFEF7, lr;
	s5 =	simm.s32 $0xFFFFFFFF;
	p2 =	slt.u32 s8, $0xFFFFF086  }
0x1c: {  	p1 =	slt.u32 s9, $0xF7A;
	s5 =	simm.s32 @!p2 $0x0  }
0x1d: {  	s5 =	simm.s32 @p1 $0x1;
	p0 =	seq.s32 s7, s2  }
0x1e: {  	s7 =	smul.u32 @!p0 $0xF7A, s2;
	p2 =	seq.s32 @!p0 s5, $0x0  }
0x1f: {  	s9 =	smul.u32 $0xF7A, s1;
	s8 =	simm.s32 @!p0 $0x1BF5;
	p2 =	por !p2, p0  }
0x20: {  	[sflag:s8] =	ssyncset.s32 @!p0 $0xFFFFF086;
	s6 =	sadd.s32 @!p0 s3, s7;
	s7 =	simm.s32 @!p0 $0x108  }
0x21: {  	s3 =	sadd.s32 s3, s9;
	s6 =	sadd.s32 @!p0 $0x88, s6;
	s7 =	simm.s32 @p2 $0x1082  }
0x22: {  	[simem:s7], [sflag:s8] =	dma.local @!p0 [hbm:s6], $0xF7A  }
0x23: {  	s9 =	sor.u32 $0xD0000000, s2;
	s6 =	simm.s32 $0x108;
	_ =	swait.ge @!p0 [sflag:s8], $0x0  }
0x24: {  	s3 =	sadd.s32 $0x88, s3;
	s6 =	simm.s32 @!p1 $0x1082;
	[sflag:s4] =	ssyncset.s32 $0xFFFFF086  }
0x25: {  	[simem:s6], [sflag:s4] =	dma.local [hbm:s3], $0xF7A  }
0x26: {  	[smem:$0x3F95] =	sst s1;
	(tag) =	ssettag s2;
	_ =	strace s9  }
0x27: {  	s1 =	sld [smem:$0x3FA5]  }
0x28: {  	s2 =	sld [smem:$0x3FA6]  }
0x29: {  	s4 =	sld [smem:$0x3FA8]  }
0x2a: {  	p0 =	seq.s32 s5, $0x0;
	s5 =	sld [smem:$0x3FA9]  }
0x2b: {  	s6 =	sld [smem:$0x3FAA]  }
0x2c: {  	s7 =	sld [smem:$0x3FAB]  }
0x2d: {  	s3 =	simm.s32 $0x108;
	s8 =	sld [smem:$0x3FAC]  }
0x2e: {  	s3 =	simm.s32 @!p0 $0x1082;
	s9 =	sld [smem:$0x3FAD]  }
0x2f: {  	lr =	sadd.s32 s0, s3;
	s0 =	sld [smem:$0x3FA4]  }
0x30: {  	s3 =	sld [smem:$0x3FA7]  }
0x31: {  	[smem:$0x3FB0] =	sst s10  }
0x32: {  	s10 =	sld [smem:$0x3FAE];
	_ =	sdelay $0x3  }
0x33: {  	p0 =	seq.s32 s10, $0x1;
	s10 =	sld [smem:$0x3FB0];
	_ =	sdelay $0x3  }
0x34: {  	[smem:$0x3FB0] =	sst s10  }
0x35: {  	s10 =	sld [smem:$0x3FAF];
	_ =	sdelay $0x3  }
0x36: {  	p1 =	seq.s32 s10, $0x1;
	s10 =	sld [smem:$0x3FB0];
	_ =	sdelay $0x3  }
0x37: {  	[smem:$0x3FB0] =	sst s10  }
0x38: {  	s10 =	sld [smem:$0x3FB1]  }
0x39: {  	_ = 	snop;
	(pc) =	sbr.ind lr, $3  }
0x3a: {  	_ = 	snop  }
0x3b: {  	_ = 	snop  }
0x3c: {  	p2 =	seq.s32 s10, $0x1;
	s10 =	sld [smem:$0x3FB0]  }
0x3d: {  	_ =	shalt  }
0x3e: {  	_ =	shalt  }
0x3f: {  	_ =	shalt  }
0x40: {  	_ =	shalt  }
0x41: {  	_ =	shalt  }
0x42: {  	_ =	shalt  }
0x43: {  	_ =	shalt  }
0x44: {  	_ =	shalt  }
0x45: {  	_ =	shalt  }
0x46: {  	_ =	shalt  }
0x47: {  	_ =	shalt  }
0x48: {  	_ =	shalt  }
0x49: {  	_ =	shalt  }
0x4a: {  	_ =	shalt  }
0x4b: {  	_ =	shalt  }
0x4c: {  	_ =	shalt  }
0x4d: {  	_ =	shalt  }
0x4e: {  	_ =	shalt  }
0x4f: {  	_ =	shalt  }
0x50: {  	_ =	shalt  }
0x51: {  	_ =	shalt  }
0x52: {  	_ =	shalt  }
0x53: {  	_ =	shalt  }
0x54: {  	_ =	shalt  }
0x55: {  	_ =	shalt  }
0x56: {  	_ =	shalt  }
0x57: {  	_ =	shalt  }
0x58: {  	_ =	shalt  }
0x59: {  	_ =	shalt  }
0x5a: {  	_ =	shalt  }
0x5b: {  	_ =	shalt  }
0x5c: {  	_ =	shalt  }
0x5d: {  	_ =	shalt  }
0x5e: {  	_ =	shalt  }
0x5f: {  	_ =	shalt  }
0x60: {  	_ =	shalt  }
0x61: {  	_ =	shalt  }
0x62: {  	_ =	shalt  }
0x63: {  	_ =	shalt  }
0x64: {  	_ =	shalt  }
0x65: {  	_ =	shalt  }
0x66: {  	_ =	shalt  }
0x67: {  	_ =	shalt  }
0x68: {  	_ =	shalt  }
0x69: {  	_ =	shalt  }
0x6a: {  	_ =	shalt  }
0x6b: {  	_ =	shalt  }
0x6c: {  	_ =	shalt  }
0x6d: {  	_ =	shalt  }
0x6e: {  	_ =	shalt  }
0x6f: {  	_ =	shalt  }
0x70: {  	_ =	shalt  }
0x71: {  	_ =	shalt  }
0x72: {  	_ =	shalt  }
0x73: {  	_ =	shalt  }
0x74: {  	_ =	shalt  }
0x75: {  	_ =	shalt  }
0x76: {  	_ =	shalt  }
0x77: {  	_ =	shalt  }
0x78: {  	_ =	shalt  }
0x79: {  	_ =	shalt  }
0x7a: {  	_ =	shalt  }
0x7b: {  	_ =	shalt  }
0x7c: {  	_ =	shalt  }
0x7d: {  	_ =	shalt  }
0x7e: {  	_ =	shalt  }
0x7f: {  	_ =	shalt  }
0x80: {  	_ =	shalt  }
0x81: {  	_ =	shalt  }
0x82: {  	_ =	shalt  }
0x83: {  	_ =	shalt  }
0x84: {  	_ =	shalt  }
0x85: {  	_ =	shalt  }
0x86: {  	_ =	shalt  }
0x87: {  	_ =	shalt  }
.Lfunc_end0:
.L_simem_size_0:
called_computation_lowered:
.L_overlay_start_0:
0x88: {  	s2 =	sld [smem:$0x3FD9]  }
0x89: {  	s3 =	sld [smem:$0x3FFE];
	_ =	sdelay $0x1  }
0x8a: {  	s1 =	srdreg.scid  }
0x8b: {  	s0 =	sand.u32 $0x1, s1  }
0x8c: {  	s17 =	sshll.u32 s0, $0xA;
	s2 =	sadd.s32 s3, s2  }
0x8d: {  	s2 =	sadd.s32 s2, s17  }
0x8e: {  	[smem:$0x3FBC] =	sst s2  }
0x8f: {  	_ = 	snop  }
0x90: {  	s2 =	sld [smem:$0x3FD0];
	(tm) =	ssettm $0x1  }
0x91: {  	s18 =	sld [smem:$0x3FFB];
	_ =	sdelay $0x3  }
0x92: {  	_ =	strace s18  }
0x93: {  	s3 =	sld [smem:$0x3FFC];
	_ =	sdelay $0x3  }
0x94: {  	_ =	strace s3  }
0x95: {  	s3 =	sld [smem:$0x3FFD];
	_ =	sdelay $0x3  }
0x96: {  	_ =	strace s3  }
0x97: {  	_ =	strace $0x8FFFFFFF  }
0x98: {  	s19 =	sld [smem:$0x3FDB];
	_ =	sdelay $0x1  }
0x99: {  	s4 =	simm.s32 $_scs_section_size  }
0x9a: {  	s5 =	simm.s32 $_size__tile_overlayer_lowered;
	s6 =	simm.s32 $_tile_overlayer_lowered  }
0x9b: {  	s22 =	simm.s32 $0x1BFF;
	s21 =	sshll.u32 s6, $0x1;
	s3 =	sadd.s32 s4, s19  }
0x9c: {  	s7 =	simm.s32 $0x0;
	s20 =	sshll.u32 s5, $0x1;
	s5 =	sadd.s32 s21, s3  }
0x9d: {  	[timem:s7], [sflag:s22] =	dma.local [hbm:s5], s20  }
0x9e: {  	_ =	swait.ge [sflag:s22], s20  }
0x9f: {  	s4 =	ssub.s32 $0x0, s20;
	[sflag:s22] =	ssyncset.done $0x0  }
0xa0: {  	[sflag:s22] =	ssyncadd.s32 s4;
	_ =	sdelay $0x1  }
0xa1: {  	s23 =	simm.s32 $0x1B8B  }
0xa2: {  	_ =	swait.ge [sflag:s23], $0x1  }
0xa3: {  	[sflag:s23] =	ssyncset.done $0x0  }
0xa4: {  	s25 =	simm.s32 $0x1B8E;
	s24 =	sld [smem:$0x3FFE];
	[sflag:s23] =	ssyncadd.s32 $0xFFFFFFFF  }
0xa5: {  	s26 =	simm.s32 $execute0_lowered;
	[smem:$0x3FD2] =	sst s25  }
0xa6: {  	s5 =	sshll.u32 s26, $0x1;
	_ =	strace $0x80000046;
	[dreg:$0x1] =	wrdreg $0xFFFFFFFF  }
0xa7: {  	s28 =	simm.s32 $_size_execute0_lowered;
	s3 =	sadd.s32 s3, s5;
	[dreg:$0x0] =	wrdreg $0x0  }
0xa8: {  	s5 =	sshll.u32 s28, $0x1;
	[dreg:$0x2] =	wrdreg s3  }
0xa9: {  	[dreg:$0x3] =	wrdreg s5  }
0xaa: {  	[dreg:$0x4] =	wrdreg $0xC0  }
0xab: {  	_ =	task [dreg:s7], $0x5FFFF  }
0xac: {  	[dreg:$0x1] =	wrdreg $0xFFFFFFFF  }
0xad: {  	[dreg:$0x0] =	wrdreg $0x60  }
0xae: {  	[dreg:$0x2] =	wrdreg s24  }
0xaf: {  	[dreg:$0x3] =	wrdreg s2  }
0xb0: {  	[dreg:$0x4] =	wrdreg $0x0  }
0xb1: {  	[dreg:$0x5] =	wrdreg $0x9  }
0xb2: {  	_ =	task.clear_ibuf [dreg:s7], $0x6FFFF;
	_ =	strace $0x90000046  }
0xb3: {  	s29 =	simm.s32 $0x9;
	_ =	strace $0x80000048  }
0xb4: {  	_ =	swait.ge [sflag:s29], $0x1  }
0xb5: {  	[sflag:s29] =	ssyncadd.s32 $0xFFFFFFFF  }
0xb6: {  	_ =	strace $0x90000048  }
0xb7: {  	_ =	sfence  }
0xb8: {  	s30 =	sld [smem:$0x0];
	_ =	sdelay $0x2  }
0xb9: {  	s31 =	sshll.u32 s1, $0xD;
	s1 =	sshrl.u32 s1, $0x2  }
0xba: {  	s3 =	sand.u32 $0x4000, s31;
	s1 =	sadd.s32 s1, s30  }
0xbb: {  	s0 =	sor.u32 s3, s0;
	s1 =	sshll.u32 s1, $0x11  }
0xbc: {  	s0 =	sor.u32 s1, s0  }
0xbd: {  	s0 =	sadd.s32 $0x8F2B, s0  }
0xbe: {  	[sflag:s0] =	ssyncadd.remote.s32 $0x1  }
0xbf: {  	_ =	sfence.sel $0xFFFF  }
0xc0: {  	[dreg:$0x0] =	wrdreg $0xFFFFFFFF;
	(pc) =	sbr.abs _section_cstart, $3  }
0xc1: {  	[dreg:$0x1] =	wrdreg $0xFFFFFFFF  }
0xc2: {  	_ =	task.clear_ibuf [dreg:s7], $0x2FFFF;
	_ =	strace $0x9FFFFFFF  }
0xc3: {  	(tm) =	ssettm $0x7FFFFFFF  }
tec
execute0_lowered:
.L_overlay_start_1:
0x0: {  	(tag) =	ssettag $0x1  }
0x1: {  	s0 =	rddreg [dreg:$0x0]  }
0x2: {  	s1 =	srdreg.scid;
	s3 =	rddreg [dreg:$0x2]  }
0x3: {  	s10 =	stileid.u32;
	s5 =	simm.s32 $0x0;
	s12 =	simm.s32 $0x18900  }
0x4: {  	s13 =	simm.s32 $0x18980;
	s14 =	simm.s32 $0xF;
	s15 =	simm.s32 $0x18A00  }
0x5: {  	s17 =	simm.s32 $0x18A80;
	s19 =	simm.s32 $0x18B00;
	s21 =	simm.s32 $0x18C00  }
0x6: {  	s31 =	simm.s32 $0x3;
	s28 =	simm.s32 $0x1CF00;
	s29 =	simm.s32 $0x1DF00  }
0x7: {  	s4 =	smul.u32 $0x18800, s10;
	[smem:$0x7FF] =	sst s5;
	s11 =	sadd.s32 $0x4D600, s0  }
0x8: {  	s8 =	smul.u32 $0x62000, s10;
	_ =	strace $0x80000047;
	[dreg:$0x10] =	wrdreg s11  }
0x9: {  	s1 =	sand.u32 $0x1, s1;
	s24 =	smul.u32 $0xC4, s10;
	[dreg:$0x5] =	wrdreg s12  }
0xa: {  	s9 =	sshll.u32 s10, $0x6;
	s10 =	smul.u32 $0xC40, s10;
	[dreg:$0x6] =	wrdreg s13  }
0xb: {  	s30 =	simm.s32 $0x1EF00;
	s2 =	smul.u32 $0xC400, s1;
	[dreg:$0x7] =	wrdreg s15  }
0xc: {  	s5 =	sadd.s32 $0x1C600, s0;
	s6 =	smul.u32 $0x188000, s1;
	[dreg:$0x8] =	wrdreg s17  }
0xd: {  	s7 =	ssub.s32 $0x2, s1;
	s1 =	smul.u32 $0xC40, s1;
	[dreg:$0x9] =	wrdreg s19  }
0xe: {  	s18 =	sor.u32 $0x1C0F, s9;
	[dreg:$0xa] =	wrdreg s21;
	s19 =	simm.s32 $0x80  }
0xf: {  	s9 =	simm.s32 $0x6;
	s15 =	simm.s32 $0x9;
	s17 =	simm.s32 $0xB  }
0x10: {  	s22 =	sshrl.u32 s7, $0x1;
	s23 =	sshrl.u32 s8, $0x2;
	[dreg:$0x12] =	wrdreg s18  }
0x11: {  	s2 =	sadd.s32 s2, s0;
	s6 =	sadd.s32 s4, s6;
	s8 =	sadd.s32 s24, s1  }
0x12: {  	s24 =	simm.s32 $0x18D80;
	[dreg:$0x11] =	wrdreg s8;
	s8 =	sshll.u32 s8, $0x4  }
0x13: {  	s6 =	sshrl.u32 s6, $0x3;
	[dreg:$0xd] =	wrdreg s24;
	s8 =	sadd.s32 s11, s8  }
0x14: {  	s0 =	sadd.s32 s6, s0;
	s11 =	simm.s32 $0x18880;
	[dreg:$0x13] =	wrdreg s8  }
0x15: {  	s6 =	ssub.s32 s7, s22;
	s22 =	simm.s32 $0x18C80;
	[dreg:$0x4] =	wrdreg s11  }
0x16: {  	s7 =	sadd.s32 s23, s3;
	s23 =	simm.s32 $0x18D00;
	[dreg:$0xb] =	wrdreg s22  }
0x17: {  	s13 =	simm.s32 $0xD;
	s0 =	sadd.s32 $0x96E00, s0;
	[dreg:$0xc] =	wrdreg s23  }
0x18: {  	s4 =	sadd.s32 s4, s3;
	s8 =	smax.u32 s6, $0x1;
	[dreg:$0x14] =	wrdreg s0  }
0x19: {  	s10 =	sadd.s32 s10, s2;
	s6 =	sshrl.u32 s4, $0x3;
	[dreg:$0x15] =	wrdreg s8  }
0x1a: {  	s25 =	sadd.s32 $0x6200, s7;
	s0 =	sadd.s32 $0x7E600, s10;
	[dreg:$0x17] =	wrdreg s6  }
0x1b: {  	s26 =	sadd.s32 $0xC400, s7;
	s16 =	sshrl.u32 s25, $0x3;
	[dreg:$0x16] =	wrdreg s0  }
0x1c: {  	s7 =	sadd.s32 $0x12600, s7;
	s1 =	sshrl.u32 s26, $0x3;
	[dreg:$0x18] =	wrdreg s16  }
0x1d: {  	s12 =	simm.s32 $0xE;
	s20 =	sshrl.u32 s7, $0x3;
	[dreg:$0x19] =	wrdreg s1  }
0x1e: {  	s2 =	simm.s32 $0x5;
	s25 =	simm.s32 $0x18E00;
	[dreg:$0x1a] =	wrdreg s20  }
0x1f: {  	s11 =	simm.s32 $0x8;
	s26 =	simm.s32 $0x18E80;
	[dreg:$0xe] =	wrdreg s25  }
0x20: {  	s10 =	simm.s32 $0x7;
	s7 =	simm.s32 $0x0;
	[dreg:$0xf] =	wrdreg s26  }
0x21: {  	s0 =	simm.s32 $0x4;
	s16 =	simm.s32 $0xA;
	s1 =	simm.s32 $0xC  }
.LBB2_1:
0x22: {  	[dreg:$0x1b] =	wrdreg s7  }
0x23: {  	s4 =	rddreg [dreg:$0x1]  }
0x24: {  	[spmem:s6], [sflag:s18] =	dma.local [hbm:s4], $0xC40  }
0x25: {  	_ =	swait.ge [sflag:s14], $0xC40  }
0x26: {  	[sflag:s14] =	ssyncset.done $0x0  }
0x27: {  	s7 =	rddreg [dreg:$0x18];
	[sflag:s14] =	ssyncadd.s32 $0xFFFFF3C0  }
0x28: {  	[spmem:s7], [sflag:s18] =	dma.local [hbm:s4], $0xC40  }
0x29: {  	_ =	swait.ge [sflag:s14], $0xC40  }
0x2a: {  	[sflag:s14] =	ssyncset.done $0x0  }
0x2b: {  	s8 =	rddreg [dreg:$0x19];
	[sflag:s14] =	ssyncadd.s32 $0xFFFFF3C0  }
0x2c: {  	[spmem:s8], [sflag:s18] =	dma.local [hbm:s4], $0xC40  }
0x2d: {  	_ =	swait.ge [sflag:s14], $0xC40  }
0x2e: {  	[sflag:s14] =	ssyncset.done $0x0  }
0x2f: {  	s20 =	rddreg [dreg:$0x1a];
	[sflag:s14] =	ssyncadd.s32 $0xFFFFF3C0  }
0x30: {  	[spmem:s20], [sflag:s18] =	dma.local [hbm:s4], $0xC40  }
0x31: {  	_ =	swait.ge [sflag:s14], $0xC40  }
0x32: {  	[sflag:s14] =	ssyncset.done $0x0  }
0x33: {  	[sflag:s14] =	ssyncadd.s32 $0xFFFFF3C0  }
0x34: {  	[bflag:$0x0] =	sbarrier.arrive $0xFFFF  }
0x35: {  	s7 =	simm.s32 $0x0;
	s18 =	simm.s32 $0x18800;
	s21 =	rddreg [dreg:$0x13]  }
0x36: {  	[tilespmem:s18], [sflag:$0xF] =	stream.linear.gather [hbm4b:s21+s7], $0x380, $0x38;
	[tilespmem:$0x1FF00] =	vst v63  }
0x37: {  	_ =	swait.ge [sflag:s14], $0x380  }
0x38: {  	[sflag:s14] =	ssyncset.done $0x0  }
0x39: {  	s20 =	simm.s32 $0x18F00;
	[sflag:s14] =	ssyncadd.s32 $0xFFFFFC80  }
0x3a: {  	[tilespmem:s20], [sflag:$0x1] =	stream.indirect.gather [hbm4b:s5+s19], $0x20, s18, s19, $0xb8;
	[tilespmem:$0x1FF00] =	vst v63  }
0x3b: {  	s21 =	simm.s32 $0x19F00;
	s22 =	rddreg [dreg:$0x4]  }
0x3c: {  	[tilespmem:s21], [sflag:$0x2] =	stream.indirect.gather [hbm4b:s5+s19], $0x20, s22, s19, $0xb8;
	[tilespmem:$0x1FF00] =	vst v63  }
0x3d: {  	s23 =	rddreg [dreg:$0x5];
	s22 =	simm.s32 $0x1AF00  }
0x3e: {  	[tilespmem:s22], [sflag:$0x3] =	stream.indirect.gather [hbm4b:s5+s19], $0x20, s23, s19, $0xb8;
	[tilespmem:$0x1FF00] =	vst v63  }
0x3f: {  	s24 =	rddreg [dreg:$0x6];
	s23 =	simm.s32 $0x1BF00  }
0x40: {  	[tilespmem:s23], [sflag:$0x4] =	stream.indirect.gather [hbm4b:s5+s19], $0x20, s24, s19, $0xb8;
	[tilespmem:$0x1FF00] =	vst v63  }
0x41: {  	s25 =	rddreg [dreg:$0x7];
	s24 =	simm.s32 $0x1CF00  }
0x42: {  	[tilespmem:s24], [sflag:$0x5] =	stream.indirect.gather [hbm4b:s5+s19], $0x20, s25, s19, $0xb8;
	[tilespmem:$0x1FF00] =	vst v63  }
0x43: {  	s26 =	rddreg [dreg:$0x8];
	s25 =	simm.s32 $0x1DF00  }
0x44: {  	[tilespmem:s25], [sflag:$0x6] =	stream.indirect.gather [hbm4b:s5+s19], $0x20, s26, s19, $0xb8;
	[tilespmem:$0x1FF00] =	vst v63  }
0x45: {  	s8 =	rddreg [dreg:$0x9];
	s26 =	simm.s32 $0x1EF00  }
0x46: {  	[tilespmem:s26], [sflag:$0x7] =	stream.indirect.gather [hbm4b:s5+s19], $0x20, s8, s19, $0xb8;
	[tilespmem:$0x1FF00] =	vst v63  }
0x47: {  	s4 =	simm.s32 $0x18B80;
	s8 =	rddreg [dreg:$0x16]  }
0x48: {  	[tilespmem:s4], [sflag:$0xF] =	stream.linear.gather [hbm4b:s8+s7], $0x380, $0x38;
	[tilespmem:$0x1FF00] =	vst v63  }
0x49: {  	_ =	swait.ge [sflag:s14], $0x380  }
0x4a: {  	[sflag:s14] =	ssyncset.done $0x0  }
0x4b: {  	s6 =	simm.s32 $0x1;
	[sflag:s14] =	ssyncadd.s32 $0xFFFFFC80  }
0x4c: {  	_ =	swait.ge [sflag:s6], $0x1000  }
0x4d: {  	[sflag:s6] =	ssyncset.done $0x0  }
0x4e: {  	[sflag:s6] =	ssyncadd.s32 $0xFFFFF000  }
0x4f: {  	[spmem:s3] =	stream.indirect.scatter.add.f32 [tilespmem:s20], [sflag:$0x8], $0x20, s4, s19, $0xb8;
	[tilespmem:$0x1FF00] =	vst v63  }
0x50: {  	s4 =	simm.s32 $0x2  }
0x51: {  	_ =	swait.ge [sflag:s4], $0x1000  }
0x52: {  	[sflag:s4] =	ssyncset.done $0x0  }
0x53: {  	s20 =	rddreg [dreg:$0xa];
	[sflag:s4] =	ssyncadd.s32 $0xFFFFF000  }
0x54: {  	[spmem:s3] =	stream.indirect.scatter.add.f32 [tilespmem:s21], [sflag:$0x9], $0x20, s20, s19, $0xb8;
	[tilespmem:$0x1FF00] =	vst v63  }
0x55: {  	_ =	swait.ge [sflag:s31], $0x1000  }
0x56: {  	[sflag:s31] =	ssyncset.done $0x0  }
0x57: {  	s20 =	rddreg [dreg:$0xb];
	[sflag:s31] =	ssyncadd.s32 $0xFFFFF000  }
0x58: {  	[spmem:s3] =	stream.indirect.scatter.add.f32 [tilespmem:s22], [sflag:$0xA], $0x20, s20, s19, $0xb8;
	[tilespmem:$0x1FF00] =	vst v63  }
0x59: {  	_ =	swait.ge [sflag:s0], $0x1000  }
0x5a: {  	[sflag:s0] =	ssyncset.done $0x0  }
0x5b: {  	s21 =	rddreg [dreg:$0xc];
	[sflag:s0] =	ssyncadd.s32 $0xFFFFF000  }
0x5c: {  	[spmem:s3] =	stream.indirect.scatter.add.f32 [tilespmem:s23], [sflag:$0xB], $0x20, s21, s19, $0xb8;
	[tilespmem:$0x1FF00] =	vst v63  }
0x5d: {  	_ =	swait.ge [sflag:s2], $0x1000  }
0x5e: {  	[sflag:s2] =	ssyncset.done $0x0  }
0x5f: {  	s22 =	rddreg [dreg:$0xd];
	[sflag:s2] =	ssyncadd.s32 $0xFFFFF000  }
0x60: {  	[spmem:s3] =	stream.indirect.scatter.add.f32 [tilespmem:s24], [sflag:$0xC], $0x20, s22, s19, $0xb8;
	[tilespmem:$0x1FF00] =	vst v63  }
0x61: {  	_ =	swait.ge [sflag:s9], $0x1000  }
0x62: {  	s24 =	rddreg [dreg:$0x11]  }
0x63: {  	[sflag:s9] =	ssyncset.done $0x0;
	s6 =	sadd.s32 $0x0, s24  }
0x64: {  	s23 =	rddreg [dreg:$0xe];
	[sflag:s9] =	ssyncadd.s32 $0xFFFFF000;
	p0 =	slt.s32 s6, $0x1872  }
0x65: {  	[spmem:s3] =	stream.indirect.scatter.add.f32 [tilespmem:s25], [sflag:$0xD], $0x20, s23, s19, $0xb8;
	[tilespmem:$0x1FF00] =	vst v63  }
0x66: {  	_ =	swait.ge [sflag:s10], $0x1000;
	s6 =	simm.s32 @!p0 $0x1872  }
0x67: {  	s6 =	sshll.u32 s6, $0x4;
	[sflag:s10] =	ssyncset.done $0x0  }
0x68: {  	s25 =	rddreg [dreg:$0xf];
	s6 =	sadd.s32 $0x70, s6;
	[sflag:s10] =	ssyncadd.s32 $0xFFFFF000  }
0x69: {  	[spmem:s3] =	stream.indirect.scatter.add.f32 [tilespmem:s26], [sflag:$0xE], $0x20, s25, s19, $0xb8;
	[tilespmem:$0x1FF00] =	vst v63  }
0x6a: {  	s6 =	sand.u32 $0x1FFFFFF0, s6;
	s26 =	rddreg [dreg:$0x10]  }
0x6b: {  	s4 =	sadd.s32 s26, s6  }
0x6c: {  	[tilespmem:s18], [sflag:$0xF] =	stream.linear.gather [hbm4b:s4+s7], $0x380, $0x38;
	[tilespmem:$0x1FF00] =	vst v63  }
0x6d: {  	_ =	swait.ge [sflag:s14], $0x380  }
0x6e: {  	[sflag:s14] =	ssyncset.done $0x0  }
0x6f: {  	[sflag:s14] =	ssyncadd.s32 $0xFFFFFC80  }
0x70: {  	_ =	swait.ge [sflag:s11], $0x1000  }
0x71: {  	[sflag:s11] =	ssyncset.done $0x0  }
0x72: {  	[sflag:s11] =	ssyncadd.s32 $0xFFFFF000  }
0x73: {  	_ =	swait.ge [sflag:s15], $0x1000  }
0x74: {  	[sflag:s15] =	ssyncset.done $0x0  }
0x75: {  	[sflag:s15] =	ssyncadd.s32 $0xFFFFF000  }
0x76: {  	_ =	swait.ge [sflag:s16], $0x1000  }
0x77: {  	[sflag:s16] =	ssyncset.done $0x0  }
0x78: {  	[sflag:s16] =	ssyncadd.s32 $0xFFFFF000  }
0x79: {  	_ =	swait.ge [sflag:s17], $0x1000  }
0x7a: {  	[sflag:s17] =	ssyncset.done $0x0  }
0x7b: {  	[sflag:s17] =	ssyncadd.s32 $0xFFFFF000  }
0x7c: {  	_ =	swait.ge [sflag:s1], $0x1000  }
0x7d: {  	[sflag:s1] =	ssyncset.done $0x0  }
0x7e: {  	[sflag:s1] =	ssyncadd.s32 $0xFFFFF000  }
0x7f: {  	_ =	swait.ge [sflag:s13], $0x1000  }
0x80: {  	[sflag:s13] =	ssyncset.done $0x0  }
0x81: {  	s6 =	simm.s32 $0xE;
	[sflag:s13] =	ssyncadd.s32 $0xFFFFF000  }
0x82: {  	s7 =	simm.s32 $0x7;
	s4 =	smov.u32 s8;
	_ =	swait.ge [sflag:s12], $0x1000  }
.LBB2_2:
0x83: {  	[sflag:s12] =	ssyncset.done $0x0  }
0x84: {  	s22 =	simm.s32 $0x18800;
	s23 =	simm.s32 $0x18F00;
	[sflag:s12] =	ssyncadd.s32 $0xFFFFF000  }
0x85: {  	[tilespmem:s23], [sflag:$0x1] =	stream.indirect.gather [hbm4b:s5+s19], $0x20, s22, s19, $0xb8;
	[tilespmem:$0x1FF00] =	vst v63  }
0x86: {  	s18 =	rddreg [dreg:$0x4];
	s24 =	simm.s32 $0x19F00  }
0x87: {  	[tilespmem:s24], [sflag:$0x2] =	stream.indirect.gather [hbm4b:s5+s19], $0x20, s18, s19, $0xb8;
	[tilespmem:$0x1FF00] =	vst v63  }
0x88: {  	s20 =	rddreg [dreg:$0x5];
	s25 =	simm.s32 $0x1AF00  }
0x89: {  	[tilespmem:s25], [sflag:$0x3] =	stream.indirect.gather [hbm4b:s5+s19], $0x20, s20, s19, $0xb8;
	[tilespmem:$0x1FF00] =	vst v63  }
0x8a: {  	s26 =	simm.s32 $0x1BF00;
	s18 =	rddreg [dreg:$0x6]  }
0x8b: {  	[tilespmem:s26], [sflag:$0x4] =	stream.indirect.gather [hbm4b:s5+s19], $0x20, s18, s19, $0xb8;
	[tilespmem:$0x1FF00] =	vst v63  }
0x8c: {  	s21 =	rddreg [dreg:$0x7]  }
0x8d: {  	[tilespmem:s28], [sflag:$0x5] =	stream.indirect.gather [hbm4b:s5+s19], $0x20, s21, s19, $0xb8;
	[tilespmem:$0x1FF00] =	vst v63  }
0x8e: {  	s18 =	rddreg [dreg:$0x8]  }
0x8f: {  	[tilespmem:s29], [sflag:$0x6] =	stream.indirect.gather [hbm4b:s5+s19], $0x20, s18, s19, $0xb8;
	[tilespmem:$0x1FF00] =	vst v63  }
0x90: {  	s21 =	rddreg [dreg:$0x9]  }
0x91: {  	[tilespmem:s30], [sflag:$0x7] =	stream.indirect.gather [hbm4b:s5+s19], $0x20, s21, s19, $0xb8;
	[tilespmem:$0x1FF00] =	vst v63  }
0x92: {  	s4 =	sadd.s32 $0x70, s4;
	s18 =	simm.s32 $0x18B80;
	s21 =	simm.s32 $0x0  }
0x93: {  	[tilespmem:s18], [sflag:$0xF] =	stream.linear.gather [hbm4b:s4+s21], $0x380, $0x38;
	[tilespmem:$0x1FF00] =	vst v63  }
0x94: {  	_ =	swait.ge [sflag:s14], $0x380  }
0x95: {  	[sflag:s14] =	ssyncset.done $0x0  }
0x96: {  	s20 =	simm.s32 $0x1;
	[sflag:s14] =	ssyncadd.s32 $0xFFFFFC80  }
0x97: {  	_ =	swait.ge [sflag:s20], $0x1000  }
0x98: {  	[sflag:s20] =	ssyncset.done $0x0  }
0x99: {  	[sflag:s20] =	ssyncadd.s32 $0xFFFFF000  }
0x9a: {  	[spmem:s3] =	stream.indirect.scatter.add.f32 [tilespmem:s23], [sflag:$0x8], $0x20, s18, s19, $0xb8;
	[tilespmem:$0x1FF00] =	vst v63  }
0x9b: {  	s18 =	simm.s32 $0x2  }
0x9c: {  	_ =	swait.ge [sflag:s18], $0x1000  }
0x9d: {  	[sflag:s18] =	ssyncset.done $0x0  }
0x9e: {  	s23 =	rddreg [dreg:$0xa];
	[sflag:s18] =	ssyncadd.s32 $0xFFFFF000  }
0x9f: {  	[spmem:s3] =	stream.indirect.scatter.add.f32 [tilespmem:s24], [sflag:$0x9], $0x20, s23, s19, $0xb8;
	[tilespmem:$0x1FF00] =	vst v63  }
0xa0: {  	_ =	swait.ge [sflag:s31], $0x1000  }
0xa1: {  	[sflag:s31] =	ssyncset.done $0x0  }
0xa2: {  	s23 =	rddreg [dreg:$0xb];
	[sflag:s31] =	ssyncadd.s32 $0xFFFFF000  }
0xa3: {  	[spmem:s3] =	stream.indirect.scatter.add.f32 [tilespmem:s25], [sflag:$0xA], $0x20, s23, s19, $0xb8;
	[tilespmem:$0x1FF00] =	vst v63  }
0xa4: {  	_ =	swait.ge [sflag:s0], $0x1000  }
0xa5: {  	[sflag:s0] =	ssyncset.done $0x0  }
0xa6: {  	s24 =	rddreg [dreg:$0xc];
	[sflag:s0] =	ssyncadd.s32 $0xFFFFF000  }
0xa7: {  	[spmem:s3] =	stream.indirect.scatter.add.f32 [tilespmem:s26], [sflag:$0xB], $0x20, s24, s19, $0xb8;
	[tilespmem:$0x1FF00] =	vst v63  }
0xa8: {  	_ =	swait.ge [sflag:s2], $0x1000  }
0xa9: {  	[sflag:s2] =	ssyncset.done $0x0  }
0xaa: {  	s25 =	rddreg [dreg:$0xd];
	[sflag:s2] =	ssyncadd.s32 $0xFFFFF000  }
0xab: {  	[spmem:s3] =	stream.indirect.scatter.add.f32 [tilespmem:s28], [sflag:$0xC], $0x20, s25, s19, $0xb8;
	[tilespmem:$0x1FF00] =	vst v63  }
0xac: {  	_ =	swait.ge [sflag:s9], $0x1000  }
0xad: {  	s23 =	rddreg [dreg:$0x11]  }
0xae: {  	[sflag:s9] =	ssyncset.done $0x0;
	s20 =	sadd.s32 s7, s23  }
0xaf: {  	s26 =	rddreg [dreg:$0xe];
	[sflag:s9] =	ssyncadd.s32 $0xFFFFF000;
	p1 =	slt.s32 s20, $0x1872  }
0xb0: {  	[spmem:s3] =	stream.indirect.scatter.add.f32 [tilespmem:s29], [sflag:$0xD], $0x20, s26, s19, $0xb8;
	[tilespmem:$0x1FF00] =	vst v63  }
0xb1: {  	s20 =	simm.s32 @!p1 $0x1872  }
0xb2: {  	s8 =	smov.u32 s6;
	_ =	swait.ge [sflag:s10], $0x1000;
	s25 =	sshll.u32 s20, $0x4  }
0xb3: {  	[sflag:s10] =	ssyncset.done $0x0;
	s24 =	rddreg [dreg:$0xf];
	s18 =	sadd.s32 $0x70, s25  }
0xb4: {  	s26 =	rddreg [dreg:$0x10];
	[sflag:s10] =	ssyncadd.s32 $0xFFFFF000;
	s18 =	sand.u32 $0x1FFFFFF0, s18  }
0xb5: {  	[spmem:s3] =	stream.indirect.scatter.add.f32 [tilespmem:s30], [sflag:$0xE], $0x20, s24, s19, $0xb8;
	[tilespmem:$0x1FF00] =	vst v63  }
0xb6: {  	s7 =	smov.u32 s8;
	s8 =	sadd.s32 s26, s18  }
0xb7: {  	[tilespmem:s22], [sflag:$0xF] =	stream.linear.gather [hbm4b:s8+s21], $0x380, $0x38;
	[tilespmem:$0x1FF00] =	vst v63  }
0xb8: {  	_ =	swait.ge [sflag:s14], $0x380  }
0xb9: {  	[sflag:s14] =	ssyncset.done $0x0  }
0xba: {  	[sflag:s14] =	ssyncadd.s32 $0xFFFFFC80  }
0xbb: {  	_ =	swait.ge [sflag:s11], $0x1000  }
0xbc: {  	[sflag:s11] =	ssyncset.done $0x0  }
0xbd: {  	[sflag:s11] =	ssyncadd.s32 $0xFFFFF000  }
0xbe: {  	_ =	swait.ge [sflag:s15], $0x1000  }
0xbf: {  	[sflag:s15] =	ssyncset.done $0x0  }
0xc0: {  	[sflag:s15] =	ssyncadd.s32 $0xFFFFF000  }
0xc1: {  	_ =	swait.ge [sflag:s16], $0x1000  }
0xc2: {  	[sflag:s16] =	ssyncset.done $0x0  }
0xc3: {  	[sflag:s16] =	ssyncadd.s32 $0xFFFFF000  }
0xc4: {  	_ =	swait.ge [sflag:s17], $0x1000  }
0xc5: {  	[sflag:s17] =	ssyncset.done $0x0  }
0xc6: {  	[sflag:s17] =	ssyncadd.s32 $0xFFFFF000  }
0xc7: {  	_ =	swait.ge [sflag:s1], $0x1000  }
0xc8: {  	p0 =	sne.s32 s6, $0xBD;
	[sflag:s1] =	ssyncset.done $0x0  }
.Ltmp0:
0xc9: {  	[sflag:s1] =	ssyncadd.s32 $0xFFFFF000;
	(pc) =	sbr.rel @p0 .LBB2_2-.Ltmp0, $4  }
0xca: {  	_ =	swait.ge [sflag:s13], $0x1000  }
0xcb: {  	[sflag:s13] =	ssyncset.done $0x0  }
0xcc: {  	[sflag:s13] =	ssyncadd.s32 $0xFFFFF000  }
0xcd: {  	s6 =	sadd.s32 $0x7, s6;
	_ =	swait.ge [sflag:s12], $0x1000  }
0xce: {  	[sflag:s12] =	ssyncset.done $0x0  }
0xcf: {  	s18 =	simm.s32 $0x18800;
	s20 =	simm.s32 $0x18F00;
	[sflag:s12] =	ssyncadd.s32 $0xFFFFF000  }
0xd0: {  	[tilespmem:s20], [sflag:$0x1] =	stream.indirect.gather [hbm4b:s5+s19], $0x20, s18, s19, $0xb8;
	[tilespmem:$0x1FF00] =	vst v63  }
0xd1: {  	s6 =	rddreg [dreg:$0x4];
	s21 =	simm.s32 $0x19F00  }
0xd2: {  	[tilespmem:s21], [sflag:$0x2] =	stream.indirect.gather [hbm4b:s5+s19], $0x20, s6, s19, $0xb8;
	[tilespmem:$0x1FF00] =	vst v63  }
0xd3: {  	s8 =	rddreg [dreg:$0x5];
	s22 =	simm.s32 $0x1AF00  }
0xd4: {  	[tilespmem:s22], [sflag:$0x3] =	stream.indirect.gather [hbm4b:s5+s19], $0x20, s8, s19, $0xb8;
	[tilespmem:$0x1FF00] =	vst v63  }
0xd5: {  	s24 =	rddreg [dreg:$0x6];
	s23 =	simm.s32 $0x1BF00  }
0xd6: {  	[tilespmem:s23], [sflag:$0x4] =	stream.indirect.gather [hbm4b:s5+s19], $0x20, s24, s19, $0xb8;
	[tilespmem:$0x1FF00] =	vst v63  }
0xd7: {  	s25 =	rddreg [dreg:$0x7];
	s24 =	simm.s32 $0x1CF00  }
0xd8: {  	[tilespmem:s24], [sflag:$0x5] =	stream.indirect.gather [hbm4b:s5+s19], $0x20, s25, s19, $0xb8;
	[tilespmem:$0x1FF00] =	vst v63  }
0xd9: {  	s26 =	rddreg [dreg:$0x8];
	s25 =	simm.s32 $0x1DF00  }
0xda: {  	[tilespmem:s25], [sflag:$0x6] =	stream.indirect.gather [hbm4b:s5+s19], $0x20, s26, s19, $0xb8;
	[tilespmem:$0x1FF00] =	vst v63  }
0xdb: {  	s8 =	rddreg [dreg:$0x9];
	s26 =	simm.s32 $0x1EF00  }
0xdc: {  	[tilespmem:s26], [sflag:$0x7] =	stream.indirect.gather [hbm4b:s5+s19], $0x20, s8, s19, $0xb8;
	[tilespmem:$0x1FF00] =	vst v63  }
0xdd: {  	s4 =	sadd.s32 $0x70, s4;
	s6 =	simm.s32 $0x0;
	s8 =	simm.s32 $0x18B80  }
0xde: {  	[tilespmem:s8], [sflag:$0xF] =	stream.linear.gather [hbm4b:s4+s6], $0x380, $0x38;
	[tilespmem:$0x1FF00] =	vst v63  }
0xdf: {  	_ =	swait.ge [sflag:s14], $0x380  }
0xe0: {  	[sflag:s14] =	ssyncset.done $0x0  }
0xe1: {  	s4 =	simm.s32 $0x1;
	[sflag:s14] =	ssyncadd.s32 $0xFFFFFC80  }
0xe2: {  	_ =	swait.ge [sflag:s4], $0x1000  }
0xe3: {  	[sflag:s4] =	ssyncset.done $0x0  }
0xe4: {  	[sflag:s4] =	ssyncadd.s32 $0xFFFFF000;
	s4 =	simm.s32 $0x2  }
0xe5: {  	[spmem:s3] =	stream.indirect.scatter.add.f32 [tilespmem:s20], [sflag:$0x8], $0x20, s8, s19, $0xb8;
	[tilespmem:$0x1FF00] =	vst v63  }
0xe6: {  	_ =	swait.ge [sflag:s4], $0x1000  }
0xe7: {  	[sflag:s4] =	ssyncset.done $0x0  }
0xe8: {  	s20 =	rddreg [dreg:$0xa];
	[sflag:s4] =	ssyncadd.s32 $0xFFFFF000  }
0xe9: {  	[spmem:s3] =	stream.indirect.scatter.add.f32 [tilespmem:s21], [sflag:$0x9], $0x20, s20, s19, $0xb8;
	[tilespmem:$0x1FF00] =	vst v63  }
0xea: {  	_ =	swait.ge [sflag:s31], $0x1000  }
0xeb: {  	[sflag:s31] =	ssyncset.done $0x0  }
0xec: {  	s21 =	rddreg [dreg:$0xb];
	[sflag:s31] =	ssyncadd.s32 $0xFFFFF000  }
0xed: {  	[spmem:s3] =	stream.indirect.scatter.add.f32 [tilespmem:s22], [sflag:$0xA], $0x20, s21, s19, $0xb8;
	[tilespmem:$0x1FF00] =	vst v63  }
0xee: {  	_ =	swait.ge [sflag:s0], $0x1000  }
0xef: {  	[sflag:s0] =	ssyncset.done $0x0  }
0xf0: {  	s22 =	rddreg [dreg:$0xc];
	[sflag:s0] =	ssyncadd.s32 $0xFFFFF000  }
0xf1: {  	[spmem:s3] =	stream.indirect.scatter.add.f32 [tilespmem:s23], [sflag:$0xB], $0x20, s22, s19, $0xb8;
	[tilespmem:$0x1FF00] =	vst v63  }
0xf2: {  	_ =	swait.ge [sflag:s2], $0x1000  }
0xf3: {  	[sflag:s2] =	ssyncset.done $0x0  }
0xf4: {  	s8 =	rddreg [dreg:$0xd];
	[sflag:s2] =	ssyncadd.s32 $0xFFFFF000  }
0xf5: {  	[spmem:s3] =	stream.indirect.scatter.add.f32 [tilespmem:s24], [sflag:$0xC], $0x20, s8, s19, $0xb8;
	[tilespmem:$0x1FF00] =	vst v63  }
0xf6: {  	_ =	swait.ge [sflag:s9], $0x1000  }
0xf7: {  	[sflag:s9] =	ssyncset.done $0x0  }
0xf8: {  	s20 =	rddreg [dreg:$0xe];
	[sflag:s9] =	ssyncadd.s32 $0xFFFFF000  }
0xf9: {  	[spmem:s3] =	stream.indirect.scatter.add.f32 [tilespmem:s25], [sflag:$0xD], $0x20, s20, s19, $0xb8;
	[tilespmem:$0x1FF00] =	vst v63  }
0xfa: {  	_ =	swait.ge [sflag:s10], $0x1000  }
0xfb: {  	[sflag:s10] =	ssyncset.done $0x0;
	s22 =	rddreg [dreg:$0x11]  }
0xfc: {  	s21 =	rddreg [dreg:$0xf];
	[sflag:s10] =	ssyncadd.s32 $0xFFFFF000;
	s4 =	sadd.s32 s7, s22  }
0xfd: {  	[spmem:s3] =	stream.indirect.scatter.add.f32 [tilespmem:s26], [sflag:$0xE], $0x20, s21, s19, $0xb8;
	[tilespmem:$0x1FF00] =	vst v63  }
0xfe: {  	p0 =	slt.s32 s4, $0x1872  }
0xff: {  	s4 =	simm.s32 @!p0 $0x1872  }
0x100: {  	s4 =	sshll.u32 s4, $0x4  }
0x101: {  	s4 =	sadd.s32 $0x70, s4  }
0x102: {  	s23 =	rddreg [dreg:$0x10];
	s4 =	sand.u32 $0x1FFFFFF0, s4  }
0x103: {  	s4 =	sadd.s32 s23, s4  }
0x104: {  	[tilespmem:s18], [sflag:$0xF] =	stream.linear.gather [hbm4b:s4+s6], $0x380, $0x38;
	[tilespmem:$0x1FF00] =	vst v63  }
0x105: {  	_ =	swait.ge [sflag:s14], $0x380  }
0x106: {  	[sflag:s14] =	ssyncset.done $0x0  }
0x107: {  	[sflag:s14] =	ssyncadd.s32 $0xFFFFFC80  }
0x108: {  	_ =	swait.ge [sflag:s11], $0x1000  }
0x109: {  	[sflag:s11] =	ssyncset.done $0x0  }
0x10a: {  	[sflag:s11] =	ssyncadd.s32 $0xFFFFF000  }
0x10b: {  	_ =	swait.ge [sflag:s15], $0x1000  }
0x10c: {  	[sflag:s15] =	ssyncset.done $0x0  }
0x10d: {  	[sflag:s15] =	ssyncadd.s32 $0xFFFFF000  }
0x10e: {  	_ =	swait.ge [sflag:s16], $0x1000  }
0x10f: {  	[sflag:s16] =	ssyncset.done $0x0  }
0x110: {  	[sflag:s16] =	ssyncadd.s32 $0xFFFFF000  }
0x111: {  	_ =	swait.ge [sflag:s17], $0x1000  }
0x112: {  	[sflag:s17] =	ssyncset.done $0x0  }
0x113: {  	[sflag:s17] =	ssyncadd.s32 $0xFFFFF000  }
0x114: {  	_ =	swait.ge [sflag:s1], $0x1000  }
0x115: {  	[sflag:s1] =	ssyncset.done $0x0  }
0x116: {  	[sflag:s1] =	ssyncadd.s32 $0xFFFFF000  }
0x117: {  	_ =	swait.ge [sflag:s13], $0x1000  }
0x118: {  	[sflag:s13] =	ssyncset.done $0x0  }
0x119: {  	[sflag:s13] =	ssyncadd.s32 $0xFFFFF000  }
0x11a: {  	_ =	swait.ge [sflag:s12], $0x1000  }
0x11b: {  	[sflag:s12] =	ssyncset.done $0x0  }
0x11c: {  	[sflag:s12] =	ssyncadd.s32 $0xFFFFF000  }
0x11d: {  	[bflag:$0x0] =	sbarrier.arrive $0xFFFF  }
0x11e: {  	s18 =	rddreg [dreg:$0x12]  }
0x11f: {  	s24 =	rddreg [dreg:$0x14]  }
0x120: {  	s6 =	rddreg [dreg:$0x17]  }
0x121: {  	[hbm:s24], [sflag:s18] =	dma.local [spmem:s6], $0x3100  }
0x122: {  	_ =	swait.ge [sflag:s14], $0x3100  }
0x123: {  	s25 =	rddreg [dreg:$0x1b]  }
0x124: {  	s26 =	rddreg [dreg:$0x15];
	s7 =	sadd.s32 $0x1, s25  }
0x125: {  	p0 =	sne.s32 s7, s26  }
.Ltmp1:
0x126: {  	_ = 	snop;
	(pc) =	sbr.rel @p0 .LBB2_1-.Ltmp1, $3  }
0x127: {  	_ =	sdelay $0x1  }
0x128: {  	[sflag:s14] =	ssyncset.done $0x0  }
0x129: {  	[sflag:s14] =	ssyncadd.s32 $0xFFFFCF00  }
0x12a: {  	_ =	sfence.sel $0x180000  }
0x12b: {  	[bflag:$0x0] =	sbarrier.arrive $0xFFFF  }
0x12c: {  	_ =	strace $0x90000047  }
0x12d: {  	s0 =	stileid.u32;
	[bflag:$0x2] =	sbarrier.arrive $0xFFFF  }
0x12e: {  	p0 =	sne.s32 s0, $0x0;
	s0 =	rddreg [dreg:$0x3]  }
0x12f: {  	s0 =	sadd.s32 @!p0 $0x100000, s0  }
0x130: {  	[sflag:s0] =	ssyncadd.tile.s32 @!p0 $0x1;
	_ =	shalt  }
.Lfunc_end2:
_tile_overlayer_lowered:
.L_overlay_start_2:
0x131: {  	(tag) =	ssettag $0x2  }
0x132: {  	s0 =	rddreg [dreg:$0x0];
	s2 =	stileid.u32  }
0x133: {  	s1 =	rddreg [dreg:$0x1];
	p0 =	sne.s32 s2, $0x0  }
0x134: {  	s3 =	rddreg [dreg:$0x2];
	[bflag:$0x3] =	sbarrier.arrive $0xFFFF;
	s2 =	simm.s32 @!p0 $0x1C0F  }
0x135: {  	[timem:s3], [sflag:s2] =	dma.local @!p0 [hbm:s0], s1  }
0x136: {  	s0 =	simm.s32 @!p0 $0xF  }
0x137: {  	_ =	swait.ge @!p0 [sflag:s0], s1  }
0x138: {  	s1 =	ssub.s32 @!p0 $0x0, s1;
	[sflag:s0] =	ssyncset.done @!p0 $0x0  }
0x139: {  	[sflag:s0] =	ssyncadd.s32 @!p0 s1  }
0x13a: {  	[bflag:$0x3] =	sbarrier.arrive $0xFFFF  }
0x13b: {  	_ =	shalt  }

// kernel: kernel.16.cloned.1.call-start
scs
__scs_entry_jumppad:
0x0: {  	(pc) =	sbr.rel $0x88, $3  }
0x1: {  	(tag) =	ssettag $0x0;
	lr =	simm.s32 $0x1  }
0x2: {  	[smem:$0x3F95] =	sst lr;
	_ =	strace $0xD0000000  }
0x3: {  	_ = 	snop  }
0x4: {  	_ = 	snop  }
0x5: {  	_ = 	snop  }
0x6: {  	_ = 	snop  }
0x7: {  	_ = 	snop  }
__scs_overlays_trampoline_lowered:
0x8: {  	[smem:$0x3FA4] =	sst s0  }
0x9: {  	[smem:$0x3FA5] =	sst s1  }
0xa: {  	[smem:$0x3FA6] =	sst s2  }
0xb: {  	[smem:$0x3FA7] =	sst s3  }
0xc: {  	[smem:$0x3FA8] =	sst s4  }
0xd: {  	[smem:$0x3FA9] =	sst s5  }
0xe: {  	[smem:$0x3FAA] =	sst s6  }
0xf: {  	[smem:$0x3FAB] =	sst s7  }
0x10: {  	[smem:$0x3FAC] =	sst s8  }
0x11: {  	[smem:$0x3FAD] =	sst s9;
	s0 =	simm.s32 @!p0 $0x0  }
0x12: {  	s1 =	sld [smem:$0x3F93];
	s0 =	simm.s32 @p0 $0x1  }
0x13: {  	[smem:$0x3FAE] =	sst s0;
	s0 =	simm.s32 @!p1 $0x0  }
0x14: {  	s2 =	sld [smem:$0x3F92];
	s0 =	simm.s32 @p1 $0x1  }
0x15: {  	[smem:$0x3FAF] =	sst s0;
	s0 =	simm.s32 @!p2 $0x0  }
0x16: {  	s3 =	sld [smem:$0x3FDB];
	s0 =	simm.s32 @p2 $0x1  }
0x17: {  	s4 =	simm.s32 $0x1BF5;
	[smem:$0x3FB1] =	sst s0  }
0x18: {  	s0 =	sld [smem:$0x3F94];
	_ =	swait.ge [sflag:s4], $0x0  }
0x19: {  	s7 =	sld [smem:$0x3F95]  }
0x1a: {  	s8 =	sadd.s32 $0xFFFFE003, lr  }
0x1b: {  	s9 =	sadd.s32 $0xFFFFFEF7, lr;
	s5 =	simm.s32 $0xFFFFFFFF;
	p2 =	slt.u32 s8, $0xFFFFF086  }
0x1c: {  	p1 =	slt.u32 s9, $0xF7A;
	s5 =	simm.s32 @!p2 $0x0  }
0x1d: {  	s5 =	simm.s32 @p1 $0x1;
	p0 =	seq.s32 s7, s2  }
0x1e: {  	s7 =	smul.u32 @!p0 $0xF7A, s2;
	p2 =	seq.s32 @!p0 s5, $0x0  }
0x1f: {  	s9 =	smul.u32 $0xF7A, s1;
	s8 =	simm.s32 @!p0 $0x1BF5;
	p2 =	por !p2, p0  }
0x20: {  	[sflag:s8] =	ssyncset.s32 @!p0 $0xFFFFF086;
	s6 =	sadd.s32 @!p0 s3, s7;
	s7 =	simm.s32 @!p0 $0x108  }
0x21: {  	s3 =	sadd.s32 s3, s9;
	s6 =	sadd.s32 @!p0 $0x88, s6;
	s7 =	simm.s32 @p2 $0x1082  }
0x22: {  	[simem:s7], [sflag:s8] =	dma.local @!p0 [hbm:s6], $0xF7A  }
0x23: {  	s9 =	sor.u32 $0xD0000000, s2;
	s6 =	simm.s32 $0x108;
	_ =	swait.ge @!p0 [sflag:s8], $0x0  }
0x24: {  	s3 =	sadd.s32 $0x88, s3;
	s6 =	simm.s32 @!p1 $0x1082;
	[sflag:s4] =	ssyncset.s32 $0xFFFFF086  }
0x25: {  	[simem:s6], [sflag:s4] =	dma.local [hbm:s3], $0xF7A  }
0x26: {  	[smem:$0x3F95] =	sst s1;
	(tag) =	ssettag s2;
	_ =	strace s9  }
0x27: {  	s1 =	sld [smem:$0x3FA5]  }
0x28: {  	s2 =	sld [smem:$0x3FA6]  }
0x29: {  	s4 =	sld [smem:$0x3FA8]  }
0x2a: {  	p0 =	seq.s32 s5, $0x0;
	s5 =	sld [smem:$0x3FA9]  }
0x2b: {  	s6 =	sld [smem:$0x3FAA]  }
0x2c: {  	s7 =	sld [smem:$0x3FAB]  }
0x2d: {  	s3 =	simm.s32 $0x108;
	s8 =	sld [smem:$0x3FAC]  }
0x2e: {  	s3 =	simm.s32 @!p0 $0x1082;
	s9 =	sld [smem:$0x3FAD]  }
0x2f: {  	lr =	sadd.s32 s0, s3;
	s0 =	sld [smem:$0x3FA4]  }
0x30: {  	s3 =	sld [smem:$0x3FA7]  }
0x31: {  	[smem:$0x3FB0] =	sst s10  }
0x32: {  	s10 =	sld [smem:$0x3FAE];
	_ =	sdelay $0x3  }
0x33: {  	p0 =	seq.s32 s10, $0x1;
	s10 =	sld [smem:$0x3FB0];
	_ =	sdelay $0x3  }
0x34: {  	[smem:$0x3FB0] =	sst s10  }
0x35: {  	s10 =	sld [smem:$0x3FAF];
	_ =	sdelay $0x3  }
0x36: {  	p1 =	seq.s32 s10, $0x1;
	s10 =	sld [smem:$0x3FB0];
	_ =	sdelay $0x3  }
0x37: {  	[smem:$0x3FB0] =	sst s10  }
0x38: {  	s10 =	sld [smem:$0x3FB1]  }
0x39: {  	_ = 	snop;
	(pc) =	sbr.ind lr, $3  }
0x3a: {  	_ = 	snop  }
0x3b: {  	_ = 	snop  }
0x3c: {  	p2 =	seq.s32 s10, $0x1;
	s10 =	sld [smem:$0x3FB0]  }
0x3d: {  	_ =	shalt  }
0x3e: {  	_ =	shalt  }
0x3f: {  	_ =	shalt  }
0x40: {  	_ =	shalt  }
0x41: {  	_ =	shalt  }
0x42: {  	_ =	shalt  }
0x43: {  	_ =	shalt  }
0x44: {  	_ =	shalt  }
0x45: {  	_ =	shalt  }
0x46: {  	_ =	shalt  }
0x47: {  	_ =	shalt  }
0x48: {  	_ =	shalt  }
0x49: {  	_ =	shalt  }
0x4a: {  	_ =	shalt  }
0x4b: {  	_ =	shalt  }
0x4c: {  	_ =	shalt  }
0x4d: {  	_ =	shalt  }
0x4e: {  	_ =	shalt  }
0x4f: {  	_ =	shalt  }
0x50: {  	_ =	shalt  }
0x51: {  	_ =	shalt  }
0x52: {  	_ =	shalt  }
0x53: {  	_ =	shalt  }
0x54: {  	_ =	shalt  }
0x55: {  	_ =	shalt  }
0x56: {  	_ =	shalt  }
0x57: {  	_ =	shalt  }
0x58: {  	_ =	shalt  }
0x59: {  	_ =	shalt  }
0x5a: {  	_ =	shalt  }
0x5b: {  	_ =	shalt  }
0x5c: {  	_ =	shalt  }
0x5d: {  	_ =	shalt  }
0x5e: {  	_ =	shalt  }
0x5f: {  	_ =	shalt  }
0x60: {  	_ =	shalt  }
0x61: {  	_ =	shalt  }
0x62: {  	_ =	shalt  }
0x63: {  	_ =	shalt  }
0x64: {  	_ =	shalt  }
0x65: {  	_ =	shalt  }
0x66: {  	_ =	shalt  }
0x67: {  	_ =	shalt  }
0x68: {  	_ =	shalt  }
0x69: {  	_ =	shalt  }
0x6a: {  	_ =	shalt  }
0x6b: {  	_ =	shalt  }
0x6c: {  	_ =	shalt  }
0x6d: {  	_ =	shalt  }
0x6e: {  	_ =	shalt  }
0x6f: {  	_ =	shalt  }
0x70: {  	_ =	shalt  }
0x71: {  	_ =	shalt  }
0x72: {  	_ =	shalt  }
0x73: {  	_ =	shalt  }
0x74: {  	_ =	shalt  }
0x75: {  	_ =	shalt  }
0x76: {  	_ =	shalt  }
0x77: {  	_ =	shalt  }
0x78: {  	_ =	shalt  }
0x79: {  	_ =	shalt  }
0x7a: {  	_ =	shalt  }
0x7b: {  	_ =	shalt  }
0x7c: {  	_ =	shalt  }
0x7d: {  	_ =	shalt  }
0x7e: {  	_ =	shalt  }
0x7f: {  	_ =	shalt  }
0x80: {  	_ =	shalt  }
0x81: {  	_ =	shalt  }
0x82: {  	_ =	shalt  }
0x83: {  	_ =	shalt  }
0x84: {  	_ =	shalt  }
0x85: {  	_ =	shalt  }
0x86: {  	_ =	shalt  }
0x87: {  	_ =	shalt  }
.Lfunc_end0:
.L_simem_size_0:
called_computation.1_lowered:
.L_overlay_start_0:
0x88: {  	s2 =	sld [smem:$0x3FD9]  }
0x89: {  	s3 =	sld [smem:$0x3FFE];
	_ =	sdelay $0x1  }
0x8a: {  	s1 =	srdreg.scid  }
0x8b: {  	s0 =	sand.u32 $0x1, s1  }
0x8c: {  	s17 =	sshll.u32 s0, $0xA;
	s2 =	sadd.s32 s3, s2  }
0x8d: {  	s2 =	sadd.s32 s2, s17  }
0x8e: {  	[smem:$0x3FBC] =	sst s2  }
0x8f: {  	_ = 	snop  }
0x90: {  	s2 =	sld [smem:$0x3FD0];
	(tm) =	ssettm $0x1  }
0x91: {  	s18 =	sld [smem:$0x3FFB];
	_ =	sdelay $0x3  }
0x92: {  	_ =	strace s18  }
0x93: {  	s3 =	sld [smem:$0x3FFC];
	_ =	sdelay $0x3  }
0x94: {  	_ =	strace s3  }
0x95: {  	s3 =	sld [smem:$0x3FFD];
	_ =	sdelay $0x3  }
0x96: {  	_ =	strace s3  }
0x97: {  	_ =	strace $0x8FFFFFFF  }
0x98: {  	s19 =	sld [smem:$0x3FDB];
	_ =	sdelay $0x1  }
0x99: {  	s4 =	simm.s32 $_scs_section_size  }
0x9a: {  	s5 =	simm.s32 $_size__tile_overlayer_lowered;
	s6 =	simm.s32 $_tile_overlayer_lowered  }
0x9b: {  	s22 =	simm.s32 $0x1BFF;
	s21 =	sshll.u32 s6, $0x1;
	s3 =	sadd.s32 s4, s19  }
0x9c: {  	s7 =	simm.s32 $0x0;
	s20 =	sshll.u32 s5, $0x1;
	s5 =	sadd.s32 s21, s3  }
0x9d: {  	[timem:s7], [sflag:s22] =	dma.local [hbm:s5], s20  }
0x9e: {  	_ =	swait.ge [sflag:s22], s20  }
0x9f: {  	s4 =	ssub.s32 $0x0, s20;
	[sflag:s22] =	ssyncset.done $0x0  }
0xa0: {  	[sflag:s22] =	ssyncadd.s32 s4;
	_ =	sdelay $0x1  }
0xa1: {  	s23 =	simm.s32 $0x1B8B  }
0xa2: {  	_ =	swait.ge [sflag:s23], $0x1  }
0xa3: {  	[sflag:s23] =	ssyncset.done $0x0  }
0xa4: {  	s25 =	simm.s32 $0x1B8E;
	s24 =	sld [smem:$0x3FFE];
	[sflag:s23] =	ssyncadd.s32 $0xFFFFFFFF  }
0xa5: {  	s26 =	simm.s32 $execute0_lowered;
	[smem:$0x3FD2] =	sst s25  }
0xa6: {  	s5 =	sshll.u32 s26, $0x1;
	_ =	strace $0x80000049;
	[dreg:$0x1] =	wrdreg $0xFFFFFFFF  }
0xa7: {  	s28 =	simm.s32 $_size_execute0_lowered;
	s3 =	sadd.s32 s3, s5;
	[dreg:$0x0] =	wrdreg $0x0  }
0xa8: {  	s5 =	sshll.u32 s28, $0x1;
	[dreg:$0x2] =	wrdreg s3  }
0xa9: {  	[dreg:$0x3] =	wrdreg s5  }
0xaa: {  	[dreg:$0x4] =	wrdreg $0xC0  }
0xab: {  	_ =	task [dreg:s7], $0x5FFFF  }
0xac: {  	[dreg:$0x1] =	wrdreg $0xFFFFFFFF  }
0xad: {  	[dreg:$0x0] =	wrdreg $0x60  }
0xae: {  	[dreg:$0x2] =	wrdreg s24  }
0xaf: {  	[dreg:$0x3] =	wrdreg s2  }
0xb0: {  	[dreg:$0x4] =	wrdreg $0x0  }
0xb1: {  	[dreg:$0x5] =	wrdreg $0x9  }
0xb2: {  	_ =	task.clear_ibuf [dreg:s7], $0x6FFFF;
	_ =	strace $0x90000049  }
0xb3: {  	s29 =	simm.s32 $0x9;
	_ =	strace $0x8000004B  }
0xb4: {  	_ =	swait.ge [sflag:s29], $0x1  }
0xb5: {  	[sflag:s29] =	ssyncadd.s32 $0xFFFFFFFF  }
0xb6: {  	_ =	strace $0x9000004B  }
0xb7: {  	_ =	sfence  }
0xb8: {  	s30 =	sld [smem:$0x0];
	_ =	sdelay $0x2  }
0xb9: {  	s31 =	sshll.u32 s1, $0xD;
	s1 =	sshrl.u32 s1, $0x2  }
0xba: {  	s3 =	sand.u32 $0x4000, s31;
	s1 =	sadd.s32 s1, s30  }
0xbb: {  	s0 =	sor.u32 s3, s0;
	s1 =	sshll.u32 s1, $0x11  }
0xbc: {  	s0 =	sor.u32 s1, s0  }
0xbd: {  	s0 =	sadd.s32 $0x8F2B, s0  }
0xbe: {  	[sflag:s0] =	ssyncadd.remote.s32 $0x1  }
0xbf: {  	_ =	sfence.sel $0xFFFF  }
0xc0: {  	[dreg:$0x0] =	wrdreg $0xFFFFFFFF;
	(pc) =	sbr.abs _section_cstart, $3  }
0xc1: {  	[dreg:$0x1] =	wrdreg $0xFFFFFFFF  }
0xc2: {  	_ =	task.clear_ibuf [dreg:s7], $0x2FFFF;
	_ =	strace $0x9FFFFFFF  }
0xc3: {  	(tm) =	ssettm $0x7FFFFFFF  }
tec
execute0_lowered:
.L_overlay_start_1:
0x0: {  	(tag) =	ssettag $0x1  }
0x1: {  	s0 =	rddreg [dreg:$0x0]  }
0x2: {  	s3 =	rddreg [dreg:$0x2];
	s6 =	stileid.u32  }
0x3: {  	s1 =	srdreg.scid;
	s17 =	simm.s32 $0x0;
	s23 =	simm.s32 $0x18880  }
0x4: {  	s25 =	simm.s32 $0x18900;
	s28 =	simm.s32 $0x1;
	s2 =	smul.u32 $0x18800, s6  }
0x5: {  	s29 =	simm.s32 $0x2;
	s30 =	simm.s32 $0x3;
	s7 =	smul.u32 $0x1880, s6  }
0x6: {  	s31 =	simm.s32 $0x3;
	s1 =	sand.u32 $0x1, s1;
	s9 =	smul.u32 $0x62000, s6  }
0x7: {  	[smem:$0x7FF] =	sst s17;
	s5 =	sadd.s32 $0x96E00, s0;
	s10 =	smul.u32 $0xC400, s6  }
0x8: {  	s19 =	sadd.s32 $0x4D600, s0;
	s13 =	sshll.u32 s6, $0x6;
	s15 =	smul.u32 $0x188, s6  }
0x9: {  	s4 =	smul.u32 $0x188000, s1;
	_ =	strace $0x8000004A;
	s8 =	ssub.s32 $0x2, s1  }
0xa: {  	s1 =	smul.u32 $0xC4000, s1;
	s20 =	sor.u32 $0x1C0F, s13;
	[dreg:$0x6] =	wrdreg s23  }
0xb: {  	s13 =	simm.s32 $0xF;
	[dreg:$0x7] =	wrdreg s25;
	s23 =	simm.s32 $0x1BF00  }
0xc: {  	s25 =	simm.s32 $0x1DF00;
	s7 =	sadd.s32 s7, s0;
	s12 =	sshrl.u32 s8, $0x1  }
0xd: {  	s9 =	sshrl.u32 s9, $0x2;
	[dreg:$0x4] =	wrdreg s15;
	s15 =	simm.s32 $0x18D80  }
0xe: {  	[dreg:$0x12] =	wrdreg s20;
	s4 =	sadd.s32 s2, s4;
	s2 =	sadd.s32 s2, s3  }
0xf: {  	s14 =	sadd.s32 s9, s3;
	s10 =	sadd.s32 s10, s1;
	s1 =	sor.u32 $0x380, s1  }
0x10: {  	s22 =	sadd.s32 $0x7E600, s7;
	s7 =	simm.s32 $0x18A00;
	[dreg:$0xf] =	wrdreg s15  }
0x11: {  	s9 =	simm.s32 $0x18B00;
	s15 =	simm.s32 $0xA;
	[dreg:$0x5] =	wrdreg s1  }
0x12: {  	s4 =	sshrl.u32 s4, $0x3;
	s11 =	sadd.s32 $0x6200, s14;
	[dreg:$0x16] =	wrdreg s22  }
0x13: {  	s16 =	sshrl.u32 s10, $0x3;
	s6 =	sshrl.u32 s2, $0x3;
	[dreg:$0x9] =	wrdreg s7  }
0x14: {  	s2 =	simm.s32 $0x18980;
	[dreg:$0xb] =	wrdreg s9;
	s10 =	simm.s32 $0x18C00  }
0x15: {  	s22 =	simm.s32 $0x1AF00;
	s1 =	simm.s32 $0x5;
	[dreg:$0x8] =	wrdreg s2  }
0x16: {  	s9 =	simm.s32 $0x7;
	s0 =	sadd.s32 s4, s0;
	[dreg:$0xc] =	wrdreg s10  }
0x17: {  	s4 =	ssub.s32 s8, s12;
	s18 =	sadd.s32 s19, s16;
	[dreg:$0x17] =	wrdreg s6  }
0x18: {  	s12 =	sadd.s32 $0xC400, s14;
	s24 =	sshrl.u32 s11, $0x3;
	[dreg:$0x13] =	wrdreg s18  }
0x19: {  	s8 =	sadd.s32 $0x12600, s14;
	s14 =	simm.s32 $0x18D00;
	[dreg:$0x18] =	wrdreg s24  }
0x1a: {  	s7 =	simm.s32 $0x0;
	s16 =	simm.s32 $0x18E00;
	[dreg:$0xe] =	wrdreg s14  }
0x1b: {  	s11 =	simm.s32 $0x18F00;
	s0 =	sadd.s32 $0xF8E00, s0;
	[dreg:$0x10] =	wrdreg s16  }
0x1c: {  	s10 =	simm.s32 $0x8;
	s21 =	smax.u32 s4, $0x1;
	[dreg:$0x14] =	wrdreg s0  }
0x1d: {  	s2 =	simm.s32 $0xC;
	s26 =	sshrl.u32 s12, $0x3;
	[dreg:$0x15] =	wrdreg s21  }
0x1e: {  	s4 =	sshrl.u32 s8, $0x3;
	s8 =	simm.s32 $0x18A80;
	[dreg:$0x19] =	wrdreg s26  }
0x1f: {  	s18 =	simm.s32 $0x80;
	s12 =	simm.s32 $0x18C80;
	[dreg:$0x1a] =	wrdreg s4  }
0x20: {  	s24 =	simm.s32 $0x1CF00;
	s14 =	simm.s32 $0x9;
	[dreg:$0xa] =	wrdreg s8  }
0x21: {  	s16 =	simm.s32 $0xB;
	s21 =	simm.s32 $0x19F00;
	[dreg:$0xd] =	wrdreg s12  }
0x22: {  	s26 =	simm.s32 $0x18E80;
	s0 =	simm.s32 $0x4;
	s8 =	simm.s32 $0x6  }
0x23: {  	s12 =	simm.s32 $0xD;
	[dreg:$0x11] =	wrdreg s26;
	s26 =	simm.s32 $0x1EF00  }
.LBB2_1:
0x24: {  	[dreg:$0x1b] =	wrdreg s7  }
0x25: {  	s4 =	rddreg [dreg:$0x1]  }
0x26: {  	[spmem:s6], [sflag:s20] =	dma.local [hbm:s4], $0xC40  }
0x27: {  	_ =	swait.ge [sflag:s13], $0xC40  }
0x28: {  	[sflag:s13] =	ssyncset.done $0x0  }
0x29: {  	s7 =	rddreg [dreg:$0x18];
	[sflag:s13] =	ssyncadd.s32 $0xFFFFF3C0  }
0x2a: {  	[spmem:s7], [sflag:s20] =	dma.local [hbm:s4], $0xC40  }
0x2b: {  	_ =	swait.ge [sflag:s13], $0xC40  }
0x2c: {  	[sflag:s13] =	ssyncset.done $0x0  }
0x2d: {  	s7 =	rddreg [dreg:$0x19];
	[sflag:s13] =	ssyncadd.s32 $0xFFFFF3C0  }
0x2e: {  	[spmem:s7], [sflag:s20] =	dma.local [hbm:s4], $0xC40  }
0x2f: {  	_ =	swait.ge [sflag:s13], $0xC40  }
0x30: {  	[sflag:s13] =	ssyncset.done $0x0  }
0x31: {  	s7 =	rddreg [dreg:$0x1a];
	[sflag:s13] =	ssyncadd.s32 $0xFFFFF3C0  }
0x32: {  	[spmem:s7], [sflag:s20] =	dma.local [hbm:s4], $0xC40  }
0x33: {  	_ =	swait.ge [sflag:s13], $0xC40  }
0x34: {  	[sflag:s13] =	ssyncset.done $0x0  }
0x35: {  	[sflag:s13] =	ssyncadd.s32 $0xFFFFF3C0  }
0x36: {  	[bflag:$0x0] =	sbarrier.arrive $0xFFFF  }
0x37: {  	s20 =	simm.s32 $0x18800;
	s6 =	rddreg [dreg:$0x13]  }
0x38: {  	[tilespmem:s20], [sflag:$0xF] =	stream.linear.gather [hbm4b:s6+s17], $0x380, $0x38;
	[tilespmem:$0x1FF00] =	vst v63  }
0x39: {  	_ =	swait.ge [sflag:s13], $0x380  }
0x3a: {  	[sflag:s13] =	ssyncset.done $0x0  }
0x3b: {  	[sflag:s13] =	ssyncadd.s32 $0xFFFFFC80  }
0x3c: {  	[tilespmem:s11], [sflag:$0x1] =	stream.indirect.gather [hbm4b:s5+s18], $0x20, s20, s18, $0xb8;
	[tilespmem:$0x1FF00] =	vst v63  }
0x3d: {  	s7 =	rddreg [dreg:$0x6]  }
0x3e: {  	[tilespmem:s21], [sflag:$0x2] =	stream.indirect.gather [hbm4b:s5+s18], $0x20, s7, s18, $0xb8;
	[tilespmem:$0x1FF00] =	vst v63  }
0x3f: {  	s6 =	rddreg [dreg:$0x7]  }
0x40: {  	[tilespmem:s22], [sflag:$0x3] =	stream.indirect.gather [hbm4b:s5+s18], $0x20, s6, s18, $0xb8;
	[tilespmem:$0x1FF00] =	vst v63  }
0x41: {  	s4 =	rddreg [dreg:$0x8]  }
0x42: {  	[tilespmem:s23], [sflag:$0x4] =	stream.indirect.gather [hbm4b:s5+s18], $0x20, s4, s18, $0xb8;
	[tilespmem:$0x1FF00] =	vst v63  }
0x43: {  	s6 =	rddreg [dreg:$0x9]  }
0x44: {  	[tilespmem:s24], [sflag:$0x5] =	stream.indirect.gather [hbm4b:s5+s18], $0x20, s6, s18, $0xb8;
	[tilespmem:$0x1FF00] =	vst v63  }
0x45: {  	s4 =	rddreg [dreg:$0xa]  }
0x46: {  	[tilespmem:s25], [sflag:$0x6] =	stream.indirect.gather [hbm4b:s5+s18], $0x20, s4, s18, $0xb8;
	[tilespmem:$0x1FF00] =	vst v63  }
0x47: {  	s6 =	rddreg [dreg:$0xb]  }
0x48: {  	[tilespmem:s26], [sflag:$0x7] =	stream.indirect.gather [hbm4b:s5+s18], $0x20, s6, s18, $0xb8;
	[tilespmem:$0x1FF00] =	vst v63  }
0x49: {  	s6 =	rddreg [dreg:$0x16];
	s26 =	simm.s32 $0x18B80  }
0x4a: {  	[tilespmem:s26], [sflag:$0xF] =	stream.linear.gather [hbm4b:s6+s17], $0x380, $0x38;
	[tilespmem:$0x1FF00] =	vst v63  }
0x4b: {  	s4 =	rddreg [dreg:$0x4];
	_ =	swait.ge [sflag:s13], $0x380  }
0x4c: {  	[sflag:s13] =	ssyncset.done $0x0  }
0x4d: {  	[sflag:s13] =	ssyncadd.s32 $0xFFFFFC80  }
0x4e: {  	_ =	swait.ge [sflag:s28], $0x1000  }
0x4f: {  	[sflag:s28] =	ssyncset.done $0x0  }
0x50: {  	[sflag:s28] =	ssyncadd.s32 $0xFFFFF000  }
0x51: {  	[spmem:s3] =	stream.indirect.scatter.add.f32 [tilespmem:s11], [sflag:$0x8], $0x20, s26, s18, $0xb8;
	[tilespmem:$0x1FF00] =	vst v63  }
0x52: {  	_ =	swait.ge [sflag:s29], $0x1000  }
0x53: {  	[sflag:s29] =	ssyncset.done $0x0  }
0x54: {  	s11 =	rddreg [dreg:$0xc];
	[sflag:s29] =	ssyncadd.s32 $0xFFFFF000  }
0x55: {  	[spmem:s3] =	stream.indirect.scatter.add.f32 [tilespmem:s21], [sflag:$0x9], $0x20, s11, s18, $0xb8;
	[tilespmem:$0x1FF00] =	vst v63  }
0x56: {  	_ =	swait.ge [sflag:s30], $0x1000  }
0x57: {  	[sflag:s30] =	ssyncset.done $0x0  }
0x58: {  	s21 =	rddreg [dreg:$0xd];
	[sflag:s30] =	ssyncadd.s32 $0xFFFFF000  }
0x59: {  	[spmem:s3] =	stream.indirect.scatter.add.f32 [tilespmem:s22], [sflag:$0xA], $0x20, s21, s18, $0xb8;
	[tilespmem:$0x1FF00] =	vst v63  }
0x5a: {  	_ =	swait.ge [sflag:s0], $0x1000  }
0x5b: {  	[sflag:s0] =	ssyncset.done $0x0  }
0x5c: {  	s22 =	rddreg [dreg:$0xe];
	[sflag:s0] =	ssyncadd.s32 $0xFFFFF000  }
0x5d: {  	[spmem:s3] =	stream.indirect.scatter.add.f32 [tilespmem:s23], [sflag:$0xB], $0x20, s22, s18, $0xb8;
	[tilespmem:$0x1FF00] =	vst v63  }
0x5e: {  	_ =	swait.ge [sflag:s1], $0x1000  }
0x5f: {  	[sflag:s1] =	ssyncset.done $0x0  }
0x60: {  	s23 =	rddreg [dreg:$0xf];
	[sflag:s1] =	ssyncadd.s32 $0xFFFFF000  }
0x61: {  	[spmem:s3] =	stream.indirect.scatter.add.f32 [tilespmem:s24], [sflag:$0xC], $0x20, s23, s18, $0xb8;
	[tilespmem:$0x1FF00] =	vst v63  }
0x62: {  	_ =	swait.ge [sflag:s8], $0x1000  }
0x63: {  	s4 =	sadd.s32 $0x0, s4;
	[sflag:s8] =	ssyncset.done $0x0  }
0x64: {  	p0 =	slt.s32 s4, $0x1872;
	s24 =	rddreg [dreg:$0x10];
	[sflag:s8] =	ssyncadd.s32 $0xFFFFF000  }
0x65: {  	[spmem:s3] =	stream.indirect.scatter.add.f32 [tilespmem:s25], [sflag:$0xD], $0x20, s24, s18, $0xb8;
	[tilespmem:$0x1FF00] =	vst v63  }
0x66: {  	s4 =	simm.s32 @!p0 $0x1872;
	_ =	swait.ge [sflag:s9], $0x1000  }
0x67: {  	s4 =	sshll.u32 s4, $0x7;
	s25 =	rddreg [dreg:$0x5]  }
0x68: {  	s26 =	simm.s32 $0x1EF00;
	[sflag:s9] =	ssyncset.done $0x0;
	s4 =	sadd.s32 s4, s25  }
0x69: {  	s28 =	rddreg [dreg:$0x11];
	[sflag:s9] =	ssyncadd.s32 $0xFFFFF000;
	s4 =	sshrl.u32 s4, $0x3  }
0x6a: {  	[spmem:s3] =	stream.indirect.scatter.add.f32 [tilespmem:s26], [sflag:$0xE], $0x20, s28, s18, $0xb8;
	[tilespmem:$0x1FF00] =	vst v63  }
0x6b: {  	s4 =	sadd.s32 s19, s4  }
0x6c: {  	[tilespmem:s20], [sflag:$0xF] =	stream.linear.gather [hbm4b:s4+s17], $0x380, $0x38;
	[tilespmem:$0x1FF00] =	vst v63  }
0x6d: {  	_ =	swait.ge [sflag:s13], $0x380  }
0x6e: {  	[sflag:s13] =	ssyncset.done $0x0  }
0x6f: {  	[sflag:s13] =	ssyncadd.s32 $0xFFFFFC80  }
0x70: {  	_ =	swait.ge [sflag:s10], $0x1000  }
0x71: {  	[sflag:s10] =	ssyncset.done $0x0  }
0x72: {  	[sflag:s10] =	ssyncadd.s32 $0xFFFFF000  }
0x73: {  	_ =	swait.ge [sflag:s14], $0x1000  }
0x74: {  	[sflag:s14] =	ssyncset.done $0x0  }
0x75: {  	[sflag:s14] =	ssyncadd.s32 $0xFFFFF000  }
0x76: {  	_ =	swait.ge [sflag:s15], $0x1000  }
0x77: {  	[sflag:s15] =	ssyncset.done $0x0  }
0x78: {  	[sflag:s15] =	ssyncadd.s32 $0xFFFFF000  }
0x79: {  	_ =	swait.ge [sflag:s16], $0x1000  }
0x7a: {  	[sflag:s16] =	ssyncset.done $0x0  }
0x7b: {  	s7 =	simm.s32 $0x7;
	s29 =	simm.s32 $0x1;
	[sflag:s16] =	ssyncadd.s32 $0xFFFFF000  }
0x7c: {  	s11 =	smov.u32 s6;
	s30 =	simm.s32 $0x2;
	_ =	swait.ge [sflag:s2], $0x1000  }
0x7d: {  	s0 =	simm.s32 $0xE;
	s1 =	simm.s32 $0x5;
	[sflag:s2] =	ssyncset.done $0x0  }
0x7e: {  	s8 =	simm.s32 $0x6;
	s9 =	simm.s32 $0x7;
	[sflag:s2] =	ssyncadd.s32 $0xFFFFF000  }
0x7f: {  	s10 =	simm.s32 $0x8;
	s14 =	simm.s32 $0x9;
	_ =	swait.ge [sflag:s12], $0x1000  }
0x80: {  	s15 =	simm.s32 $0xA;
	s16 =	simm.s32 $0xB;
	[sflag:s12] =	ssyncset.done $0x0  }
0x81: {  	s2 =	simm.s32 $0xC;
	[sflag:s12] =	ssyncadd.s32 $0xFFFFF000;
	s12 =	simm.s32 $0xD  }
.LBB2_2:
0x82: {  	_ =	swait.ge [sflag:s0], $0x1000  }
0x83: {  	[sflag:s0] =	ssyncset.done $0x0  }
0x84: {  	s23 =	simm.s32 $0x18F00;
	[sflag:s0] =	ssyncadd.s32 $0xFFFFF000  }
0x85: {  	[tilespmem:s23], [sflag:$0x1] =	stream.indirect.gather [hbm4b:s5+s18], $0x20, s20, s18, $0xb8;
	[tilespmem:$0x1FF00] =	vst v63  }
0x86: {  	s24 =	simm.s32 $0x19F00;
	s6 =	rddreg [dreg:$0x6]  }
0x87: {  	[tilespmem:s24], [sflag:$0x2] =	stream.indirect.gather [hbm4b:s5+s18], $0x20, s6, s18, $0xb8;
	[tilespmem:$0x1FF00] =	vst v63  }
0x88: {  	s25 =	simm.s32 $0x1AF00;
	s17 =	rddreg [dreg:$0x7]  }
0x89: {  	[tilespmem:s25], [sflag:$0x3] =	stream.indirect.gather [hbm4b:s5+s18], $0x20, s17, s18, $0xb8;
	[tilespmem:$0x1FF00] =	vst v63  }
0x8a: {  	s26 =	simm.s32 $0x1BF00;
	s28 =	rddreg [dreg:$0x8]  }
0x8b: {  	[tilespmem:s26], [sflag:$0x4] =	stream.indirect.gather [hbm4b:s5+s18], $0x20, s28, s18, $0xb8;
	[tilespmem:$0x1FF00] =	vst v63  }
0x8c: {  	s22 =	simm.s32 $0x1CF00;
	s21 =	rddreg [dreg:$0x9]  }
0x8d: {  	[tilespmem:s22], [sflag:$0x5] =	stream.indirect.gather [hbm4b:s5+s18], $0x20, s21, s18, $0xb8;
	[tilespmem:$0x1FF00] =	vst v63  }
0x8e: {  	s28 =	rddreg [dreg:$0xa];
	s21 =	simm.s32 $0x1DF00  }
0x8f: {  	[tilespmem:s21], [sflag:$0x6] =	stream.indirect.gather [hbm4b:s5+s18], $0x20, s28, s18, $0xb8;
	[tilespmem:$0x1FF00] =	vst v63  }
0x90: {  	s17 =	rddreg [dreg:$0xb];
	s28 =	simm.s32 $0x1EF00  }
0x91: {  	[tilespmem:s28], [sflag:$0x7] =	stream.indirect.gather [hbm4b:s5+s18], $0x20, s17, s18, $0xb8;
	[tilespmem:$0x1FF00] =	vst v63  }
0x92: {  	s11 =	sadd.s32 $0x70, s11;
	s20 =	simm.s32 $0x0;
	s17 =	simm.s32 $0x18B80  }
0x93: {  	[tilespmem:s17], [sflag:$0xF] =	stream.linear.gather [hbm4b:s11+s20], $0x380, $0x38;
	[tilespmem:$0x1FF00] =	vst v63  }
0x94: {  	s6 =	rddreg [dreg:$0x4];
	_ =	swait.ge [sflag:s13], $0x380  }
0x95: {  	[sflag:s13] =	ssyncset.done $0x0  }
0x96: {  	[sflag:s13] =	ssyncadd.s32 $0xFFFFFC80  }
0x97: {  	_ =	swait.ge [sflag:s29], $0x1000  }
0x98: {  	[sflag:s29] =	ssyncset.done $0x0  }
0x99: {  	[sflag:s29] =	ssyncadd.s32 $0xFFFFF000  }
0x9a: {  	[spmem:s3] =	stream.indirect.scatter.add.f32 [tilespmem:s23], [sflag:$0x8], $0x20, s17, s18, $0xb8;
	[tilespmem:$0x1FF00] =	vst v63  }
0x9b: {  	_ =	swait.ge [sflag:s30], $0x1000  }
0x9c: {  	[sflag:s30] =	ssyncset.done $0x0  }
0x9d: {  	s17 =	rddreg [dreg:$0xc];
	[sflag:s30] =	ssyncadd.s32 $0xFFFFF000  }
0x9e: {  	[spmem:s3] =	stream.indirect.scatter.add.f32 [tilespmem:s24], [sflag:$0x9], $0x20, s17, s18, $0xb8;
	[tilespmem:$0x1FF00] =	vst v63  }
0x9f: {  	_ =	swait.ge [sflag:s31], $0x1000  }
0xa0: {  	[sflag:s31] =	ssyncset.done $0x0  }
0xa1: {  	s24 =	simm.s32 $0x4;
	s23 =	rddreg [dreg:$0xd];
	[sflag:s31] =	ssyncadd.s32 $0xFFFFF000  }
0xa2: {  	[spmem:s3] =	stream.indirect.scatter.add.f32 [tilespmem:s25], [sflag:$0xA], $0x20, s23, s18, $0xb8;
	[tilespmem:$0x1FF00] =	vst v63  }
0xa3: {  	_ =	swait.ge [sflag:s24], $0x1000  }
0xa4: {  	[sflag:s24] =	ssyncset.done $0x0  }
0xa5: {  	s25 =	rddreg [dreg:$0xe];
	[sflag:s24] =	ssyncadd.s32 $0xFFFFF000  }
0xa6: {  	[spmem:s3] =	stream.indirect.scatter.add.f32 [tilespmem:s26], [sflag:$0xB], $0x20, s25, s18, $0xb8;
	[tilespmem:$0x1FF00] =	vst v63  }
0xa7: {  	_ =	swait.ge [sflag:s1], $0x1000  }
0xa8: {  	[sflag:s1] =	ssyncset.done $0x0  }
0xa9: {  	s23 =	rddreg [dreg:$0xf];
	[sflag:s1] =	ssyncadd.s32 $0xFFFFF000  }
0xaa: {  	[spmem:s3] =	stream.indirect.scatter.add.f32 [tilespmem:s22], [sflag:$0xC], $0x20, s23, s18, $0xb8;
	[tilespmem:$0x1FF00] =	vst v63  }
0xab: {  	s4 =	smov.u32 s7;
	_ =	swait.ge [sflag:s8], $0x1000  }
0xac: {  	s4 =	sadd.s32 s4, s6;
	[sflag:s8] =	ssyncset.done $0x0  }
0xad: {  	p1 =	slt.s32 s4, $0x1872;
	s24 =	rddreg [dreg:$0x10];
	[sflag:s8] =	ssyncadd.s32 $0xFFFFF000  }
0xae: {  	[spmem:s3] =	stream.indirect.scatter.add.f32 [tilespmem:s21], [sflag:$0xD], $0x20, s24, s18, $0xb8;
	[tilespmem:$0x1FF00] =	vst v63  }
0xaf: {  	s4 =	simm.s32 @!p1 $0x1872;
	_ =	swait.ge [sflag:s9], $0x1000  }
0xb0: {  	s4 =	sshll.u32 s4, $0x7;
	s25 =	rddreg [dreg:$0x5]  }
0xb1: {  	[sflag:s9] =	ssyncset.done $0x0;
	s4 =	sadd.s32 s4, s25  }
0xb2: {  	s26 =	rddreg [dreg:$0x11];
	[sflag:s9] =	ssyncadd.s32 $0xFFFFF000;
	s4 =	sshrl.u32 s4, $0x3  }
0xb3: {  	[spmem:s3] =	stream.indirect.scatter.add.f32 [tilespmem:s28], [sflag:$0xE], $0x20, s26, s18, $0xb8;
	[tilespmem:$0x1FF00] =	vst v63  }
0xb4: {  	s20 =	simm.s32 $0x18800;
	s17 =	simm.s32 $0x0;
	s4 =	sadd.s32 s19, s4  }
0xb5: {  	[tilespmem:s20], [sflag:$0xF] =	stream.linear.gather [hbm4b:s4+s17], $0x380, $0x38;
	[tilespmem:$0x1FF00] =	vst v63  }
0xb6: {  	_ =	swait.ge [sflag:s13], $0x380  }
0xb7: {  	[sflag:s13] =	ssyncset.done $0x0  }
0xb8: {  	[sflag:s13] =	ssyncadd.s32 $0xFFFFFC80  }
0xb9: {  	_ =	swait.ge [sflag:s10], $0x1000  }
0xba: {  	[sflag:s10] =	ssyncset.done $0x0  }
0xbb: {  	[sflag:s10] =	ssyncadd.s32 $0xFFFFF000  }
0xbc: {  	_ =	swait.ge [sflag:s14], $0x1000  }
0xbd: {  	[sflag:s14] =	ssyncset.done $0x0  }
0xbe: {  	[sflag:s14] =	ssyncadd.s32 $0xFFFFF000  }
0xbf: {  	_ =	swait.ge [sflag:s15], $0x1000  }
0xc0: {  	[sflag:s15] =	ssyncset.done $0x0  }
0xc1: {  	[sflag:s15] =	ssyncadd.s32 $0xFFFFF000  }
0xc2: {  	_ =	swait.ge [sflag:s16], $0x1000  }
0xc3: {  	[sflag:s16] =	ssyncset.done $0x0  }
0xc4: {  	[sflag:s16] =	ssyncadd.s32 $0xFFFFF000  }
0xc5: {  	p0 =	sne.s32 s7, $0x181;
	_ =	swait.ge [sflag:s2], $0x1000  }
.Ltmp0:
0xc6: {  	[sflag:s2] =	ssyncset.done $0x0;
	(pc) =	sbr.rel @p0 .LBB2_2-.Ltmp0, $4  }
0xc7: {  	[sflag:s2] =	ssyncadd.s32 $0xFFFFF000  }
0xc8: {  	_ =	swait.ge [sflag:s12], $0x1000  }
0xc9: {  	[sflag:s12] =	ssyncset.done $0x0  }
0xca: {  	s7 =	sadd.s32 $0x7, s7;
	[sflag:s12] =	ssyncadd.s32 $0xFFFFF000  }
0xcb: {  	_ =	swait.ge [sflag:s0], $0x1000  }
0xcc: {  	[sflag:s0] =	ssyncset.done $0x0  }
0xcd: {  	[sflag:s0] =	ssyncadd.s32 $0xFFFFF000  }
0xce: {  	[bflag:$0x0] =	sbarrier.arrive $0xFFFF  }
0xcf: {  	s20 =	rddreg [dreg:$0x12]  }
0xd0: {  	s4 =	rddreg [dreg:$0x14]  }
0xd1: {  	s11 =	simm.s32 $0x18F00;
	s6 =	rddreg [dreg:$0x17]  }
0xd2: {  	[hbm:s4], [sflag:s20] =	dma.local [spmem:s6], $0x3100  }
0xd3: {  	s21 =	simm.s32 $0x19F00;
	s22 =	simm.s32 $0x1AF00;
	_ =	swait.ge [sflag:s13], $0x3100  }
0xd4: {  	s23 =	simm.s32 $0x1BF00;
	s24 =	simm.s32 $0x1CF00;
	s7 =	rddreg [dreg:$0x1b]  }
0xd5: {  	s25 =	simm.s32 $0x1DF00;
	s26 =	rddreg [dreg:$0x15];
	s7 =	sadd.s32 $0x1, s7  }
0xd6: {  	s28 =	simm.s32 $0x1;
	s29 =	simm.s32 $0x2;
	p0 =	sne.s32 s7, s26  }
.Ltmp1:
0xd7: {  	s30 =	simm.s32 $0x3;
	s1 =	simm.s32 $0x5;
	(pc) =	sbr.rel @p0 .LBB2_1-.Ltmp1, $4  }
0xd8: {  	s8 =	simm.s32 $0x6;
	s9 =	simm.s32 $0x7;
	s10 =	simm.s32 $0x8  }
0xd9: {  	s14 =	simm.s32 $0x9;
	s15 =	simm.s32 $0xA;
	s16 =	simm.s32 $0xB  }
0xda: {  	s2 =	simm.s32 $0xC;
	s12 =	simm.s32 $0xD;
	[sflag:s13] =	ssyncset.done $0x0  }
0xdb: {  	s0 =	simm.s32 $0x4;
	[sflag:s13] =	ssyncadd.s32 $0xFFFFCF00;
	s26 =	simm.s32 $0x1EF00  }
0xdc: {  	_ =	sfence.sel $0x180000  }
0xdd: {  	[bflag:$0x0] =	sbarrier.arrive $0xFFFF  }
0xde: {  	_ =	strace $0x9000004A  }
0xdf: {  	s0 =	stileid.u32;
	[bflag:$0x2] =	sbarrier.arrive $0xFFFF  }
0xe0: {  	p0 =	sne.s32 s0, $0x0;
	s0 =	rddreg [dreg:$0x3]  }
0xe1: {  	s0 =	sadd.s32 @!p0 $0x100000, s0  }
0xe2: {  	[sflag:s0] =	ssyncadd.tile.s32 @!p0 $0x1;
	_ =	shalt  }
.Lfunc_end2:
_tile_overlayer_lowered:
.L_overlay_start_2:
0xe3: {  	(tag) =	ssettag $0x2  }
0xe4: {  	s0 =	rddreg [dreg:$0x0];
	s2 =	stileid.u32  }
0xe5: {  	s1 =	rddreg [dreg:$0x1];
	p0 =	sne.s32 s2, $0x0  }
0xe6: {  	s3 =	rddreg [dreg:$0x2];
	[bflag:$0x3] =	sbarrier.arrive $0xFFFF;
	s2 =	simm.s32 @!p0 $0x1C0F  }
0xe7: {  	[timem:s3], [sflag:s2] =	dma.local @!p0 [hbm:s0], s1  }
0xe8: {  	s0 =	simm.s32 @!p0 $0xF  }
0xe9: {  	_ =	swait.ge @!p0 [sflag:s0], s1  }
0xea: {  	s1 =	ssub.s32 @!p0 $0x0, s1;
	[sflag:s0] =	ssyncset.done @!p0 $0x0  }
0xeb: {  	[sflag:s0] =	ssyncadd.s32 @!p0 s1  }
0xec: {  	[bflag:$0x3] =	sbarrier.arrive $0xFFFF  }
0xed: {  	_ =	shalt  }

// kernel: kernel.19.cloned.1.call-start
scs
__scs_entry_jumppad:
0x0: {  	(pc) =	sbr.rel $0x88, $3  }
0x1: {  	(tag) =	ssettag $0x0;
	lr =	simm.s32 $0x1  }
0x2: {  	[smem:$0x3F95] =	sst lr;
	_ =	strace $0xD0000000  }
0x3: {  	_ = 	snop  }
0x4: {  	_ = 	snop  }
0x5: {  	_ = 	snop  }
0x6: {  	_ = 	snop  }
0x7: {  	_ = 	snop  }
__scs_overlays_trampoline_lowered:
0x8: {  	[smem:$0x3FA4] =	sst s0  }
0x9: {  	[smem:$0x3FA5] =	sst s1  }
0xa: {  	[smem:$0x3FA6] =	sst s2  }
0xb: {  	[smem:$0x3FA7] =	sst s3  }
0xc: {  	[smem:$0x3FA8] =	sst s4  }
0xd: {  	[smem:$0x3FA9] =	sst s5  }
0xe: {  	[smem:$0x3FAA] =	sst s6  }
0xf: {  	[smem:$0x3FAB] =	sst s7  }
0x10: {  	[smem:$0x3FAC] =	sst s8  }
0x11: {  	[smem:$0x3FAD] =	sst s9;
	s0 =	simm.s32 @!p0 $0x0  }
0x12: {  	s1 =	sld [smem:$0x3F93];
	s0 =	simm.s32 @p0 $0x1  }
0x13: {  	[smem:$0x3FAE] =	sst s0;
	s0 =	simm.s32 @!p1 $0x0  }
0x14: {  	s2 =	sld [smem:$0x3F92];
	s0 =	simm.s32 @p1 $0x1  }
0x15: {  	[smem:$0x3FAF] =	sst s0;
	s0 =	simm.s32 @!p2 $0x0  }
0x16: {  	s3 =	sld [smem:$0x3FDB];
	s0 =	simm.s32 @p2 $0x1  }
0x17: {  	s4 =	simm.s32 $0x1BF5;
	[smem:$0x3FB1] =	sst s0  }
0x18: {  	s0 =	sld [smem:$0x3F94];
	_ =	swait.ge [sflag:s4], $0x0  }
0x19: {  	s7 =	sld [smem:$0x3F95]  }
0x1a: {  	s8 =	sadd.s32 $0xFFFFE003, lr  }
0x1b: {  	s9 =	sadd.s32 $0xFFFFFEF7, lr;
	s5 =	simm.s32 $0xFFFFFFFF;
	p2 =	slt.u32 s8, $0xFFFFF086  }
0x1c: {  	p1 =	slt.u32 s9, $0xF7A;
	s5 =	simm.s32 @!p2 $0x0  }
0x1d: {  	s5 =	simm.s32 @p1 $0x1;
	p0 =	seq.s32 s7, s2  }
0x1e: {  	s7 =	smul.u32 @!p0 $0xF7A, s2;
	p2 =	seq.s32 @!p0 s5, $0x0  }
0x1f: {  	s9 =	smul.u32 $0xF7A, s1;
	s8 =	simm.s32 @!p0 $0x1BF5;
	p2 =	por !p2, p0  }
0x20: {  	[sflag:s8] =	ssyncset.s32 @!p0 $0xFFFFF086;
	s6 =	sadd.s32 @!p0 s3, s7;
	s7 =	simm.s32 @!p0 $0x108  }
0x21: {  	s3 =	sadd.s32 s3, s9;
	s6 =	sadd.s32 @!p0 $0x88, s6;
	s7 =	simm.s32 @p2 $0x1082  }
0x22: {  	[simem:s7], [sflag:s8] =	dma.local @!p0 [hbm:s6], $0xF7A  }
0x23: {  	s9 =	sor.u32 $0xD0000000, s2;
	s6 =	simm.s32 $0x108;
	_ =	swait.ge @!p0 [sflag:s8], $0x0  }
0x24: {  	s3 =	sadd.s32 $0x88, s3;
	s6 =	simm.s32 @!p1 $0x1082;
	[sflag:s4] =	ssyncset.s32 $0xFFFFF086  }
0x25: {  	[simem:s6], [sflag:s4] =	dma.local [hbm:s3], $0xF7A  }
0x26: {  	[smem:$0x3F95] =	sst s1;
	(tag) =	ssettag s2;
	_ =	strace s9  }
0x27: {  	s1 =	sld [smem:$0x3FA5]  }
0x28: {  	s2 =	sld [smem:$0x3FA6]  }
0x29: {  	s4 =	sld [smem:$0x3FA8]  }
0x2a: {  	p0 =	seq.s32 s5, $0x0;
	s5 =	sld [smem:$0x3FA9]  }
0x2b: {  	s6 =	sld [smem:$0x3FAA]  }
0x2c: {  	s7 =	sld [smem:$0x3FAB]  }
0x2d: {  	s3 =	simm.s32 $0x108;
	s8 =	sld [smem:$0x3FAC]  }
0x2e: {  	s3 =	simm.s32 @!p0 $0x1082;
	s9 =	sld [smem:$0x3FAD]  }
0x2f: {  	lr =	sadd.s32 s0, s3;
	s0 =	sld [smem:$0x3FA4]  }
0x30: {  	s3 =	sld [smem:$0x3FA7]  }
0x31: {  	[smem:$0x3FB0] =	sst s10  }
0x32: {  	s10 =	sld [smem:$0x3FAE];
	_ =	sdelay $0x3  }
0x33: {  	p0 =	seq.s32 s10, $0x1;
	s10 =	sld [smem:$0x3FB0];
	_ =	sdelay $0x3  }
0x34: {  	[smem:$0x3FB0] =	sst s10  }
0x35: {  	s10 =	sld [smem:$0x3FAF];
	_ =	sdelay $0x3  }
0x36: {  	p1 =	seq.s32 s10, $0x1;
	s10 =	sld [smem:$0x3FB0];
	_ =	sdelay $0x3  }
0x37: {  	[smem:$0x3FB0] =	sst s10  }
0x38: {  	s10 =	sld [smem:$0x3FB1]  }
0x39: {  	_ = 	snop;
	(pc) =	sbr.ind lr, $3  }
0x3a: {  	_ = 	snop  }
0x3b: {  	_ = 	snop  }
0x3c: {  	p2 =	seq.s32 s10, $0x1;
	s10 =	sld [smem:$0x3FB0]  }
0x3d: {  	_ =	shalt  }
0x3e: {  	_ =	shalt  }
0x3f: {  	_ =	shalt  }
0x40: {  	_ =	shalt  }
0x41: {  	_ =	shalt  }
0x42: {  	_ =	shalt  }
0x43: {  	_ =	shalt  }
0x44: {  	_ =	shalt  }
0x45: {  	_ =	shalt  }
0x46: {  	_ =	shalt  }
0x47: {  	_ =	shalt  }
0x48: {  	_ =	shalt  }
0x49: {  	_ =	shalt  }
0x4a: {  	_ =	shalt  }
0x4b: {  	_ =	shalt  }
0x4c: {  	_ =	shalt  }
0x4d: {  	_ =	shalt  }
0x4e: {  	_ =	shalt  }
0x4f: {  	_ =	shalt  }
0x50: {  	_ =	shalt  }
0x51: {  	_ =	shalt  }
0x52: {  	_ =	shalt  }
0x53: {  	_ =	shalt  }
0x54: {  	_ =	shalt  }
0x55: {  	_ =	shalt  }
0x56: {  	_ =	shalt  }
0x57: {  	_ =	shalt  }
0x58: {  	_ =	shalt  }
0x59: {  	_ =	shalt  }
0x5a: {  	_ =	shalt  }
0x5b: {  	_ =	shalt  }
0x5c: {  	_ =	shalt  }
0x5d: {  	_ =	shalt  }
0x5e: {  	_ =	shalt  }
0x5f: {  	_ =	shalt  }
0x60: {  	_ =	shalt  }
0x61: {  	_ =	shalt  }
0x62: {  	_ =	shalt  }
0x63: {  	_ =	shalt  }
0x64: {  	_ =	shalt  }
0x65: {  	_ =	shalt  }
0x66: {  	_ =	shalt  }
0x67: {  	_ =	shalt  }
0x68: {  	_ =	shalt  }
0x69: {  	_ =	shalt  }
0x6a: {  	_ =	shalt  }
0x6b: {  	_ =	shalt  }
0x6c: {  	_ =	shalt  }
0x6d: {  	_ =	shalt  }
0x6e: {  	_ =	shalt  }
0x6f: {  	_ =	shalt  }
0x70: {  	_ =	shalt  }
0x71: {  	_ =	shalt  }
0x72: {  	_ =	shalt  }
0x73: {  	_ =	shalt  }
0x74: {  	_ =	shalt  }
0x75: {  	_ =	shalt  }
0x76: {  	_ =	shalt  }
0x77: {  	_ =	shalt  }
0x78: {  	_ =	shalt  }
0x79: {  	_ =	shalt  }
0x7a: {  	_ =	shalt  }
0x7b: {  	_ =	shalt  }
0x7c: {  	_ =	shalt  }
0x7d: {  	_ =	shalt  }
0x7e: {  	_ =	shalt  }
0x7f: {  	_ =	shalt  }
0x80: {  	_ =	shalt  }
0x81: {  	_ =	shalt  }
0x82: {  	_ =	shalt  }
0x83: {  	_ =	shalt  }
0x84: {  	_ =	shalt  }
0x85: {  	_ =	shalt  }
0x86: {  	_ =	shalt  }
0x87: {  	_ =	shalt  }
.Lfunc_end0:
.L_simem_size_0:
called_computation.2_lowered:
.L_overlay_start_0:
0x88: {  	s2 =	sld [smem:$0x3FD9]  }
0x89: {  	s3 =	sld [smem:$0x3FFE];
	_ =	sdelay $0x1  }
0x8a: {  	s1 =	srdreg.scid  }
0x8b: {  	s0 =	sand.u32 $0x1, s1  }
0x8c: {  	s17 =	sshll.u32 s0, $0xA;
	s2 =	sadd.s32 s3, s2  }
0x8d: {  	s2 =	sadd.s32 s2, s17  }
0x8e: {  	[smem:$0x3FBC] =	sst s2  }
0x8f: {  	_ = 	snop  }
0x90: {  	s2 =	sld [smem:$0x3FD0];
	(tm) =	ssettm $0x1  }
0x91: {  	s18 =	sld [smem:$0x3FFB];
	_ =	sdelay $0x3  }
0x92: {  	_ =	strace s18  }
0x93: {  	s3 =	sld [smem:$0x3FFC];
	_ =	sdelay $0x3  }
0x94: {  	_ =	strace s3  }
0x95: {  	s3 =	sld [smem:$0x3FFD];
	_ =	sdelay $0x3  }
0x96: {  	_ =	strace s3  }
0x97: {  	_ =	strace $0x8FFFFFFF  }
0x98: {  	s19 =	sld [smem:$0x3FDB];
	_ =	sdelay $0x1  }
0x99: {  	s4 =	simm.s32 $_scs_section_size  }
0x9a: {  	s5 =	simm.s32 $_size__tile_overlayer_lowered;
	s6 =	simm.s32 $_tile_overlayer_lowered  }
0x9b: {  	s22 =	simm.s32 $0x1BFF;
	s21 =	sshll.u32 s6, $0x1;
	s3 =	sadd.s32 s4, s19  }
0x9c: {  	s7 =	simm.s32 $0x0;
	s20 =	sshll.u32 s5, $0x1;
	s5 =	sadd.s32 s21, s3  }
0x9d: {  	[timem:s7], [sflag:s22] =	dma.local [hbm:s5], s20  }
0x9e: {  	_ =	swait.ge [sflag:s22], s20  }
0x9f: {  	s4 =	ssub.s32 $0x0, s20;
	[sflag:s22] =	ssyncset.done $0x0  }
0xa0: {  	[sflag:s22] =	ssyncadd.s32 s4;
	_ =	sdelay $0x1  }
0xa1: {  	s23 =	simm.s32 $0x1B8B  }
0xa2: {  	_ =	swait.ge [sflag:s23], $0x1  }
0xa3: {  	[sflag:s23] =	ssyncset.done $0x0  }
0xa4: {  	s25 =	simm.s32 $0x1B8E;
	s24 =	sld [smem:$0x3FFE];
	[sflag:s23] =	ssyncadd.s32 $0xFFFFFFFF  }
0xa5: {  	s26 =	simm.s32 $execute0_lowered;
	[smem:$0x3FD2] =	sst s25  }
0xa6: {  	s5 =	sshll.u32 s26, $0x1;
	_ =	strace $0x8000004C;
	[dreg:$0x1] =	wrdreg $0xFFFFFFFF  }
0xa7: {  	s28 =	simm.s32 $_size_execute0_lowered;
	s3 =	sadd.s32 s3, s5;
	[dreg:$0x0] =	wrdreg $0x0  }
0xa8: {  	s5 =	sshll.u32 s28, $0x1;
	[dreg:$0x2] =	wrdreg s3  }
0xa9: {  	[dreg:$0x3] =	wrdreg s5  }
0xaa: {  	[dreg:$0x4] =	wrdreg $0xC0  }
0xab: {  	_ =	task [dreg:s7], $0x5FFFF  }
0xac: {  	[dreg:$0x1] =	wrdreg $0xFFFFFFFF  }
0xad: {  	[dreg:$0x0] =	wrdreg $0x60  }
0xae: {  	[dreg:$0x2] =	wrdreg s24  }
0xaf: {  	[dreg:$0x3] =	wrdreg s2  }
0xb0: {  	[dreg:$0x4] =	wrdreg $0x0  }
0xb1: {  	[dreg:$0x5] =	wrdreg $0x9  }
0xb2: {  	_ =	task.clear_ibuf [dreg:s7], $0x6FFFF;
	_ =	strace $0x9000004C  }
0xb3: {  	s29 =	simm.s32 $0x9;
	_ =	strace $0x8000004E  }
0xb4: {  	_ =	swait.ge [sflag:s29], $0x1  }
0xb5: {  	[sflag:s29] =	ssyncadd.s32 $0xFFFFFFFF  }
0xb6: {  	_ =	strace $0x9000004E  }
0xb7: {  	_ =	sfence  }
0xb8: {  	s30 =	sld [smem:$0x0];
	_ =	sdelay $0x2  }
0xb9: {  	s31 =	sshll.u32 s1, $0xD;
	s1 =	sshrl.u32 s1, $0x2  }
0xba: {  	s3 =	sand.u32 $0x4000, s31;
	s1 =	sadd.s32 s1, s30  }
0xbb: {  	s0 =	sor.u32 s3, s0;
	s1 =	sshll.u32 s1, $0x11  }
0xbc: {  	s0 =	sor.u32 s1, s0  }
0xbd: {  	s0 =	sadd.s32 $0x8F2B, s0  }
0xbe: {  	[sflag:s0] =	ssyncadd.remote.s32 $0x1  }
0xbf: {  	_ =	sfence.sel $0xFFFF  }
0xc0: {  	[dreg:$0x0] =	wrdreg $0xFFFFFFFF;
	(pc) =	sbr.abs _section_cstart, $3  }
0xc1: {  	[dreg:$0x1] =	wrdreg $0xFFFFFFFF  }
0xc2: {  	_ =	task.clear_ibuf [dreg:s7], $0x2FFFF;
	_ =	strace $0x9FFFFFFF  }
0xc3: {  	(tm) =	ssettm $0x7FFFFFFF  }
tec
execute0_lowered:
.L_overlay_start_1:
0x0: {  	(tag) =	ssettag $0x1  }
0x1: {  	s0 =	rddreg [dreg:$0x0]  }
0x2: {  	s3 =	rddreg [dreg:$0x2];
	s6 =	stileid.u32  }
0x3: {  	s1 =	srdreg.scid;
	s17 =	simm.s32 $0x0;
	s23 =	simm.s32 $0x18880  }
0x4: {  	s25 =	simm.s32 $0x18900;
	s28 =	simm.s32 $0x1;
	s2 =	smul.u32 $0x18800, s6  }
0x5: {  	s29 =	simm.s32 $0x2;
	s30 =	simm.s32 $0x3;
	s7 =	smul.u32 $0x1880, s6  }
0x6: {  	s31 =	simm.s32 $0x3;
	s1 =	sand.u32 $0x1, s1;
	s9 =	smul.u32 $0x62000, s6  }
0x7: {  	[smem:$0x7FF] =	sst s17;
	s5 =	sadd.s32 $0x96E00, s0;
	s10 =	smul.u32 $0xC400, s6  }
0x8: {  	s19 =	sadd.s32 $0x4D600, s0;
	s13 =	sshll.u32 s6, $0x6;
	s15 =	smul.u32 $0x188, s6  }
0x9: {  	s4 =	smul.u32 $0x188000, s1;
	_ =	strace $0x8000004D;
	s8 =	ssub.s32 $0x2, s1  }
0xa: {  	s1 =	smul.u32 $0xC4000, s1;
	s20 =	sor.u32 $0x1C0F, s13;
	[dreg:$0x6] =	wrdreg s23  }
0xb: {  	s13 =	simm.s32 $0xF;
	[dreg:$0x7] =	wrdreg s25;
	s23 =	simm.s32 $0x1BF00  }
0xc: {  	s25 =	simm.s32 $0x1DF00;
	s7 =	sadd.s32 s7, s0;
	s12 =	sshrl.u32 s8, $0x1  }
0xd: {  	s9 =	sshrl.u32 s9, $0x2;
	[dreg:$0x4] =	wrdreg s15;
	s15 =	simm.s32 $0x18D80  }
0xe: {  	[dreg:$0x12] =	wrdreg s20;
	s4 =	sadd.s32 s2, s4;
	s2 =	sadd.s32 s2, s3  }
0xf: {  	s14 =	sadd.s32 s9, s3;
	s10 =	sadd.s32 s10, s1;
	s1 =	sor.u32 $0x380, s1  }
0x10: {  	s22 =	sadd.s32 $0x7E600, s7;
	s7 =	simm.s32 $0x18A00;
	[dreg:$0xf] =	wrdreg s15  }
0x11: {  	s9 =	simm.s32 $0x18B00;
	s15 =	simm.s32 $0xA;
	[dreg:$0x5] =	wrdreg s1  }
0x12: {  	s4 =	sshrl.u32 s4, $0x3;
	s11 =	sadd.s32 $0x6200, s14;
	[dreg:$0x16] =	wrdreg s22  }
0x13: {  	s16 =	sshrl.u32 s10, $0x3;
	s6 =	sshrl.u32 s2, $0x3;
	[dreg:$0x9] =	wrdreg s7  }
0x14: {  	s2 =	simm.s32 $0x18980;
	[dreg:$0xb] =	wrdreg s9;
	s10 =	simm.s32 $0x18C00  }
0x15: {  	s22 =	simm.s32 $0x1AF00;
	s1 =	simm.s32 $0x5;
	[dreg:$0x8] =	wrdreg s2  }
0x16: {  	s9 =	simm.s32 $0x7;
	s0 =	sadd.s32 s4, s0;
	[dreg:$0xc] =	wrdreg s10  }
0x17: {  	s4 =	ssub.s32 s8, s12;
	s18 =	sadd.s32 s19, s16;
	[dreg:$0x17] =	wrdreg s6  }
0x18: {  	s12 =	sadd.s32 $0xC400, s14;
	s24 =	sshrl.u32 s11, $0x3;
	[dreg:$0x13] =	wrdreg s18  }
0x19: {  	s8 =	sadd.s32 $0x12600, s14;
	s14 =	simm.s32 $0x18D00;
	[dreg:$0x18] =	wrdreg s24  }
0x1a: {  	s7 =	simm.s32 $0x0;
	s16 =	simm.s32 $0x18E00;
	[dreg:$0xe] =	wrdreg s14  }
0x1b: {  	s11 =	simm.s32 $0x18F00;
	s0 =	sadd.s32 $0xF8E00, s0;
	[dreg:$0x10] =	wrdreg s16  }
0x1c: {  	s10 =	simm.s32 $0x8;
	s21 =	smax.u32 s4, $0x1;
	[dreg:$0x14] =	wrdreg s0  }
0x1d: {  	s2 =	simm.s32 $0xC;
	s26 =	sshrl.u32 s12, $0x3;
	[dreg:$0x15] =	wrdreg s21  }
0x1e: {  	s4 =	sshrl.u32 s8, $0x3;
	s8 =	simm.s32 $0x18A80;
	[dreg:$0x19] =	wrdreg s26  }
0x1f: {  	s18 =	simm.s32 $0x80;
	s12 =	simm.s32 $0x18C80;
	[dreg:$0x1a] =	wrdreg s4  }
0x20: {  	s24 =	simm.s32 $0x1CF00;
	s14 =	simm.s32 $0x9;
	[dreg:$0xa] =	wrdreg s8  }
0x21: {  	s16 =	simm.s32 $0xB;
	s21 =	simm.s32 $0x19F00;
	[dreg:$0xd] =	wrdreg s12  }
0x22: {  	s26 =	simm.s32 $0x18E80;
	s0 =	simm.s32 $0x4;
	s8 =	simm.s32 $0x6  }
0x23: {  	s12 =	simm.s32 $0xD;
	[dreg:$0x11] =	wrdreg s26;
	s26 =	simm.s32 $0x1EF00  }
.LBB2_1:
0x24: {  	[dreg:$0x1b] =	wrdreg s7  }
0x25: {  	s4 =	rddreg [dreg:$0x1]  }
0x26: {  	[spmem:s6], [sflag:s20] =	dma.local [hbm:s4], $0xC40  }
0x27: {  	_ =	swait.ge [sflag:s13], $0xC40  }
0x28: {  	[sflag:s13] =	ssyncset.done $0x0  }
0x29: {  	s7 =	rddreg [dreg:$0x18];
	[sflag:s13] =	ssyncadd.s32 $0xFFFFF3C0  }
0x2a: {  	[spmem:s7], [sflag:s20] =	dma.local [hbm:s4], $0xC40  }
0x2b: {  	_ =	swait.ge [sflag:s13], $0xC40  }
0x2c: {  	[sflag:s13] =	ssyncset.done $0x0  }
0x2d: {  	s7 =	rddreg [dreg:$0x19];
	[sflag:s13] =	ssyncadd.s32 $0xFFFFF3C0  }
0x2e: {  	[spmem:s7], [sflag:s20] =	dma.local [hbm:s4], $0xC40  }
0x2f: {  	_ =	swait.ge [sflag:s13], $0xC40  }
0x30: {  	[sflag:s13] =	ssyncset.done $0x0  }
0x31: {  	s7 =	rddreg [dreg:$0x1a];
	[sflag:s13] =	ssyncadd.s32 $0xFFFFF3C0  }
0x32: {  	[spmem:s7], [sflag:s20] =	dma.local [hbm:s4], $0xC40  }
0x33: {  	_ =	swait.ge [sflag:s13], $0xC40  }
0x34: {  	[sflag:s13] =	ssyncset.done $0x0  }
0x35: {  	[sflag:s13] =	ssyncadd.s32 $0xFFFFF3C0  }
0x36: {  	[bflag:$0x0] =	sbarrier.arrive $0xFFFF  }
0x37: {  	s20 =	simm.s32 $0x18800;
	s6 =	rddreg [dreg:$0x13]  }
0x38: {  	[tilespmem:s20], [sflag:$0xF] =	stream.linear.gather [hbm4b:s6+s17], $0x380, $0x38;
	[tilespmem:$0x1FF00] =	vst v63  }
0x39: {  	_ =	swait.ge [sflag:s13], $0x380  }
0x3a: {  	[sflag:s13] =	ssyncset.done $0x0  }
0x3b: {  	[sflag:s13] =	ssyncadd.s32 $0xFFFFFC80  }
0x3c: {  	[tilespmem:s11], [sflag:$0x1] =	stream.indirect.gather [hbm4b:s5+s18], $0x20, s20, s18, $0xb8;
	[tilespmem:$0x1FF00] =	vst v63  }
0x3d: {  	s7 =	rddreg [dreg:$0x6]  }
0x3e: {  	[tilespmem:s21], [sflag:$0x2] =	stream.indirect.gather [hbm4b:s5+s18], $0x20, s7, s18, $0xb8;
	[tilespmem:$0x1FF00] =	vst v63  }
0x3f: {  	s6 =	rddreg [dreg:$0x7]  }
0x40: {  	[tilespmem:s22], [sflag:$0x3] =	stream.indirect.gather [hbm4b:s5+s18], $0x20, s6, s18, $0xb8;
	[tilespmem:$0x1FF00] =	vst v63  }
0x41: {  	s4 =	rddreg [dreg:$0x8]  }
0x42: {  	[tilespmem:s23], [sflag:$0x4] =	stream.indirect.gather [hbm4b:s5+s18], $0x20, s4, s18, $0xb8;
	[tilespmem:$0x1FF00] =	vst v63  }
0x43: {  	s6 =	rddreg [dreg:$0x9]  }
0x44: {  	[tilespmem:s24], [sflag:$0x5] =	stream.indirect.gather [hbm4b:s5+s18], $0x20, s6, s18, $0xb8;
	[tilespmem:$0x1FF00] =	vst v63  }
0x45: {  	s4 =	rddreg [dreg:$0xa]  }
0x46: {  	[tilespmem:s25], [sflag:$0x6] =	stream.indirect.gather [hbm4b:s5+s18], $0x20, s4, s18, $0xb8;
	[tilespmem:$0x1FF00] =	vst v63  }
0x47: {  	s6 =	rddreg [dreg:$0xb]  }
0x48: {  	[tilespmem:s26], [sflag:$0x7] =	stream.indirect.gather [hbm4b:s5+s18], $0x20, s6, s18, $0xb8;
	[tilespmem:$0x1FF00] =	vst v63  }
0x49: {  	s6 =	rddreg [dreg:$0x16];
	s26 =	simm.s32 $0x18B80  }
0x4a: {  	[tilespmem:s26], [sflag:$0xF] =	stream.linear.gather [hbm4b:s6+s17], $0x380, $0x38;
	[tilespmem:$0x1FF00] =	vst v63  }
0x4b: {  	s4 =	rddreg [dreg:$0x4];
	_ =	swait.ge [sflag:s13], $0x380  }
0x4c: {  	[sflag:s13] =	ssyncset.done $0x0  }
0x4d: {  	[sflag:s13] =	ssyncadd.s32 $0xFFFFFC80  }
0x4e: {  	_ =	swait.ge [sflag:s28], $0x1000  }
0x4f: {  	[sflag:s28] =	ssyncset.done $0x0  }
0x50: {  	[sflag:s28] =	ssyncadd.s32 $0xFFFFF000  }
0x51: {  	[spmem:s3] =	stream.indirect.scatter.add.f32 [tilespmem:s11], [sflag:$0x8], $0x20, s26, s18, $0xb8;
	[tilespmem:$0x1FF00] =	vst v63  }
0x52: {  	_ =	swait.ge [sflag:s29], $0x1000  }
0x53: {  	[sflag:s29] =	ssyncset.done $0x0  }
0x54: {  	s11 =	rddreg [dreg:$0xc];
	[sflag:s29] =	ssyncadd.s32 $0xFFFFF000  }
0x55: {  	[spmem:s3] =	stream.indirect.scatter.add.f32 [tilespmem:s21], [sflag:$0x9], $0x20, s11, s18, $0xb8;
	[tilespmem:$0x1FF00] =	vst v63  }
0x56: {  	_ =	swait.ge [sflag:s30], $0x1000  }
0x57: {  	[sflag:s30] =	ssyncset.done $0x0  }
0x58: {  	s21 =	rddreg [dreg:$0xd];
	[sflag:s30] =	ssyncadd.s32 $0xFFFFF000  }
0x59: {  	[spmem:s3] =	stream.indirect.scatter.add.f32 [tilespmem:s22], [sflag:$0xA], $0x20, s21, s18, $0xb8;
	[tilespmem:$0x1FF00] =	vst v63  }
0x5a: {  	_ =	swait.ge [sflag:s0], $0x1000  }
0x5b: {  	[sflag:s0] =	ssyncset.done $0x0  }
0x5c: {  	s22 =	rddreg [dreg:$0xe];
	[sflag:s0] =	ssyncadd.s32 $0xFFFFF000  }
0x5d: {  	[spmem:s3] =	stream.indirect.scatter.add.f32 [tilespmem:s23], [sflag:$0xB], $0x20, s22, s18, $0xb8;
	[tilespmem:$0x1FF00] =	vst v63  }
0x5e: {  	_ =	swait.ge [sflag:s1], $0x1000  }
0x5f: {  	[sflag:s1] =	ssyncset.done $0x0  }
0x60: {  	s23 =	rddreg [dreg:$0xf];
	[sflag:s1] =	ssyncadd.s32 $0xFFFFF000  }
0x61: {  	[spmem:s3] =	stream.indirect.scatter.add.f32 [tilespmem:s24], [sflag:$0xC], $0x20, s23, s18, $0xb8;
	[tilespmem:$0x1FF00] =	vst v63  }
0x62: {  	_ =	swait.ge [sflag:s8], $0x1000  }
0x63: {  	s4 =	sadd.s32 $0x0, s4;
	[sflag:s8] =	ssyncset.done $0x0  }
0x64: {  	p0 =	slt.s32 s4, $0x1872;
	s24 =	rddreg [dreg:$0x10];
	[sflag:s8] =	ssyncadd.s32 $0xFFFFF000  }
0x65: {  	[spmem:s3] =	stream.indirect.scatter.add.f32 [tilespmem:s25], [sflag:$0xD], $0x20, s24, s18, $0xb8;
	[tilespmem:$0x1FF00] =	vst v63  }
0x66: {  	s4 =	simm.s32 @!p0 $0x1872;
	_ =	swait.ge [sflag:s9], $0x1000  }
0x67: {  	s4 =	sshll.u32 s4, $0x7;
	s25 =	rddreg [dreg:$0x5]  }
0x68: {  	s26 =	simm.s32 $0x1EF00;
	[sflag:s9] =	ssyncset.done $0x0;
	s4 =	sadd.s32 s4, s25  }
0x69: {  	s28 =	rddreg [dreg:$0x11];
	[sflag:s9] =	ssyncadd.s32 $0xFFFFF000;
	s4 =	sshrl.u32 s4, $0x3  }
0x6a: {  	[spmem:s3] =	stream.indirect.scatter.add.f32 [tilespmem:s26], [sflag:$0xE], $0x20, s28, s18, $0xb8;
	[tilespmem:$0x1FF00] =	vst v63  }
0x6b: {  	s4 =	sadd.s32 s19, s4  }
0x6c: {  	[tilespmem:s20], [sflag:$0xF] =	stream.linear.gather [hbm4b:s4+s17], $0x380, $0x38;
	[tilespmem:$0x1FF00] =	vst v63  }
0x6d: {  	_ =	swait.ge [sflag:s13], $0x380  }
0x6e: {  	[sflag:s13] =	ssyncset.done $0x0  }
0x6f: {  	[sflag:s13] =	ssyncadd.s32 $0xFFFFFC80  }
0x70: {  	_ =	swait.ge [sflag:s10], $0x1000  }
0x71: {  	[sflag:s10] =	ssyncset.done $0x0  }
0x72: {  	[sflag:s10] =	ssyncadd.s32 $0xFFFFF000  }
0x73: {  	_ =	swait.ge [sflag:s14], $0x1000  }
0x74: {  	[sflag:s14] =	ssyncset.done $0x0  }
0x75: {  	[sflag:s14] =	ssyncadd.s32 $0xFFFFF000  }
0x76: {  	_ =	swait.ge [sflag:s15], $0x1000  }
0x77: {  	[sflag:s15] =	ssyncset.done $0x0  }
0x78: {  	[sflag:s15] =	ssyncadd.s32 $0xFFFFF000  }
0x79: {  	_ =	swait.ge [sflag:s16], $0x1000  }
0x7a: {  	[sflag:s16] =	ssyncset.done $0x0  }
0x7b: {  	s7 =	simm.s32 $0x7;
	s29 =	simm.s32 $0x1;
	[sflag:s16] =	ssyncadd.s32 $0xFFFFF000  }
0x7c: {  	s11 =	smov.u32 s6;
	s30 =	simm.s32 $0x2;
	_ =	swait.ge [sflag:s2], $0x1000  }
0x7d: {  	s0 =	simm.s32 $0xE;
	s1 =	simm.s32 $0x5;
	[sflag:s2] =	ssyncset.done $0x0  }
0x7e: {  	s8 =	simm.s32 $0x6;
	s9 =	simm.s32 $0x7;
	[sflag:s2] =	ssyncadd.s32 $0xFFFFF000  }
0x7f: {  	s10 =	simm.s32 $0x8;
	s14 =	simm.s32 $0x9;
	_ =	swait.ge [sflag:s12], $0x1000  }
0x80: {  	s15 =	simm.s32 $0xA;
	s16 =	simm.s32 $0xB;
	[sflag:s12] =	ssyncset.done $0x0  }
0x81: {  	s2 =	simm.s32 $0xC;
	[sflag:s12] =	ssyncadd.s32 $0xFFFFF000;
	s12 =	simm.s32 $0xD  }
.LBB2_2:
0x82: {  	_ =	swait.ge [sflag:s0], $0x1000  }
0x83: {  	[sflag:s0] =	ssyncset.done $0x0  }
0x84: {  	s23 =	simm.s32 $0x18F00;
	[sflag:s0] =	ssyncadd.s32 $0xFFFFF000  }
0x85: {  	[tilespmem:s23], [sflag:$0x1] =	stream.indirect.gather [hbm4b:s5+s18], $0x20, s20, s18, $0xb8;
	[tilespmem:$0x1FF00] =	vst v63  }
0x86: {  	s24 =	simm.s32 $0x19F00;
	s6 =	rddreg [dreg:$0x6]  }
0x87: {  	[tilespmem:s24], [sflag:$0x2] =	stream.indirect.gather [hbm4b:s5+s18], $0x20, s6, s18, $0xb8;
	[tilespmem:$0x1FF00] =	vst v63  }
0x88: {  	s25 =	simm.s32 $0x1AF00;
	s17 =	rddreg [dreg:$0x7]  }
0x89: {  	[tilespmem:s25], [sflag:$0x3] =	stream.indirect.gather [hbm4b:s5+s18], $0x20, s17, s18, $0xb8;
	[tilespmem:$0x1FF00] =	vst v63  }
0x8a: {  	s26 =	simm.s32 $0x1BF00;
	s28 =	rddreg [dreg:$0x8]  }
0x8b: {  	[tilespmem:s26], [sflag:$0x4] =	stream.indirect.gather [hbm4b:s5+s18], $0x20, s28, s18, $0xb8;
	[tilespmem:$0x1FF00] =	vst v63  }
0x8c: {  	s22 =	simm.s32 $0x1CF00;
	s21 =	rddreg [dreg:$0x9]  }
0x8d: {  	[tilespmem:s22], [sflag:$0x5] =	stream.indirect.gather [hbm4b:s5+s18], $0x20, s21, s18, $0xb8;
	[tilespmem:$0x1FF00] =	vst v63  }
0x8e: {  	s28 =	rddreg [dreg:$0xa];
	s21 =	simm.s32 $0x1DF00  }
0x8f: {  	[tilespmem:s21], [sflag:$0x6] =	stream.indirect.gather [hbm4b:s5+s18], $0x20, s28, s18, $0xb8;
	[tilespmem:$0x1FF00] =	vst v63  }
0x90: {  	s17 =	rddreg [dreg:$0xb];
	s28 =	simm.s32 $0x1EF00  }
0x91: {  	[tilespmem:s28], [sflag:$0x7] =	stream.indirect.gather [hbm4b:s5+s18], $0x20, s17, s18, $0xb8;
	[tilespmem:$0x1FF00] =	vst v63  }
0x92: {  	s11 =	sadd.s32 $0x70, s11;
	s20 =	simm.s32 $0x0;
	s17 =	simm.s32 $0x18B80  }
0x93: {  	[tilespmem:s17], [sflag:$0xF] =	stream.linear.gather [hbm4b:s11+s20], $0x380, $0x38;
	[tilespmem:$0x1FF00] =	vst v63  }
0x94: {  	s6 =	rddreg [dreg:$0x4];
	_ =	swait.ge [sflag:s13], $0x380  }
0x95: {  	[sflag:s13] =	ssyncset.done $0x0  }
0x96: {  	[sflag:s13] =	ssyncadd.s32 $0xFFFFFC80  }
0x97: {  	_ =	swait.ge [sflag:s29], $0x1000  }
0x98: {  	[sflag:s29] =	ssyncset.done $0x0  }
0x99: {  	[sflag:s29] =	ssyncadd.s32 $0xFFFFF000  }
0x9a: {  	[spmem:s3] =	stream.indirect.scatter.add.f32 [tilespmem:s23], [sflag:$0x8], $0x20, s17, s18, $0xb8;
	[tilespmem:$0x1FF00] =	vst v63  }
0x9b: {  	_ =	swait.ge [sflag:s30], $0x1000  }
0x9c: {  	[sflag:s30] =	ssyncset.done $0x0  }
0x9d: {  	s17 =	rddreg [dreg:$0xc];
	[sflag:s30] =	ssyncadd.s32 $0xFFFFF000  }
0x9e: {  	[spmem:s3] =	stream.indirect.scatter.add.f32 [tilespmem:s24], [sflag:$0x9], $0x20, s17, s18, $0xb8;
	[tilespmem:$0x1FF00] =	vst v63  }
0x9f: {  	_ =	swait.ge [sflag:s31], $0x1000  }
0xa0: {  	[sflag:s31] =	ssyncset.done $0x0  }
0xa1: {  	s24 =	simm.s32 $0x4;
	s23 =	rddreg [dreg:$0xd];
	[sflag:s31] =	ssyncadd.s32 $0xFFFFF000  }
0xa2: {  	[spmem:s3] =	stream.indirect.scatter.add.f32 [tilespmem:s25], [sflag:$0xA], $0x20, s23, s18, $0xb8;
	[tilespmem:$0x1FF00] =	vst v63  }
0xa3: {  	_ =	swait.ge [sflag:s24], $0x1000  }
0xa4: {  	[sflag:s24] =	ssyncset.done $0x0  }
0xa5: {  	s25 =	rddreg [dreg:$0xe];
	[sflag:s24] =	ssyncadd.s32 $0xFFFFF000  }
0xa6: {  	[spmem:s3] =	stream.indirect.scatter.add.f32 [tilespmem:s26], [sflag:$0xB], $0x20, s25, s18, $0xb8;
	[tilespmem:$0x1FF00] =	vst v63  }
0xa7: {  	_ =	swait.ge [sflag:s1], $0x1000  }
0xa8: {  	[sflag:s1] =	ssyncset.done $0x0  }
0xa9: {  	s23 =	rddreg [dreg:$0xf];
	[sflag:s1] =	ssyncadd.s32 $0xFFFFF000  }
0xaa: {  	[spmem:s3] =	stream.indirect.scatter.add.f32 [tilespmem:s22], [sflag:$0xC], $0x20, s23, s18, $0xb8;
	[tilespmem:$0x1FF00] =	vst v63  }
0xab: {  	s4 =	smov.u32 s7;
	_ =	swait.ge [sflag:s8], $0x1000  }
0xac: {  	s4 =	sadd.s32 s4, s6;
	[sflag:s8] =	ssyncset.done $0x0  }
0xad: {  	p1 =	slt.s32 s4, $0x1872;
	s24 =	rddreg [dreg:$0x10];
	[sflag:s8] =	ssyncadd.s32 $0xFFFFF000  }
0xae: {  	[spmem:s3] =	stream.indirect.scatter.add.f32 [tilespmem:s21], [sflag:$0xD], $0x20, s24, s18, $0xb8;
	[tilespmem:$0x1FF00] =	vst v63  }
0xaf: {  	s4 =	simm.s32 @!p1 $0x1872;
	_ =	swait.ge [sflag:s9], $0x1000  }
0xb0: {  	s4 =	sshll.u32 s4, $0x7;
	s25 =	rddreg [dreg:$0x5]  }
0xb1: {  	[sflag:s9] =	ssyncset.done $0x0;
	s4 =	sadd.s32 s4, s25  }
0xb2: {  	s26 =	rddreg [dreg:$0x11];
	[sflag:s9] =	ssyncadd.s32 $0xFFFFF000;
	s4 =	sshrl.u32 s4, $0x3  }
0xb3: {  	[spmem:s3] =	stream.indirect.scatter.add.f32 [tilespmem:s28], [sflag:$0xE], $0x20, s26, s18, $0xb8;
	[tilespmem:$0x1FF00] =	vst v63  }
0xb4: {  	s20 =	simm.s32 $0x18800;
	s17 =	simm.s32 $0x0;
	s4 =	sadd.s32 s19, s4  }
0xb5: {  	[tilespmem:s20], [sflag:$0xF] =	stream.linear.gather [hbm4b:s4+s17], $0x380, $0x38;
	[tilespmem:$0x1FF00] =	vst v63  }
0xb6: {  	_ =	swait.ge [sflag:s13], $0x380  }
0xb7: {  	[sflag:s13] =	ssyncset.done $0x0  }
0xb8: {  	[sflag:s13] =	ssyncadd.s32 $0xFFFFFC80  }
0xb9: {  	_ =	swait.ge [sflag:s10], $0x1000  }
0xba: {  	[sflag:s10] =	ssyncset.done $0x0  }
0xbb: {  	[sflag:s10] =	ssyncadd.s32 $0xFFFFF000  }
0xbc: {  	_ =	swait.ge [sflag:s14], $0x1000  }
0xbd: {  	[sflag:s14] =	ssyncset.done $0x0  }
0xbe: {  	[sflag:s14] =	ssyncadd.s32 $0xFFFFF000  }
0xbf: {  	_ =	swait.ge [sflag:s15], $0x1000  }
0xc0: {  	[sflag:s15] =	ssyncset.done $0x0  }
0xc1: {  	[sflag:s15] =	ssyncadd.s32 $0xFFFFF000  }
0xc2: {  	_ =	swait.ge [sflag:s16], $0x1000  }
0xc3: {  	[sflag:s16] =	ssyncset.done $0x0  }
0xc4: {  	[sflag:s16] =	ssyncadd.s32 $0xFFFFF000  }
0xc5: {  	p0 =	sne.s32 s7, $0x181;
	_ =	swait.ge [sflag:s2], $0x1000  }
.Ltmp0:
0xc6: {  	[sflag:s2] =	ssyncset.done $0x0;
	(pc) =	sbr.rel @p0 .LBB2_2-.Ltmp0, $4  }
0xc7: {  	[sflag:s2] =	ssyncadd.s32 $0xFFFFF000  }
0xc8: {  	_ =	swait.ge [sflag:s12], $0x1000  }
0xc9: {  	[sflag:s12] =	ssyncset.done $0x0  }
0xca: {  	s7 =	sadd.s32 $0x7, s7;
	[sflag:s12] =	ssyncadd.s32 $0xFFFFF000  }
0xcb: {  	_ =	swait.ge [sflag:s0], $0x1000  }
0xcc: {  	[sflag:s0] =	ssyncset.done $0x0  }
0xcd: {  	[sflag:s0] =	ssyncadd.s32 $0xFFFFF000  }
0xce: {  	[bflag:$0x0] =	sbarrier.arrive $0xFFFF  }
0xcf: {  	s20 =	rddreg [dreg:$0x12]  }
0xd0: {  	s4 =	rddreg [dreg:$0x14]  }
0xd1: {  	s11 =	simm.s32 $0x18F00;
	s6 =	rddreg [dreg:$0x17]  }
0xd2: {  	[hbm:s4], [sflag:s20] =	dma.local [spmem:s6], $0x3100  }
0xd3: {  	s21 =	simm.s32 $0x19F00;
	s22 =	simm.s32 $0x1AF00;
	_ =	swait.ge [sflag:s13], $0x3100  }
0xd4: {  	s23 =	simm.s32 $0x1BF00;
	s24 =	simm.s32 $0x1CF00;
	s7 =	rddreg [dreg:$0x1b]  }
0xd5: {  	s25 =	simm.s32 $0x1DF00;
	s26 =	rddreg [dreg:$0x15];
	s7 =	sadd.s32 $0x1, s7  }
0xd6: {  	s28 =	simm.s32 $0x1;
	s29 =	simm.s32 $0x2;
	p0 =	sne.s32 s7, s26  }
.Ltmp1:
0xd7: {  	s30 =	simm.s32 $0x3;
	s1 =	simm.s32 $0x5;
	(pc) =	sbr.rel @p0 .LBB2_1-.Ltmp1, $4  }
0xd8: {  	s8 =	simm.s32 $0x6;
	s9 =	simm.s32 $0x7;
	s10 =	simm.s32 $0x8  }
0xd9: {  	s14 =	simm.s32 $0x9;
	s15 =	simm.s32 $0xA;
	s16 =	simm.s32 $0xB  }
0xda: {  	s2 =	simm.s32 $0xC;
	s12 =	simm.s32 $0xD;
	[sflag:s13] =	ssyncset.done $0x0  }
0xdb: {  	s0 =	simm.s32 $0x4;
	[sflag:s13] =	ssyncadd.s32 $0xFFFFCF00;
	s26 =	simm.s32 $0x1EF00  }
0xdc: {  	_ =	sfence.sel $0x180000  }
0xdd: {  	[bflag:$0x0] =	sbarrier.arrive $0xFFFF  }
0xde: {  	_ =	strace $0x9000004D  }
0xdf: {  	s0 =	stileid.u32;
	[bflag:$0x2] =	sbarrier.arrive $0xFFFF  }
0xe0: {  	p0 =	sne.s32 s0, $0x0;
	s0 =	rddreg [dreg:$0x3]  }
0xe1: {  	s0 =	sadd.s32 @!p0 $0x100000, s0  }
0xe2: {  	[sflag:s0] =	ssyncadd.tile.s32 @!p0 $0x1;
	_ =	shalt  }
.Lfunc_end2:
_tile_overlayer_lowered:
.L_overlay_start_2:
0xe3: {  	(tag) =	ssettag $0x2  }
0xe4: {  	s0 =	rddreg [dreg:$0x0];
	s2 =	stileid.u32  }
0xe5: {  	s1 =	rddreg [dreg:$0x1];
	p0 =	sne.s32 s2, $0x0  }
0xe6: {  	s3 =	rddreg [dreg:$0x2];
	[bflag:$0x3] =	sbarrier.arrive $0xFFFF;
	s2 =	simm.s32 @!p0 $0x1C0F  }
0xe7: {  	[timem:s3], [sflag:s2] =	dma.local @!p0 [hbm:s0], s1  }
0xe8: {  	s0 =	simm.s32 @!p0 $0xF  }
0xe9: {  	_ =	swait.ge @!p0 [sflag:s0], s1  }
0xea: {  	s1 =	ssub.s32 @!p0 $0x0, s1;
	[sflag:s0] =	ssyncset.done @!p0 $0x0  }
0xeb: {  	[sflag:s0] =	ssyncadd.s32 @!p0 s1  }
0xec: {  	[bflag:$0x3] =	sbarrier.arrive $0xFFFF  }
0xed: {  	_ =	shalt  }

// kernel: kernel.22.cloned.1.call-start
scs
__scs_entry_jumppad:
0x0: {  	(pc) =	sbr.rel $0x88, $3  }
0x1: {  	(tag) =	ssettag $0x0;
	lr =	simm.s32 $0x1  }
0x2: {  	[smem:$0x3F95] =	sst lr;
	_ =	strace $0xD0000000  }
0x3: {  	_ = 	snop  }
0x4: {  	_ = 	snop  }
0x5: {  	_ = 	snop  }
0x6: {  	_ = 	snop  }
0x7: {  	_ = 	snop  }
__scs_overlays_trampoline_lowered:
0x8: {  	[smem:$0x3FA4] =	sst s0  }
0x9: {  	[smem:$0x3FA5] =	sst s1  }
0xa: {  	[smem:$0x3FA6] =	sst s2  }
0xb: {  	[smem:$0x3FA7] =	sst s3  }
0xc: {  	[smem:$0x3FA8] =	sst s4  }
0xd: {  	[smem:$0x3FA9] =	sst s5  }
0xe: {  	[smem:$0x3FAA] =	sst s6  }
0xf: {  	[smem:$0x3FAB] =	sst s7  }
0x10: {  	[smem:$0x3FAC] =	sst s8  }
0x11: {  	[smem:$0x3FAD] =	sst s9;
	s0 =	simm.s32 @!p0 $0x0  }
0x12: {  	s1 =	sld [smem:$0x3F93];
	s0 =	simm.s32 @p0 $0x1  }
0x13: {  	[smem:$0x3FAE] =	sst s0;
	s0 =	simm.s32 @!p1 $0x0  }
0x14: {  	s2 =	sld [smem:$0x3F92];
	s0 =	simm.s32 @p1 $0x1  }
0x15: {  	[smem:$0x3FAF] =	sst s0;
	s0 =	simm.s32 @!p2 $0x0  }
0x16: {  	s3 =	sld [smem:$0x3FDB];
	s0 =	simm.s32 @p2 $0x1  }
0x17: {  	s4 =	simm.s32 $0x1BF5;
	[smem:$0x3FB1] =	sst s0  }
0x18: {  	s0 =	sld [smem:$0x3F94];
	_ =	swait.ge [sflag:s4], $0x0  }
0x19: {  	s7 =	sld [smem:$0x3F95]  }
0x1a: {  	s8 =	sadd.s32 $0xFFFFE003, lr  }
0x1b: {  	s9 =	sadd.s32 $0xFFFFFEF7, lr;
	s5 =	simm.s32 $0xFFFFFFFF;
	p2 =	slt.u32 s8, $0xFFFFF086  }
0x1c: {  	p1 =	slt.u32 s9, $0xF7A;
	s5 =	simm.s32 @!p2 $0x0  }
0x1d: {  	s5 =	simm.s32 @p1 $0x1;
	p0 =	seq.s32 s7, s2  }
0x1e: {  	s7 =	smul.u32 @!p0 $0xF7A, s2;
	p2 =	seq.s32 @!p0 s5, $0x0  }
0x1f: {  	s9 =	smul.u32 $0xF7A, s1;
	s8 =	simm.s32 @!p0 $0x1BF5;
	p2 =	por !p2, p0  }
0x20: {  	[sflag:s8] =	ssyncset.s32 @!p0 $0xFFFFF086;
	s6 =	sadd.s32 @!p0 s3, s7;
	s7 =	simm.s32 @!p0 $0x108  }
0x21: {  	s3 =	sadd.s32 s3, s9;
	s6 =	sadd.s32 @!p0 $0x88, s6;
	s7 =	simm.s32 @p2 $0x1082  }
0x22: {  	[simem:s7], [sflag:s8] =	dma.local @!p0 [hbm:s6], $0xF7A  }
0x23: {  	s9 =	sor.u32 $0xD0000000, s2;
	s6 =	simm.s32 $0x108;
	_ =	swait.ge @!p0 [sflag:s8], $0x0  }
0x24: {  	s3 =	sadd.s32 $0x88, s3;
	s6 =	simm.s32 @!p1 $0x1082;
	[sflag:s4] =	ssyncset.s32 $0xFFFFF086  }
0x25: {  	[simem:s6], [sflag:s4] =	dma.local [hbm:s3], $0xF7A  }
0x26: {  	[smem:$0x3F95] =	sst s1;
	(tag) =	ssettag s2;
	_ =	strace s9  }
0x27: {  	s1 =	sld [smem:$0x3FA5]  }
0x28: {  	s2 =	sld [smem:$0x3FA6]  }
0x29: {  	s4 =	sld [smem:$0x3FA8]  }
0x2a: {  	p0 =	seq.s32 s5, $0x0;
	s5 =	sld [smem:$0x3FA9]  }
0x2b: {  	s6 =	sld [smem:$0x3FAA]  }
0x2c: {  	s7 =	sld [smem:$0x3FAB]  }
0x2d: {  	s3 =	simm.s32 $0x108;
	s8 =	sld [smem:$0x3FAC]  }
0x2e: {  	s3 =	simm.s32 @!p0 $0x1082;
	s9 =	sld [smem:$0x3FAD]  }
0x2f: {  	lr =	sadd.s32 s0, s3;
	s0 =	sld [smem:$0x3FA4]  }
0x30: {  	s3 =	sld [smem:$0x3FA7]  }
0x31: {  	[smem:$0x3FB0] =	sst s10  }
0x32: {  	s10 =	sld [smem:$0x3FAE];
	_ =	sdelay $0x3  }
0x33: {  	p0 =	seq.s32 s10, $0x1;
	s10 =	sld [smem:$0x3FB0];
	_ =	sdelay $0x3  }
0x34: {  	[smem:$0x3FB0] =	sst s10  }
0x35: {  	s10 =	sld [smem:$0x3FAF];
	_ =	sdelay $0x3  }
0x36: {  	p1 =	seq.s32 s10, $0x1;
	s10 =	sld [smem:$0x3FB0];
	_ =	sdelay $0x3  }
0x37: {  	[smem:$0x3FB0] =	sst s10  }
0x38: {  	s10 =	sld [smem:$0x3FB1]  }
0x39: {  	_ = 	snop;
	(pc) =	sbr.ind lr, $3  }
0x3a: {  	_ = 	snop  }
0x3b: {  	_ = 	snop  }
0x3c: {  	p2 =	seq.s32 s10, $0x1;
	s10 =	sld [smem:$0x3FB0]  }
0x3d: {  	_ =	shalt  }
0x3e: {  	_ =	shalt  }
0x3f: {  	_ =	shalt  }
0x40: {  	_ =	shalt  }
0x41: {  	_ =	shalt  }
0x42: {  	_ =	shalt  }
0x43: {  	_ =	shalt  }
0x44: {  	_ =	shalt  }
0x45: {  	_ =	shalt  }
0x46: {  	_ =	shalt  }
0x47: {  	_ =	shalt  }
0x48: {  	_ =	shalt  }
0x49: {  	_ =	shalt  }
0x4a: {  	_ =	shalt  }
0x4b: {  	_ =	shalt  }
0x4c: {  	_ =	shalt  }
0x4d: {  	_ =	shalt  }
0x4e: {  	_ =	shalt  }
0x4f: {  	_ =	shalt  }
0x50: {  	_ =	shalt  }
0x51: {  	_ =	shalt  }
0x52: {  	_ =	shalt  }
0x53: {  	_ =	shalt  }
0x54: {  	_ =	shalt  }
0x55: {  	_ =	shalt  }
0x56: {  	_ =	shalt  }
0x57: {  	_ =	shalt  }
0x58: {  	_ =	shalt  }
0x59: {  	_ =	shalt  }
0x5a: {  	_ =	shalt  }
0x5b: {  	_ =	shalt  }
0x5c: {  	_ =	shalt  }
0x5d: {  	_ =	shalt  }
0x5e: {  	_ =	shalt  }
0x5f: {  	_ =	shalt  }
0x60: {  	_ =	shalt  }
0x61: {  	_ =	shalt  }
0x62: {  	_ =	shalt  }
0x63: {  	_ =	shalt  }
0x64: {  	_ =	shalt  }
0x65: {  	_ =	shalt  }
0x66: {  	_ =	shalt  }
0x67: {  	_ =	shalt  }
0x68: {  	_ =	shalt  }
0x69: {  	_ =	shalt  }
0x6a: {  	_ =	shalt  }
0x6b: {  	_ =	shalt  }
0x6c: {  	_ =	shalt  }
0x6d: {  	_ =	shalt  }
0x6e: {  	_ =	shalt  }
0x6f: {  	_ =	shalt  }
0x70: {  	_ =	shalt  }
0x71: {  	_ =	shalt  }
0x72: {  	_ =	shalt  }
0x73: {  	_ =	shalt  }
0x74: {  	_ =	shalt  }
0x75: {  	_ =	shalt  }
0x76: {  	_ =	shalt  }
0x77: {  	_ =	shalt  }
0x78: {  	_ =	shalt  }
0x79: {  	_ =	shalt  }
0x7a: {  	_ =	shalt  }
0x7b: {  	_ =	shalt  }
0x7c: {  	_ =	shalt  }
0x7d: {  	_ =	shalt  }
0x7e: {  	_ =	shalt  }
0x7f: {  	_ =	shalt  }
0x80: {  	_ =	shalt  }
0x81: {  	_ =	shalt  }
0x82: {  	_ =	shalt  }
0x83: {  	_ =	shalt  }
0x84: {  	_ =	shalt  }
0x85: {  	_ =	shalt  }
0x86: {  	_ =	shalt  }
0x87: {  	_ =	shalt  }
.Lfunc_end0:
.L_simem_size_0:
called_computation.3_lowered:
.L_overlay_start_0:
0x88: {  	s2 =	sld [smem:$0x3FD9]  }
0x89: {  	s3 =	sld [smem:$0x3FFE];
	_ =	sdelay $0x1  }
0x8a: {  	s1 =	srdreg.scid  }
0x8b: {  	s0 =	sand.u32 $0x1, s1  }
0x8c: {  	s17 =	sshll.u32 s0, $0xA;
	s2 =	sadd.s32 s3, s2  }
0x8d: {  	s2 =	sadd.s32 s2, s17  }
0x8e: {  	[smem:$0x3FBC] =	sst s2  }
0x8f: {  	_ = 	snop  }
0x90: {  	s2 =	sld [smem:$0x3FD0];
	(tm) =	ssettm $0x1  }
0x91: {  	s18 =	sld [smem:$0x3FFB];
	_ =	sdelay $0x3  }
0x92: {  	_ =	strace s18  }
0x93: {  	s3 =	sld [smem:$0x3FFC];
	_ =	sdelay $0x3  }
0x94: {  	_ =	strace s3  }
0x95: {  	s3 =	sld [smem:$0x3FFD];
	_ =	sdelay $0x3  }
0x96: {  	_ =	strace s3  }
0x97: {  	_ =	strace $0x8FFFFFFF  }
0x98: {  	s19 =	sld [smem:$0x3FDB];
	_ =	sdelay $0x1  }
0x99: {  	s4 =	simm.s32 $_scs_section_size  }
0x9a: {  	s5 =	simm.s32 $_size__tile_overlayer_lowered;
	s6 =	simm.s32 $_tile_overlayer_lowered  }
0x9b: {  	s22 =	simm.s32 $0x1BFF;
	s21 =	sshll.u32 s6, $0x1;
	s3 =	sadd.s32 s4, s19  }
0x9c: {  	s7 =	simm.s32 $0x0;
	s20 =	sshll.u32 s5, $0x1;
	s5 =	sadd.s32 s21, s3  }
0x9d: {  	[timem:s7], [sflag:s22] =	dma.local [hbm:s5], s20  }
0x9e: {  	_ =	swait.ge [sflag:s22], s20  }
0x9f: {  	s4 =	ssub.s32 $0x0, s20;
	[sflag:s22] =	ssyncset.done $0x0  }
0xa0: {  	[sflag:s22] =	ssyncadd.s32 s4;
	_ =	sdelay $0x1  }
0xa1: {  	s23 =	simm.s32 $0x1B8B  }
0xa2: {  	_ =	swait.ge [sflag:s23], $0x1  }
0xa3: {  	[sflag:s23] =	ssyncset.done $0x0  }
0xa4: {  	s25 =	simm.s32 $0x1B8E;
	s24 =	sld [smem:$0x3FFE];
	[sflag:s23] =	ssyncadd.s32 $0xFFFFFFFF  }
0xa5: {  	s26 =	simm.s32 $execute0_lowered;
	[smem:$0x3FD2] =	sst s25  }
0xa6: {  	s5 =	sshll.u32 s26, $0x1;
	_ =	strace $0x8000004F;
	[dreg:$0x1] =	wrdreg $0xFFFFFFFF  }
0xa7: {  	s28 =	simm.s32 $_size_execute0_lowered;
	s3 =	sadd.s32 s3, s5;
	[dreg:$0x0] =	wrdreg $0x0  }
0xa8: {  	s5 =	sshll.u32 s28, $0x1;
	[dreg:$0x2] =	wrdreg s3  }
0xa9: {  	[dreg:$0x3] =	wrdreg s5  }
0xaa: {  	[dreg:$0x4] =	wrdreg $0xC0  }
0xab: {  	_ =	task [dreg:s7], $0x5FFFF  }
0xac: {  	[dreg:$0x1] =	wrdreg $0xFFFFFFFF  }
0xad: {  	[dreg:$0x0] =	wrdreg $0x60  }
0xae: {  	[dreg:$0x2] =	wrdreg s24  }
0xaf: {  	[dreg:$0x3] =	wrdreg s2  }
0xb0: {  	[dreg:$0x4] =	wrdreg $0x0  }
0xb1: {  	[dreg:$0x5] =	wrdreg $0x9  }
0xb2: {  	_ =	task.clear_ibuf [dreg:s7], $0x6FFFF;
	_ =	strace $0x9000004F  }
0xb3: {  	s29 =	simm.s32 $0x9;
	_ =	strace $0x80000051  }
0xb4: {  	_ =	swait.ge [sflag:s29], $0x1  }
0xb5: {  	[sflag:s29] =	ssyncadd.s32 $0xFFFFFFFF  }
0xb6: {  	_ =	strace $0x90000051  }
0xb7: {  	_ =	sfence  }
0xb8: {  	s30 =	sld [smem:$0x0];
	_ =	sdelay $0x2  }
0xb9: {  	s31 =	sshll.u32 s1, $0xD;
	s1 =	sshrl.u32 s1, $0x2  }
0xba: {  	s3 =	sand.u32 $0x4000, s31;
	s1 =	sadd.s32 s1, s30  }
0xbb: {  	s0 =	sor.u32 s3, s0;
	s1 =	sshll.u32 s1, $0x11  }
0xbc: {  	s0 =	sor.u32 s1, s0  }
0xbd: {  	s0 =	sadd.s32 $0x8F2B, s0  }
0xbe: {  	[sflag:s0] =	ssyncadd.remote.s32 $0x1  }
0xbf: {  	_ =	sfence.sel $0xFFFF  }
0xc0: {  	[dreg:$0x0] =	wrdreg $0xFFFFFFFF;
	(pc) =	sbr.abs _section_cstart, $3  }
0xc1: {  	[dreg:$0x1] =	wrdreg $0xFFFFFFFF  }
0xc2: {  	_ =	task.clear_ibuf [dreg:s7], $0x2FFFF;
	_ =	strace $0x9FFFFFFF  }
0xc3: {  	(tm) =	ssettm $0x7FFFFFFF  }
tec
execute0_lowered:
.L_overlay_start_1:
0x0: {  	(tag) =	ssettag $0x1  }
0x1: {  	s0 =	rddreg [dreg:$0x0]  }
0x2: {  	s3 =	rddreg [dreg:$0x2];
	s6 =	stileid.u32  }
0x3: {  	s1 =	srdreg.scid;
	s17 =	simm.s32 $0x0;
	s23 =	simm.s32 $0x18880  }
0x4: {  	s25 =	simm.s32 $0x18900;
	s28 =	simm.s32 $0x1;
	s2 =	smul.u32 $0x18800, s6  }
0x5: {  	s29 =	simm.s32 $0x2;
	s30 =	simm.s32 $0x3;
	s7 =	smul.u32 $0x1880, s6  }
0x6: {  	s31 =	simm.s32 $0x3;
	s1 =	sand.u32 $0x1, s1;
	s9 =	smul.u32 $0x62000, s6  }
0x7: {  	[smem:$0x7FF] =	sst s17;
	s5 =	sadd.s32 $0x96E00, s0;
	s10 =	smul.u32 $0xC400, s6  }
0x8: {  	s19 =	sadd.s32 $0x4D600, s0;
	s13 =	sshll.u32 s6, $0x6;
	s15 =	smul.u32 $0x188, s6  }
0x9: {  	s4 =	smul.u32 $0x188000, s1;
	_ =	strace $0x80000050;
	s8 =	ssub.s32 $0x2, s1  }
0xa: {  	s1 =	smul.u32 $0xC4000, s1;
	s20 =	sor.u32 $0x1C0F, s13;
	[dreg:$0x6] =	wrdreg s23  }
0xb: {  	s13 =	simm.s32 $0xF;
	[dreg:$0x7] =	wrdreg s25;
	s23 =	simm.s32 $0x1BF00  }
0xc: {  	s25 =	simm.s32 $0x1DF00;
	s7 =	sadd.s32 s7, s0;
	s12 =	sshrl.u32 s8, $0x1  }
0xd: {  	s9 =	sshrl.u32 s9, $0x2;
	[dreg:$0x4] =	wrdreg s15;
	s15 =	simm.s32 $0x18D80  }
0xe: {  	[dreg:$0x12] =	wrdreg s20;
	s4 =	sadd.s32 s2, s4;
	s2 =	sadd.s32 s2, s3  }
0xf: {  	s14 =	sadd.s32 s9, s3;
	s10 =	sadd.s32 s10, s1;
	s1 =	sor.u32 $0x380, s1  }
0x10: {  	s22 =	sadd.s32 $0x7E600, s7;
	s7 =	simm.s32 $0x18A00;
	[dreg:$0xf] =	wrdreg s15  }
0x11: {  	s9 =	simm.s32 $0x18B00;
	s15 =	simm.s32 $0xA;
	[dreg:$0x5] =	wrdreg s1  }
0x12: {  	s4 =	sshrl.u32 s4, $0x3;
	s11 =	sadd.s32 $0x6200, s14;
	[dreg:$0x16] =	wrdreg s22  }
0x13: {  	s16 =	sshrl.u32 s10, $0x3;
	s6 =	sshrl.u32 s2, $0x3;
	[dreg:$0x9] =	wrdreg s7  }
0x14: {  	s2 =	simm.s32 $0x18980;
	[dreg:$0xb] =	wrdreg s9;
	s10 =	simm.s32 $0x18C00  }
0x15: {  	s22 =	simm.s32 $0x1AF00;
	s1 =	simm.s32 $0x5;
	[dreg:$0x8] =	wrdreg s2  }
0x16: {  	s9 =	simm.s32 $0x7;
	s0 =	sadd.s32 s4, s0;
	[dreg:$0xc] =	wrdreg s10  }
0x17: {  	s4 =	ssub.s32 s8, s12;
	s18 =	sadd.s32 s19, s16;
	[dreg:$0x17] =	wrdreg s6  }
0x18: {  	s12 =	sadd.s32 $0xC400, s14;
	s24 =	sshrl.u32 s11, $0x3;
	[dreg:$0x13] =	wrdreg s18  }
0x19: {  	s8 =	sadd.s32 $0x12600, s14;
	s14 =	simm.s32 $0x18D00;
	[dreg:$0x18] =	wrdreg s24  }
0x1a: {  	s7 =	simm.s32 $0x0;
	s16 =	simm.s32 $0x18E00;
	[dreg:$0xe] =	wrdreg s14  }
0x1b: {  	s11 =	simm.s32 $0x18F00;
	s0 =	sadd.s32 $0xF8E00, s0;
	[dreg:$0x10] =	wrdreg s16  }
0x1c: {  	s10 =	simm.s32 $0x8;
	s21 =	smax.u32 s4, $0x1;
	[dreg:$0x14] =	wrdreg s0  }
0x1d: {  	s2 =	simm.s32 $0xC;
	s26 =	sshrl.u32 s12, $0x3;
	[dreg:$0x15] =	wrdreg s21  }
0x1e: {  	s4 =	sshrl.u32 s8, $0x3;
	s8 =	simm.s32 $0x18A80;
	[dreg:$0x19] =	wrdreg s26  }
0x1f: {  	s18 =	simm.s32 $0x80;
	s12 =	simm.s32 $0x18C80;
	[dreg:$0x1a] =	wrdreg s4  }
0x20: {  	s24 =	simm.s32 $0x1CF00;
	s14 =	simm.s32 $0x9;
	[dreg:$0xa] =	wrdreg s8  }
0x21: {  	s16 =	simm.s32 $0xB;
	s21 =	simm.s32 $0x19F00;
	[dreg:$0xd] =	wrdreg s12  }
0x22: {  	s26 =	simm.s32 $0x18E80;
	s0 =	simm.s32 $0x4;
	s8 =	simm.s32 $0x6  }
0x23: {  	s12 =	simm.s32 $0xD;
	[dreg:$0x11] =	wrdreg s26;
	s26 =	simm.s32 $0x1EF00  }
.LBB2_1:
0x24: {  	[dreg:$0x1b] =	wrdreg s7  }
0x25: {  	s4 =	rddreg [dreg:$0x1]  }
0x26: {  	[spmem:s6], [sflag:s20] =	dma.local [hbm:s4], $0xC40  }
0x27: {  	_ =	swait.ge [sflag:s13], $0xC40  }
0x28: {  	[sflag:s13] =	ssyncset.done $0x0  }
0x29: {  	s7 =	rddreg [dreg:$0x18];
	[sflag:s13] =	ssyncadd.s32 $0xFFFFF3C0  }
0x2a: {  	[spmem:s7], [sflag:s20] =	dma.local [hbm:s4], $0xC40  }
0x2b: {  	_ =	swait.ge [sflag:s13], $0xC40  }
0x2c: {  	[sflag:s13] =	ssyncset.done $0x0  }
0x2d: {  	s7 =	rddreg [dreg:$0x19];
	[sflag:s13] =	ssyncadd.s32 $0xFFFFF3C0  }
0x2e: {  	[spmem:s7], [sflag:s20] =	dma.local [hbm:s4], $0xC40  }
0x2f: {  	_ =	swait.ge [sflag:s13], $0xC40  }
0x30: {  	[sflag:s13] =	ssyncset.done $0x0  }
0x31: {  	s7 =	rddreg [dreg:$0x1a];
	[sflag:s13] =	ssyncadd.s32 $0xFFFFF3C0  }
0x32: {  	[spmem:s7], [sflag:s20] =	dma.local [hbm:s4], $0xC40  }
0x33: {  	_ =	swait.ge [sflag:s13], $0xC40  }
0x34: {  	[sflag:s13] =	ssyncset.done $0x0  }
0x35: {  	[sflag:s13] =	ssyncadd.s32 $0xFFFFF3C0  }
0x36: {  	[bflag:$0x0] =	sbarrier.arrive $0xFFFF  }
0x37: {  	s20 =	simm.s32 $0x18800;
	s6 =	rddreg [dreg:$0x13]  }
0x38: {  	[tilespmem:s20], [sflag:$0xF] =	stream.linear.gather [hbm4b:s6+s17], $0x380, $0x38;
	[tilespmem:$0x1FF00] =	vst v63  }
0x39: {  	_ =	swait.ge [sflag:s13], $0x380  }
0x3a: {  	[sflag:s13] =	ssyncset.done $0x0  }
0x3b: {  	[sflag:s13] =	ssyncadd.s32 $0xFFFFFC80  }
0x3c: {  	[tilespmem:s11], [sflag:$0x1] =	stream.indirect.gather [hbm4b:s5+s18], $0x20, s20, s18, $0xb8;
	[tilespmem:$0x1FF00] =	vst v63  }
0x3d: {  	s7 =	rddreg [dreg:$0x6]  }
0x3e: {  	[tilespmem:s21], [sflag:$0x2] =	stream.indirect.gather [hbm4b:s5+s18], $0x20, s7, s18, $0xb8;
	[tilespmem:$0x1FF00] =	vst v63  }
0x3f: {  	s6 =	rddreg [dreg:$0x7]  }
0x40: {  	[tilespmem:s22], [sflag:$0x3] =	stream.indirect.gather [hbm4b:s5+s18], $0x20, s6, s18, $0xb8;
	[tilespmem:$0x1FF00] =	vst v63  }
0x41: {  	s4 =	rddreg [dreg:$0x8]  }
0x42: {  	[tilespmem:s23], [sflag:$0x4] =	stream.indirect.gather [hbm4b:s5+s18], $0x20, s4, s18, $0xb8;
	[tilespmem:$0x1FF00] =	vst v63  }
0x43: {  	s6 =	rddreg [dreg:$0x9]  }
0x44: {  	[tilespmem:s24], [sflag:$0x5] =	stream.indirect.gather [hbm4b:s5+s18], $0x20, s6, s18, $0xb8;
	[tilespmem:$0x1FF00] =	vst v63  }
0x45: {  	s4 =	rddreg [dreg:$0xa]  }
0x46: {  	[tilespmem:s25], [sflag:$0x6] =	stream.indirect.gather [hbm4b:s5+s18], $0x20, s4, s18, $0xb8;
	[tilespmem:$0x1FF00] =	vst v63  }
0x47: {  	s6 =	rddreg [dreg:$0xb]  }
0x48: {  	[tilespmem:s26], [sflag:$0x7] =	stream.indirect.gather [hbm4b:s5+s18], $0x20, s6, s18, $0xb8;
	[tilespmem:$0x1FF00] =	vst v63  }
0x49: {  	s6 =	rddreg [dreg:$0x16];
	s26 =	simm.s32 $0x18B80  }
0x4a: {  	[tilespmem:s26], [sflag:$0xF] =	stream.linear.gather [hbm4b:s6+s17], $0x380, $0x38;
	[tilespmem:$0x1FF00] =	vst v63  }
0x4b: {  	s4 =	rddreg [dreg:$0x4];
	_ =	swait.ge [sflag:s13], $0x380  }
0x4c: {  	[sflag:s13] =	ssyncset.done $0x0  }
0x4d: {  	[sflag:s13] =	ssyncadd.s32 $0xFFFFFC80  }
0x4e: {  	_ =	swait.ge [sflag:s28], $0x1000  }
0x4f: {  	[sflag:s28] =	ssyncset.done $0x0  }
0x50: {  	[sflag:s28] =	ssyncadd.s32 $0xFFFFF000  }
0x51: {  	[spmem:s3] =	stream.indirect.scatter.add.f32 [tilespmem:s11], [sflag:$0x8], $0x20, s26, s18, $0xb8;
	[tilespmem:$0x1FF00] =	vst v63  }
0x52: {  	_ =	swait.ge [sflag:s29], $0x1000  }
0x53: {  	[sflag:s29] =	ssyncset.done $0x0  }
0x54: {  	s11 =	rddreg [dreg:$0xc];
	[sflag:s29] =	ssyncadd.s32 $0xFFFFF000  }
0x55: {  	[spmem:s3] =	stream.indirect.scatter.add.f32 [tilespmem:s21], [sflag:$0x9], $0x20, s11, s18, $0xb8;
	[tilespmem:$0x1FF00] =	vst v63  }
0x56: {  	_ =	swait.ge [sflag:s30], $0x1000  }
0x57: {  	[sflag:s30] =	ssyncset.done $0x0  }
0x58: {  	s21 =	rddreg [dreg:$0xd];
	[sflag:s30] =	ssyncadd.s32 $0xFFFFF000  }
0x59: {  	[spmem:s3] =	stream.indirect.scatter.add.f32 [tilespmem:s22], [sflag:$0xA], $0x20, s21, s18, $0xb8;
	[tilespmem:$0x1FF00] =	vst v63  }
0x5a: {  	_ =	swait.ge [sflag:s0], $0x1000  }
0x5b: {  	[sflag:s0] =	ssyncset.done $0x0  }
0x5c: {  	s22 =	rddreg [dreg:$0xe];
	[sflag:s0] =	ssyncadd.s32 $0xFFFFF000  }
0x5d: {  	[spmem:s3] =	stream.indirect.scatter.add.f32 [tilespmem:s23], [sflag:$0xB], $0x20, s22, s18, $0xb8;
	[tilespmem:$0x1FF00] =	vst v63  }
0x5e: {  	_ =	swait.ge [sflag:s1], $0x1000  }
0x5f: {  	[sflag:s1] =	ssyncset.done $0x0  }
0x60: {  	s23 =	rddreg [dreg:$0xf];
	[sflag:s1] =	ssyncadd.s32 $0xFFFFF000  }
0x61: {  	[spmem:s3] =	stream.indirect.scatter.add.f32 [tilespmem:s24], [sflag:$0xC], $0x20, s23, s18, $0xb8;
	[tilespmem:$0x1FF00] =	vst v63  }
0x62: {  	_ =	swait.ge [sflag:s8], $0x1000  }
0x63: {  	s4 =	sadd.s32 $0x0, s4;
	[sflag:s8] =	ssyncset.done $0x0  }
0x64: {  	p0 =	slt.s32 s4, $0x1872;
	s24 =	rddreg [dreg:$0x10];
	[sflag:s8] =	ssyncadd.s32 $0xFFFFF000  }
0x65: {  	[spmem:s3] =	stream.indirect.scatter.add.f32 [tilespmem:s25], [sflag:$0xD], $0x20, s24, s18, $0xb8;
	[tilespmem:$0x1FF00] =	vst v63  }
0x66: {  	s4 =	simm.s32 @!p0 $0x1872;
	_ =	swait.ge [sflag:s9], $0x1000  }
0x67: {  	s4 =	sshll.u32 s4, $0x7;
	s25 =	rddreg [dreg:$0x5]  }
0x68: {  	s26 =	simm.s32 $0x1EF00;
	[sflag:s9] =	ssyncset.done $0x0;
	s4 =	sadd.s32 s4, s25  }
0x69: {  	s28 =	rddreg [dreg:$0x11];
	[sflag:s9] =	ssyncadd.s32 $0xFFFFF000;
	s4 =	sshrl.u32 s4, $0x3  }
0x6a: {  	[spmem:s3] =	stream.indirect.scatter.add.f32 [tilespmem:s26], [sflag:$0xE], $0x20, s28, s18, $0xb8;
	[tilespmem:$0x1FF00] =	vst v63  }
0x6b: {  	s4 =	sadd.s32 s19, s4  }
0x6c: {  	[tilespmem:s20], [sflag:$0xF] =	stream.linear.gather [hbm4b:s4+s17], $0x380, $0x38;
	[tilespmem:$0x1FF00] =	vst v63  }
0x6d: {  	_ =	swait.ge [sflag:s13], $0x380  }
0x6e: {  	[sflag:s13] =	ssyncset.done $0x0  }
0x6f: {  	[sflag:s13] =	ssyncadd.s32 $0xFFFFFC80  }
0x70: {  	_ =	swait.ge [sflag:s10], $0x1000  }
0x71: {  	[sflag:s10] =	ssyncset.done $0x0  }
0x72: {  	[sflag:s10] =	ssyncadd.s32 $0xFFFFF000  }
0x73: {  	_ =	swait.ge [sflag:s14], $0x1000  }
0x74: {  	[sflag:s14] =	ssyncset.done $0x0  }
0x75: {  	[sflag:s14] =	ssyncadd.s32 $0xFFFFF000  }
0x76: {  	_ =	swait.ge [sflag:s15], $0x1000  }
0x77: {  	[sflag:s15] =	ssyncset.done $0x0  }
0x78: {  	[sflag:s15] =	ssyncadd.s32 $0xFFFFF000  }
0x79: {  	_ =	swait.ge [sflag:s16], $0x1000  }
0x7a: {  	[sflag:s16] =	ssyncset.done $0x0  }
0x7b: {  	s7 =	simm.s32 $0x7;
	s29 =	simm.s32 $0x1;
	[sflag:s16] =	ssyncadd.s32 $0xFFFFF000  }
0x7c: {  	s11 =	smov.u32 s6;
	s30 =	simm.s32 $0x2;
	_ =	swait.ge [sflag:s2], $0x1000  }
0x7d: {  	s0 =	simm.s32 $0xE;
	s1 =	simm.s32 $0x5;
	[sflag:s2] =	ssyncset.done $0x0  }
0x7e: {  	s8 =	simm.s32 $0x6;
	s9 =	simm.s32 $0x7;
	[sflag:s2] =	ssyncadd.s32 $0xFFFFF000  }
0x7f: {  	s10 =	simm.s32 $0x8;
	s14 =	simm.s32 $0x9;
	_ =	swait.ge [sflag:s12], $0x1000  }
0x80: {  	s15 =	simm.s32 $0xA;
	s16 =	simm.s32 $0xB;
	[sflag:s12] =	ssyncset.done $0x0  }
0x81: {  	s2 =	simm.s32 $0xC;
	[sflag:s12] =	ssyncadd.s32 $0xFFFFF000;
	s12 =	simm.s32 $0xD  }
.LBB2_2:
0x82: {  	_ =	swait.ge [sflag:s0], $0x1000  }
0x83: {  	[sflag:s0] =	ssyncset.done $0x0  }
0x84: {  	s23 =	simm.s32 $0x18F00;
	[sflag:s0] =	ssyncadd.s32 $0xFFFFF000  }
0x85: {  	[tilespmem:s23], [sflag:$0x1] =	stream.indirect.gather [hbm4b:s5+s18], $0x20, s20, s18, $0xb8;
	[tilespmem:$0x1FF00] =	vst v63  }
0x86: {  	s24 =	simm.s32 $0x19F00;
	s6 =	rddreg [dreg:$0x6]  }
0x87: {  	[tilespmem:s24], [sflag:$0x2] =	stream.indirect.gather [hbm4b:s5+s18], $0x20, s6, s18, $0xb8;
	[tilespmem:$0x1FF00] =	vst v63  }
0x88: {  	s25 =	simm.s32 $0x1AF00;
	s17 =	rddreg [dreg:$0x7]  }
0x89: {  	[tilespmem:s25], [sflag:$0x3] =	stream.indirect.gather [hbm4b:s5+s18], $0x20, s17, s18, $0xb8;
	[tilespmem:$0x1FF00] =	vst v63  }
0x8a: {  	s26 =	simm.s32 $0x1BF00;
	s28 =	rddreg [dreg:$0x8]  }
0x8b: {  	[tilespmem:s26], [sflag:$0x4] =	stream.indirect.gather [hbm4b:s5+s18], $0x20, s28, s18, $0xb8;
	[tilespmem:$0x1FF00] =	vst v63  }
0x8c: {  	s22 =	simm.s32 $0x1CF00;
	s21 =	rddreg [dreg:$0x9]  }
0x8d: {  	[tilespmem:s22], [sflag:$0x5] =	stream.indirect.gather [hbm4b:s5+s18], $0x20, s21, s18, $0xb8;
	[tilespmem:$0x1FF00] =	vst v63  }
0x8e: {  	s28 =	rddreg [dreg:$0xa];
	s21 =	simm.s32 $0x1DF00  }
0x8f: {  	[tilespmem:s21], [sflag:$0x6] =	stream.indirect.gather [hbm4b:s5+s18], $0x20, s28, s18, $0xb8;
	[tilespmem:$0x1FF00] =	vst v63  }
0x90: {  	s17 =	rddreg [dreg:$0xb];
	s28 =	simm.s32 $0x1EF00  }
0x91: {  	[tilespmem:s28], [sflag:$0x7] =	stream.indirect.gather [hbm4b:s5+s18], $0x20, s17, s18, $0xb8;
	[tilespmem:$0x1FF00] =	vst v63  }
0x92: {  	s11 =	sadd.s32 $0x70, s11;
	s20 =	simm.s32 $0x0;
	s17 =	simm.s32 $0x18B80  }
0x93: {  	[tilespmem:s17], [sflag:$0xF] =	stream.linear.gather [hbm4b:s11+s20], $0x380, $0x38;
	[tilespmem:$0x1FF00] =	vst v63  }
0x94: {  	s6 =	rddreg [dreg:$0x4];
	_ =	swait.ge [sflag:s13], $0x380  }
0x95: {  	[sflag:s13] =	ssyncset.done $0x0  }
0x96: {  	[sflag:s13] =	ssyncadd.s32 $0xFFFFFC80  }
0x97: {  	_ =	swait.ge [sflag:s29], $0x1000  }
0x98: {  	[sflag:s29] =	ssyncset.done $0x0  }
0x99: {  	[sflag:s29] =	ssyncadd.s32 $0xFFFFF000  }
0x9a: {  	[spmem:s3] =	stream.indirect.scatter.add.f32 [tilespmem:s23], [sflag:$0x8], $0x20, s17, s18, $0xb8;
	[tilespmem:$0x1FF00] =	vst v63  }
0x9b: {  	_ =	swait.ge [sflag:s30], $0x1000  }
0x9c: {  	[sflag:s30] =	ssyncset.done $0x0  }
0x9d: {  	s17 =	rddreg [dreg:$0xc];
	[sflag:s30] =	ssyncadd.s32 $0xFFFFF000  }
0x9e: {  	[spmem:s3] =	stream.indirect.scatter.add.f32 [tilespmem:s24], [sflag:$0x9], $0x20, s17, s18, $0xb8;
	[tilespmem:$0x1FF00] =	vst v63  }
0x9f: {  	_ =	swait.ge [sflag:s31], $0x1000  }
0xa0: {  	[sflag:s31] =	ssyncset.done $0x0  }
0xa1: {  	s24 =	simm.s32 $0x4;
	s23 =	rddreg [dreg:$0xd];
	[sflag:s31] =	ssyncadd.s32 $0xFFFFF000  }
0xa2: {  	[spmem:s3] =	stream.indirect.scatter.add.f32 [tilespmem:s25], [sflag:$0xA], $0x20, s23, s18, $0xb8;
	[tilespmem:$0x1FF00] =	vst v63  }
0xa3: {  	_ =	swait.ge [sflag:s24], $0x1000  }
0xa4: {  	[sflag:s24] =	ssyncset.done $0x0  }
0xa5: {  	s25 =	rddreg [dreg:$0xe];
	[sflag:s24] =	ssyncadd.s32 $0xFFFFF000  }
0xa6: {  	[spmem:s3] =	stream.indirect.scatter.add.f32 [tilespmem:s26], [sflag:$0xB], $0x20, s25, s18, $0xb8;
	[tilespmem:$0x1FF00] =	vst v63  }
0xa7: {  	_ =	swait.ge [sflag:s1], $0x1000  }
0xa8: {  	[sflag:s1] =	ssyncset.done $0x0  }
0xa9: {  	s23 =	rddreg [dreg:$0xf];
	[sflag:s1] =	ssyncadd.s32 $0xFFFFF000  }
0xaa: {  	[spmem:s3] =	stream.indirect.scatter.add.f32 [tilespmem:s22], [sflag:$0xC], $0x20, s23, s18, $0xb8;
	[tilespmem:$0x1FF00] =	vst v63  }
0xab: {  	s4 =	smov.u32 s7;
	_ =	swait.ge [sflag:s8], $0x1000  }
0xac: {  	s4 =	sadd.s32 s4, s6;
	[sflag:s8] =	ssyncset.done $0x0  }
0xad: {  	p1 =	slt.s32 s4, $0x1872;
	s24 =	rddreg [dreg:$0x10];
	[sflag:s8] =	ssyncadd.s32 $0xFFFFF000  }
0xae: {  	[spmem:s3] =	stream.indirect.scatter.add.f32 [tilespmem:s21], [sflag:$0xD], $0x20, s24, s18, $0xb8;
	[tilespmem:$0x1FF00] =	vst v63  }
0xaf: {  	s4 =	simm.s32 @!p1 $0x1872;
	_ =	swait.ge [sflag:s9], $0x1000  }
0xb0: {  	s4 =	sshll.u32 s4, $0x7;
	s25 =	rddreg [dreg:$0x5]  }
0xb1: {  	[sflag:s9] =	ssyncset.done $0x0;
	s4 =	sadd.s32 s4, s25  }
0xb2: {  	s26 =	rddreg [dreg:$0x11];
	[sflag:s9] =	ssyncadd.s32 $0xFFFFF000;
	s4 =	sshrl.u32 s4, $0x3  }
0xb3: {  	[spmem:s3] =	stream.indirect.scatter.add.f32 [tilespmem:s28], [sflag:$0xE], $0x20, s26, s18, $0xb8;
	[tilespmem:$0x1FF00] =	vst v63  }
0xb4: {  	s20 =	simm.s32 $0x18800;
	s17 =	simm.s32 $0x0;
	s4 =	sadd.s32 s19, s4  }
0xb5: {  	[tilespmem:s20], [sflag:$0xF] =	stream.linear.gather [hbm4b:s4+s17], $0x380, $0x38;
	[tilespmem:$0x1FF00] =	vst v63  }
0xb6: {  	_ =	swait.ge [sflag:s13], $0x380  }
0xb7: {  	[sflag:s13] =	ssyncset.done $0x0  }
0xb8: {  	[sflag:s13] =	ssyncadd.s32 $0xFFFFFC80  }
0xb9: {  	_ =	swait.ge [sflag:s10], $0x1000  }
0xba: {  	[sflag:s10] =	ssyncset.done $0x0  }
0xbb: {  	[sflag:s10] =	ssyncadd.s32 $0xFFFFF000  }
0xbc: {  	_ =	swait.ge [sflag:s14], $0x1000  }
0xbd: {  	[sflag:s14] =	ssyncset.done $0x0  }
0xbe: {  	[sflag:s14] =	ssyncadd.s32 $0xFFFFF000  }
0xbf: {  	_ =	swait.ge [sflag:s15], $0x1000  }
0xc0: {  	[sflag:s15] =	ssyncset.done $0x0  }
0xc1: {  	[sflag:s15] =	ssyncadd.s32 $0xFFFFF000  }
0xc2: {  	_ =	swait.ge [sflag:s16], $0x1000  }
0xc3: {  	[sflag:s16] =	ssyncset.done $0x0  }
0xc4: {  	[sflag:s16] =	ssyncadd.s32 $0xFFFFF000  }
0xc5: {  	p0 =	sne.s32 s7, $0x181;
	_ =	swait.ge [sflag:s2], $0x1000  }
.Ltmp0:
0xc6: {  	[sflag:s2] =	ssyncset.done $0x0;
	(pc) =	sbr.rel @p0 .LBB2_2-.Ltmp0, $4  }
0xc7: {  	[sflag:s2] =	ssyncadd.s32 $0xFFFFF000  }
0xc8: {  	_ =	swait.ge [sflag:s12], $0x1000  }
0xc9: {  	[sflag:s12] =	ssyncset.done $0x0  }
0xca: {  	s7 =	sadd.s32 $0x7, s7;
	[sflag:s12] =	ssyncadd.s32 $0xFFFFF000  }
0xcb: {  	_ =	swait.ge [sflag:s0], $0x1000  }
0xcc: {  	[sflag:s0] =	ssyncset.done $0x0  }
0xcd: {  	[sflag:s0] =	ssyncadd.s32 $0xFFFFF000  }
0xce: {  	[bflag:$0x0] =	sbarrier.arrive $0xFFFF  }
0xcf: {  	s20 =	rddreg [dreg:$0x12]  }
0xd0: {  	s4 =	rddreg [dreg:$0x14]  }
0xd1: {  	s11 =	simm.s32 $0x18F00;
	s6 =	rddreg [dreg:$0x17]  }
0xd2: {  	[hbm:s4], [sflag:s20] =	dma.local [spmem:s6], $0x3100  }
0xd3: {  	s21 =	simm.s32 $0x19F00;
	s22 =	simm.s32 $0x1AF00;
	_ =	swait.ge [sflag:s13], $0x3100  }
0xd4: {  	s23 =	simm.s32 $0x1BF00;
	s24 =	simm.s32 $0x1CF00;
	s7 =	rddreg [dreg:$0x1b]  }
0xd5: {  	s25 =	simm.s32 $0x1DF00;
	s26 =	rddreg [dreg:$0x15];
	s7 =	sadd.s32 $0x1, s7  }
0xd6: {  	s28 =	simm.s32 $0x1;
	s29 =	simm.s32 $0x2;
	p0 =	sne.s32 s7, s26  }
.Ltmp1:
0xd7: {  	s30 =	simm.s32 $0x3;
	s1 =	simm.s32 $0x5;
	(pc) =	sbr.rel @p0 .LBB2_1-.Ltmp1, $4  }
0xd8: {  	s8 =	simm.s32 $0x6;
	s9 =	simm.s32 $0x7;
	s10 =	simm.s32 $0x8  }
0xd9: {  	s14 =	simm.s32 $0x9;
	s15 =	simm.s32 $0xA;
	s16 =	simm.s32 $0xB  }
0xda: {  	s2 =	simm.s32 $0xC;
	s12 =	simm.s32 $0xD;
	[sflag:s13] =	ssyncset.done $0x0  }
0xdb: {  	s0 =	simm.s32 $0x4;
	[sflag:s13] =	ssyncadd.s32 $0xFFFFCF00;
	s26 =	simm.s32 $0x1EF00  }
0xdc: {  	_ =	sfence.sel $0x180000  }
0xdd: {  	[bflag:$0x0] =	sbarrier.arrive $0xFFFF  }
0xde: {  	_ =	strace $0x90000050  }
0xdf: {  	s0 =	stileid.u32;
	[bflag:$0x2] =	sbarrier.arrive $0xFFFF  }
0xe0: {  	p0 =	sne.s32 s0, $0x0;
	s0 =	rddreg [dreg:$0x3]  }
0xe1: {  	s0 =	sadd.s32 @!p0 $0x100000, s0  }
0xe2: {  	[sflag:s0] =	ssyncadd.tile.s32 @!p0 $0x1;
	_ =	shalt  }
.Lfunc_end2:
_tile_overlayer_lowered:
.L_overlay_start_2:
0xe3: {  	(tag) =	ssettag $0x2  }
0xe4: {  	s0 =	rddreg [dreg:$0x0];
	s2 =	stileid.u32  }
0xe5: {  	s1 =	rddreg [dreg:$0x1];
	p0 =	sne.s32 s2, $0x0  }
0xe6: {  	s3 =	rddreg [dreg:$0x2];
	[bflag:$0x3] =	sbarrier.arrive $0xFFFF;
	s2 =	simm.s32 @!p0 $0x1C0F  }
0xe7: {  	[timem:s3], [sflag:s2] =	dma.local @!p0 [hbm:s0], s1  }
0xe8: {  	s0 =	simm.s32 @!p0 $0xF  }
0xe9: {  	_ =	swait.ge @!p0 [sflag:s0], s1  }
0xea: {  	s1 =	ssub.s32 @!p0 $0x0, s1;
	[sflag:s0] =	ssyncset.done @!p0 $0x0  }
0xeb: {  	[sflag:s0] =	ssyncadd.s32 @!p0 s1  }
0xec: {  	[bflag:$0x3] =	sbarrier.arrive $0xFFFF  }
0xed: {  	_ =	shalt  }

// kernel: kernel.25.cloned.1.call-start
scs
__scs_entry_jumppad:
0x0: {  	(pc) =	sbr.rel $0x88, $3  }
0x1: {  	(tag) =	ssettag $0x0;
	lr =	simm.s32 $0x1  }
0x2: {  	[smem:$0x3F95] =	sst lr;
	_ =	strace $0xD0000000  }
0x3: {  	_ = 	snop  }
0x4: {  	_ = 	snop  }
0x5: {  	_ = 	snop  }
0x6: {  	_ = 	snop  }
0x7: {  	_ = 	snop  }
__scs_overlays_trampoline_lowered:
0x8: {  	[smem:$0x3FA4] =	sst s0  }
0x9: {  	[smem:$0x3FA5] =	sst s1  }
0xa: {  	[smem:$0x3FA6] =	sst s2  }
0xb: {  	[smem:$0x3FA7] =	sst s3  }
0xc: {  	[smem:$0x3FA8] =	sst s4  }
0xd: {  	[smem:$0x3FA9] =	sst s5  }
0xe: {  	[smem:$0x3FAA] =	sst s6  }
0xf: {  	[smem:$0x3FAB] =	sst s7  }
0x10: {  	[smem:$0x3FAC] =	sst s8  }
0x11: {  	[smem:$0x3FAD] =	sst s9;
	s0 =	simm.s32 @!p0 $0x0  }
0x12: {  	s1 =	sld [smem:$0x3F93];
	s0 =	simm.s32 @p0 $0x1  }
0x13: {  	[smem:$0x3FAE] =	sst s0;
	s0 =	simm.s32 @!p1 $0x0  }
0x14: {  	s2 =	sld [smem:$0x3F92];
	s0 =	simm.s32 @p1 $0x1  }
0x15: {  	[smem:$0x3FAF] =	sst s0;
	s0 =	simm.s32 @!p2 $0x0  }
0x16: {  	s3 =	sld [smem:$0x3FDB];
	s0 =	simm.s32 @p2 $0x1  }
0x17: {  	s4 =	simm.s32 $0x1BF5;
	[smem:$0x3FB1] =	sst s0  }
0x18: {  	s0 =	sld [smem:$0x3F94];
	_ =	swait.ge [sflag:s4], $0x0  }
0x19: {  	s7 =	sld [smem:$0x3F95]  }
0x1a: {  	s8 =	sadd.s32 $0xFFFFE003, lr  }
0x1b: {  	s9 =	sadd.s32 $0xFFFFFEF7, lr;
	s5 =	simm.s32 $0xFFFFFFFF;
	p2 =	slt.u32 s8, $0xFFFFF086  }
0x1c: {  	p1 =	slt.u32 s9, $0xF7A;
	s5 =	simm.s32 @!p2 $0x0  }
0x1d: {  	s5 =	simm.s32 @p1 $0x1;
	p0 =	seq.s32 s7, s2  }
0x1e: {  	s7 =	smul.u32 @!p0 $0xF7A, s2;
	p2 =	seq.s32 @!p0 s5, $0x0  }
0x1f: {  	s9 =	smul.u32 $0xF7A, s1;
	s8 =	simm.s32 @!p0 $0x1BF5;
	p2 =	por !p2, p0  }
0x20: {  	[sflag:s8] =	ssyncset.s32 @!p0 $0xFFFFF086;
	s6 =	sadd.s32 @!p0 s3, s7;
	s7 =	simm.s32 @!p0 $0x108  }
0x21: {  	s3 =	sadd.s32 s3, s9;
	s6 =	sadd.s32 @!p0 $0x88, s6;
	s7 =	simm.s32 @p2 $0x1082  }
0x22: {  	[simem:s7], [sflag:s8] =	dma.local @!p0 [hbm:s6], $0xF7A  }
0x23: {  	s9 =	sor.u32 $0xD0000000, s2;
	s6 =	simm.s32 $0x108;
	_ =	swait.ge @!p0 [sflag:s8], $0x0  }
0x24: {  	s3 =	sadd.s32 $0x88, s3;
	s6 =	simm.s32 @!p1 $0x1082;
	[sflag:s4] =	ssyncset.s32 $0xFFFFF086  }
0x25: {  	[simem:s6], [sflag:s4] =	dma.local [hbm:s3], $0xF7A  }
0x26: {  	[smem:$0x3F95] =	sst s1;
	(tag) =	ssettag s2;
	_ =	strace s9  }
0x27: {  	s1 =	sld [smem:$0x3FA5]  }
0x28: {  	s2 =	sld [smem:$0x3FA6]  }
0x29: {  	s4 =	sld [smem:$0x3FA8]  }
0x2a: {  	p0 =	seq.s32 s5, $0x0;
	s5 =	sld [smem:$0x3FA9]  }
0x2b: {  	s6 =	sld [smem:$0x3FAA]  }
0x2c: {  	s7 =	sld [smem:$0x3FAB]  }
0x2d: {  	s3 =	simm.s32 $0x108;
	s8 =	sld [smem:$0x3FAC]  }
0x2e: {  	s3 =	simm.s32 @!p0 $0x1082;
	s9 =	sld [smem:$0x3FAD]  }
0x2f: {  	lr =	sadd.s32 s0, s3;
	s0 =	sld [smem:$0x3FA4]  }
0x30: {  	s3 =	sld [smem:$0x3FA7]  }
0x31: {  	[smem:$0x3FB0] =	sst s10  }
0x32: {  	s10 =	sld [smem:$0x3FAE];
	_ =	sdelay $0x3  }
0x33: {  	p0 =	seq.s32 s10, $0x1;
	s10 =	sld [smem:$0x3FB0];
	_ =	sdelay $0x3  }
0x34: {  	[smem:$0x3FB0] =	sst s10  }
0x35: {  	s10 =	sld [smem:$0x3FAF];
	_ =	sdelay $0x3  }
0x36: {  	p1 =	seq.s32 s10, $0x1;
	s10 =	sld [smem:$0x3FB0];
	_ =	sdelay $0x3  }
0x37: {  	[smem:$0x3FB0] =	sst s10  }
0x38: {  	s10 =	sld [smem:$0x3FB1]  }
0x39: {  	_ = 	snop;
	(pc) =	sbr.ind lr, $3  }
0x3a: {  	_ = 	snop  }
0x3b: {  	_ = 	snop  }
0x3c: {  	p2 =	seq.s32 s10, $0x1;
	s10 =	sld [smem:$0x3FB0]  }
0x3d: {  	_ =	shalt  }
0x3e: {  	_ =	shalt  }
0x3f: {  	_ =	shalt  }
0x40: {  	_ =	shalt  }
0x41: {  	_ =	shalt  }
0x42: {  	_ =	shalt  }
0x43: {  	_ =	shalt  }
0x44: {  	_ =	shalt  }
0x45: {  	_ =	shalt  }
0x46: {  	_ =	shalt  }
0x47: {  	_ =	shalt  }
0x48: {  	_ =	shalt  }
0x49: {  	_ =	shalt  }
0x4a: {  	_ =	shalt  }
0x4b: {  	_ =	shalt  }
0x4c: {  	_ =	shalt  }
0x4d: {  	_ =	shalt  }
0x4e: {  	_ =	shalt  }
0x4f: {  	_ =	shalt  }
0x50: {  	_ =	shalt  }
0x51: {  	_ =	shalt  }
0x52: {  	_ =	shalt  }
0x53: {  	_ =	shalt  }
0x54: {  	_ =	shalt  }
0x55: {  	_ =	shalt  }
0x56: {  	_ =	shalt  }
0x57: {  	_ =	shalt  }
0x58: {  	_ =	shalt  }
0x59: {  	_ =	shalt  }
0x5a: {  	_ =	shalt  }
0x5b: {  	_ =	shalt  }
0x5c: {  	_ =	shalt  }
0x5d: {  	_ =	shalt  }
0x5e: {  	_ =	shalt  }
0x5f: {  	_ =	shalt  }
0x60: {  	_ =	shalt  }
0x61: {  	_ =	shalt  }
0x62: {  	_ =	shalt  }
0x63: {  	_ =	shalt  }
0x64: {  	_ =	shalt  }
0x65: {  	_ =	shalt  }
0x66: {  	_ =	shalt  }
0x67: {  	_ =	shalt  }
0x68: {  	_ =	shalt  }
0x69: {  	_ =	shalt  }
0x6a: {  	_ =	shalt  }
0x6b: {  	_ =	shalt  }
0x6c: {  	_ =	shalt  }
0x6d: {  	_ =	shalt  }
0x6e: {  	_ =	shalt  }
0x6f: {  	_ =	shalt  }
0x70: {  	_ =	shalt  }
0x71: {  	_ =	shalt  }
0x72: {  	_ =	shalt  }
0x73: {  	_ =	shalt  }
0x74: {  	_ =	shalt  }
0x75: {  	_ =	shalt  }
0x76: {  	_ =	shalt  }
0x77: {  	_ =	shalt  }
0x78: {  	_ =	shalt  }
0x79: {  	_ =	shalt  }
0x7a: {  	_ =	shalt  }
0x7b: {  	_ =	shalt  }
0x7c: {  	_ =	shalt  }
0x7d: {  	_ =	shalt  }
0x7e: {  	_ =	shalt  }
0x7f: {  	_ =	shalt  }
0x80: {  	_ =	shalt  }
0x81: {  	_ =	shalt  }
0x82: {  	_ =	shalt  }
0x83: {  	_ =	shalt  }
0x84: {  	_ =	shalt  }
0x85: {  	_ =	shalt  }
0x86: {  	_ =	shalt  }
0x87: {  	_ =	shalt  }
.Lfunc_end0:
.L_simem_size_0:
called_computation.4_lowered:
.L_overlay_start_0:
0x88: {  	s2 =	sld [smem:$0x3FD9]  }
0x89: {  	s3 =	sld [smem:$0x3FFE];
	_ =	sdelay $0x1  }
0x8a: {  	s1 =	srdreg.scid  }
0x8b: {  	s0 =	sand.u32 $0x1, s1  }
0x8c: {  	s17 =	sshll.u32 s0, $0xA;
	s2 =	sadd.s32 s3, s2  }
0x8d: {  	s2 =	sadd.s32 s2, s17  }
0x8e: {  	[smem:$0x3FBC] =	sst s2  }
0x8f: {  	_ = 	snop  }
0x90: {  	s2 =	sld [smem:$0x3FD0];
	(tm) =	ssettm $0x1  }
0x91: {  	s18 =	sld [smem:$0x3FFB];
	_ =	sdelay $0x3  }
0x92: {  	_ =	strace s18  }
0x93: {  	s3 =	sld [smem:$0x3FFC];
	_ =	sdelay $0x3  }
0x94: {  	_ =	strace s3  }
0x95: {  	s3 =	sld [smem:$0x3FFD];
	_ =	sdelay $0x3  }
0x96: {  	_ =	strace s3  }
0x97: {  	_ =	strace $0x8FFFFFFF  }
0x98: {  	s19 =	sld [smem:$0x3FDB];
	_ =	sdelay $0x1  }
0x99: {  	s4 =	simm.s32 $_scs_section_size  }
0x9a: {  	s5 =	simm.s32 $_size__tile_overlayer_lowered;
	s6 =	simm.s32 $_tile_overlayer_lowered  }
0x9b: {  	s22 =	simm.s32 $0x1BFF;
	s21 =	sshll.u32 s6, $0x1;
	s3 =	sadd.s32 s4, s19  }
0x9c: {  	s7 =	simm.s32 $0x0;
	s20 =	sshll.u32 s5, $0x1;
	s5 =	sadd.s32 s21, s3  }
0x9d: {  	[timem:s7], [sflag:s22] =	dma.local [hbm:s5], s20  }
0x9e: {  	_ =	swait.ge [sflag:s22], s20  }
0x9f: {  	s4 =	ssub.s32 $0x0, s20;
	[sflag:s22] =	ssyncset.done $0x0  }
0xa0: {  	[sflag:s22] =	ssyncadd.s32 s4;
	_ =	sdelay $0x1  }
0xa1: {  	s23 =	simm.s32 $0x1B8B  }
0xa2: {  	_ =	swait.ge [sflag:s23], $0x1  }
0xa3: {  	[sflag:s23] =	ssyncset.done $0x0  }
0xa4: {  	s25 =	simm.s32 $0x1B8E;
	s24 =	sld [smem:$0x3FFE];
	[sflag:s23] =	ssyncadd.s32 $0xFFFFFFFF  }
0xa5: {  	s26 =	simm.s32 $execute0_lowered;
	[smem:$0x3FD2] =	sst s25  }
0xa6: {  	s5 =	sshll.u32 s26, $0x1;
	_ =	strace $0x80000052;
	[dreg:$0x1] =	wrdreg $0xFFFFFFFF  }
0xa7: {  	s28 =	simm.s32 $_size_execute0_lowered;
	s3 =	sadd.s32 s3, s5;
	[dreg:$0x0] =	wrdreg $0x0  }
0xa8: {  	s5 =	sshll.u32 s28, $0x1;
	[dreg:$0x2] =	wrdreg s3  }
0xa9: {  	[dreg:$0x3] =	wrdreg s5  }
0xaa: {  	[dreg:$0x4] =	wrdreg $0xC0  }
0xab: {  	_ =	task [dreg:s7], $0x5FFFF  }
0xac: {  	[dreg:$0x1] =	wrdreg $0xFFFFFFFF  }
0xad: {  	[dreg:$0x0] =	wrdreg $0x60  }
0xae: {  	[dreg:$0x2] =	wrdreg s24  }
0xaf: {  	[dreg:$0x3] =	wrdreg s2  }
0xb0: {  	[dreg:$0x4] =	wrdreg $0x0  }
0xb1: {  	[dreg:$0x5] =	wrdreg $0x9  }
0xb2: {  	_ =	task.clear_ibuf [dreg:s7], $0x6FFFF;
	_ =	strace $0x90000052  }
0xb3: {  	s29 =	simm.s32 $0x9;
	_ =	strace $0x80000054  }
0xb4: {  	_ =	swait.ge [sflag:s29], $0x1  }
0xb5: {  	[sflag:s29] =	ssyncadd.s32 $0xFFFFFFFF  }
0xb6: {  	_ =	strace $0x90000054  }
0xb7: {  	_ =	sfence  }
0xb8: {  	s30 =	sld [smem:$0x0];
	_ =	sdelay $0x2  }
0xb9: {  	s31 =	sshll.u32 s1, $0xD;
	s1 =	sshrl.u32 s1, $0x2  }
0xba: {  	s3 =	sand.u32 $0x4000, s31;
	s1 =	sadd.s32 s1, s30  }
0xbb: {  	s0 =	sor.u32 s3, s0;
	s1 =	sshll.u32 s1, $0x11  }
0xbc: {  	s0 =	sor.u32 s1, s0  }
0xbd: {  	s0 =	sadd.s32 $0x8F2B, s0  }
0xbe: {  	[sflag:s0] =	ssyncadd.remote.s32 $0x1  }
0xbf: {  	_ =	sfence.sel $0xFFFF  }
0xc0: {  	[dreg:$0x0] =	wrdreg $0xFFFFFFFF;
	(pc) =	sbr.abs _section_cstart, $3  }
0xc1: {  	[dreg:$0x1] =	wrdreg $0xFFFFFFFF  }
0xc2: {  	_ =	task.clear_ibuf [dreg:s7], $0x2FFFF;
	_ =	strace $0x9FFFFFFF  }
0xc3: {  	(tm) =	ssettm $0x7FFFFFFF  }
tec
execute0_lowered:
.L_overlay_start_1:
0x0: {  	(tag) =	ssettag $0x1  }
0x1: {  	s0 =	rddreg [dreg:$0x0]  }
0x2: {  	s1 =	srdreg.scid;
	s3 =	rddreg [dreg:$0x2]  }
0x3: {  	s10 =	stileid.u32;
	s5 =	simm.s32 $0x0;
	s12 =	simm.s32 $0x18900  }
0x4: {  	s13 =	simm.s32 $0x18980;
	s14 =	simm.s32 $0xF;
	s15 =	simm.s32 $0x18A00  }
0x5: {  	s17 =	simm.s32 $0x18A80;
	s19 =	simm.s32 $0x18B00;
	s21 =	simm.s32 $0x18C00  }
0x6: {  	s31 =	simm.s32 $0x3;
	s28 =	simm.s32 $0x1CF00;
	s29 =	simm.s32 $0x1DF00  }
0x7: {  	s4 =	smul.u32 $0x18800, s10;
	[smem:$0x7FF] =	sst s5;
	s11 =	sadd.s32 $0x4D600, s0  }
0x8: {  	s8 =	smul.u32 $0x62000, s10;
	_ =	strace $0x80000053;
	[dreg:$0x10] =	wrdreg s11  }
0x9: {  	s1 =	sand.u32 $0x1, s1;
	s24 =	smul.u32 $0xC4, s10;
	[dreg:$0x5] =	wrdreg s12  }
0xa: {  	s9 =	sshll.u32 s10, $0x6;
	s10 =	smul.u32 $0xC40, s10;
	[dreg:$0x6] =	wrdreg s13  }
0xb: {  	s30 =	simm.s32 $0x1EF00;
	s2 =	smul.u32 $0xC400, s1;
	[dreg:$0x7] =	wrdreg s15  }
0xc: {  	s5 =	sadd.s32 $0x3E00, s0;
	s6 =	smul.u32 $0x188000, s1;
	[dreg:$0x8] =	wrdreg s17  }
0xd: {  	s7 =	ssub.s32 $0x2, s1;
	s1 =	smul.u32 $0xC40, s1;
	[dreg:$0x9] =	wrdreg s19  }
0xe: {  	s18 =	sor.u32 $0x1C0F, s9;
	[dreg:$0xa] =	wrdreg s21;
	s19 =	simm.s32 $0x80  }
0xf: {  	s9 =	simm.s32 $0x6;
	s15 =	simm.s32 $0x9;
	s17 =	simm.s32 $0xB  }
0x10: {  	s22 =	sshrl.u32 s7, $0x1;
	s23 =	sshrl.u32 s8, $0x2;
	[dreg:$0x12] =	wrdreg s18  }
0x11: {  	s2 =	sadd.s32 s2, s0;
	s6 =	sadd.s32 s4, s6;
	s8 =	sadd.s32 s24, s1  }
0x12: {  	s24 =	simm.s32 $0x18D80;
	[dreg:$0x11] =	wrdreg s8;
	s8 =	sshll.u32 s8, $0x4  }
0x13: {  	s6 =	sshrl.u32 s6, $0x3;
	[dreg:$0xd] =	wrdreg s24;
	s8 =	sadd.s32 s11, s8  }
0x14: {  	s0 =	sadd.s32 s6, s0;
	s11 =	simm.s32 $0x18880;
	[dreg:$0x13] =	wrdreg s8  }
0x15: {  	s6 =	ssub.s32 s7, s22;
	s22 =	simm.s32 $0x18C80;
	[dreg:$0x4] =	wrdreg s11  }
0x16: {  	s7 =	sadd.s32 s23, s3;
	s23 =	simm.s32 $0x18D00;
	[dreg:$0xb] =	wrdreg s22  }
0x17: {  	s13 =	simm.s32 $0xD;
	s0 =	sadd.s32 $0x96E00, s0;
	[dreg:$0xc] =	wrdreg s23  }
0x18: {  	s4 =	sadd.s32 s4, s3;
	s8 =	smax.u32 s6, $0x1;
	[dreg:$0x14] =	wrdreg s0  }
0x19: {  	s10 =	sadd.s32 s10, s2;
	s6 =	sshrl.u32 s4, $0x3;
	[dreg:$0x15] =	wrdreg s8  }
0x1a: {  	s25 =	sadd.s32 $0x6200, s7;
	s0 =	sadd.s32 $0x7E600, s10;
	[dreg:$0x17] =	wrdreg s6  }
0x1b: {  	s26 =	sadd.s32 $0xC400, s7;
	s16 =	sshrl.u32 s25, $0x3;
	[dreg:$0x16] =	wrdreg s0  }
0x1c: {  	s7 =	sadd.s32 $0x12600, s7;
	s1 =	sshrl.u32 s26, $0x3;
	[dreg:$0x18] =	wrdreg s16  }
0x1d: {  	s12 =	simm.s32 $0xE;
	s20 =	sshrl.u32 s7, $0x3;
	[dreg:$0x19] =	wrdreg s1  }
0x1e: {  	s2 =	simm.s32 $0x5;
	s25 =	simm.s32 $0x18E00;
	[dreg:$0x1a] =	wrdreg s20  }
0x1f: {  	s11 =	simm.s32 $0x8;
	s26 =	simm.s32 $0x18E80;
	[dreg:$0xe] =	wrdreg s25  }
0x20: {  	s10 =	simm.s32 $0x7;
	s7 =	simm.s32 $0x0;
	[dreg:$0xf] =	wrdreg s26  }
0x21: {  	s0 =	simm.s32 $0x4;
	s16 =	simm.s32 $0xA;
	s1 =	simm.s32 $0xC  }
.LBB2_1:
0x22: {  	[dreg:$0x1b] =	wrdreg s7  }
0x23: {  	s4 =	rddreg [dreg:$0x1]  }
0x24: {  	[spmem:s6], [sflag:s18] =	dma.local [hbm:s4], $0xC40  }
0x25: {  	_ =	swait.ge [sflag:s14], $0xC40  }
0x26: {  	[sflag:s14] =	ssyncset.done $0x0  }
0x27: {  	s7 =	rddreg [dreg:$0x18];
	[sflag:s14] =	ssyncadd.s32 $0xFFFFF3C0  }
0x28: {  	[spmem:s7], [sflag:s18] =	dma.local [hbm:s4], $0xC40  }
0x29: {  	_ =	swait.ge [sflag:s14], $0xC40  }
0x2a: {  	[sflag:s14] =	ssyncset.done $0x0  }
0x2b: {  	s8 =	rddreg [dreg:$0x19];
	[sflag:s14] =	ssyncadd.s32 $0xFFFFF3C0  }
0x2c: {  	[spmem:s8], [sflag:s18] =	dma.local [hbm:s4], $0xC40  }
0x2d: {  	_ =	swait.ge [sflag:s14], $0xC40  }
0x2e: {  	[sflag:s14] =	ssyncset.done $0x0  }
0x2f: {  	s20 =	rddreg [dreg:$0x1a];
	[sflag:s14] =	ssyncadd.s32 $0xFFFFF3C0  }
0x30: {  	[spmem:s20], [sflag:s18] =	dma.local [hbm:s4], $0xC40  }
0x31: {  	_ =	swait.ge [sflag:s14], $0xC40  }
0x32: {  	[sflag:s14] =	ssyncset.done $0x0  }
0x33: {  	[sflag:s14] =	ssyncadd.s32 $0xFFFFF3C0  }
0x34: {  	[bflag:$0x0] =	sbarrier.arrive $0xFFFF  }
0x35: {  	s7 =	simm.s32 $0x0;
	s18 =	simm.s32 $0x18800;
	s21 =	rddreg [dreg:$0x13]  }
0x36: {  	[tilespmem:s18], [sflag:$0xF] =	stream.linear.gather [hbm4b:s21+s7], $0x380, $0x38;
	[tilespmem:$0x1FF00] =	vst v63  }
0x37: {  	_ =	swait.ge [sflag:s14], $0x380  }
0x38: {  	[sflag:s14] =	ssyncset.done $0x0  }
0x39: {  	s20 =	simm.s32 $0x18F00;
	[sflag:s14] =	ssyncadd.s32 $0xFFFFFC80  }
0x3a: {  	[tilespmem:s20], [sflag:$0x1] =	stream.indirect.gather [hbm4b:s5+s19], $0x20, s18, s19, $0xb8;
	[tilespmem:$0x1FF00] =	vst v63  }
0x3b: {  	s21 =	simm.s32 $0x19F00;
	s22 =	rddreg [dreg:$0x4]  }
0x3c: {  	[tilespmem:s21], [sflag:$0x2] =	stream.indirect.gather [hbm4b:s5+s19], $0x20, s22, s19, $0xb8;
	[tilespmem:$0x1FF00] =	vst v63  }
0x3d: {  	s23 =	rddreg [dreg:$0x5];
	s22 =	simm.s32 $0x1AF00  }
0x3e: {  	[tilespmem:s22], [sflag:$0x3] =	stream.indirect.gather [hbm4b:s5+s19], $0x20, s23, s19, $0xb8;
	[tilespmem:$0x1FF00] =	vst v63  }
0x3f: {  	s24 =	rddreg [dreg:$0x6];
	s23 =	simm.s32 $0x1BF00  }
0x40: {  	[tilespmem:s23], [sflag:$0x4] =	stream.indirect.gather [hbm4b:s5+s19], $0x20, s24, s19, $0xb8;
	[tilespmem:$0x1FF00] =	vst v63  }
0x41: {  	s25 =	rddreg [dreg:$0x7];
	s24 =	simm.s32 $0x1CF00  }
0x42: {  	[tilespmem:s24], [sflag:$0x5] =	stream.indirect.gather [hbm4b:s5+s19], $0x20, s25, s19, $0xb8;
	[tilespmem:$0x1FF00] =	vst v63  }
0x43: {  	s26 =	rddreg [dreg:$0x8];
	s25 =	simm.s32 $0x1DF00  }
0x44: {  	[tilespmem:s25], [sflag:$0x6] =	stream.indirect.gather [hbm4b:s5+s19], $0x20, s26, s19, $0xb8;
	[tilespmem:$0x1FF00] =	vst v63  }
0x45: {  	s8 =	rddreg [dreg:$0x9];
	s26 =	simm.s32 $0x1EF00  }
0x46: {  	[tilespmem:s26], [sflag:$0x7] =	stream.indirect.gather [hbm4b:s5+s19], $0x20, s8, s19, $0xb8;
	[tilespmem:$0x1FF00] =	vst v63  }
0x47: {  	s4 =	simm.s32 $0x18B80;
	s8 =	rddreg [dreg:$0x16]  }
0x48: {  	[tilespmem:s4], [sflag:$0xF] =	stream.linear.gather [hbm4b:s8+s7], $0x380, $0x38;
	[tilespmem:$0x1FF00] =	vst v63  }
0x49: {  	_ =	swait.ge [sflag:s14], $0x380  }
0x4a: {  	[sflag:s14] =	ssyncset.done $0x0  }
0x4b: {  	s6 =	simm.s32 $0x1;
	[sflag:s14] =	ssyncadd.s32 $0xFFFFFC80  }
0x4c: {  	_ =	swait.ge [sflag:s6], $0x1000  }
0x4d: {  	[sflag:s6] =	ssyncset.done $0x0  }
0x4e: {  	[sflag:s6] =	ssyncadd.s32 $0xFFFFF000  }
0x4f: {  	[spmem:s3] =	stream.indirect.scatter.add.f32 [tilespmem:s20], [sflag:$0x8], $0x20, s4, s19, $0xb8;
	[tilespmem:$0x1FF00] =	vst v63  }
0x50: {  	s4 =	simm.s32 $0x2  }
0x51: {  	_ =	swait.ge [sflag:s4], $0x1000  }
0x52: {  	[sflag:s4] =	ssyncset.done $0x0  }
0x53: {  	s20 =	rddreg [dreg:$0xa];
	[sflag:s4] =	ssyncadd.s32 $0xFFFFF000  }
0x54: {  	[spmem:s3] =	stream.indirect.scatter.add.f32 [tilespmem:s21], [sflag:$0x9], $0x20, s20, s19, $0xb8;
	[tilespmem:$0x1FF00] =	vst v63  }
0x55: {  	_ =	swait.ge [sflag:s31], $0x1000  }
0x56: {  	[sflag:s31] =	ssyncset.done $0x0  }
0x57: {  	s20 =	rddreg [dreg:$0xb];
	[sflag:s31] =	ssyncadd.s32 $0xFFFFF000  }
0x58: {  	[spmem:s3] =	stream.indirect.scatter.add.f32 [tilespmem:s22], [sflag:$0xA], $0x20, s20, s19, $0xb8;
	[tilespmem:$0x1FF00] =	vst v63  }
0x59: {  	_ =	swait.ge [sflag:s0], $0x1000  }
0x5a: {  	[sflag:s0] =	ssyncset.done $0x0  }
0x5b: {  	s21 =	rddreg [dreg:$0xc];
	[sflag:s0] =	ssyncadd.s32 $0xFFFFF000  }
0x5c: {  	[spmem:s3] =	stream.indirect.scatter.add.f32 [tilespmem:s23], [sflag:$0xB], $0x20, s21, s19, $0xb8;
	[tilespmem:$0x1FF00] =	vst v63  }
0x5d: {  	_ =	swait.ge [sflag:s2], $0x1000  }
0x5e: {  	[sflag:s2] =	ssyncset.done $0x0  }
0x5f: {  	s22 =	rddreg [dreg:$0xd];
	[sflag:s2] =	ssyncadd.s32 $0xFFFFF000  }
0x60: {  	[spmem:s3] =	stream.indirect.scatter.add.f32 [tilespmem:s24], [sflag:$0xC], $0x20, s22, s19, $0xb8;
	[tilespmem:$0x1FF00] =	vst v63  }
0x61: {  	_ =	swait.ge [sflag:s9], $0x1000  }
0x62: {  	s24 =	rddreg [dreg:$0x11]  }
0x63: {  	[sflag:s9] =	ssyncset.done $0x0;
	s6 =	sadd.s32 $0x0, s24  }
0x64: {  	s23 =	rddreg [dreg:$0xe];
	[sflag:s9] =	ssyncadd.s32 $0xFFFFF000;
	p0 =	slt.s32 s6, $0x1872  }
0x65: {  	[spmem:s3] =	stream.indirect.scatter.add.f32 [tilespmem:s25], [sflag:$0xD], $0x20, s23, s19, $0xb8;
	[tilespmem:$0x1FF00] =	vst v63  }
0x66: {  	_ =	swait.ge [sflag:s10], $0x1000;
	s6 =	simm.s32 @!p0 $0x1872  }
0x67: {  	s6 =	sshll.u32 s6, $0x4;
	[sflag:s10] =	ssyncset.done $0x0  }
0x68: {  	s25 =	rddreg [dreg:$0xf];
	s6 =	sadd.s32 $0x70, s6;
	[sflag:s10] =	ssyncadd.s32 $0xFFFFF000  }
0x69: {  	[spmem:s3] =	stream.indirect.scatter.add.f32 [tilespmem:s26], [sflag:$0xE], $0x20, s25, s19, $0xb8;
	[tilespmem:$0x1FF00] =	vst v63  }
0x6a: {  	s6 =	sand.u32 $0x1FFFFFF0, s6;
	s26 =	rddreg [dreg:$0x10]  }
0x6b: {  	s4 =	sadd.s32 s26, s6  }
0x6c: {  	[tilespmem:s18], [sflag:$0xF] =	stream.linear.gather [hbm4b:s4+s7], $0x380, $0x38;
	[tilespmem:$0x1FF00] =	vst v63  }
0x6d: {  	_ =	swait.ge [sflag:s14], $0x380  }
0x6e: {  	[sflag:s14] =	ssyncset.done $0x0  }
0x6f: {  	[sflag:s14] =	ssyncadd.s32 $0xFFFFFC80  }
0x70: {  	_ =	swait.ge [sflag:s11], $0x1000  }
0x71: {  	[sflag:s11] =	ssyncset.done $0x0  }
0x72: {  	[sflag:s11] =	ssyncadd.s32 $0xFFFFF000  }
0x73: {  	_ =	swait.ge [sflag:s15], $0x1000  }
0x74: {  	[sflag:s15] =	ssyncset.done $0x0  }
0x75: {  	[sflag:s15] =	ssyncadd.s32 $0xFFFFF000  }
0x76: {  	_ =	swait.ge [sflag:s16], $0x1000  }
0x77: {  	[sflag:s16] =	ssyncset.done $0x0  }
0x78: {  	[sflag:s16] =	ssyncadd.s32 $0xFFFFF000  }
0x79: {  	_ =	swait.ge [sflag:s17], $0x1000  }
0x7a: {  	[sflag:s17] =	ssyncset.done $0x0  }
0x7b: {  	[sflag:s17] =	ssyncadd.s32 $0xFFFFF000  }
0x7c: {  	_ =	swait.ge [sflag:s1], $0x1000  }
0x7d: {  	[sflag:s1] =	ssyncset.done $0x0  }
0x7e: {  	[sflag:s1] =	ssyncadd.s32 $0xFFFFF000  }
0x7f: {  	_ =	swait.ge [sflag:s13], $0x1000  }
0x80: {  	[sflag:s13] =	ssyncset.done $0x0  }
0x81: {  	s6 =	simm.s32 $0xE;
	[sflag:s13] =	ssyncadd.s32 $0xFFFFF000  }
0x82: {  	s7 =	simm.s32 $0x7;
	s4 =	smov.u32 s8;
	_ =	swait.ge [sflag:s12], $0x1000  }
.LBB2_2:
0x83: {  	[sflag:s12] =	ssyncset.done $0x0  }
0x84: {  	s22 =	simm.s32 $0x18800;
	s23 =	simm.s32 $0x18F00;
	[sflag:s12] =	ssyncadd.s32 $0xFFFFF000  }
0x85: {  	[tilespmem:s23], [sflag:$0x1] =	stream.indirect.gather [hbm4b:s5+s19], $0x20, s22, s19, $0xb8;
	[tilespmem:$0x1FF00] =	vst v63  }
0x86: {  	s18 =	rddreg [dreg:$0x4];
	s24 =	simm.s32 $0x19F00  }
0x87: {  	[tilespmem:s24], [sflag:$0x2] =	stream.indirect.gather [hbm4b:s5+s19], $0x20, s18, s19, $0xb8;
	[tilespmem:$0x1FF00] =	vst v63  }
0x88: {  	s20 =	rddreg [dreg:$0x5];
	s25 =	simm.s32 $0x1AF00  }
0x89: {  	[tilespmem:s25], [sflag:$0x3] =	stream.indirect.gather [hbm4b:s5+s19], $0x20, s20, s19, $0xb8;
	[tilespmem:$0x1FF00] =	vst v63  }
0x8a: {  	s26 =	simm.s32 $0x1BF00;
	s18 =	rddreg [dreg:$0x6]  }
0x8b: {  	[tilespmem:s26], [sflag:$0x4] =	stream.indirect.gather [hbm4b:s5+s19], $0x20, s18, s19, $0xb8;
	[tilespmem:$0x1FF00] =	vst v63  }
0x8c: {  	s21 =	rddreg [dreg:$0x7]  }
0x8d: {  	[tilespmem:s28], [sflag:$0x5] =	stream.indirect.gather [hbm4b:s5+s19], $0x20, s21, s19, $0xb8;
	[tilespmem:$0x1FF00] =	vst v63  }
0x8e: {  	s18 =	rddreg [dreg:$0x8]  }
0x8f: {  	[tilespmem:s29], [sflag:$0x6] =	stream.indirect.gather [hbm4b:s5+s19], $0x20, s18, s19, $0xb8;
	[tilespmem:$0x1FF00] =	vst v63  }
0x90: {  	s21 =	rddreg [dreg:$0x9]  }
0x91: {  	[tilespmem:s30], [sflag:$0x7] =	stream.indirect.gather [hbm4b:s5+s19], $0x20, s21, s19, $0xb8;
	[tilespmem:$0x1FF00] =	vst v63  }
0x92: {  	s4 =	sadd.s32 $0x70, s4;
	s18 =	simm.s32 $0x18B80;
	s21 =	simm.s32 $0x0  }
0x93: {  	[tilespmem:s18], [sflag:$0xF] =	stream.linear.gather [hbm4b:s4+s21], $0x380, $0x38;
	[tilespmem:$0x1FF00] =	vst v63  }
0x94: {  	_ =	swait.ge [sflag:s14], $0x380  }
0x95: {  	[sflag:s14] =	ssyncset.done $0x0  }
0x96: {  	s20 =	simm.s32 $0x1;
	[sflag:s14] =	ssyncadd.s32 $0xFFFFFC80  }
0x97: {  	_ =	swait.ge [sflag:s20], $0x1000  }
0x98: {  	[sflag:s20] =	ssyncset.done $0x0  }
0x99: {  	[sflag:s20] =	ssyncadd.s32 $0xFFFFF000  }
0x9a: {  	[spmem:s3] =	stream.indirect.scatter.add.f32 [tilespmem:s23], [sflag:$0x8], $0x20, s18, s19, $0xb8;
	[tilespmem:$0x1FF00] =	vst v63  }
0x9b: {  	s18 =	simm.s32 $0x2  }
0x9c: {  	_ =	swait.ge [sflag:s18], $0x1000  }
0x9d: {  	[sflag:s18] =	ssyncset.done $0x0  }
0x9e: {  	s23 =	rddreg [dreg:$0xa];
	[sflag:s18] =	ssyncadd.s32 $0xFFFFF000  }
0x9f: {  	[spmem:s3] =	stream.indirect.scatter.add.f32 [tilespmem:s24], [sflag:$0x9], $0x20, s23, s19, $0xb8;
	[tilespmem:$0x1FF00] =	vst v63  }
0xa0: {  	_ =	swait.ge [sflag:s31], $0x1000  }
0xa1: {  	[sflag:s31] =	ssyncset.done $0x0  }
0xa2: {  	s23 =	rddreg [dreg:$0xb];
	[sflag:s31] =	ssyncadd.s32 $0xFFFFF000  }
0xa3: {  	[spmem:s3] =	stream.indirect.scatter.add.f32 [tilespmem:s25], [sflag:$0xA], $0x20, s23, s19, $0xb8;
	[tilespmem:$0x1FF00] =	vst v63  }
0xa4: {  	_ =	swait.ge [sflag:s0], $0x1000  }
0xa5: {  	[sflag:s0] =	ssyncset.done $0x0  }
0xa6: {  	s24 =	rddreg [dreg:$0xc];
	[sflag:s0] =	ssyncadd.s32 $0xFFFFF000  }
0xa7: {  	[spmem:s3] =	stream.indirect.scatter.add.f32 [tilespmem:s26], [sflag:$0xB], $0x20, s24, s19, $0xb8;
	[tilespmem:$0x1FF00] =	vst v63  }
0xa8: {  	_ =	swait.ge [sflag:s2], $0x1000  }
0xa9: {  	[sflag:s2] =	ssyncset.done $0x0  }
0xaa: {  	s25 =	rddreg [dreg:$0xd];
	[sflag:s2] =	ssyncadd.s32 $0xFFFFF000  }
0xab: {  	[spmem:s3] =	stream.indirect.scatter.add.f32 [tilespmem:s28], [sflag:$0xC], $0x20, s25, s19, $0xb8;
	[tilespmem:$0x1FF00] =	vst v63  }
0xac: {  	_ =	swait.ge [sflag:s9], $0x1000  }
0xad: {  	s23 =	rddreg [dreg:$0x11]  }
0xae: {  	[sflag:s9] =	ssyncset.done $0x0;
	s20 =	sadd.s32 s7, s23  }
0xaf: {  	s26 =	rddreg [dreg:$0xe];
	[sflag:s9] =	ssyncadd.s32 $0xFFFFF000;
	p1 =	slt.s32 s20, $0x1872  }
0xb0: {  	[spmem:s3] =	stream.indirect.scatter.add.f32 [tilespmem:s29], [sflag:$0xD], $0x20, s26, s19, $0xb8;
	[tilespmem:$0x1FF00] =	vst v63  }
0xb1: {  	s20 =	simm.s32 @!p1 $0x1872  }
0xb2: {  	s8 =	smov.u32 s6;
	_ =	swait.ge [sflag:s10], $0x1000;
	s25 =	sshll.u32 s20, $0x4  }
0xb3: {  	[sflag:s10] =	ssyncset.done $0x0;
	s24 =	rddreg [dreg:$0xf];
	s18 =	sadd.s32 $0x70, s25  }
0xb4: {  	s26 =	rddreg [dreg:$0x10];
	[sflag:s10] =	ssyncadd.s32 $0xFFFFF000;
	s18 =	sand.u32 $0x1FFFFFF0, s18  }
0xb5: {  	[spmem:s3] =	stream.indirect.scatter.add.f32 [tilespmem:s30], [sflag:$0xE], $0x20, s24, s19, $0xb8;
	[tilespmem:$0x1FF00] =	vst v63  }
0xb6: {  	s7 =	smov.u32 s8;
	s8 =	sadd.s32 s26, s18  }
0xb7: {  	[tilespmem:s22], [sflag:$0xF] =	stream.linear.gather [hbm4b:s8+s21], $0x380, $0x38;
	[tilespmem:$0x1FF00] =	vst v63  }
0xb8: {  	_ =	swait.ge [sflag:s14], $0x380  }
0xb9: {  	[sflag:s14] =	ssyncset.done $0x0  }
0xba: {  	[sflag:s14] =	ssyncadd.s32 $0xFFFFFC80  }
0xbb: {  	_ =	swait.ge [sflag:s11], $0x1000  }
0xbc: {  	[sflag:s11] =	ssyncset.done $0x0  }
0xbd: {  	[sflag:s11] =	ssyncadd.s32 $0xFFFFF000  }
0xbe: {  	_ =	swait.ge [sflag:s15], $0x1000  }
0xbf: {  	[sflag:s15] =	ssyncset.done $0x0  }
0xc0: {  	[sflag:s15] =	ssyncadd.s32 $0xFFFFF000  }
0xc1: {  	_ =	swait.ge [sflag:s16], $0x1000  }
0xc2: {  	[sflag:s16] =	ssyncset.done $0x0  }
0xc3: {  	[sflag:s16] =	ssyncadd.s32 $0xFFFFF000  }
0xc4: {  	_ =	swait.ge [sflag:s17], $0x1000  }
0xc5: {  	[sflag:s17] =	ssyncset.done $0x0  }
0xc6: {  	[sflag:s17] =	ssyncadd.s32 $0xFFFFF000  }
0xc7: {  	_ =	swait.ge [sflag:s1], $0x1000  }
0xc8: {  	p0 =	sne.s32 s6, $0xBD;
	[sflag:s1] =	ssyncset.done $0x0  }
.Ltmp0:
0xc9: {  	[sflag:s1] =	ssyncadd.s32 $0xFFFFF000;
	(pc) =	sbr.rel @p0 .LBB2_2-.Ltmp0, $4  }
0xca: {  	_ =	swait.ge [sflag:s13], $0x1000  }
0xcb: {  	[sflag:s13] =	ssyncset.done $0x0  }
0xcc: {  	[sflag:s13] =	ssyncadd.s32 $0xFFFFF000  }
0xcd: {  	s6 =	sadd.s32 $0x7, s6;
	_ =	swait.ge [sflag:s12], $0x1000  }
0xce: {  	[sflag:s12] =	ssyncset.done $0x0  }
0xcf: {  	s18 =	simm.s32 $0x18800;
	s20 =	simm.s32 $0x18F00;
	[sflag:s12] =	ssyncadd.s32 $0xFFFFF000  }
0xd0: {  	[tilespmem:s20], [sflag:$0x1] =	stream.indirect.gather [hbm4b:s5+s19], $0x20, s18, s19, $0xb8;
	[tilespmem:$0x1FF00] =	vst v63  }
0xd1: {  	s6 =	rddreg [dreg:$0x4];
	s21 =	simm.s32 $0x19F00  }
0xd2: {  	[tilespmem:s21], [sflag:$0x2] =	stream.indirect.gather [hbm4b:s5+s19], $0x20, s6, s19, $0xb8;
	[tilespmem:$0x1FF00] =	vst v63  }
0xd3: {  	s8 =	rddreg [dreg:$0x5];
	s22 =	simm.s32 $0x1AF00  }
0xd4: {  	[tilespmem:s22], [sflag:$0x3] =	stream.indirect.gather [hbm4b:s5+s19], $0x20, s8, s19, $0xb8;
	[tilespmem:$0x1FF00] =	vst v63  }
0xd5: {  	s24 =	rddreg [dreg:$0x6];
	s23 =	simm.s32 $0x1BF00  }
0xd6: {  	[tilespmem:s23], [sflag:$0x4] =	stream.indirect.gather [hbm4b:s5+s19], $0x20, s24, s19, $0xb8;
	[tilespmem:$0x1FF00] =	vst v63  }
0xd7: {  	s25 =	rddreg [dreg:$0x7];
	s24 =	simm.s32 $0x1CF00  }
0xd8: {  	[tilespmem:s24], [sflag:$0x5] =	stream.indirect.gather [hbm4b:s5+s19], $0x20, s25, s19, $0xb8;
	[tilespmem:$0x1FF00] =	vst v63  }
0xd9: {  	s26 =	rddreg [dreg:$0x8];
	s25 =	simm.s32 $0x1DF00  }
0xda: {  	[tilespmem:s25], [sflag:$0x6] =	stream.indirect.gather [hbm4b:s5+s19], $0x20, s26, s19, $0xb8;
	[tilespmem:$0x1FF00] =	vst v63  }
0xdb: {  	s8 =	rddreg [dreg:$0x9];
	s26 =	simm.s32 $0x1EF00  }
0xdc: {  	[tilespmem:s26], [sflag:$0x7] =	stream.indirect.gather [hbm4b:s5+s19], $0x20, s8, s19, $0xb8;
	[tilespmem:$0x1FF00] =	vst v63  }
0xdd: {  	s4 =	sadd.s32 $0x70, s4;
	s6 =	simm.s32 $0x0;
	s8 =	simm.s32 $0x18B80  }
0xde: {  	[tilespmem:s8], [sflag:$0xF] =	stream.linear.gather [hbm4b:s4+s6], $0x380, $0x38;
	[tilespmem:$0x1FF00] =	vst v63  }
0xdf: {  	_ =	swait.ge [sflag:s14], $0x380  }
0xe0: {  	[sflag:s14] =	ssyncset.done $0x0  }
0xe1: {  	s4 =	simm.s32 $0x1;
	[sflag:s14] =	ssyncadd.s32 $0xFFFFFC80  }
0xe2: {  	_ =	swait.ge [sflag:s4], $0x1000  }
0xe3: {  	[sflag:s4] =	ssyncset.done $0x0  }
0xe4: {  	[sflag:s4] =	ssyncadd.s32 $0xFFFFF000;
	s4 =	simm.s32 $0x2  }
0xe5: {  	[spmem:s3] =	stream.indirect.scatter.add.f32 [tilespmem:s20], [sflag:$0x8], $0x20, s8, s19, $0xb8;
	[tilespmem:$0x1FF00] =	vst v63  }
0xe6: {  	_ =	swait.ge [sflag:s4], $0x1000  }
0xe7: {  	[sflag:s4] =	ssyncset.done $0x0  }
0xe8: {  	s20 =	rddreg [dreg:$0xa];
	[sflag:s4] =	ssyncadd.s32 $0xFFFFF000  }
0xe9: {  	[spmem:s3] =	stream.indirect.scatter.add.f32 [tilespmem:s21], [sflag:$0x9], $0x20, s20, s19, $0xb8;
	[tilespmem:$0x1FF00] =	vst v63  }
0xea: {  	_ =	swait.ge [sflag:s31], $0x1000  }
0xeb: {  	[sflag:s31] =	ssyncset.done $0x0  }
0xec: {  	s21 =	rddreg [dreg:$0xb];
	[sflag:s31] =	ssyncadd.s32 $0xFFFFF000  }
0xed: {  	[spmem:s3] =	stream.indirect.scatter.add.f32 [tilespmem:s22], [sflag:$0xA], $0x20, s21, s19, $0xb8;
	[tilespmem:$0x1FF00] =	vst v63  }
0xee: {  	_ =	swait.ge [sflag:s0], $0x1000  }
0xef: {  	[sflag:s0] =	ssyncset.done $0x0  }
0xf0: {  	s22 =	rddreg [dreg:$0xc];
	[sflag:s0] =	ssyncadd.s32 $0xFFFFF000  }
0xf1: {  	[spmem:s3] =	stream.indirect.scatter.add.f32 [tilespmem:s23], [sflag:$0xB], $0x20, s22, s19, $0xb8;
	[tilespmem:$0x1FF00] =	vst v63  }
0xf2: {  	_ =	swait.ge [sflag:s2], $0x1000  }
0xf3: {  	[sflag:s2] =	ssyncset.done $0x0  }
0xf4: {  	s8 =	rddreg [dreg:$0xd];
	[sflag:s2] =	ssyncadd.s32 $0xFFFFF000  }
0xf5: {  	[spmem:s3] =	stream.indirect.scatter.add.f32 [tilespmem:s24], [sflag:$0xC], $0x20, s8, s19, $0xb8;
	[tilespmem:$0x1FF00] =	vst v63  }
0xf6: {  	_ =	swait.ge [sflag:s9], $0x1000  }
0xf7: {  	[sflag:s9] =	ssyncset.done $0x0  }
0xf8: {  	s20 =	rddreg [dreg:$0xe];
	[sflag:s9] =	ssyncadd.s32 $0xFFFFF000  }
0xf9: {  	[spmem:s3] =	stream.indirect.scatter.add.f32 [tilespmem:s25], [sflag:$0xD], $0x20, s20, s19, $0xb8;
	[tilespmem:$0x1FF00] =	vst v63  }
0xfa: {  	_ =	swait.ge [sflag:s10], $0x1000  }
0xfb: {  	[sflag:s10] =	ssyncset.done $0x0;
	s22 =	rddreg [dreg:$0x11]  }
0xfc: {  	s21 =	rddreg [dreg:$0xf];
	[sflag:s10] =	ssyncadd.s32 $0xFFFFF000;
	s4 =	sadd.s32 s7, s22  }
0xfd: {  	[spmem:s3] =	stream.indirect.scatter.add.f32 [tilespmem:s26], [sflag:$0xE], $0x20, s21, s19, $0xb8;
	[tilespmem:$0x1FF00] =	vst v63  }
0xfe: {  	p0 =	slt.s32 s4, $0x1872  }
0xff: {  	s4 =	simm.s32 @!p0 $0x1872  }
0x100: {  	s4 =	sshll.u32 s4, $0x4  }
0x101: {  	s4 =	sadd.s32 $0x70, s4  }
0x102: {  	s23 =	rddreg [dreg:$0x10];
	s4 =	sand.u32 $0x1FFFFFF0, s4  }
0x103: {  	s4 =	sadd.s32 s23, s4  }
0x104: {  	[tilespmem:s18], [sflag:$0xF] =	stream.linear.gather [hbm4b:s4+s6], $0x380, $0x38;
	[tilespmem:$0x1FF00] =	vst v63  }
0x105: {  	_ =	swait.ge [sflag:s14], $0x380  }
0x106: {  	[sflag:s14] =	ssyncset.done $0x0  }
0x107: {  	[sflag:s14] =	ssyncadd.s32 $0xFFFFFC80  }
0x108: {  	_ =	swait.ge [sflag:s11], $0x1000  }
0x109: {  	[sflag:s11] =	ssyncset.done $0x0  }
0x10a: {  	[sflag:s11] =	ssyncadd.s32 $0xFFFFF000  }
0x10b: {  	_ =	swait.ge [sflag:s15], $0x1000  }
0x10c: {  	[sflag:s15] =	ssyncset.done $0x0  }
0x10d: {  	[sflag:s15] =	ssyncadd.s32 $0xFFFFF000  }
0x10e: {  	_ =	swait.ge [sflag:s16], $0x1000  }
0x10f: {  	[sflag:s16] =	ssyncset.done $0x0  }
0x110: {  	[sflag:s16] =	ssyncadd.s32 $0xFFFFF000  }
0x111: {  	_ =	swait.ge [sflag:s17], $0x1000  }
0x112: {  	[sflag:s17] =	ssyncset.done $0x0  }
0x113: {  	[sflag:s17] =	ssyncadd.s32 $0xFFFFF000  }
0x114: {  	_ =	swait.ge [sflag:s1], $0x1000  }
0x115: {  	[sflag:s1] =	ssyncset.done $0x0  }
0x116: {  	[sflag:s1] =	ssyncadd.s32 $0xFFFFF000  }
0x117: {  	_ =	swait.ge [sflag:s13], $0x1000  }
0x118: {  	[sflag:s13] =	ssyncset.done $0x0  }
0x119: {  	[sflag:s13] =	ssyncadd.s32 $0xFFFFF000  }
0x11a: {  	_ =	swait.ge [sflag:s12], $0x1000  }
0x11b: {  	[sflag:s12] =	ssyncset.done $0x0  }
0x11c: {  	[sflag:s12] =	ssyncadd.s32 $0xFFFFF000  }
0x11d: {  	[bflag:$0x0] =	sbarrier.arrive $0xFFFF  }
0x11e: {  	s18 =	rddreg [dreg:$0x12]  }
0x11f: {  	s24 =	rddreg [dreg:$0x14]  }
0x120: {  	s6 =	rddreg [dreg:$0x17]  }
0x121: {  	[hbm:s24], [sflag:s18] =	dma.local [spmem:s6], $0x3100  }
0x122: {  	_ =	swait.ge [sflag:s14], $0x3100  }
0x123: {  	s25 =	rddreg [dreg:$0x1b]  }
0x124: {  	s26 =	rddreg [dreg:$0x15];
	s7 =	sadd.s32 $0x1, s25  }
0x125: {  	p0 =	sne.s32 s7, s26  }
.Ltmp1:
0x126: {  	_ = 	snop;
	(pc) =	sbr.rel @p0 .LBB2_1-.Ltmp1, $3  }
0x127: {  	_ =	sdelay $0x1  }
0x128: {  	[sflag:s14] =	ssyncset.done $0x0  }
0x129: {  	[sflag:s14] =	ssyncadd.s32 $0xFFFFCF00  }
0x12a: {  	_ =	sfence.sel $0x180000  }
0x12b: {  	[bflag:$0x0] =	sbarrier.arrive $0xFFFF  }
0x12c: {  	_ =	strace $0x90000053  }
0x12d: {  	s0 =	stileid.u32;
	[bflag:$0x2] =	sbarrier.arrive $0xFFFF  }
0x12e: {  	p0 =	sne.s32 s0, $0x0;
	s0 =	rddreg [dreg:$0x3]  }
0x12f: {  	s0 =	sadd.s32 @!p0 $0x100000, s0  }
0x130: {  	[sflag:s0] =	ssyncadd.tile.s32 @!p0 $0x1;
	_ =	shalt  }
.Lfunc_end2:
_tile_overlayer_lowered:
.L_overlay_start_2:
0x131: {  	(tag) =	ssettag $0x2  }
0x132: {  	s0 =	rddreg [dreg:$0x0];
	s2 =	stileid.u32  }
0x133: {  	s1 =	rddreg [dreg:$0x1];
	p0 =	sne.s32 s2, $0x0  }
0x134: {  	s3 =	rddreg [dreg:$0x2];
	[bflag:$0x3] =	sbarrier.arrive $0xFFFF;
	s2 =	simm.s32 @!p0 $0x1C0F  }
0x135: {  	[timem:s3], [sflag:s2] =	dma.local @!p0 [hbm:s0], s1  }
0x136: {  	s0 =	simm.s32 @!p0 $0xF  }
0x137: {  	_ =	swait.ge @!p0 [sflag:s0], s1  }
0x138: {  	s1 =	ssub.s32 @!p0 $0x0, s1;
	[sflag:s0] =	ssyncset.done @!p0 $0x0  }
0x139: {  	[sflag:s0] =	ssyncadd.s32 @!p0 s1  }
0x13a: {  	[bflag:$0x3] =	sbarrier.arrive $0xFFFF  }
0x13b: {  	_ =	shalt  }

</sc_bundles>
